<compile_context>
chip_gen: v7x
topology: tpu7x:2x2x1
jax: 0.10.2.dev20260603
libtpu: 0.0.44.dev20260713+nightly
codegen_flags: <defaults>
</compile_context>

<pallas_src>
import functools

import jax
import jax.numpy as jnp
from jax import lax
from jax.experimental import pallas as pl
from jax.experimental.pallas import tpu as pltpu
from jax.experimental.pallas import tpu_sc as plsc

_N = 10000
_E = 320000
_D = 128
_H4 = 4 * _D

_B = 1024
_NPAD = 10240
_NB = _NPAD // _B
_EPAD = 327680
_OFFCAP = 16384


def _sc_gather(table, idx, chunk):
    (m,) = idx.shape
    d = table.shape[1]
    info = plsc.get_sparse_core_info()
    nw = info.num_cores * info.num_subcores
    rows_pw = m // nw
    n_chunks = rows_pw // chunk
    assert rows_pw * nw == m and n_chunks * chunk == rows_pw and chunk % 8 == 0
    assert n_chunks == 1 or n_chunks % 2 == 0

    mesh = plsc.VectorSubcoreMesh(core_axis_name="c", subcore_axis_name="s")

    @functools.partial(
        pl.kernel,
        out_type=jax.ShapeDtypeStruct((m, d), table.dtype),
        mesh=mesh,
        scratch_types=[
            pltpu.VMEM((chunk,), jnp.int32),
            pltpu.VMEM((chunk,), jnp.int32),
            pltpu.VMEM((chunk, d), table.dtype),
            pltpu.VMEM((chunk, d), table.dtype),
            pltpu.SemaphoreType.DMA((2,)),
            pltpu.SemaphoreType.DMA((2,)),
            pltpu.SemaphoreType.DMA((2,)),
        ],
    )
    def k(table_hbm, idx_hbm, out_hbm, idx0, idx1, rows0, rows1,
          sem_i, sem_g, sem_w):
        wid = lax.axis_index("s") * info.num_cores + lax.axis_index("c")
        idx_v = (idx0, idx1)
        rows_v = (rows0, rows1)

        def src_at(j):
            base = pl.multiple_of((wid * n_chunks + j) * chunk, 8)
            return pl.ds(base, chunk)

        def idx_start(j, b):
            pltpu.make_async_copy(
                idx_hbm.at[src_at(j)], idx_v[b], sem_i.at[b]).start()

        if n_chunks == 1:
            pltpu.sync_copy(idx_hbm.at[src_at(0)], idx0)
            pltpu.async_copy(table_hbm.at[idx0], rows0, sem_g.at[0]).wait()
            pltpu.sync_copy(rows0, out_hbm.at[src_at(0)])
            return

        idx_start(0, 0)
        idx_start(1, 1)

        def pair_body(g, carry):
            for b in range(2):
                j = g * 2 + b
                pltpu.make_async_copy(
                    idx_hbm.at[src_at(j)], idx_v[b], sem_i.at[b]).wait()

                @pl.when(j >= 2)
                def _():
                    pltpu.make_async_copy(
                        rows_v[b], out_hbm.at[src_at(j - 2)],
                        sem_w.at[b]).wait()

                pltpu.async_copy(
                    table_hbm.at[idx_v[b]], rows_v[b], sem_g.at[b]).wait()
                pltpu.make_async_copy(
                    rows_v[b], out_hbm.at[src_at(j)], sem_w.at[b]).start()

                @pl.when(j + 2 < n_chunks)
                def _():
                    idx_start(j + 2, b)
            return carry

        lax.fori_loop(0, n_chunks // 2, pair_body, 0)
        for b in range(2):
            j_last = n_chunks - 2 + b
            pltpu.make_async_copy(
                rows_v[b], out_hbm.at[src_at(j_last)], sem_w.at[b]).wait()

    return k(table, idx)


def _sc_prep(dst_s, src_s, pos, rank, off_cap):
    info = plsc.get_sparse_core_info()
    nw = info.num_cores * info.num_subcores
    epw = _E // nw
    nvec = epw // 16
    mesh = plsc.VectorSubcoreMesh(core_axis_name="c", subcore_axis_name="s")

    @functools.partial(
        pl.kernel,
        out_type=(jax.ShapeDtypeStruct((_E,), jnp.int32),
                  jax.ShapeDtypeStruct((_E,), jnp.int32)),
        mesh=mesh,
        compiler_params=pltpu.CompilerParams(needs_layout_passes=False),
        scratch_types=[
            pltpu.VMEM((epw,), jnp.int32),
            pltpu.VMEM((epw,), jnp.int32),
            pltpu.VMEM((epw,), jnp.int32),
            pltpu.VMEM((_N,), jnp.int32),
            pltpu.VMEM((_OFFCAP,), jnp.int32),
            pltpu.VMEM((epw,), jnp.int32),
            pltpu.VMEM((epw,), jnp.int32),
        ],
    )
    def k(dst_hbm, src_hbm, pos_hbm, rank_hbm, off_hbm, pp_hbm, rs_hbm,
          dst_v, src_v, pos_v, rank_v, off_v, pp_v, rs_v):
        wid = lax.axis_index("s") * info.num_cores + lax.axis_index("c")
        base = pl.multiple_of(wid * epw, 8)
        pltpu.sync_copy(dst_hbm.at[pl.ds(base, epw)], dst_v)
        pltpu.sync_copy(src_hbm.at[pl.ds(base, epw)], src_v)
        pltpu.sync_copy(pos_hbm.at[pl.ds(base, epw)], pos_v)
        pltpu.sync_copy(rank_hbm, rank_v)
        pltpu.sync_copy(off_hbm, off_v)

        def body(i, carry):
            sl = pl.ds(i * 16, 16)
            rd = plsc.load_gather(rank_v, [dst_v[sl]])
            rs = plsc.load_gather(rank_v, [src_v[sl]])
            op = plsc.load_gather(off_v, [pos_v[sl]])
            pp_v[sl] = op + rd
            rs_v[sl] = rs
            return carry

        lax.fori_loop(0, nvec, body, 0)
        pltpu.sync_copy(pp_v, pp_hbm.at[pl.ds(base, epw)])
        pltpu.sync_copy(rs_v, rs_hbm.at[pl.ds(base, epw)])

    return k(dst_s, src_s, pos, rank, off_cap)


def _lstm_kernel(md_ref, hin_ref, pccol_ref, pc2d_ref, w2_ref, whh_ref,
                 bias_ref, wl_ref, wr_ref, blr_ref, xs_hbm, out_ref,
                 xh_sc, buf_sc, c_sc, sem, *, relu):
    b = pl.program_id(0)
    md = md_ref[0]
    base_rank = b * _B
    c_sc[...] = jnp.zeros((_B, _D), jnp.float32)
    xh_sc[0, :, _D:] = jnp.zeros((_B, _D), jnp.bfloat16)
    pc_col = pccol_ref[...]
    pc2d = pc2d_ref[...]
    w2 = w2_ref[...]
    whh = whh_ref[...]
    bias = bias_ref[...]

    def issue(t, start):
        slot = lax.rem(t, 2)
        pltpu.make_async_copy(
            xs_hbm.at[pl.ds(start, _B)], buf_sc.at[slot],
            sem.at[slot]).start()

    n0 = jnp.sum((pc2d > 0).astype(jnp.int32))

    @pl.when(n0 > base_rank)
    def _():
        issue(0, jnp.minimum(base_rank, n0))

    def step(t, carry):
        off, n_t = carry
        off_next = off + n_t
        n_next = jnp.sum((pc2d > (t + 1)).astype(jnp.int32))
        slot = lax.rem(t, 2)

        @pl.when(jnp.logical_and(t + 1 < md, n_next > base_rank))
        def _():
            issue(t + 1, off_next + jnp.minimum(base_rank, n_next))

        def with_x():
            start = off + jnp.minimum(base_rank, n_t)
            pltpu.make_async_copy(
                xs_hbm.at[pl.ds(start, _B)], buf_sc.at[slot],
                sem.at[slot]).wait()
            xb = buf_sc[slot].astype(jnp.bfloat16)

            @pl.when(n_t >= base_rank + _B)
            def _():
                xh_sc[slot, :, :_D] = xb

            @pl.when(n_t < base_rank + _B)
            def _():
                xh_sc[slot, :, :_D] = jnp.where(
                    pc_col > t, xb, jnp.bfloat16(0))

            return jnp.dot(xh_sc[slot], w2,
                           preferred_element_type=jnp.float32) + bias

        def no_x():
            return jnp.dot(xh_sc[slot, :, _D:], whh,
                           preferred_element_type=jnp.float32) + bias

        gates = lax.cond(n_t > base_rank, with_x, no_x)
        i_g = gates[:, :_D]
        f_g = gates[:, _D:2 * _D]
        g_g = gates[:, 2 * _D:3 * _D]
        o_g = gates[:, 3 * _D:]
        c_new = (jax.nn.sigmoid(f_g) * c_sc[...]
                 + jax.nn.sigmoid(i_g) * jnp.tanh(g_g))
        h_new = jax.nn.sigmoid(o_g) * jnp.tanh(c_new)
        xh_sc[1 - slot, :, _D:] = h_new.astype(jnp.bfloat16)
        c_sc[...] = c_new
        return off_next, n_next

    lax.fori_loop(0, md, step, (jnp.int32(0), n0))

    aggr = xh_sc[lax.rem(md, 2), :, _D:]
    out = (jnp.dot(aggr, wl_ref[...], preferred_element_type=jnp.float32)
           + blr_ref[...]
           + jnp.dot(hin_ref[...], wr_ref[...],
                     preferred_element_type=jnp.float32))
    if relu:
        out = jnp.maximum(out, 0.0)
    out_ref[...] = out.astype(out_ref.dtype)


def _lstm_layer(h_in, xs, pccol, pc2d, md_arr, w2, whh_t, bias2,
                wl_t, wr_t, bl2, relu, out_dtype):
    grid_spec = pltpu.PrefetchScalarGridSpec(
        num_scalar_prefetch=1,
        grid=(_NB,),
        in_specs=[
            pl.BlockSpec((_B, _D), lambda b, md: (b, 0)),
            pl.BlockSpec((_B, 1), lambda b, md: (b, 0)),
            pl.BlockSpec((_NPAD // 128, 128), lambda b, md: (0, 0)),
            pl.BlockSpec((2 * _D, _H4), lambda b, md: (0, 0)),
            pl.BlockSpec((_D, _H4), lambda b, md: (0, 0)),
            pl.BlockSpec((1, _H4), lambda b, md: (0, 0)),
            pl.BlockSpec((_D, _D), lambda b, md: (0, 0)),
            pl.BlockSpec((_D, _D), lambda b, md: (0, 0)),
            pl.BlockSpec((1, _D), lambda b, md: (0, 0)),
            pl.BlockSpec(memory_space=pl.ANY),
        ],
        out_specs=pl.BlockSpec((_B, _D), lambda b, md: (b, 0)),
        scratch_shapes=[
            pltpu.VMEM((2, _B, 2 * _D), jnp.bfloat16),
            pltpu.VMEM((2, _B, _D), jnp.float32),
            pltpu.VMEM((_B, _D), jnp.float32),
            pltpu.SemaphoreType.DMA((2,)),
        ],
    )
    fn = pl.pallas_call(
        functools.partial(_lstm_kernel, relu=relu),
        grid_spec=grid_spec,
        out_shape=jax.ShapeDtypeStruct((_NPAD, _D), out_dtype),
    )
    return fn(md_arr, h_in, pccol, pc2d, w2, whh_t, bias2, wl_t, wr_t,
              bl2, xs)


def kernel(x, edge_index,
           l1_W_ih, l1_W_hh, l1_b_ih, l1_b_hh, l1_Wl, l1_bl, l1_Wr,
           l2_W_ih, l2_W_hh, l2_b_ih, l2_b_hh, l2_Wl, l2_bl, l2_Wr,
           l3_W_ih, l3_W_hh, l3_b_ih, l3_b_hh, l3_Wl, l3_bl, l3_Wr):
    src = edge_index[0].astype(jnp.int32)
    dst = edge_index[1].astype(jnp.int32)
    dst_s, src_s = lax.sort((dst, src), num_keys=1, is_stable=True)
    iota_e = lax.iota(jnp.int32, _E)
    seg_head = jnp.where(
        jnp.concatenate([jnp.ones((1,), jnp.bool_), dst_s[1:] != dst_s[:-1]]),
        iota_e, 0)
    pos = iota_e - lax.cummax(seg_head, axis=0)
    counts = jnp.zeros((_N,), jnp.int32).at[dst_s].add(1)
    iota_n = lax.iota(jnp.int32, _N)
    negc_s, perm = lax.sort((-counts, iota_n), num_keys=1, is_stable=True)
    pcounts = -negc_s
    rank = jnp.zeros((_N,), jnp.int32).at[perm].add(iota_n)
    max_deg = pcounts[0]

    deg_hist = jnp.zeros((_E,), jnp.int32).at[counts].add(1, mode="drop")
    n_per_step = _N - jnp.cumsum(deg_hist)
    off = jnp.concatenate(
        [jnp.zeros((1,), jnp.int32), jnp.cumsum(n_per_step)[:-1]])
    packed_pos, rank_src = lax.cond(
        max_deg <= _OFFCAP,
        lambda: _sc_prep(dst_s, src_s, pos, rank, off[:_OFFCAP]),
        lambda: (off[pos] + rank[dst_s], rank[src_s]),
    )
    gidx = jnp.zeros((_EPAD,), jnp.int32).at[packed_pos].add(rank_src)

    perm_pad = jnp.concatenate([perm, jnp.zeros((_NPAD - _N,), jnp.int32)])
    rank_pad = jnp.concatenate([rank, jnp.zeros((_NPAD - _N,), jnp.int32)])
    pccol = jnp.concatenate(
        [pcounts, jnp.zeros((_NPAD - _N,), jnp.int32)]).reshape(_NPAD, 1)
    pc2d = pccol.reshape(_NPAD // 128, 128)
    md_arr = jnp.full((1,), max_deg, jnp.int32)

    h = _sc_gather(x, perm_pad, 320)
    layers = (
        (l1_W_ih, l1_W_hh, l1_b_ih, l1_b_hh, l1_Wl, l1_bl, l1_Wr, True),
        (l2_W_ih, l2_W_hh, l2_b_ih, l2_b_hh, l2_Wl, l2_bl, l2_Wr, True),
        (l3_W_ih, l3_W_hh, l3_b_ih, l3_b_hh, l3_Wl, l3_bl, l3_Wr, False),
    )
    for w_ih, w_hh, b_ih, b_hh, wl, bl, wr, relu in layers:
        xs = _sc_gather(h, gidx, 320)
        w2 = jnp.concatenate([w_ih.T, w_hh.T], axis=0).astype(jnp.bfloat16)
        h = _lstm_layer(
            h, xs, pccol, pc2d, md_arr,
            w2, w_hh.T.astype(jnp.bfloat16),
            (b_ih + b_hh).reshape(1, _H4),
            wl.T.astype(jnp.bfloat16), wr.T,
            bl.reshape(1, _D), relu, jnp.float32)
    out_pad = _sc_gather(h, rank_pad, 320)
    return out_pad[:_N]

# --- scband reference (transcript-rebuilt; emitter-appended) ---
"""Pipeline reference for scband-graph-sage-44444321579079 (READ-ONLY COPY).

The authoritative reference and input builder live on the scoring server;
editing this copy changes nothing except your own understanding.
"""

import jax, jax.numpy as jnp
import numpy as np

N = 10000
E = 320000
D = 128

def _prep(edge_index):
    src = edge_index[0]
    dst = edge_index[1]
    order = jnp.argsort(dst)
    src_s = src[order]
    dst_s = dst[order]
    counts = jnp.bincount(dst_s, length=N)
    starts = jnp.concatenate([jnp.zeros((1,), counts.dtype), jnp.cumsum(counts)[:-1]])
    pos = jnp.arange(dst_s.shape[0]) - starts[dst_s]
    max_deg = counts.max()
    return src_s, dst_s, pos, counts, starts, max_deg

def _lstm_last(xs, counts, starts, max_deg, W_ih, W_hh, b_ih, b_hh):
    # PyG LSTMAggregation: run LSTM over the dense (zero-padded) neighbor
    # sequence and take the output at the LAST time step (padding included),
    # matching torch_geometric.nn.aggr.LSTMAggregation semantics.
    n = counts.shape[0]
    H = W_hh.shape[1]
    ne = xs.shape[0]
    h0 = jnp.zeros((n, H), xs.dtype)
    c0 = jnp.zeros((n, H), xs.dtype)
    def step(t, carry):
        h, c = carry
        idx = jnp.clip(starts + t, 0, ne - 1)
        xt = jnp.where((t < counts)[:, None], xs[idx], jnp.zeros((), xs.dtype))
        gates = xt @ W_ih.T + b_ih + h @ W_hh.T + b_hh
        i, f, g, o = jnp.split(gates, 4, axis=-1)
        c_new = jax.nn.sigmoid(f) * c + jax.nn.sigmoid(i) * jnp.tanh(g)
        h_new = jax.nn.sigmoid(o) * jnp.tanh(c_new)
        return (h_new, c_new)
    h, c = jax.lax.fori_loop(0, max_deg, step, (h0, c0))
    return h

def _sage_conv_lstm(x, src_s, counts, starts, max_deg, W_ih, W_hh, b_ih, b_hh, Wl, bl, Wr):
    # message: x_j gathered from source nodes (edges pre-sorted by dst)
    xs = x[src_s]
    aggr = _lstm_last(xs, counts, starts, max_deg, W_ih, W_hh, b_ih, b_hh)
    # out = lin_l(aggr) + lin_r(x); lin_l has bias, lin_r does not (PyG default)
    return aggr @ Wl.T + bl + x @ Wr.T

def _layer_params(key, din, dout):
    ks = jax.random.split(key, 7)
    s = 1.0 / np.sqrt(din)
    return dict(
        W_ih=jax.random.uniform(ks[0], (4 * din, din), jnp.float32, -s, s),
        W_hh=jax.random.uniform(ks[1], (4 * din, din), jnp.float32, -s, s),
        b_ih=jax.random.uniform(ks[2], (4 * din,), jnp.float32, -s, s),
        b_hh=jax.random.uniform(ks[3], (4 * din,), jnp.float32, -s, s),
        Wl=jax.random.uniform(ks[4], (dout, din), jnp.float32, -s, s),
        bl=jax.random.uniform(ks[5], (dout,), jnp.float32, -s, s),
        Wr=jax.random.uniform(ks[6], (dout, din), jnp.float32, -s, s),
    )

def setup_inputs(seed: int = 0):
    key = jax.random.key(seed)
    ks = jax.random.split(key, 5)
    x = jax.random.normal(ks[0], (N, D), jnp.float32)
    edge_index = jax.random.randint(ks[1], (2, E), 0, N, dtype=jnp.int32)
    inp = {"x": x, "edge_index": edge_index}
    for li, k in zip((1, 2, 3), (ks[2], ks[3], ks[4])):
        p = _layer_params(k, D, D)
        for name, v in p.items():
            inp["l" + str(li) + "_" + name] = v
    return inp

def reference(x, edge_index,
              l1_W_ih, l1_W_hh, l1_b_ih, l1_b_hh, l1_Wl, l1_bl, l1_Wr,
              l2_W_ih, l2_W_hh, l2_b_ih, l2_b_hh, l2_Wl, l2_bl, l2_Wr,
              l3_W_ih, l3_W_hh, l3_b_ih, l3_b_hh, l3_Wl, l3_bl, l3_Wr):
    src_s, dst_s, pos, counts, starts, max_deg = _prep(edge_index)
    h = _sage_conv_lstm(x, src_s, counts, starts, max_deg,
                        l1_W_ih, l1_W_hh, l1_b_ih, l1_b_hh, l1_Wl, l1_bl, l1_Wr)
    h = jax.nn.relu(h)
    # dropout: eval mode (identity)
    h = _sage_conv_lstm(h, src_s, counts, starts, max_deg,
                        l2_W_ih, l2_W_hh, l2_b_ih, l2_b_hh, l2_Wl, l2_bl, l2_Wr)
    h = jax.nn.relu(h)
    out = _sage_conv_lstm(h, src_s, counts, starts, max_deg,
                          l3_W_ih, l3_W_hh, l3_b_ih, l3_b_hh, l3_Wl, l3_bl, l3_Wr)
    return out

if __name__ == "__main__":
    import jax
    _d = setup_inputs()
    print(jax.jit(kernel)(*tuple(_d.values())))

</pallas_src>

<mosaic_0001>
#map = affine_map<(d0, d1) -> (0)>
module attributes {stable_mosaic.version = 14 : i64} {
  func.func @k(%arg0: i32, %arg1: i32, %arg2: memref<320000xi32, #tpu.memory_space<hbm>>, %arg3: memref<320000xi32, #tpu.memory_space<hbm>>, %arg4: memref<320000xi32, #tpu.memory_space<hbm>>, %arg5: memref<10000xi32, #tpu.memory_space<hbm>>, %arg6: memref<16384xi32, #tpu.memory_space<hbm>>, %arg7: memref<320000xi32, #tpu.memory_space<hbm>>, %arg8: memref<320000xi32, #tpu.memory_space<hbm>>, %arg9: memref<10000xi32, #tpu.memory_space<vmem>>, %arg10: memref<10000xi32, #tpu.memory_space<vmem>>, %arg11: memref<10000xi32, #tpu.memory_space<vmem>>, %arg12: memref<10000xi32, #tpu.memory_space<vmem>>, %arg13: memref<16384xi32, #tpu.memory_space<vmem>>, %arg14: memref<10000xi32, #tpu.memory_space<vmem>>, %arg15: memref<10000xi32, #tpu.memory_space<vmem>>) attributes {dimension_semantics = [#tpu.dimension_semantics<core_parallel>, #tpu.dimension_semantics<subcore_parallel>], iteration_bounds = array<i64: 2, 16>, scalar_prefetch = 0 : i64, scratch_operands = 7 : i64, tpu.core_type = #tpu.core_type<sc_vector_subcore>, window_params = [{transform_indices = #map}, {transform_indices = #map}, {transform_indices = #map}, {transform_indices = #map}, {transform_indices = #map}, {transform_indices = #map}, {transform_indices = #map}]} {
    %mul3A = arith.constant 2 : i32
    %mul3A_0 = arith.muli %arg1, %mul3A : i32
    %add3A = arith.addi %mul3A_0, %arg0 : i32
    %mul3A_1 = arith.constant 10000 : i32
    %mul3A_2 = arith.muli %add3A, %mul3A_1 : i32
    %multiple_of3A = tpu.assume_multiple %mul3A_2, 8 : i32
    "tpu.region"() ({
      %run_scoped3A = tpu.sem_alloc : memref<!tpu.dma_semaphore, #tpu.memory_space<semaphore_mem>>
      %dma_start3A = tpu.memref_slice %arg2[%multiple_of3A] : memref<320000xi32, #tpu.memory_space<hbm>> -> memref<10000xi32, #tpu.memory_space<hbm>>
      %dma_start3A_8 = tpu.memref_slice %arg2[%multiple_of3A] : memref<320000xi32, #tpu.memory_space<hbm>> -> memref<10000xi32, #tpu.memory_space<hbm>>
      tpu.enqueue_dma source(%dma_start3A_8 : memref<10000xi32, #tpu.memory_space<hbm>>) target(%arg9 : memref<10000xi32, #tpu.memory_space<vmem>>) target_semaphore(%run_scoped3A : memref<!tpu.dma_semaphore, #tpu.memory_space<semaphore_mem>>)
      %dma_wait3A = tpu.memref_slice %arg2[%multiple_of3A] : memref<320000xi32, #tpu.memory_space<hbm>> -> memref<10000xi32, #tpu.memory_space<hbm>>
      %dma_wait3A_9 = tpu.memref_slice %arg2[%multiple_of3A] : memref<320000xi32, #tpu.memory_space<hbm>> -> memref<10000xi32, #tpu.memory_space<hbm>>
      tpu.wait_dma2 semaphore(%run_scoped3A : memref<!tpu.dma_semaphore, #tpu.memory_space<semaphore_mem>>) src(%dma_wait3A_9 : memref<10000xi32, #tpu.memory_space<hbm>>) dst(%arg9 : memref<10000xi32, #tpu.memory_space<vmem>>)
      tpu.yield
    }) : () -> ()
    "tpu.region"() ({
      %run_scoped3A = tpu.sem_alloc : memref<!tpu.dma_semaphore, #tpu.memory_space<semaphore_mem>>
      %dma_start3A = tpu.memref_slice %arg3[%multiple_of3A] : memref<320000xi32, #tpu.memory_space<hbm>> -> memref<10000xi32, #tpu.memory_space<hbm>>
      %dma_start3A_8 = tpu.memref_slice %arg3[%multiple_of3A] : memref<320000xi32, #tpu.memory_space<hbm>> -> memref<10000xi32, #tpu.memory_space<hbm>>
      tpu.enqueue_dma source(%dma_start3A_8 : memref<10000xi32, #tpu.memory_space<hbm>>) target(%arg10 : memref<10000xi32, #tpu.memory_space<vmem>>) target_semaphore(%run_scoped3A : memref<!tpu.dma_semaphore, #tpu.memory_space<semaphore_mem>>)
      %dma_wait3A = tpu.memref_slice %arg3[%multiple_of3A] : memref<320000xi32, #tpu.memory_space<hbm>> -> memref<10000xi32, #tpu.memory_space<hbm>>
      %dma_wait3A_9 = tpu.memref_slice %arg3[%multiple_of3A] : memref<320000xi32, #tpu.memory_space<hbm>> -> memref<10000xi32, #tpu.memory_space<hbm>>
      tpu.wait_dma2 semaphore(%run_scoped3A : memref<!tpu.dma_semaphore, #tpu.memory_space<semaphore_mem>>) src(%dma_wait3A_9 : memref<10000xi32, #tpu.memory_space<hbm>>) dst(%arg10 : memref<10000xi32, #tpu.memory_space<vmem>>)
      tpu.yield
    }) : () -> ()
    "tpu.region"() ({
      %run_scoped3A = tpu.sem_alloc : memref<!tpu.dma_semaphore, #tpu.memory_space<semaphore_mem>>
      %dma_start3A = tpu.memref_slice %arg4[%multiple_of3A] : memref<320000xi32, #tpu.memory_space<hbm>> -> memref<10000xi32, #tpu.memory_space<hbm>>
      %dma_start3A_8 = tpu.memref_slice %arg4[%multiple_of3A] : memref<320000xi32, #tpu.memory_space<hbm>> -> memref<10000xi32, #tpu.memory_space<hbm>>
      tpu.enqueue_dma source(%dma_start3A_8 : memref<10000xi32, #tpu.memory_space<hbm>>) target(%arg11 : memref<10000xi32, #tpu.memory_space<vmem>>) target_semaphore(%run_scoped3A : memref<!tpu.dma_semaphore, #tpu.memory_space<semaphore_mem>>)
      %dma_wait3A = tpu.memref_slice %arg4[%multiple_of3A] : memref<320000xi32, #tpu.memory_space<hbm>> -> memref<10000xi32, #tpu.memory_space<hbm>>
      %dma_wait3A_9 = tpu.memref_slice %arg4[%multiple_of3A] : memref<320000xi32, #tpu.memory_space<hbm>> -> memref<10000xi32, #tpu.memory_space<hbm>>
      tpu.wait_dma2 semaphore(%run_scoped3A : memref<!tpu.dma_semaphore, #tpu.memory_space<semaphore_mem>>) src(%dma_wait3A_9 : memref<10000xi32, #tpu.memory_space<hbm>>) dst(%arg11 : memref<10000xi32, #tpu.memory_space<vmem>>)
      tpu.yield
    }) : () -> ()
    "tpu.region"() ({
      %run_scoped3A = tpu.sem_alloc : memref<!tpu.dma_semaphore, #tpu.memory_space<semaphore_mem>>
      tpu.enqueue_dma source(%arg5 : memref<10000xi32, #tpu.memory_space<hbm>>) target(%arg12 : memref<10000xi32, #tpu.memory_space<vmem>>) target_semaphore(%run_scoped3A : memref<!tpu.dma_semaphore, #tpu.memory_space<semaphore_mem>>)
      tpu.wait_dma2 semaphore(%run_scoped3A : memref<!tpu.dma_semaphore, #tpu.memory_space<semaphore_mem>>) src(%arg5 : memref<10000xi32, #tpu.memory_space<hbm>>) dst(%arg12 : memref<10000xi32, #tpu.memory_space<vmem>>)
      tpu.yield
    }) : () -> ()
    "tpu.region"() ({
      %run_scoped3A = tpu.sem_alloc : memref<!tpu.dma_semaphore, #tpu.memory_space<semaphore_mem>>
      tpu.enqueue_dma source(%arg6 : memref<16384xi32, #tpu.memory_space<hbm>>) target(%arg13 : memref<16384xi32, #tpu.memory_space<vmem>>) target_semaphore(%run_scoped3A : memref<!tpu.dma_semaphore, #tpu.memory_space<semaphore_mem>>)
      tpu.wait_dma2 semaphore(%run_scoped3A : memref<!tpu.dma_semaphore, #tpu.memory_space<semaphore_mem>>) src(%arg6 : memref<16384xi32, #tpu.memory_space<hbm>>) dst(%arg13 : memref<16384xi32, #tpu.memory_space<vmem>>)
      tpu.yield
    }) : () -> ()
    %scan3A = arith.constant 0 : i32
    %scan3A_3 = arith.constant 0 : i32
    %scan3A_4 = arith.constant 625 : i32
    %scan3A_5 = arith.addi %scan3A_3, %scan3A_4 : i32
    %scan3A_6 = arith.constant 1 : i32
    scf.for %scan3A_8 = %scan3A_3 to %scan3A_5 step %scan3A_6  : i32 {
      %mul3A_9 = arith.constant 16 : i32
      %mul3A_10 = arith.muli %scan3A_8, %mul3A_9 : i32
      %get3A = arith.index_cast %mul3A_10 : i32 to index
      %get3A_11 = tpu.vector_load %arg9[%get3A] {strides = array<i32>} : memref<10000xi32, #tpu.memory_space<vmem>>, vector<16xi32>,
      %gather3A = tpu.vector_load_idx %arg12[%get3A_11] : memref<10000xi32, #tpu.memory_space<vmem>>[vector<16xi32>], vector<16xi32>,
      %get3A_12 = arith.index_cast %mul3A_10 : i32 to index
      %get3A_13 = tpu.vector_load %arg10[%get3A_12] {strides = array<i32>} : memref<10000xi32, #tpu.memory_space<vmem>>, vector<16xi32>,
      %gather3A_14 = tpu.vector_load_idx %arg12[%get3A_13] : memref<10000xi32, #tpu.memory_space<vmem>>[vector<16xi32>], vector<16xi32>,
      %get3A_15 = arith.index_cast %mul3A_10 : i32 to index
      %get3A_16 = tpu.vector_load %arg11[%get3A_15] {strides = array<i32>} : memref<10000xi32, #tpu.memory_space<vmem>>, vector<16xi32>,
      %gather3A_17 = tpu.vector_load_idx %arg13[%get3A_16] : memref<16384xi32, #tpu.memory_space<vmem>>[vector<16xi32>], vector<16xi32>,
      %add3A_18 = arith.addi %gather3A_17, %gather3A : vector<16xi32>
      %swap3A = arith.index_cast %mul3A_10 : i32 to index
      %swap3A_19 = tpu.vector_load %arg14[%swap3A] {strides = array<i32>} : memref<10000xi32, #tpu.memory_space<vmem>>, vector<16xi32>,
      tpu.vector_store %arg14[%swap3A], %add3A_18 {strides = array<i32>} : memref<10000xi32, #tpu.memory_space<vmem>>, vector<16xi32>,
      %swap3A_20 = arith.index_cast %mul3A_10 : i32 to index
      %swap3A_21 = tpu.vector_load %arg15[%swap3A_20] {strides = array<i32>} : memref<10000xi32, #tpu.memory_space<vmem>>, vector<16xi32>,
      tpu.vector_store %arg15[%swap3A_20], %gather3A_14 {strides = array<i32>} : memref<10000xi32, #tpu.memory_space<vmem>>, vector<16xi32>,
    }
    %scan3A_7 = arith.constant 625 : i32
    "tpu.region"() ({
      %run_scoped3A = tpu.sem_alloc : memref<!tpu.dma_semaphore, #tpu.memory_space<semaphore_mem>>
      %dma_start3A = tpu.memref_slice %arg7[%multiple_of3A] : memref<320000xi32, #tpu.memory_space<hbm>> -> memref<10000xi32, #tpu.memory_space<hbm>>
      %dma_start3A_8 = tpu.memref_slice %arg7[%multiple_of3A] : memref<320000xi32, #tpu.memory_space<hbm>> -> memref<10000xi32, #tpu.memory_space<hbm>>
      tpu.enqueue_dma source(%arg14 : memref<10000xi32, #tpu.memory_space<vmem>>) target(%dma_start3A_8 : memref<10000xi32, #tpu.memory_space<hbm>>) target_semaphore(%run_scoped3A : memref<!tpu.dma_semaphore, #tpu.memory_space<semaphore_mem>>)
      %dma_wait3A = tpu.memref_slice %arg7[%multiple_of3A] : memref<320000xi32, #tpu.memory_space<hbm>> -> memref<10000xi32, #tpu.memory_space<hbm>>
      %dma_wait3A_9 = tpu.memref_slice %arg7[%multiple_of3A] : memref<320000xi32, #tpu.memory_space<hbm>> -> memref<10000xi32, #tpu.memory_space<hbm>>
      tpu.wait_dma2 semaphore(%run_scoped3A : memref<!tpu.dma_semaphore, #tpu.memory_space<semaphore_mem>>) src(%arg14 : memref<10000xi32, #tpu.memory_space<vmem>>) dst(%dma_wait3A_9 : memref<10000xi32, #tpu.memory_space<hbm>>)
      tpu.yield
    }) : () -> ()
    "tpu.region"() ({
      %run_scoped3A = tpu.sem_alloc : memref<!tpu.dma_semaphore, #tpu.memory_space<semaphore_mem>>
      %dma_start3A = tpu.memref_slice %arg8[%multiple_of3A] : memref<320000xi32, #tpu.memory_space<hbm>> -> memref<10000xi32, #tpu.memory_space<hbm>>
      %dma_start3A_8 = tpu.memref_slice %arg8[%multiple_of3A] : memref<320000xi32, #tpu.memory_space<hbm>> -> memref<10000xi32, #tpu.memory_space<hbm>>
      tpu.enqueue_dma source(%arg15 : memref<10000xi32, #tpu.memory_space<vmem>>) target(%dma_start3A_8 : memref<10000xi32, #tpu.memory_space<hbm>>) target_semaphore(%run_scoped3A : memref<!tpu.dma_semaphore, #tpu.memory_space<semaphore_mem>>)
      %dma_wait3A = tpu.memref_slice %arg8[%multiple_of3A] : memref<320000xi32, #tpu.memory_space<hbm>> -> memref<10000xi32, #tpu.memory_space<hbm>>
      %dma_wait3A_9 = tpu.memref_slice %arg8[%multiple_of3A] : memref<320000xi32, #tpu.memory_space<hbm>> -> memref<10000xi32, #tpu.memory_space<hbm>>
      tpu.wait_dma2 semaphore(%run_scoped3A : memref<!tpu.dma_semaphore, #tpu.memory_space<semaphore_mem>>) src(%arg15 : memref<10000xi32, #tpu.memory_space<vmem>>) dst(%dma_wait3A_9 : memref<10000xi32, #tpu.memory_space<hbm>>)
      tpu.yield
    }) : () -> ()
    return
  }
}

#map = affine_map<(d0, d1) -> (0, 0)>
#map1 = affine_map<(d0, d1) -> (0)>
module attributes {stable_mosaic.version = 14 : i64} {
  func.func @k(%arg0: i32, %arg1: i32, %arg2: memref<10000x128xf32, #tpu.memory_space<hbm>>, %arg3: memref<10240xi32, #tpu.memory_space<hbm>>, %arg4: memref<10240x128xf32, #tpu.memory_space<hbm>>, %arg5: memref<320xi32, #tpu.memory_space<vmem>>, %arg6: memref<320xi32, #tpu.memory_space<vmem>>, %arg7: memref<320x128xf32, #tpu.memory_space<vmem>>, %arg8: memref<320x128xf32, #tpu.memory_space<vmem>>, %arg9: memref<2x!tpu.dma_semaphore, #tpu.memory_space<semaphore_mem>>, %arg10: memref<2x!tpu.dma_semaphore, #tpu.memory_space<semaphore_mem>>, %arg11: memref<2x!tpu.dma_semaphore, #tpu.memory_space<semaphore_mem>>) attributes {dimension_semantics = [#tpu.dimension_semantics<core_parallel>, #tpu.dimension_semantics<subcore_parallel>], iteration_bounds = array<i64: 2, 16>, scalar_prefetch = 0 : i64, scratch_operands = 7 : i64, tpu.core_type = #tpu.core_type<sc_vector_subcore>, window_params = [{transform_indices = #map}, {transform_indices = #map1}, {transform_indices = #map}]} {
    %mul3A = arith.constant 2 : i32
    %mul3A_0 = arith.muli %arg1, %mul3A : i32
    %add3A = arith.addi %mul3A_0, %arg0 : i32
    %mul3A_1 = arith.constant 1 : i32
    %mul3A_2 = arith.muli %add3A, %mul3A_1 : i32
    %add3A_3 = arith.constant 0 : i32
    %add3A_4 = arith.addi %mul3A_2, %add3A_3 : i32
    %mul3A_5 = arith.constant 320 : i32
    %mul3A_6 = arith.muli %add3A_4, %mul3A_5 : i32
    %multiple_of3A = tpu.assume_multiple %mul3A_6, 8 : i32
    "tpu.region"() ({
      %run_scoped3A = tpu.sem_alloc : memref<!tpu.dma_semaphore, #tpu.memory_space<semaphore_mem>>
      %dma_start3A_24 = tpu.memref_slice %arg3[%multiple_of3A] : memref<10240xi32, #tpu.memory_space<hbm>> -> memref<320xi32, #tpu.memory_space<hbm>>
      %dma_start3A_25 = tpu.memref_slice %arg3[%multiple_of3A] : memref<10240xi32, #tpu.memory_space<hbm>> -> memref<320xi32, #tpu.memory_space<hbm>>
      tpu.enqueue_dma source(%dma_start3A_25 : memref<320xi32, #tpu.memory_space<hbm>>) target(%arg5 : memref<320xi32, #tpu.memory_space<vmem>>) target_semaphore(%run_scoped3A : memref<!tpu.dma_semaphore, #tpu.memory_space<semaphore_mem>>)
      %dma_wait3A_26 = tpu.memref_slice %arg3[%multiple_of3A] : memref<10240xi32, #tpu.memory_space<hbm>> -> memref<320xi32, #tpu.memory_space<hbm>>
      %dma_wait3A_27 = tpu.memref_slice %arg3[%multiple_of3A] : memref<10240xi32, #tpu.memory_space<hbm>> -> memref<320xi32, #tpu.memory_space<hbm>>
      tpu.wait_dma2 semaphore(%run_scoped3A : memref<!tpu.dma_semaphore, #tpu.memory_space<semaphore_mem>>) src(%dma_wait3A_27 : memref<320xi32, #tpu.memory_space<hbm>>) dst(%arg5 : memref<320xi32, #tpu.memory_space<vmem>>)
      tpu.yield
    }) : () -> ()
    %dma_start3A = arith.constant 0 : i32
    %dma_start3A_7 = arith.constant 0 : i32
    %dma_start3A_8 = arith.constant 0 : i32
    %dma_start3A_9 = tpu.memref_slice %arg2[%dma_start3A_7, %dma_start3A_8] : memref<10000x128xf32, #tpu.memory_space<hbm>> -> memref<10000x128xf32, #tpu.memory_space<hbm>>
    %dma_start3A_10 = tpu.memref_slice %arg10[%dma_start3A] : memref<2x!tpu.dma_semaphore, #tpu.memory_space<semaphore_mem>> -> memref<1x!tpu.dma_semaphore, #tpu.memory_space<semaphore_mem>>
    %dma_start3A_11 = tpu.memref_squeeze %dma_start3A_10 : memref<1x!tpu.dma_semaphore, #tpu.memory_space<semaphore_mem>> -> memref<!tpu.dma_semaphore, #tpu.memory_space<semaphore_mem>>
    tpu.enqueue_indirect_dma source(%dma_start3A_9 : memref<10000x128xf32, #tpu.memory_space<hbm>>) target(%arg7 : memref<320x128xf32, #tpu.memory_space<vmem>>) offsets(%arg5 : memref<320xi32, #tpu.memory_space<vmem>>) semaphore(%dma_start3A_11 : memref<!tpu.dma_semaphore, #tpu.memory_space<semaphore_mem>>)
    %dma_wait3A = arith.constant 0 : i32
    %dma_wait3A_12 = arith.constant 0 : i32
    %dma_wait3A_13 = arith.constant 0 : i32
    %dma_wait3A_14 = tpu.memref_slice %arg2[%dma_wait3A_12, %dma_wait3A_13] : memref<10000x128xf32, #tpu.memory_space<hbm>> -> memref<10000x128xf32, #tpu.memory_space<hbm>>
    %dma_wait3A_15 = tpu.memref_slice %arg10[%dma_wait3A] : memref<2x!tpu.dma_semaphore, #tpu.memory_space<semaphore_mem>> -> memref<1x!tpu.dma_semaphore, #tpu.memory_space<semaphore_mem>>
    %dma_wait3A_16 = tpu.memref_squeeze %dma_wait3A_15 : memref<1x!tpu.dma_semaphore, #tpu.memory_space<semaphore_mem>> -> memref<!tpu.dma_semaphore, #tpu.memory_space<semaphore_mem>>
    tpu.wait_indirect_dma semaphore(%dma_wait3A_16 : memref<!tpu.dma_semaphore, #tpu.memory_space<semaphore_mem>>) src(%dma_wait3A_14 : memref<10000x128xf32, #tpu.memory_space<hbm>>) dst(%arg7 : memref<320x128xf32, #tpu.memory_space<vmem>>)
    %mul3A_17 = arith.constant 1 : i32
    %mul3A_18 = arith.muli %add3A, %mul3A_17 : i32
    %add3A_19 = arith.constant 0 : i32
    %add3A_20 = arith.addi %mul3A_18, %add3A_19 : i32
    %mul3A_21 = arith.constant 320 : i32
    %mul3A_22 = arith.muli %add3A_20, %mul3A_21 : i32
    %multiple_of3A_23 = tpu.assume_multiple %mul3A_22, 8 : i32
    "tpu.region"() ({
      %run_scoped3A = tpu.sem_alloc : memref<!tpu.dma_semaphore, #tpu.memory_space<semaphore_mem>>
      %dma_start3A_24 = arith.constant 0 : i32
      %dma_start3A_25 = tpu.memref_slice %arg4[%multiple_of3A_23, %dma_start3A_24] : memref<10240x128xf32, #tpu.memory_space<hbm>> -> memref<320x128xf32, #tpu.memory_space<hbm>>
      %dma_start3A_26 = arith.constant 0 : i32
      %dma_start3A_27 = tpu.memref_slice %arg4[%multiple_of3A_23, %dma_start3A_26] : memref<10240x128xf32, #tpu.memory_space<hbm>> -> memref<320x128xf32, #tpu.memory_space<hbm>>
      tpu.enqueue_dma source(%arg7 : memref<320x128xf32, #tpu.memory_space<vmem>>) target(%dma_start3A_27 : memref<320x128xf32, #tpu.memory_space<hbm>>) target_semaphore(%run_scoped3A : memref<!tpu.dma_semaphore, #tpu.memory_space<semaphore_mem>>)
      %dma_wait3A_28 = arith.constant 0 : i32
      %dma_wait3A_29 = tpu.memref_slice %arg4[%multiple_of3A_23, %dma_wait3A_28] : memref<10240x128xf32, #tpu.memory_space<hbm>> -> memref<320x128xf32, #tpu.memory_space<hbm>>
      %dma_wait3A_30 = arith.constant 0 : i32
      %dma_wait3A_31 = tpu.memref_slice %arg4[%multiple_of3A_23, %dma_wait3A_30] : memref<10240x128xf32, #tpu.memory_space<hbm>> -> memref<320x128xf32, #tpu.memory_space<hbm>>
      tpu.wait_dma2 semaphore(%run_scoped3A : memref<!tpu.dma_semaphore, #tpu.memory_space<semaphore_mem>>) src(%arg7 : memref<320x128xf32, #tpu.memory_space<vmem>>) dst(%dma_wait3A_31 : memref<320x128xf32, #tpu.memory_space<hbm>>)
      tpu.yield
    }) : () -> ()
    return
  }
}

#map = affine_map<(d0, d1) -> (0, 0)>
#map1 = affine_map<(d0, d1) -> (0)>
module attributes {stable_mosaic.version = 14 : i64} {
  func.func @k(%arg0: i32, %arg1: i32, %arg2: memref<10240x128xf32, #tpu.memory_space<hbm>>, %arg3: memref<327680xi32, #tpu.memory_space<hbm>>, %arg4: memref<327680x128xf32, #tpu.memory_space<hbm>>, %arg5: memref<320xi32, #tpu.memory_space<vmem>>, %arg6: memref<320xi32, #tpu.memory_space<vmem>>, %arg7: memref<320x128xf32, #tpu.memory_space<vmem>>, %arg8: memref<320x128xf32, #tpu.memory_space<vmem>>, %arg9: memref<2x!tpu.dma_semaphore, #tpu.memory_space<semaphore_mem>>, %arg10: memref<2x!tpu.dma_semaphore, #tpu.memory_space<semaphore_mem>>, %arg11: memref<2x!tpu.dma_semaphore, #tpu.memory_space<semaphore_mem>>) attributes {dimension_semantics = [#tpu.dimension_semantics<core_parallel>, #tpu.dimension_semantics<subcore_parallel>], iteration_bounds = array<i64: 2, 16>, scalar_prefetch = 0 : i64, scratch_operands = 7 : i64, tpu.core_type = #tpu.core_type<sc_vector_subcore>, window_params = [{transform_indices = #map}, {transform_indices = #map1}, {transform_indices = #map}]} {
    %mul3A = arith.constant 2 : i32
    %mul3A_0 = arith.muli %arg1, %mul3A : i32
    %add3A = arith.addi %mul3A_0, %arg0 : i32
    %mul3A_1 = arith.constant 32 : i32
    %mul3A_2 = arith.muli %add3A, %mul3A_1 : i32
    %add3A_3 = arith.constant 0 : i32
    %add3A_4 = arith.addi %mul3A_2, %add3A_3 : i32
    %mul3A_5 = arith.constant 320 : i32
    %mul3A_6 = arith.muli %add3A_4, %mul3A_5 : i32
    %multiple_of3A = tpu.assume_multiple %mul3A_6, 8 : i32
    %dma_start3A = arith.constant 0 : i32
    %dma_start3A_7 = tpu.memref_slice %arg3[%multiple_of3A] : memref<327680xi32, #tpu.memory_space<hbm>> -> memref<320xi32, #tpu.memory_space<hbm>>
    %dma_start3A_8 = tpu.memref_slice %arg9[%dma_start3A] : memref<2x!tpu.dma_semaphore, #tpu.memory_space<semaphore_mem>> -> memref<1x!tpu.dma_semaphore, #tpu.memory_space<semaphore_mem>>
    %dma_start3A_9 = tpu.memref_squeeze %dma_start3A_8 : memref<1x!tpu.dma_semaphore, #tpu.memory_space<semaphore_mem>> -> memref<!tpu.dma_semaphore, #tpu.memory_space<semaphore_mem>>
    %dma_start3A_10 = tpu.memref_slice %arg3[%multiple_of3A] : memref<327680xi32, #tpu.memory_space<hbm>> -> memref<320xi32, #tpu.memory_space<hbm>>
    tpu.enqueue_dma source(%dma_start3A_10 : memref<320xi32, #tpu.memory_space<hbm>>) target(%arg5 : memref<320xi32, #tpu.memory_space<vmem>>) target_semaphore(%dma_start3A_9 : memref<!tpu.dma_semaphore, #tpu.memory_space<semaphore_mem>>)
    %mul3A_11 = arith.constant 32 : i32
    %mul3A_12 = arith.muli %add3A, %mul3A_11 : i32
    %add3A_13 = arith.constant 1 : i32
    %add3A_14 = arith.addi %mul3A_12, %add3A_13 : i32
    %mul3A_15 = arith.constant 320 : i32
    %mul3A_16 = arith.muli %add3A_14, %mul3A_15 : i32
    %multiple_of3A_17 = tpu.assume_multiple %mul3A_16, 8 : i32
    %dma_start3A_18 = arith.constant 1 : i32
    %dma_start3A_19 = tpu.memref_slice %arg3[%multiple_of3A_17] : memref<327680xi32, #tpu.memory_space<hbm>> -> memref<320xi32, #tpu.memory_space<hbm>>
    %dma_start3A_20 = tpu.memref_slice %arg9[%dma_start3A_18] : memref<2x!tpu.dma_semaphore, #tpu.memory_space<semaphore_mem>> -> memref<1x!tpu.dma_semaphore, #tpu.memory_space<semaphore_mem>>
    %dma_start3A_21 = tpu.memref_squeeze %dma_start3A_20 : memref<1x!tpu.dma_semaphore, #tpu.memory_space<semaphore_mem>> -> memref<!tpu.dma_semaphore, #tpu.memory_space<semaphore_mem>>
    %dma_start3A_22 = tpu.memref_slice %arg3[%multiple_of3A_17] : memref<327680xi32, #tpu.memory_space<hbm>> -> memref<320xi32, #tpu.memory_space<hbm>>
    tpu.enqueue_dma source(%dma_start3A_22 : memref<320xi32, #tpu.memory_space<hbm>>) target(%arg6 : memref<320xi32, #tpu.memory_space<vmem>>) target_semaphore(%dma_start3A_21 : memref<!tpu.dma_semaphore, #tpu.memory_space<semaphore_mem>>)
    %scan3A = arith.constant 0 : i32
    %scan3A_23 = arith.constant 0 : i32
    %scan3A_24 = arith.constant 16 : i32
    %scan3A_25 = arith.addi %scan3A_23, %scan3A_24 : i32
    %scan3A_26 = arith.constant 1 : i32
    scf.for %scan3A_55 = %scan3A_23 to %scan3A_25 step %scan3A_26  : i32 {
      %mul3A_56 = arith.constant 2 : i32
      %mul3A_57 = arith.muli %scan3A_55, %mul3A_56 : i32
      %add3A_58 = arith.constant 0 : i32
      %add3A_59 = arith.addi %mul3A_57, %add3A_58 : i32
      %mul3A_60 = arith.constant 32 : i32
      %mul3A_61 = arith.muli %add3A, %mul3A_60 : i32
      %add3A_62 = arith.addi %mul3A_61, %add3A_59 : i32
      %mul3A_63 = arith.constant 320 : i32
      %mul3A_64 = arith.muli %add3A_62, %mul3A_63 : i32
      %multiple_of3A_65 = tpu.assume_multiple %mul3A_64, 8 : i32
      %dma_wait3A_66 = arith.constant 0 : i32
      %dma_wait3A_67 = tpu.memref_slice %arg3[%multiple_of3A_65] : memref<327680xi32, #tpu.memory_space<hbm>> -> memref<320xi32, #tpu.memory_space<hbm>>
      %dma_wait3A_68 = tpu.memref_slice %arg9[%dma_wait3A_66] : memref<2x!tpu.dma_semaphore, #tpu.memory_space<semaphore_mem>> -> memref<1x!tpu.dma_semaphore, #tpu.memory_space<semaphore_mem>>
      %dma_wait3A_69 = tpu.memref_squeeze %dma_wait3A_68 : memref<1x!tpu.dma_semaphore, #tpu.memory_space<semaphore_mem>> -> memref<!tpu.dma_semaphore, #tpu.memory_space<semaphore_mem>>
      %dma_wait3A_70 = tpu.memref_slice %arg3[%multiple_of3A_65] : memref<327680xi32, #tpu.memory_space<hbm>> -> memref<320xi32, #tpu.memory_space<hbm>>
      tpu.wait_dma2 semaphore(%dma_wait3A_69 : memref<!tpu.dma_semaphore, #tpu.memory_space<semaphore_mem>>) src(%dma_wait3A_70 : memref<320xi32, #tpu.memory_space<hbm>>) dst(%arg5 : memref<320xi32, #tpu.memory_space<vmem>>)
      %ge3A = arith.constant 2 : i32
      %ge3A_71 = arith.cmpi sge, %add3A_59, %ge3A : i32
      %convert_element_type3A = arith.extui %ge3A_71 : i1 to i32
      %cond3A = arith.constant 0 : i32
      %cond3A_72 = arith.cmpi ne, %convert_element_type3A, %cond3A : i32
      scf.if %cond3A_72 {
        %sub3A = arith.constant 2 : i32
        %sub3A_156 = arith.subi %add3A_59, %sub3A : i32
        %mul3A_157 = arith.constant 32 : i32
        %mul3A_158 = arith.muli %add3A, %mul3A_157 : i32
        %add3A_159 = arith.addi %mul3A_158, %sub3A_156 : i32
        %mul3A_160 = arith.constant 320 : i32
        %mul3A_161 = arith.muli %add3A_159, %mul3A_160 : i32
        %multiple_of3A_162 = tpu.assume_multiple %mul3A_161, 8 : i32
        %dma_wait3A_163 = arith.constant 0 : i32
        %dma_wait3A_164 = arith.constant 0 : i32
        %dma_wait3A_165 = tpu.memref_slice %arg4[%multiple_of3A_162, %dma_wait3A_164] : memref<327680x128xf32, #tpu.memory_space<hbm>> -> memref<320x128xf32, #tpu.memory_space<hbm>>
        %dma_wait3A_166 = tpu.memref_slice %arg11[%dma_wait3A_163] : memref<2x!tpu.dma_semaphore, #tpu.memory_space<semaphore_mem>> -> memref<1x!tpu.dma_semaphore, #tpu.memory_space<semaphore_mem>>
        %dma_wait3A_167 = tpu.memref_squeeze %dma_wait3A_166 : memref<1x!tpu.dma_semaphore, #tpu.memory_space<semaphore_mem>> -> memref<!tpu.dma_semaphore, #tpu.memory_space<semaphore_mem>>
        %dma_wait3A_168 = arith.constant 0 : i32
        %dma_wait3A_169 = tpu.memref_slice %arg4[%multiple_of3A_162, %dma_wait3A_168] : memref<327680x128xf32, #tpu.memory_space<hbm>> -> memref<320x128xf32, #tpu.memory_space<hbm>>
        tpu.wait_dma2 semaphore(%dma_wait3A_167 : memref<!tpu.dma_semaphore, #tpu.memory_space<semaphore_mem>>) src(%arg7 : memref<320x128xf32, #tpu.memory_space<vmem>>) dst(%dma_wait3A_169 : memref<320x128xf32, #tpu.memory_space<hbm>>)
      } else {
      }
      %dma_start3A_73 = arith.constant 0 : i32
      %dma_start3A_74 = arith.constant 0 : i32
      %dma_start3A_75 = arith.constant 0 : i32
      %dma_start3A_76 = tpu.memref_slice %arg2[%dma_start3A_74, %dma_start3A_75] : memref<10240x128xf32, #tpu.memory_space<hbm>> -> memref<10240x128xf32, #tpu.memory_space<hbm>>
      %dma_start3A_77 = tpu.memref_slice %arg10[%dma_start3A_73] : memref<2x!tpu.dma_semaphore, #tpu.memory_space<semaphore_mem>> -> memref<1x!tpu.dma_semaphore, #tpu.memory_space<semaphore_mem>>
      %dma_start3A_78 = tpu.memref_squeeze %dma_start3A_77 : memref<1x!tpu.dma_semaphore, #tpu.memory_space<semaphore_mem>> -> memref<!tpu.dma_semaphore, #tpu.memory_space<semaphore_mem>>
      tpu.enqueue_indirect_dma source(%dma_start3A_76 : memref<10240x128xf32, #tpu.memory_space<hbm>>) target(%arg7 : memref<320x128xf32, #tpu.memory_space<vmem>>) offsets(%arg5 : memref<320xi32, #tpu.memory_space<vmem>>) semaphore(%dma_start3A_78 : memref<!tpu.dma_semaphore, #tpu.memory_space<semaphore_mem>>)
      %dma_wait3A_79 = arith.constant 0 : i32
      %dma_wait3A_80 = arith.constant 0 : i32
      %dma_wait3A_81 = arith.constant 0 : i32
      %dma_wait3A_82 = tpu.memref_slice %arg2[%dma_wait3A_80, %dma_wait3A_81] : memref<10240x128xf32, #tpu.memory_space<hbm>> -> memref<10240x128xf32, #tpu.memory_space<hbm>>
      %dma_wait3A_83 = tpu.memref_slice %arg10[%dma_wait3A_79] : memref<2x!tpu.dma_semaphore, #tpu.memory_space<semaphore_mem>> -> memref<1x!tpu.dma_semaphore, #tpu.memory_space<semaphore_mem>>
      %dma_wait3A_84 = tpu.memref_squeeze %dma_wait3A_83 : memref<1x!tpu.dma_semaphore, #tpu.memory_space<semaphore_mem>> -> memref<!tpu.dma_semaphore, #tpu.memory_space<semaphore_mem>>
      tpu.wait_indirect_dma semaphore(%dma_wait3A_84 : memref<!tpu.dma_semaphore, #tpu.memory_space<semaphore_mem>>) src(%dma_wait3A_82 : memref<10240x128xf32, #tpu.memory_space<hbm>>) dst(%arg7 : memref<320x128xf32, #tpu.memory_space<vmem>>)
      %mul3A_85 = arith.constant 32 : i32
      %mul3A_86 = arith.muli %add3A, %mul3A_85 : i32
      %add3A_87 = arith.addi %mul3A_86, %add3A_59 : i32
      %mul3A_88 = arith.constant 320 : i32
      %mul3A_89 = arith.muli %add3A_87, %mul3A_88 : i32
      %multiple_of3A_90 = tpu.assume_multiple %mul3A_89, 8 : i32
      %dma_start3A_91 = arith.constant 0 : i32
      %dma_start3A_92 = arith.constant 0 : i32
      %dma_start3A_93 = tpu.memref_slice %arg4[%multiple_of3A_90, %dma_start3A_92] : memref<327680x128xf32, #tpu.memory_space<hbm>> -> memref<320x128xf32, #tpu.memory_space<hbm>>
      %dma_start3A_94 = tpu.memref_slice %arg11[%dma_start3A_91] : memref<2x!tpu.dma_semaphore, #tpu.memory_space<semaphore_mem>> -> memref<1x!tpu.dma_semaphore, #tpu.memory_space<semaphore_mem>>
      %dma_start3A_95 = tpu.memref_squeeze %dma_start3A_94 : memref<1x!tpu.dma_semaphore, #tpu.memory_space<semaphore_mem>> -> memref<!tpu.dma_semaphore, #tpu.memory_space<semaphore_mem>>
      %dma_start3A_96 = arith.constant 0 : i32
      %dma_start3A_97 = tpu.memref_slice %arg4[%multiple_of3A_90, %dma_start3A_96] : memref<327680x128xf32, #tpu.memory_space<hbm>> -> memref<320x128xf32, #tpu.memory_space<hbm>>
      tpu.enqueue_dma source(%arg7 : memref<320x128xf32, #tpu.memory_space<vmem>>) target(%dma_start3A_97 : memref<320x128xf32, #tpu.memory_space<hbm>>) target_semaphore(%dma_start3A_95 : memref<!tpu.dma_semaphore, #tpu.memory_space<semaphore_mem>>)
      %add3A_98 = arith.constant 2 : i32
      %add3A_99 = arith.addi %add3A_59, %add3A_98 : i32
      %lt3A = arith.constant 32 : i32
      %lt3A_100 = arith.cmpi slt, %add3A_99, %lt3A : i32
      %convert_element_type3A_101 = arith.extui %lt3A_100 : i1 to i32
      %cond3A_102 = arith.constant 0 : i32
      %cond3A_103 = arith.cmpi ne, %convert_element_type3A_101, %cond3A_102 : i32
      scf.if %cond3A_103 {
        %add3A_156 = arith.constant 2 : i32
        %add3A_157 = arith.addi %add3A_59, %add3A_156 : i32
        %mul3A_158 = arith.constant 32 : i32
        %mul3A_159 = arith.muli %add3A, %mul3A_158 : i32
        %add3A_160 = arith.addi %mul3A_159, %add3A_157 : i32
        %mul3A_161 = arith.constant 320 : i32
        %mul3A_162 = arith.muli %add3A_160, %mul3A_161 : i32
        %multiple_of3A_163 = tpu.assume_multiple %mul3A_162, 8 : i32
        %dma_start3A_164 = arith.constant 0 : i32
        %dma_start3A_165 = tpu.memref_slice %arg3[%multiple_of3A_163] : memref<327680xi32, #tpu.memory_space<hbm>> -> memref<320xi32, #tpu.memory_space<hbm>>
        %dma_start3A_166 = tpu.memref_slice %arg9[%dma_start3A_164] : memref<2x!tpu.dma_semaphore, #tpu.memory_space<semaphore_mem>> -> memref<1x!tpu.dma_semaphore, #tpu.memory_space<semaphore_mem>>
        %dma_start3A_167 = tpu.memref_squeeze %dma_start3A_166 : memref<1x!tpu.dma_semaphore, #tpu.memory_space<semaphore_mem>> -> memref<!tpu.dma_semaphore, #tpu.memory_space<semaphore_mem>>
        %dma_start3A_168 = tpu.memref_slice %arg3[%multiple_of3A_163] : memref<327680xi32, #tpu.memory_space<hbm>> -> memref<320xi32, #tpu.memory_space<hbm>>
        tpu.enqueue_dma source(%dma_start3A_168 : memref<320xi32, #tpu.memory_space<hbm>>) target(%arg5 : memref<320xi32, #tpu.memory_space<vmem>>) target_semaphore(%dma_start3A_167 : memref<!tpu.dma_semaphore, #tpu.memory_space<semaphore_mem>>)
      } else {
      }
      %mul3A_104 = arith.constant 2 : i32
      %mul3A_105 = arith.muli %scan3A_55, %mul3A_104 : i32
      %add3A_106 = arith.constant 1 : i32
      %add3A_107 = arith.addi %mul3A_105, %add3A_106 : i32
      %mul3A_108 = arith.constant 32 : i32
      %mul3A_109 = arith.muli %add3A, %mul3A_108 : i32
      %add3A_110 = arith.addi %mul3A_109, %add3A_107 : i32
      %mul3A_111 = arith.constant 320 : i32
      %mul3A_112 = arith.muli %add3A_110, %mul3A_111 : i32
      %multiple_of3A_113 = tpu.assume_multiple %mul3A_112, 8 : i32
      %dma_wait3A_114 = arith.constant 1 : i32
      %dma_wait3A_115 = tpu.memref_slice %arg3[%multiple_of3A_113] : memref<327680xi32, #tpu.memory_space<hbm>> -> memref<320xi32, #tpu.memory_space<hbm>>
      %dma_wait3A_116 = tpu.memref_slice %arg9[%dma_wait3A_114] : memref<2x!tpu.dma_semaphore, #tpu.memory_space<semaphore_mem>> -> memref<1x!tpu.dma_semaphore, #tpu.memory_space<semaphore_mem>>
      %dma_wait3A_117 = tpu.memref_squeeze %dma_wait3A_116 : memref<1x!tpu.dma_semaphore, #tpu.memory_space<semaphore_mem>> -> memref<!tpu.dma_semaphore, #tpu.memory_space<semaphore_mem>>
      %dma_wait3A_118 = tpu.memref_slice %arg3[%multiple_of3A_113] : memref<327680xi32, #tpu.memory_space<hbm>> -> memref<320xi32, #tpu.memory_space<hbm>>
      tpu.wait_dma2 semaphore(%dma_wait3A_117 : memref<!tpu.dma_semaphore, #tpu.memory_space<semaphore_mem>>) src(%dma_wait3A_118 : memref<320xi32, #tpu.memory_space<hbm>>) dst(%arg6 : memref<320xi32, #tpu.memory_space<vmem>>)
      %ge3A_119 = arith.constant 2 : i32
      %ge3A_120 = arith.cmpi sge, %add3A_107, %ge3A_119 : i32
      %convert_element_type3A_121 = arith.extui %ge3A_120 : i1 to i32
      %cond3A_122 = arith.constant 0 : i32
      %cond3A_123 = arith.cmpi ne, %convert_element_type3A_121, %cond3A_122 : i32
      scf.if %cond3A_123 {
        %sub3A = arith.constant 2 : i32
        %sub3A_156 = arith.subi %add3A_107, %sub3A : i32
        %mul3A_157 = arith.constant 32 : i32
        %mul3A_158 = arith.muli %add3A, %mul3A_157 : i32
        %add3A_159 = arith.addi %mul3A_158, %sub3A_156 : i32
        %mul3A_160 = arith.constant 320 : i32
        %mul3A_161 = arith.muli %add3A_159, %mul3A_160 : i32
        %multiple_of3A_162 = tpu.assume_multiple %mul3A_161, 8 : i32
        %dma_wait3A_163 = arith.constant 1 : i32
        %dma_wait3A_164 = arith.constant 0 : i32
        %dma_wait3A_165 = tpu.memref_slice %arg4[%multiple_of3A_162, %dma_wait3A_164] : memref<327680x128xf32, #tpu.memory_space<hbm>> -> memref<320x128xf32, #tpu.memory_space<hbm>>
        %dma_wait3A_166 = tpu.memref_slice %arg11[%dma_wait3A_163] : memref<2x!tpu.dma_semaphore, #tpu.memory_space<semaphore_mem>> -> memref<1x!tpu.dma_semaphore, #tpu.memory_space<semaphore_mem>>
        %dma_wait3A_167 = tpu.memref_squeeze %dma_wait3A_166 : memref<1x!tpu.dma_semaphore, #tpu.memory_space<semaphore_mem>> -> memref<!tpu.dma_semaphore, #tpu.memory_space<semaphore_mem>>
        %dma_wait3A_168 = arith.constant 0 : i32
        %dma_wait3A_169 = tpu.memref_slice %arg4[%multiple_of3A_162, %dma_wait3A_168] : memref<327680x128xf32, #tpu.memory_space<hbm>> -> memref<320x128xf32, #tpu.memory_space<hbm>>
        tpu.wait_dma2 semaphore(%dma_wait3A_167 : memref<!tpu.dma_semaphore, #tpu.memory_space<semaphore_mem>>) src(%arg8 : memref<320x128xf32, #tpu.memory_space<vmem>>) dst(%dma_wait3A_169 : memref<320x128xf32, #tpu.memory_space<hbm>>)
      } else {
      }
      %dma_start3A_124 = arith.constant 1 : i32
      %dma_start3A_125 = arith.constant 0 : i32
      %dma_start3A_126 = arith.constant 0 : i32
      %dma_start3A_127 = tpu.memref_slice %arg2[%dma_start3A_125, %dma_start3A_126] : memref<10240x128xf32, #tpu.memory_space<hbm>> -> memref<10240x128xf32, #tpu.memory_space<hbm>>
      %dma_start3A_128 = tpu.memref_slice %arg10[%dma_start3A_124] : memref<2x!tpu.dma_semaphore, #tpu.memory_space<semaphore_mem>> -> memref<1x!tpu.dma_semaphore, #tpu.memory_space<semaphore_mem>>
      %dma_start3A_129 = tpu.memref_squeeze %dma_start3A_128 : memref<1x!tpu.dma_semaphore, #tpu.memory_space<semaphore_mem>> -> memref<!tpu.dma_semaphore, #tpu.memory_space<semaphore_mem>>
      tpu.enqueue_indirect_dma source(%dma_start3A_127 : memref<10240x128xf32, #tpu.memory_space<hbm>>) target(%arg8 : memref<320x128xf32, #tpu.memory_space<vmem>>) offsets(%arg6 : memref<320xi32, #tpu.memory_space<vmem>>) semaphore(%dma_start3A_129 : memref<!tpu.dma_semaphore, #tpu.memory_space<semaphore_mem>>)
      %dma_wait3A_130 = arith.constant 1 : i32
      %dma_wait3A_131 = arith.constant 0 : i32
      %dma_wait3A_132 = arith.constant 0 : i32
      %dma_wait3A_133 = tpu.memref_slice %arg2[%dma_wait3A_131, %dma_wait3A_132] : memref<10240x128xf32, #tpu.memory_space<hbm>> -> memref<10240x128xf32, #tpu.memory_space<hbm>>
      %dma_wait3A_134 = tpu.memref_slice %arg10[%dma_wait3A_130] : memref<2x!tpu.dma_semaphore, #tpu.memory_space<semaphore_mem>> -> memref<1x!tpu.dma_semaphore, #tpu.memory_space<semaphore_mem>>
      %dma_wait3A_135 = tpu.memref_squeeze %dma_wait3A_134 : memref<1x!tpu.dma_semaphore, #tpu.memory_space<semaphore_mem>> -> memref<!tpu.dma_semaphore, #tpu.memory_space<semaphore_mem>>
      tpu.wait_indirect_dma semaphore(%dma_wait3A_135 : memref<!tpu.dma_semaphore, #tpu.memory_space<semaphore_mem>>) src(%dma_wait3A_133 : memref<10240x128xf32, #tpu.memory_space<hbm>>) dst(%arg8 : memref<320x128xf32, #tpu.memory_space<vmem>>)
      %mul3A_136 = arith.constant 32 : i32
      %mul3A_137 = arith.muli %add3A, %mul3A_136 : i32
      %add3A_138 = arith.addi %mul3A_137, %add3A_107 : i32
      %mul3A_139 = arith.constant 320 : i32
      %mul3A_140 = arith.muli %add3A_138, %mul3A_139 : i32
      %multiple_of3A_141 = tpu.assume_multiple %mul3A_140, 8 : i32
      %dma_start3A_142 = arith.constant 1 : i32
      %dma_start3A_143 = arith.constant 0 : i32
      %dma_start3A_144 = tpu.memref_slice %arg4[%multiple_of3A_141, %dma_start3A_143] : memref<327680x128xf32, #tpu.memory_space<hbm>> -> memref<320x128xf32, #tpu.memory_space<hbm>>
      %dma_start3A_145 = tpu.memref_slice %arg11[%dma_start3A_142] : memref<2x!tpu.dma_semaphore, #tpu.memory_space<semaphore_mem>> -> memref<1x!tpu.dma_semaphore, #tpu.memory_space<semaphore_mem>>
      %dma_start3A_146 = tpu.memref_squeeze %dma_start3A_145 : memref<1x!tpu.dma_semaphore, #tpu.memory_space<semaphore_mem>> -> memref<!tpu.dma_semaphore, #tpu.memory_space<semaphore_mem>>
      %dma_start3A_147 = arith.constant 0 : i32
      %dma_start3A_148 = tpu.memref_slice %arg4[%multiple_of3A_141, %dma_start3A_147] : memref<327680x128xf32, #tpu.memory_space<hbm>> -> memref<320x128xf32, #tpu.memory_space<hbm>>
      tpu.enqueue_dma source(%arg8 : memref<320x128xf32, #tpu.memory_space<vmem>>) target(%dma_start3A_148 : memref<320x128xf32, #tpu.memory_space<hbm>>) target_semaphore(%dma_start3A_146 : memref<!tpu.dma_semaphore, #tpu.memory_space<semaphore_mem>>)
      %add3A_149 = arith.constant 2 : i32
      %add3A_150 = arith.addi %add3A_107, %add3A_149 : i32
      %lt3A_151 = arith.constant 32 : i32
      %lt3A_152 = arith.cmpi slt, %add3A_150, %lt3A_151 : i32
      %convert_element_type3A_153 = arith.extui %lt3A_152 : i1 to i32
      %cond3A_154 = arith.constant 0 : i32
      %cond3A_155 = arith.cmpi ne, %convert_element_type3A_153, %cond3A_154 : i32
      scf.if %cond3A_155 {
        %add3A_156 = arith.constant 2 : i32
        %add3A_157 = arith.addi %add3A_107, %add3A_156 : i32
        %mul3A_158 = arith.constant 32 : i32
        %mul3A_159 = arith.muli %add3A, %mul3A_158 : i32
        %add3A_160 = arith.addi %mul3A_159, %add3A_157 : i32
        %mul3A_161 = arith.constant 320 : i32
        %mul3A_162 = arith.muli %add3A_160, %mul3A_161 : i32
        %multiple_of3A_163 = tpu.assume_multiple %mul3A_162, 8 : i32
        %dma_start3A_164 = arith.constant 1 : i32
        %dma_start3A_165 = tpu.memref_slice %arg3[%multiple_of3A_163] : memref<327680xi32, #tpu.memory_space<hbm>> -> memref<320xi32, #tpu.memory_space<hbm>>
        %dma_start3A_166 = tpu.memref_slice %arg9[%dma_start3A_164] : memref<2x!tpu.dma_semaphore, #tpu.memory_space<semaphore_mem>> -> memref<1x!tpu.dma_semaphore, #tpu.memory_space<semaphore_mem>>
        %dma_start3A_167 = tpu.memref_squeeze %dma_start3A_166 : memref<1x!tpu.dma_semaphore, #tpu.memory_space<semaphore_mem>> -> memref<!tpu.dma_semaphore, #tpu.memory_space<semaphore_mem>>
        %dma_start3A_168 = tpu.memref_slice %arg3[%multiple_of3A_163] : memref<327680xi32, #tpu.memory_space<hbm>> -> memref<320xi32, #tpu.memory_space<hbm>>
        tpu.enqueue_dma source(%dma_start3A_168 : memref<320xi32, #tpu.memory_space<hbm>>) target(%arg6 : memref<320xi32, #tpu.memory_space<vmem>>) target_semaphore(%dma_start3A_167 : memref<!tpu.dma_semaphore, #tpu.memory_space<semaphore_mem>>)
      } else {
      }
    }
    %scan3A_27 = arith.constant 16 : i32
    %mul3A_28 = arith.constant 32 : i32
    %mul3A_29 = arith.muli %add3A, %mul3A_28 : i32
    %add3A_30 = arith.constant 30 : i32
    %add3A_31 = arith.addi %mul3A_29, %add3A_30 : i32
    %mul3A_32 = arith.constant 320 : i32
    %mul3A_33 = arith.muli %add3A_31, %mul3A_32 : i32
    %multiple_of3A_34 = tpu.assume_multiple %mul3A_33, 8 : i32
    %dma_wait3A = arith.constant 0 : i32
    %dma_wait3A_35 = arith.constant 0 : i32
    %dma_wait3A_36 = tpu.memref_slice %arg4[%multiple_of3A_34, %dma_wait3A_35] : memref<327680x128xf32, #tpu.memory_space<hbm>> -> memref<320x128xf32, #tpu.memory_space<hbm>>
    %dma_wait3A_37 = tpu.memref_slice %arg11[%dma_wait3A] : memref<2x!tpu.dma_semaphore, #tpu.memory_space<semaphore_mem>> -> memref<1x!tpu.dma_semaphore, #tpu.memory_space<semaphore_mem>>
    %dma_wait3A_38 = tpu.memref_squeeze %dma_wait3A_37 : memref<1x!tpu.dma_semaphore, #tpu.memory_space<semaphore_mem>> -> memref<!tpu.dma_semaphore, #tpu.memory_space<semaphore_mem>>
    %dma_wait3A_39 = arith.constant 0 : i32
    %dma_wait3A_40 = tpu.memref_slice %arg4[%multiple_of3A_34, %dma_wait3A_39] : memref<327680x128xf32, #tpu.memory_space<hbm>> -> memref<320x128xf32, #tpu.memory_space<hbm>>
    tpu.wait_dma2 semaphore(%dma_wait3A_38 : memref<!tpu.dma_semaphore, #tpu.memory_space<semaphore_mem>>) src(%arg7 : memref<320x128xf32, #tpu.memory_space<vmem>>) dst(%dma_wait3A_40 : memref<320x128xf32, #tpu.memory_space<hbm>>)
    %mul3A_41 = arith.constant 32 : i32
    %mul3A_42 = arith.muli %add3A, %mul3A_41 : i32
    %add3A_43 = arith.constant 31 : i32
    %add3A_44 = arith.addi %mul3A_42, %add3A_43 : i32
    %mul3A_45 = arith.constant 320 : i32
    %mul3A_46 = arith.muli %add3A_44, %mul3A_45 : i32
    %multiple_of3A_47 = tpu.assume_multiple %mul3A_46, 8 : i32
    %dma_wait3A_48 = arith.constant 1 : i32
    %dma_wait3A_49 = arith.constant 0 : i32
    %dma_wait3A_50 = tpu.memref_slice %arg4[%multiple_of3A_47, %dma_wait3A_49] : memref<327680x128xf32, #tpu.memory_space<hbm>> -> memref<320x128xf32, #tpu.memory_space<hbm>>
    %dma_wait3A_51 = tpu.memref_slice %arg11[%dma_wait3A_48] : memref<2x!tpu.dma_semaphore, #tpu.memory_space<semaphore_mem>> -> memref<1x!tpu.dma_semaphore, #tpu.memory_space<semaphore_mem>>
    %dma_wait3A_52 = tpu.memref_squeeze %dma_wait3A_51 : memref<1x!tpu.dma_semaphore, #tpu.memory_space<semaphore_mem>> -> memref<!tpu.dma_semaphore, #tpu.memory_space<semaphore_mem>>
    %dma_wait3A_53 = arith.constant 0 : i32
    %dma_wait3A_54 = tpu.memref_slice %arg4[%multiple_of3A_47, %dma_wait3A_53] : memref<327680x128xf32, #tpu.memory_space<hbm>> -> memref<320x128xf32, #tpu.memory_space<hbm>>
    tpu.wait_dma2 semaphore(%dma_wait3A_52 : memref<!tpu.dma_semaphore, #tpu.memory_space<semaphore_mem>>) src(%arg8 : memref<320x128xf32, #tpu.memory_space<vmem>>) dst(%dma_wait3A_54 : memref<320x128xf32, #tpu.memory_space<hbm>>)
    return
  }
}

#map = affine_map<(d0, d1) -> (0, 0)>
#map1 = affine_map<(d0, d1) -> (0)>
module attributes {stable_mosaic.version = 14 : i64} {
  func.func @k(%arg0: i32, %arg1: i32, %arg2: memref<10240x128xf32, #tpu.memory_space<hbm>>, %arg3: memref<327680xi32, #tpu.memory_space<hbm>>, %arg4: memref<327680x128xf32, #tpu.memory_space<hbm>>, %arg5: memref<320xi32, #tpu.memory_space<vmem>>, %arg6: memref<320xi32, #tpu.memory_space<vmem>>, %arg7: memref<320x128xf32, #tpu.memory_space<vmem>>, %arg8: memref<320x128xf32, #tpu.memory_space<vmem>>, %arg9: memref<2x!tpu.dma_semaphore, #tpu.memory_space<semaphore_mem>>, %arg10: memref<2x!tpu.dma_semaphore, #tpu.memory_space<semaphore_mem>>, %arg11: memref<2x!tpu.dma_semaphore, #tpu.memory_space<semaphore_mem>>) attributes {dimension_semantics = [#tpu.dimension_semantics<core_parallel>, #tpu.dimension_semantics<subcore_parallel>], iteration_bounds = array<i64: 2, 16>, scalar_prefetch = 0 : i64, scratch_operands = 7 : i64, tpu.core_type = #tpu.core_type<sc_vector_subcore>, window_params = [{transform_indices = #map}, {transform_indices = #map1}, {transform_indices = #map}]} {
    %mul3A = arith.constant 2 : i32
    %mul3A_0 = arith.muli %arg1, %mul3A : i32
    %add3A = arith.addi %mul3A_0, %arg0 : i32
    %mul3A_1 = arith.constant 32 : i32
    %mul3A_2 = arith.muli %add3A, %mul3A_1 : i32
    %add3A_3 = arith.constant 0 : i32
    %add3A_4 = arith.addi %mul3A_2, %add3A_3 : i32
    %mul3A_5 = arith.constant 320 : i32
    %mul3A_6 = arith.muli %add3A_4, %mul3A_5 : i32
    %multiple_of3A = tpu.assume_multiple %mul3A_6, 8 : i32
    %dma_start3A = arith.constant 0 : i32
    %dma_start3A_7 = tpu.memref_slice %arg3[%multiple_of3A] : memref<327680xi32, #tpu.memory_space<hbm>> -> memref<320xi32, #tpu.memory_space<hbm>>
    %dma_start3A_8 = tpu.memref_slice %arg9[%dma_start3A] : memref<2x!tpu.dma_semaphore, #tpu.memory_space<semaphore_mem>> -> memref<1x!tpu.dma_semaphore, #tpu.memory_space<semaphore_mem>>
    %dma_start3A_9 = tpu.memref_squeeze %dma_start3A_8 : memref<1x!tpu.dma_semaphore, #tpu.memory_space<semaphore_mem>> -> memref<!tpu.dma_semaphore, #tpu.memory_space<semaphore_mem>>
    %dma_start3A_10 = tpu.memref_slice %arg3[%multiple_of3A] : memref<327680xi32, #tpu.memory_space<hbm>> -> memref<320xi32, #tpu.memory_space<hbm>>
    tpu.enqueue_dma source(%dma_start3A_10 : memref<320xi32, #tpu.memory_space<hbm>>) target(%arg5 : memref<320xi32, #tpu.memory_space<vmem>>) target_semaphore(%dma_start3A_9 : memref<!tpu.dma_semaphore, #tpu.memory_space<semaphore_mem>>)
    %mul3A_11 = arith.constant 32 : i32
    %mul3A_12 = arith.muli %add3A, %mul3A_11 : i32
    %add3A_13 = arith.constant 1 : i32
    %add3A_14 = arith.addi %mul3A_12, %add3A_13 : i32
    %mul3A_15 = arith.constant 320 : i32
    %mul3A_16 = arith.muli %add3A_14, %mul3A_15 : i32
    %multiple_of3A_17 = tpu.assume_multiple %mul3A_16, 8 : i32
    %dma_start3A_18 = arith.constant 1 : i32
    %dma_start3A_19 = tpu.memref_slice %arg3[%multiple_of3A_17] : memref<327680xi32, #tpu.memory_space<hbm>> -> memref<320xi32, #tpu.memory_space<hbm>>
    %dma_start3A_20 = tpu.memref_slice %arg9[%dma_start3A_18] : memref<2x!tpu.dma_semaphore, #tpu.memory_space<semaphore_mem>> -> memref<1x!tpu.dma_semaphore, #tpu.memory_space<semaphore_mem>>
    %dma_start3A_21 = tpu.memref_squeeze %dma_start3A_20 : memref<1x!tpu.dma_semaphore, #tpu.memory_space<semaphore_mem>> -> memref<!tpu.dma_semaphore, #tpu.memory_space<semaphore_mem>>
    %dma_start3A_22 = tpu.memref_slice %arg3[%multiple_of3A_17] : memref<327680xi32, #tpu.memory_space<hbm>> -> memref<320xi32, #tpu.memory_space<hbm>>
    tpu.enqueue_dma source(%dma_start3A_22 : memref<320xi32, #tpu.memory_space<hbm>>) target(%arg6 : memref<320xi32, #tpu.memory_space<vmem>>) target_semaphore(%dma_start3A_21 : memref<!tpu.dma_semaphore, #tpu.memory_space<semaphore_mem>>)
    %scan3A = arith.constant 0 : i32
    %scan3A_23 = arith.constant 0 : i32
    %scan3A_24 = arith.constant 16 : i32
    %scan3A_25 = arith.addi %scan3A_23, %scan3A_24 : i32
    %scan3A_26 = arith.constant 1 : i32
    scf.for %scan3A_55 = %scan3A_23 to %scan3A_25 step %scan3A_26  : i32 {
      %mul3A_56 = arith.constant 2 : i32
      %mul3A_57 = arith.muli %scan3A_55, %mul3A_56 : i32
      %add3A_58 = arith.constant 0 : i32
      %add3A_59 = arith.addi %mul3A_57, %add3A_58 : i32
      %mul3A_60 = arith.constant 32 : i32
      %mul3A_61 = arith.muli %add3A, %mul3A_60 : i32
      %add3A_62 = arith.addi %mul3A_61, %add3A_59 : i32
      %mul3A_63 = arith.constant 320 : i32
      %mul3A_64 = arith.muli %add3A_62, %mul3A_63 : i32
      %multiple_of3A_65 = tpu.assume_multiple %mul3A_64, 8 : i32
      %dma_wait3A_66 = arith.constant 0 : i32
      %dma_wait3A_67 = tpu.memref_slice %arg3[%multiple_of3A_65] : memref<327680xi32, #tpu.memory_space<hbm>> -> memref<320xi32, #tpu.memory_space<hbm>>
      %dma_wait3A_68 = tpu.memref_slice %arg9[%dma_wait3A_66] : memref<2x!tpu.dma_semaphore, #tpu.memory_space<semaphore_mem>> -> memref<1x!tpu.dma_semaphore, #tpu.memory_space<semaphore_mem>>
      %dma_wait3A_69 = tpu.memref_squeeze %dma_wait3A_68 : memref<1x!tpu.dma_semaphore, #tpu.memory_space<semaphore_mem>> -> memref<!tpu.dma_semaphore, #tpu.memory_space<semaphore_mem>>
      %dma_wait3A_70 = tpu.memref_slice %arg3[%multiple_of3A_65] : memref<327680xi32, #tpu.memory_space<hbm>> -> memref<320xi32, #tpu.memory_space<hbm>>
      tpu.wait_dma2 semaphore(%dma_wait3A_69 : memref<!tpu.dma_semaphore, #tpu.memory_space<semaphore_mem>>) src(%dma_wait3A_70 : memref<320xi32, #tpu.memory_space<hbm>>) dst(%arg5 : memref<320xi32, #tpu.memory_space<vmem>>)
      %ge3A = arith.constant 2 : i32
      %ge3A_71 = arith.cmpi sge, %add3A_59, %ge3A : i32
      %convert_element_type3A = arith.extui %ge3A_71 : i1 to i32
      %cond3A = arith.constant 0 : i32
      %cond3A_72 = arith.cmpi ne, %convert_element_type3A, %cond3A : i32
      scf.if %cond3A_72 {
        %sub3A = arith.constant 2 : i32
        %sub3A_156 = arith.subi %add3A_59, %sub3A : i32
        %mul3A_157 = arith.constant 32 : i32
        %mul3A_158 = arith.muli %add3A, %mul3A_157 : i32
        %add3A_159 = arith.addi %mul3A_158, %sub3A_156 : i32
        %mul3A_160 = arith.constant 320 : i32
        %mul3A_161 = arith.muli %add3A_159, %mul3A_160 : i32
        %multiple_of3A_162 = tpu.assume_multiple %mul3A_161, 8 : i32
        %dma_wait3A_163 = arith.constant 0 : i32
        %dma_wait3A_164 = arith.constant 0 : i32
        %dma_wait3A_165 = tpu.memref_slice %arg4[%multiple_of3A_162, %dma_wait3A_164] : memref<327680x128xf32, #tpu.memory_space<hbm>> -> memref<320x128xf32, #tpu.memory_space<hbm>>
        %dma_wait3A_166 = tpu.memref_slice %arg11[%dma_wait3A_163] : memref<2x!tpu.dma_semaphore, #tpu.memory_space<semaphore_mem>> -> memref<1x!tpu.dma_semaphore, #tpu.memory_space<semaphore_mem>>
        %dma_wait3A_167 = tpu.memref_squeeze %dma_wait3A_166 : memref<1x!tpu.dma_semaphore, #tpu.memory_space<semaphore_mem>> -> memref<!tpu.dma_semaphore, #tpu.memory_space<semaphore_mem>>
        %dma_wait3A_168 = arith.constant 0 : i32
        %dma_wait3A_169 = tpu.memref_slice %arg4[%multiple_of3A_162, %dma_wait3A_168] : memref<327680x128xf32, #tpu.memory_space<hbm>> -> memref<320x128xf32, #tpu.memory_space<hbm>>
        tpu.wait_dma2 semaphore(%dma_wait3A_167 : memref<!tpu.dma_semaphore, #tpu.memory_space<semaphore_mem>>) src(%arg7 : memref<320x128xf32, #tpu.memory_space<vmem>>) dst(%dma_wait3A_169 : memref<320x128xf32, #tpu.memory_space<hbm>>)
      } else {
      }
      %dma_start3A_73 = arith.constant 0 : i32
      %dma_start3A_74 = arith.constant 0 : i32
      %dma_start3A_75 = arith.constant 0 : i32
      %dma_start3A_76 = tpu.memref_slice %arg2[%dma_start3A_74, %dma_start3A_75] : memref<10240x128xf32, #tpu.memory_space<hbm>> -> memref<10240x128xf32, #tpu.memory_space<hbm>>
      %dma_start3A_77 = tpu.memref_slice %arg10[%dma_start3A_73] : memref<2x!tpu.dma_semaphore, #tpu.memory_space<semaphore_mem>> -> memref<1x!tpu.dma_semaphore, #tpu.memory_space<semaphore_mem>>
      %dma_start3A_78 = tpu.memref_squeeze %dma_start3A_77 : memref<1x!tpu.dma_semaphore, #tpu.memory_space<semaphore_mem>> -> memref<!tpu.dma_semaphore, #tpu.memory_space<semaphore_mem>>
      tpu.enqueue_indirect_dma source(%dma_start3A_76 : memref<10240x128xf32, #tpu.memory_space<hbm>>) target(%arg7 : memref<320x128xf32, #tpu.memory_space<vmem>>) offsets(%arg5 : memref<320xi32, #tpu.memory_space<vmem>>) semaphore(%dma_start3A_78 : memref<!tpu.dma_semaphore, #tpu.memory_space<semaphore_mem>>)
      %dma_wait3A_79 = arith.constant 0 : i32
      %dma_wait3A_80 = arith.constant 0 : i32
      %dma_wait3A_81 = arith.constant 0 : i32
      %dma_wait3A_82 = tpu.memref_slice %arg2[%dma_wait3A_80, %dma_wait3A_81] : memref<10240x128xf32, #tpu.memory_space<hbm>> -> memref<10240x128xf32, #tpu.memory_space<hbm>>
      %dma_wait3A_83 = tpu.memref_slice %arg10[%dma_wait3A_79] : memref<2x!tpu.dma_semaphore, #tpu.memory_space<semaphore_mem>> -> memref<1x!tpu.dma_semaphore, #tpu.memory_space<semaphore_mem>>
      %dma_wait3A_84 = tpu.memref_squeeze %dma_wait3A_83 : memref<1x!tpu.dma_semaphore, #tpu.memory_space<semaphore_mem>> -> memref<!tpu.dma_semaphore, #tpu.memory_space<semaphore_mem>>
      tpu.wait_indirect_dma semaphore(%dma_wait3A_84 : memref<!tpu.dma_semaphore, #tpu.memory_space<semaphore_mem>>) src(%dma_wait3A_82 : memref<10240x128xf32, #tpu.memory_space<hbm>>) dst(%arg7 : memref<320x128xf32, #tpu.memory_space<vmem>>)
      %mul3A_85 = arith.constant 32 : i32
      %mul3A_86 = arith.muli %add3A, %mul3A_85 : i32
      %add3A_87 = arith.addi %mul3A_86, %add3A_59 : i32
      %mul3A_88 = arith.constant 320 : i32
      %mul3A_89 = arith.muli %add3A_87, %mul3A_88 : i32
      %multiple_of3A_90 = tpu.assume_multiple %mul3A_89, 8 : i32
      %dma_start3A_91 = arith.constant 0 : i32
      %dma_start3A_92 = arith.constant 0 : i32
      %dma_start3A_93 = tpu.memref_slice %arg4[%multiple_of3A_90, %dma_start3A_92] : memref<327680x128xf32, #tpu.memory_space<hbm>> -> memref<320x128xf32, #tpu.memory_space<hbm>>
      %dma_start3A_94 = tpu.memref_slice %arg11[%dma_start3A_91] : memref<2x!tpu.dma_semaphore, #tpu.memory_space<semaphore_mem>> -> memref<1x!tpu.dma_semaphore, #tpu.memory_space<semaphore_mem>>
      %dma_start3A_95 = tpu.memref_squeeze %dma_start3A_94 : memref<1x!tpu.dma_semaphore, #tpu.memory_space<semaphore_mem>> -> memref<!tpu.dma_semaphore, #tpu.memory_space<semaphore_mem>>
      %dma_start3A_96 = arith.constant 0 : i32
      %dma_start3A_97 = tpu.memref_slice %arg4[%multiple_of3A_90, %dma_start3A_96] : memref<327680x128xf32, #tpu.memory_space<hbm>> -> memref<320x128xf32, #tpu.memory_space<hbm>>
      tpu.enqueue_dma source(%arg7 : memref<320x128xf32, #tpu.memory_space<vmem>>) target(%dma_start3A_97 : memref<320x128xf32, #tpu.memory_space<hbm>>) target_semaphore(%dma_start3A_95 : memref<!tpu.dma_semaphore, #tpu.memory_space<semaphore_mem>>)
      %add3A_98 = arith.constant 2 : i32
      %add3A_99 = arith.addi %add3A_59, %add3A_98 : i32
      %lt3A = arith.constant 32 : i32
      %lt3A_100 = arith.cmpi slt, %add3A_99, %lt3A : i32
      %convert_element_type3A_101 = arith.extui %lt3A_100 : i1 to i32
      %cond3A_102 = arith.constant 0 : i32
      %cond3A_103 = arith.cmpi ne, %convert_element_type3A_101, %cond3A_102 : i32
      scf.if %cond3A_103 {
        %add3A_156 = arith.constant 2 : i32
        %add3A_157 = arith.addi %add3A_59, %add3A_156 : i32
        %mul3A_158 = arith.constant 32 : i32
        %mul3A_159 = arith.muli %add3A, %mul3A_158 : i32
        %add3A_160 = arith.addi %mul3A_159, %add3A_157 : i32
        %mul3A_161 = arith.constant 320 : i32
        %mul3A_162 = arith.muli %add3A_160, %mul3A_161 : i32
        %multiple_of3A_163 = tpu.assume_multiple %mul3A_162, 8 : i32
        %dma_start3A_164 = arith.constant 0 : i32
        %dma_start3A_165 = tpu.memref_slice %arg3[%multiple_of3A_163] : memref<327680xi32, #tpu.memory_space<hbm>> -> memref<320xi32, #tpu.memory_space<hbm>>
        %dma_start3A_166 = tpu.memref_slice %arg9[%dma_start3A_164] : memref<2x!tpu.dma_semaphore, #tpu.memory_space<semaphore_mem>> -> memref<1x!tpu.dma_semaphore, #tpu.memory_space<semaphore_mem>>
        %dma_start3A_167 = tpu.memref_squeeze %dma_start3A_166 : memref<1x!tpu.dma_semaphore, #tpu.memory_space<semaphore_mem>> -> memref<!tpu.dma_semaphore, #tpu.memory_space<semaphore_mem>>
        %dma_start3A_168 = tpu.memref_slice %arg3[%multiple_of3A_163] : memref<327680xi32, #tpu.memory_space<hbm>> -> memref<320xi32, #tpu.memory_space<hbm>>
        tpu.enqueue_dma source(%dma_start3A_168 : memref<320xi32, #tpu.memory_space<hbm>>) target(%arg5 : memref<320xi32, #tpu.memory_space<vmem>>) target_semaphore(%dma_start3A_167 : memref<!tpu.dma_semaphore, #tpu.memory_space<semaphore_mem>>)
      } else {
      }
      %mul3A_104 = arith.constant 2 : i32
      %mul3A_105 = arith.muli %scan3A_55, %mul3A_104 : i32
      %add3A_106 = arith.constant 1 : i32
      %add3A_107 = arith.addi %mul3A_105, %add3A_106 : i32
      %mul3A_108 = arith.constant 32 : i32
      %mul3A_109 = arith.muli %add3A, %mul3A_108 : i32
      %add3A_110 = arith.addi %mul3A_109, %add3A_107 : i32
      %mul3A_111 = arith.constant 320 : i32
      %mul3A_112 = arith.muli %add3A_110, %mul3A_111 : i32
      %multiple_of3A_113 = tpu.assume_multiple %mul3A_112, 8 : i32
      %dma_wait3A_114 = arith.constant 1 : i32
      %dma_wait3A_115 = tpu.memref_slice %arg3[%multiple_of3A_113] : memref<327680xi32, #tpu.memory_space<hbm>> -> memref<320xi32, #tpu.memory_space<hbm>>
      %dma_wait3A_116 = tpu.memref_slice %arg9[%dma_wait3A_114] : memref<2x!tpu.dma_semaphore, #tpu.memory_space<semaphore_mem>> -> memref<1x!tpu.dma_semaphore, #tpu.memory_space<semaphore_mem>>
      %dma_wait3A_117 = tpu.memref_squeeze %dma_wait3A_116 : memref<1x!tpu.dma_semaphore, #tpu.memory_space<semaphore_mem>> -> memref<!tpu.dma_semaphore, #tpu.memory_space<semaphore_mem>>
      %dma_wait3A_118 = tpu.memref_slice %arg3[%multiple_of3A_113] : memref<327680xi32, #tpu.memory_space<hbm>> -> memref<320xi32, #tpu.memory_space<hbm>>
      tpu.wait_dma2 semaphore(%dma_wait3A_117 : memref<!tpu.dma_semaphore, #tpu.memory_space<semaphore_mem>>) src(%dma_wait3A_118 : memref<320xi32, #tpu.memory_space<hbm>>) dst(%arg6 : memref<320xi32, #tpu.memory_space<vmem>>)
      %ge3A_119 = arith.constant 2 : i32
      %ge3A_120 = arith.cmpi sge, %add3A_107, %ge3A_119 : i32
      %convert_element_type3A_121 = arith.extui %ge3A_120 : i1 to i32
      %cond3A_122 = arith.constant 0 : i32
      %cond3A_123 = arith.cmpi ne, %convert_element_type3A_121, %cond3A_122 : i32
      scf.if %cond3A_123 {
        %sub3A = arith.constant 2 : i32
        %sub3A_156 = arith.subi %add3A_107, %sub3A : i32
        %mul3A_157 = arith.constant 32 : i32
        %mul3A_158 = arith.muli %add3A, %mul3A_157 : i32
        %add3A_159 = arith.addi %mul3A_158, %sub3A_156 : i32
        %mul3A_160 = arith.constant 320 : i32
        %mul3A_161 = arith.muli %add3A_159, %mul3A_160 : i32
        %multiple_of3A_162 = tpu.assume_multiple %mul3A_161, 8 : i32
        %dma_wait3A_163 = arith.constant 1 : i32
        %dma_wait3A_164 = arith.constant 0 : i32
        %dma_wait3A_165 = tpu.memref_slice %arg4[%multiple_of3A_162, %dma_wait3A_164] : memref<327680x128xf32, #tpu.memory_space<hbm>> -> memref<320x128xf32, #tpu.memory_space<hbm>>
        %dma_wait3A_166 = tpu.memref_slice %arg11[%dma_wait3A_163] : memref<2x!tpu.dma_semaphore, #tpu.memory_space<semaphore_mem>> -> memref<1x!tpu.dma_semaphore, #tpu.memory_space<semaphore_mem>>
        %dma_wait3A_167 = tpu.memref_squeeze %dma_wait3A_166 : memref<1x!tpu.dma_semaphore, #tpu.memory_space<semaphore_mem>> -> memref<!tpu.dma_semaphore, #tpu.memory_space<semaphore_mem>>
        %dma_wait3A_168 = arith.constant 0 : i32
        %dma_wait3A_169 = tpu.memref_slice %arg4[%multiple_of3A_162, %dma_wait3A_168] : memref<327680x128xf32, #tpu.memory_space<hbm>> -> memref<320x128xf32, #tpu.memory_space<hbm>>
        tpu.wait_dma2 semaphore(%dma_wait3A_167 : memref<!tpu.dma_semaphore, #tpu.memory_space<semaphore_mem>>) src(%arg8 : memref<320x128xf32, #tpu.memory_space<vmem>>) dst(%dma_wait3A_169 : memref<320x128xf32, #tpu.memory_space<hbm>>)
      } else {
      }
      %dma_start3A_124 = arith.constant 1 : i32
      %dma_start3A_125 = arith.constant 0 : i32
      %dma_start3A_126 = arith.constant 0 : i32
      %dma_start3A_127 = tpu.memref_slice %arg2[%dma_start3A_125, %dma_start3A_126] : memref<10240x128xf32, #tpu.memory_space<hbm>> -> memref<10240x128xf32, #tpu.memory_space<hbm>>
      %dma_start3A_128 = tpu.memref_slice %arg10[%dma_start3A_124] : memref<2x!tpu.dma_semaphore, #tpu.memory_space<semaphore_mem>> -> memref<1x!tpu.dma_semaphore, #tpu.memory_space<semaphore_mem>>
      %dma_start3A_129 = tpu.memref_squeeze %dma_start3A_128 : memref<1x!tpu.dma_semaphore, #tpu.memory_space<semaphore_mem>> -> memref<!tpu.dma_semaphore, #tpu.memory_space<semaphore_mem>>
      tpu.enqueue_indirect_dma source(%dma_start3A_127 : memref<10240x128xf32, #tpu.memory_space<hbm>>) target(%arg8 : memref<320x128xf32, #tpu.memory_space<vmem>>) offsets(%arg6 : memref<320xi32, #tpu.memory_space<vmem>>) semaphore(%dma_start3A_129 : memref<!tpu.dma_semaphore, #tpu.memory_space<semaphore_mem>>)
      %dma_wait3A_130 = arith.constant 1 : i32
      %dma_wait3A_131 = arith.constant 0 : i32
      %dma_wait3A_132 = arith.constant 0 : i32
      %dma_wait3A_133 = tpu.memref_slice %arg2[%dma_wait3A_131, %dma_wait3A_132] : memref<10240x128xf32, #tpu.memory_space<hbm>> -> memref<10240x128xf32, #tpu.memory_space<hbm>>
      %dma_wait3A_134 = tpu.memref_slice %arg10[%dma_wait3A_130] : memref<2x!tpu.dma_semaphore, #tpu.memory_space<semaphore_mem>> -> memref<1x!tpu.dma_semaphore, #tpu.memory_space<semaphore_mem>>
      %dma_wait3A_135 = tpu.memref_squeeze %dma_wait3A_134 : memref<1x!tpu.dma_semaphore, #tpu.memory_space<semaphore_mem>> -> memref<!tpu.dma_semaphore, #tpu.memory_space<semaphore_mem>>
      tpu.wait_indirect_dma semaphore(%dma_wait3A_135 : memref<!tpu.dma_semaphore, #tpu.memory_space<semaphore_mem>>) src(%dma_wait3A_133 : memref<10240x128xf32, #tpu.memory_space<hbm>>) dst(%arg8 : memref<320x128xf32, #tpu.memory_space<vmem>>)
      %mul3A_136 = arith.constant 32 : i32
      %mul3A_137 = arith.muli %add3A, %mul3A_136 : i32
      %add3A_138 = arith.addi %mul3A_137, %add3A_107 : i32
      %mul3A_139 = arith.constant 320 : i32
      %mul3A_140 = arith.muli %add3A_138, %mul3A_139 : i32
      %multiple_of3A_141 = tpu.assume_multiple %mul3A_140, 8 : i32
      %dma_start3A_142 = arith.constant 1 : i32
      %dma_start3A_143 = arith.constant 0 : i32
      %dma_start3A_144 = tpu.memref_slice %arg4[%multiple_of3A_141, %dma_start3A_143] : memref<327680x128xf32, #tpu.memory_space<hbm>> -> memref<320x128xf32, #tpu.memory_space<hbm>>
      %dma_start3A_145 = tpu.memref_slice %arg11[%dma_start3A_142] : memref<2x!tpu.dma_semaphore, #tpu.memory_space<semaphore_mem>> -> memref<1x!tpu.dma_semaphore, #tpu.memory_space<semaphore_mem>>
      %dma_start3A_146 = tpu.memref_squeeze %dma_start3A_145 : memref<1x!tpu.dma_semaphore, #tpu.memory_space<semaphore_mem>> -> memref<!tpu.dma_semaphore, #tpu.memory_space<semaphore_mem>>
      %dma_start3A_147 = arith.constant 0 : i32
      %dma_start3A_148 = tpu.memref_slice %arg4[%multiple_of3A_141, %dma_start3A_147] : memref<327680x128xf32, #tpu.memory_space<hbm>> -> memref<320x128xf32, #tpu.memory_space<hbm>>
      tpu.enqueue_dma source(%arg8 : memref<320x128xf32, #tpu.memory_space<vmem>>) target(%dma_start3A_148 : memref<320x128xf32, #tpu.memory_space<hbm>>) target_semaphore(%dma_start3A_146 : memref<!tpu.dma_semaphore, #tpu.memory_space<semaphore_mem>>)
      %add3A_149 = arith.constant 2 : i32
      %add3A_150 = arith.addi %add3A_107, %add3A_149 : i32
      %lt3A_151 = arith.constant 32 : i32
      %lt3A_152 = arith.cmpi slt, %add3A_150, %lt3A_151 : i32
      %convert_element_type3A_153 = arith.extui %lt3A_152 : i1 to i32
      %cond3A_154 = arith.constant 0 : i32
      %cond3A_155 = arith.cmpi ne, %convert_element_type3A_153, %cond3A_154 : i32
      scf.if %cond3A_155 {
        %add3A_156 = arith.constant 2 : i32
        %add3A_157 = arith.addi %add3A_107, %add3A_156 : i32
        %mul3A_158 = arith.constant 32 : i32
        %mul3A_159 = arith.muli %add3A, %mul3A_158 : i32
        %add3A_160 = arith.addi %mul3A_159, %add3A_157 : i32
        %mul3A_161 = arith.constant 320 : i32
        %mul3A_162 = arith.muli %add3A_160, %mul3A_161 : i32
        %multiple_of3A_163 = tpu.assume_multiple %mul3A_162, 8 : i32
        %dma_start3A_164 = arith.constant 1 : i32
        %dma_start3A_165 = tpu.memref_slice %arg3[%multiple_of3A_163] : memref<327680xi32, #tpu.memory_space<hbm>> -> memref<320xi32, #tpu.memory_space<hbm>>
        %dma_start3A_166 = tpu.memref_slice %arg9[%dma_start3A_164] : memref<2x!tpu.dma_semaphore, #tpu.memory_space<semaphore_mem>> -> memref<1x!tpu.dma_semaphore, #tpu.memory_space<semaphore_mem>>
        %dma_start3A_167 = tpu.memref_squeeze %dma_start3A_166 : memref<1x!tpu.dma_semaphore, #tpu.memory_space<semaphore_mem>> -> memref<!tpu.dma_semaphore, #tpu.memory_space<semaphore_mem>>
        %dma_start3A_168 = tpu.memref_slice %arg3[%multiple_of3A_163] : memref<327680xi32, #tpu.memory_space<hbm>> -> memref<320xi32, #tpu.memory_space<hbm>>
        tpu.enqueue_dma source(%dma_start3A_168 : memref<320xi32, #tpu.memory_space<hbm>>) target(%arg6 : memref<320xi32, #tpu.memory_space<vmem>>) target_semaphore(%dma_start3A_167 : memref<!tpu.dma_semaphore, #tpu.memory_space<semaphore_mem>>)
      } else {
      }
    }
    %scan3A_27 = arith.constant 16 : i32
    %mul3A_28 = arith.constant 32 : i32
    %mul3A_29 = arith.muli %add3A, %mul3A_28 : i32
    %add3A_30 = arith.constant 30 : i32
    %add3A_31 = arith.addi %mul3A_29, %add3A_30 : i32
    %mul3A_32 = arith.constant 320 : i32
    %mul3A_33 = arith.muli %add3A_31, %mul3A_32 : i32
    %multiple_of3A_34 = tpu.assume_multiple %mul3A_33, 8 : i32
    %dma_wait3A = arith.constant 0 : i32
    %dma_wait3A_35 = arith.constant 0 : i32
    %dma_wait3A_36 = tpu.memref_slice %arg4[%multiple_of3A_34, %dma_wait3A_35] : memref<327680x128xf32, #tpu.memory_space<hbm>> -> memref<320x128xf32, #tpu.memory_space<hbm>>
    %dma_wait3A_37 = tpu.memref_slice %arg11[%dma_wait3A] : memref<2x!tpu.dma_semaphore, #tpu.memory_space<semaphore_mem>> -> memref<1x!tpu.dma_semaphore, #tpu.memory_space<semaphore_mem>>
    %dma_wait3A_38 = tpu.memref_squeeze %dma_wait3A_37 : memref<1x!tpu.dma_semaphore, #tpu.memory_space<semaphore_mem>> -> memref<!tpu.dma_semaphore, #tpu.memory_space<semaphore_mem>>
    %dma_wait3A_39 = arith.constant 0 : i32
    %dma_wait3A_40 = tpu.memref_slice %arg4[%multiple_of3A_34, %dma_wait3A_39] : memref<327680x128xf32, #tpu.memory_space<hbm>> -> memref<320x128xf32, #tpu.memory_space<hbm>>
    tpu.wait_dma2 semaphore(%dma_wait3A_38 : memref<!tpu.dma_semaphore, #tpu.memory_space<semaphore_mem>>) src(%arg7 : memref<320x128xf32, #tpu.memory_space<vmem>>) dst(%dma_wait3A_40 : memref<320x128xf32, #tpu.memory_space<hbm>>)
    %mul3A_41 = arith.constant 32 : i32
    %mul3A_42 = arith.muli %add3A, %mul3A_41 : i32
    %add3A_43 = arith.constant 31 : i32
    %add3A_44 = arith.addi %mul3A_42, %add3A_43 : i32
    %mul3A_45 = arith.constant 320 : i32
    %mul3A_46 = arith.muli %add3A_44, %mul3A_45 : i32
    %multiple_of3A_47 = tpu.assume_multiple %mul3A_46, 8 : i32
    %dma_wait3A_48 = arith.constant 1 : i32
    %dma_wait3A_49 = arith.constant 0 : i32
    %dma_wait3A_50 = tpu.memref_slice %arg4[%multiple_of3A_47, %dma_wait3A_49] : memref<327680x128xf32, #tpu.memory_space<hbm>> -> memref<320x128xf32, #tpu.memory_space<hbm>>
    %dma_wait3A_51 = tpu.memref_slice %arg11[%dma_wait3A_48] : memref<2x!tpu.dma_semaphore, #tpu.memory_space<semaphore_mem>> -> memref<1x!tpu.dma_semaphore, #tpu.memory_space<semaphore_mem>>
    %dma_wait3A_52 = tpu.memref_squeeze %dma_wait3A_51 : memref<1x!tpu.dma_semaphore, #tpu.memory_space<semaphore_mem>> -> memref<!tpu.dma_semaphore, #tpu.memory_space<semaphore_mem>>
    %dma_wait3A_53 = arith.constant 0 : i32
    %dma_wait3A_54 = tpu.memref_slice %arg4[%multiple_of3A_47, %dma_wait3A_53] : memref<327680x128xf32, #tpu.memory_space<hbm>> -> memref<320x128xf32, #tpu.memory_space<hbm>>
    tpu.wait_dma2 semaphore(%dma_wait3A_52 : memref<!tpu.dma_semaphore, #tpu.memory_space<semaphore_mem>>) src(%arg8 : memref<320x128xf32, #tpu.memory_space<vmem>>) dst(%dma_wait3A_54 : memref<320x128xf32, #tpu.memory_space<hbm>>)
    return
  }
}

#map = affine_map<(d0, d1) -> (0, 0)>
#map1 = affine_map<(d0, d1) -> (0)>
module attributes {stable_mosaic.version = 14 : i64} {
  func.func @k(%arg0: i32, %arg1: i32, %arg2: memref<10240x128xf32, #tpu.memory_space<hbm>>, %arg3: memref<327680xi32, #tpu.memory_space<hbm>>, %arg4: memref<327680x128xf32, #tpu.memory_space<hbm>>, %arg5: memref<320xi32, #tpu.memory_space<vmem>>, %arg6: memref<320xi32, #tpu.memory_space<vmem>>, %arg7: memref<320x128xf32, #tpu.memory_space<vmem>>, %arg8: memref<320x128xf32, #tpu.memory_space<vmem>>, %arg9: memref<2x!tpu.dma_semaphore, #tpu.memory_space<semaphore_mem>>, %arg10: memref<2x!tpu.dma_semaphore, #tpu.memory_space<semaphore_mem>>, %arg11: memref<2x!tpu.dma_semaphore, #tpu.memory_space<semaphore_mem>>) attributes {dimension_semantics = [#tpu.dimension_semantics<core_parallel>, #tpu.dimension_semantics<subcore_parallel>], iteration_bounds = array<i64: 2, 16>, scalar_prefetch = 0 : i64, scratch_operands = 7 : i64, tpu.core_type = #tpu.core_type<sc_vector_subcore>, window_params = [{transform_indices = #map}, {transform_indices = #map1}, {transform_indices = #map}]} {
    %mul3A = arith.constant 2 : i32
    %mul3A_0 = arith.muli %arg1, %mul3A : i32
    %add3A = arith.addi %mul3A_0, %arg0 : i32
    %mul3A_1 = arith.constant 32 : i32
    %mul3A_2 = arith.muli %add3A, %mul3A_1 : i32
    %add3A_3 = arith.constant 0 : i32
    %add3A_4 = arith.addi %mul3A_2, %add3A_3 : i32
    %mul3A_5 = arith.constant 320 : i32
    %mul3A_6 = arith.muli %add3A_4, %mul3A_5 : i32
    %multiple_of3A = tpu.assume_multiple %mul3A_6, 8 : i32
    %dma_start3A = arith.constant 0 : i32
    %dma_start3A_7 = tpu.memref_slice %arg3[%multiple_of3A] : memref<327680xi32, #tpu.memory_space<hbm>> -> memref<320xi32, #tpu.memory_space<hbm>>
    %dma_start3A_8 = tpu.memref_slice %arg9[%dma_start3A] : memref<2x!tpu.dma_semaphore, #tpu.memory_space<semaphore_mem>> -> memref<1x!tpu.dma_semaphore, #tpu.memory_space<semaphore_mem>>
    %dma_start3A_9 = tpu.memref_squeeze %dma_start3A_8 : memref<1x!tpu.dma_semaphore, #tpu.memory_space<semaphore_mem>> -> memref<!tpu.dma_semaphore, #tpu.memory_space<semaphore_mem>>
    %dma_start3A_10 = tpu.memref_slice %arg3[%multiple_of3A] : memref<327680xi32, #tpu.memory_space<hbm>> -> memref<320xi32, #tpu.memory_space<hbm>>
    tpu.enqueue_dma source(%dma_start3A_10 : memref<320xi32, #tpu.memory_space<hbm>>) target(%arg5 : memref<320xi32, #tpu.memory_space<vmem>>) target_semaphore(%dma_start3A_9 : memref<!tpu.dma_semaphore, #tpu.memory_space<semaphore_mem>>)
    %mul3A_11 = arith.constant 32 : i32
    %mul3A_12 = arith.muli %add3A, %mul3A_11 : i32
    %add3A_13 = arith.constant 1 : i32
    %add3A_14 = arith.addi %mul3A_12, %add3A_13 : i32
    %mul3A_15 = arith.constant 320 : i32
    %mul3A_16 = arith.muli %add3A_14, %mul3A_15 : i32
    %multiple_of3A_17 = tpu.assume_multiple %mul3A_16, 8 : i32
    %dma_start3A_18 = arith.constant 1 : i32
    %dma_start3A_19 = tpu.memref_slice %arg3[%multiple_of3A_17] : memref<327680xi32, #tpu.memory_space<hbm>> -> memref<320xi32, #tpu.memory_space<hbm>>
    %dma_start3A_20 = tpu.memref_slice %arg9[%dma_start3A_18] : memref<2x!tpu.dma_semaphore, #tpu.memory_space<semaphore_mem>> -> memref<1x!tpu.dma_semaphore, #tpu.memory_space<semaphore_mem>>
    %dma_start3A_21 = tpu.memref_squeeze %dma_start3A_20 : memref<1x!tpu.dma_semaphore, #tpu.memory_space<semaphore_mem>> -> memref<!tpu.dma_semaphore, #tpu.memory_space<semaphore_mem>>
    %dma_start3A_22 = tpu.memref_slice %arg3[%multiple_of3A_17] : memref<327680xi32, #tpu.memory_space<hbm>> -> memref<320xi32, #tpu.memory_space<hbm>>
    tpu.enqueue_dma source(%dma_start3A_22 : memref<320xi32, #tpu.memory_space<hbm>>) target(%arg6 : memref<320xi32, #tpu.memory_space<vmem>>) target_semaphore(%dma_start3A_21 : memref<!tpu.dma_semaphore, #tpu.memory_space<semaphore_mem>>)
    %scan3A = arith.constant 0 : i32
    %scan3A_23 = arith.constant 0 : i32
    %scan3A_24 = arith.constant 16 : i32
    %scan3A_25 = arith.addi %scan3A_23, %scan3A_24 : i32
    %scan3A_26 = arith.constant 1 : i32
    scf.for %scan3A_55 = %scan3A_23 to %scan3A_25 step %scan3A_26  : i32 {
      %mul3A_56 = arith.constant 2 : i32
      %mul3A_57 = arith.muli %scan3A_55, %mul3A_56 : i32
      %add3A_58 = arith.constant 0 : i32
      %add3A_59 = arith.addi %mul3A_57, %add3A_58 : i32
      %mul3A_60 = arith.constant 32 : i32
      %mul3A_61 = arith.muli %add3A, %mul3A_60 : i32
      %add3A_62 = arith.addi %mul3A_61, %add3A_59 : i32
      %mul3A_63 = arith.constant 320 : i32
      %mul3A_64 = arith.muli %add3A_62, %mul3A_63 : i32
      %multiple_of3A_65 = tpu.assume_multiple %mul3A_64, 8 : i32
      %dma_wait3A_66 = arith.constant 0 : i32
      %dma_wait3A_67 = tpu.memref_slice %arg3[%multiple_of3A_65] : memref<327680xi32, #tpu.memory_space<hbm>> -> memref<320xi32, #tpu.memory_space<hbm>>
      %dma_wait3A_68 = tpu.memref_slice %arg9[%dma_wait3A_66] : memref<2x!tpu.dma_semaphore, #tpu.memory_space<semaphore_mem>> -> memref<1x!tpu.dma_semaphore, #tpu.memory_space<semaphore_mem>>
      %dma_wait3A_69 = tpu.memref_squeeze %dma_wait3A_68 : memref<1x!tpu.dma_semaphore, #tpu.memory_space<semaphore_mem>> -> memref<!tpu.dma_semaphore, #tpu.memory_space<semaphore_mem>>
      %dma_wait3A_70 = tpu.memref_slice %arg3[%multiple_of3A_65] : memref<327680xi32, #tpu.memory_space<hbm>> -> memref<320xi32, #tpu.memory_space<hbm>>
      tpu.wait_dma2 semaphore(%dma_wait3A_69 : memref<!tpu.dma_semaphore, #tpu.memory_space<semaphore_mem>>) src(%dma_wait3A_70 : memref<320xi32, #tpu.memory_space<hbm>>) dst(%arg5 : memref<320xi32, #tpu.memory_space<vmem>>)
      %ge3A = arith.constant 2 : i32
      %ge3A_71 = arith.cmpi sge, %add3A_59, %ge3A : i32
      %convert_element_type3A = arith.extui %ge3A_71 : i1 to i32
      %cond3A = arith.constant 0 : i32
      %cond3A_72 = arith.cmpi ne, %convert_element_type3A, %cond3A : i32
      scf.if %cond3A_72 {
        %sub3A = arith.constant 2 : i32
        %sub3A_156 = arith.subi %add3A_59, %sub3A : i32
        %mul3A_157 = arith.constant 32 : i32
        %mul3A_158 = arith.muli %add3A, %mul3A_157 : i32
        %add3A_159 = arith.addi %mul3A_158, %sub3A_156 : i32
        %mul3A_160 = arith.constant 320 : i32
        %mul3A_161 = arith.muli %add3A_159, %mul3A_160 : i32
        %multiple_of3A_162 = tpu.assume_multiple %mul3A_161, 8 : i32
        %dma_wait3A_163 = arith.constant 0 : i32
        %dma_wait3A_164 = arith.constant 0 : i32
        %dma_wait3A_165 = tpu.memref_slice %arg4[%multiple_of3A_162, %dma_wait3A_164] : memref<327680x128xf32, #tpu.memory_space<hbm>> -> memref<320x128xf32, #tpu.memory_space<hbm>>
        %dma_wait3A_166 = tpu.memref_slice %arg11[%dma_wait3A_163] : memref<2x!tpu.dma_semaphore, #tpu.memory_space<semaphore_mem>> -> memref<1x!tpu.dma_semaphore, #tpu.memory_space<semaphore_mem>>
        %dma_wait3A_167 = tpu.memref_squeeze %dma_wait3A_166 : memref<1x!tpu.dma_semaphore, #tpu.memory_space<semaphore_mem>> -> memref<!tpu.dma_semaphore, #tpu.memory_space<semaphore_mem>>
        %dma_wait3A_168 = arith.constant 0 : i32
        %dma_wait3A_169 = tpu.memref_slice %arg4[%multiple_of3A_162, %dma_wait3A_168] : memref<327680x128xf32, #tpu.memory_space<hbm>> -> memref<320x128xf32, #tpu.memory_space<hbm>>
        tpu.wait_dma2 semaphore(%dma_wait3A_167 : memref<!tpu.dma_semaphore, #tpu.memory_space<semaphore_mem>>) src(%arg7 : memref<320x128xf32, #tpu.memory_space<vmem>>) dst(%dma_wait3A_169 : memref<320x128xf32, #tpu.memory_space<hbm>>)
      } else {
      }
      %dma_start3A_73 = arith.constant 0 : i32
      %dma_start3A_74 = arith.constant 0 : i32
      %dma_start3A_75 = arith.constant 0 : i32
      %dma_start3A_76 = tpu.memref_slice %arg2[%dma_start3A_74, %dma_start3A_75] : memref<10240x128xf32, #tpu.memory_space<hbm>> -> memref<10240x128xf32, #tpu.memory_space<hbm>>
      %dma_start3A_77 = tpu.memref_slice %arg10[%dma_start3A_73] : memref<2x!tpu.dma_semaphore, #tpu.memory_space<semaphore_mem>> -> memref<1x!tpu.dma_semaphore, #tpu.memory_space<semaphore_mem>>
      %dma_start3A_78 = tpu.memref_squeeze %dma_start3A_77 : memref<1x!tpu.dma_semaphore, #tpu.memory_space<semaphore_mem>> -> memref<!tpu.dma_semaphore, #tpu.memory_space<semaphore_mem>>
      tpu.enqueue_indirect_dma source(%dma_start3A_76 : memref<10240x128xf32, #tpu.memory_space<hbm>>) target(%arg7 : memref<320x128xf32, #tpu.memory_space<vmem>>) offsets(%arg5 : memref<320xi32, #tpu.memory_space<vmem>>) semaphore(%dma_start3A_78 : memref<!tpu.dma_semaphore, #tpu.memory_space<semaphore_mem>>)
      %dma_wait3A_79 = arith.constant 0 : i32
      %dma_wait3A_80 = arith.constant 0 : i32
      %dma_wait3A_81 = arith.constant 0 : i32
      %dma_wait3A_82 = tpu.memref_slice %arg2[%dma_wait3A_80, %dma_wait3A_81] : memref<10240x128xf32, #tpu.memory_space<hbm>> -> memref<10240x128xf32, #tpu.memory_space<hbm>>
      %dma_wait3A_83 = tpu.memref_slice %arg10[%dma_wait3A_79] : memref<2x!tpu.dma_semaphore, #tpu.memory_space<semaphore_mem>> -> memref<1x!tpu.dma_semaphore, #tpu.memory_space<semaphore_mem>>
      %dma_wait3A_84 = tpu.memref_squeeze %dma_wait3A_83 : memref<1x!tpu.dma_semaphore, #tpu.memory_space<semaphore_mem>> -> memref<!tpu.dma_semaphore, #tpu.memory_space<semaphore_mem>>
      tpu.wait_indirect_dma semaphore(%dma_wait3A_84 : memref<!tpu.dma_semaphore, #tpu.memory_space<semaphore_mem>>) src(%dma_wait3A_82 : memref<10240x128xf32, #tpu.memory_space<hbm>>) dst(%arg7 : memref<320x128xf32, #tpu.memory_space<vmem>>)
      %mul3A_85 = arith.constant 32 : i32
      %mul3A_86 = arith.muli %add3A, %mul3A_85 : i32
      %add3A_87 = arith.addi %mul3A_86, %add3A_59 : i32
      %mul3A_88 = arith.constant 320 : i32
      %mul3A_89 = arith.muli %add3A_87, %mul3A_88 : i32
      %multiple_of3A_90 = tpu.assume_multiple %mul3A_89, 8 : i32
      %dma_start3A_91 = arith.constant 0 : i32
      %dma_start3A_92 = arith.constant 0 : i32
      %dma_start3A_93 = tpu.memref_slice %arg4[%multiple_of3A_90, %dma_start3A_92] : memref<327680x128xf32, #tpu.memory_space<hbm>> -> memref<320x128xf32, #tpu.memory_space<hbm>>
      %dma_start3A_94 = tpu.memref_slice %arg11[%dma_start3A_91] : memref<2x!tpu.dma_semaphore, #tpu.memory_space<semaphore_mem>> -> memref<1x!tpu.dma_semaphore, #tpu.memory_space<semaphore_mem>>
      %dma_start3A_95 = tpu.memref_squeeze %dma_start3A_94 : memref<1x!tpu.dma_semaphore, #tpu.memory_space<semaphore_mem>> -> memref<!tpu.dma_semaphore, #tpu.memory_space<semaphore_mem>>
      %dma_start3A_96 = arith.constant 0 : i32
      %dma_start3A_97 = tpu.memref_slice %arg4[%multiple_of3A_90, %dma_start3A_96] : memref<327680x128xf32, #tpu.memory_space<hbm>> -> memref<320x128xf32, #tpu.memory_space<hbm>>
      tpu.enqueue_dma source(%arg7 : memref<320x128xf32, #tpu.memory_space<vmem>>) target(%dma_start3A_97 : memref<320x128xf32, #tpu.memory_space<hbm>>) target_semaphore(%dma_start3A_95 : memref<!tpu.dma_semaphore, #tpu.memory_space<semaphore_mem>>)
      %add3A_98 = arith.constant 2 : i32
      %add3A_99 = arith.addi %add3A_59, %add3A_98 : i32
      %lt3A = arith.constant 32 : i32
      %lt3A_100 = arith.cmpi slt, %add3A_99, %lt3A : i32
      %convert_element_type3A_101 = arith.extui %lt3A_100 : i1 to i32
      %cond3A_102 = arith.constant 0 : i32
      %cond3A_103 = arith.cmpi ne, %convert_element_type3A_101, %cond3A_102 : i32
      scf.if %cond3A_103 {
        %add3A_156 = arith.constant 2 : i32
        %add3A_157 = arith.addi %add3A_59, %add3A_156 : i32
        %mul3A_158 = arith.constant 32 : i32
        %mul3A_159 = arith.muli %add3A, %mul3A_158 : i32
        %add3A_160 = arith.addi %mul3A_159, %add3A_157 : i32
        %mul3A_161 = arith.constant 320 : i32
        %mul3A_162 = arith.muli %add3A_160, %mul3A_161 : i32
        %multiple_of3A_163 = tpu.assume_multiple %mul3A_162, 8 : i32
        %dma_start3A_164 = arith.constant 0 : i32
        %dma_start3A_165 = tpu.memref_slice %arg3[%multiple_of3A_163] : memref<327680xi32, #tpu.memory_space<hbm>> -> memref<320xi32, #tpu.memory_space<hbm>>
        %dma_start3A_166 = tpu.memref_slice %arg9[%dma_start3A_164] : memref<2x!tpu.dma_semaphore, #tpu.memory_space<semaphore_mem>> -> memref<1x!tpu.dma_semaphore, #tpu.memory_space<semaphore_mem>>
        %dma_start3A_167 = tpu.memref_squeeze %dma_start3A_166 : memref<1x!tpu.dma_semaphore, #tpu.memory_space<semaphore_mem>> -> memref<!tpu.dma_semaphore, #tpu.memory_space<semaphore_mem>>
        %dma_start3A_168 = tpu.memref_slice %arg3[%multiple_of3A_163] : memref<327680xi32, #tpu.memory_space<hbm>> -> memref<320xi32, #tpu.memory_space<hbm>>
        tpu.enqueue_dma source(%dma_start3A_168 : memref<320xi32, #tpu.memory_space<hbm>>) target(%arg5 : memref<320xi32, #tpu.memory_space<vmem>>) target_semaphore(%dma_start3A_167 : memref<!tpu.dma_semaphore, #tpu.memory_space<semaphore_mem>>)
      } else {
      }
      %mul3A_104 = arith.constant 2 : i32
      %mul3A_105 = arith.muli %scan3A_55, %mul3A_104 : i32
      %add3A_106 = arith.constant 1 : i32
      %add3A_107 = arith.addi %mul3A_105, %add3A_106 : i32
      %mul3A_108 = arith.constant 32 : i32
      %mul3A_109 = arith.muli %add3A, %mul3A_108 : i32
      %add3A_110 = arith.addi %mul3A_109, %add3A_107 : i32
      %mul3A_111 = arith.constant 320 : i32
      %mul3A_112 = arith.muli %add3A_110, %mul3A_111 : i32
      %multiple_of3A_113 = tpu.assume_multiple %mul3A_112, 8 : i32
      %dma_wait3A_114 = arith.constant 1 : i32
      %dma_wait3A_115 = tpu.memref_slice %arg3[%multiple_of3A_113] : memref<327680xi32, #tpu.memory_space<hbm>> -> memref<320xi32, #tpu.memory_space<hbm>>
      %dma_wait3A_116 = tpu.memref_slice %arg9[%dma_wait3A_114] : memref<2x!tpu.dma_semaphore, #tpu.memory_space<semaphore_mem>> -> memref<1x!tpu.dma_semaphore, #tpu.memory_space<semaphore_mem>>
      %dma_wait3A_117 = tpu.memref_squeeze %dma_wait3A_116 : memref<1x!tpu.dma_semaphore, #tpu.memory_space<semaphore_mem>> -> memref<!tpu.dma_semaphore, #tpu.memory_space<semaphore_mem>>
      %dma_wait3A_118 = tpu.memref_slice %arg3[%multiple_of3A_113] : memref<327680xi32, #tpu.memory_space<hbm>> -> memref<320xi32, #tpu.memory_space<hbm>>
      tpu.wait_dma2 semaphore(%dma_wait3A_117 : memref<!tpu.dma_semaphore, #tpu.memory_space<semaphore_mem>>) src(%dma_wait3A_118 : memref<320xi32, #tpu.memory_space<hbm>>) dst(%arg6 : memref<320xi32, #tpu.memory_space<vmem>>)
      %ge3A_119 = arith.constant 2 : i32
      %ge3A_120 = arith.cmpi sge, %add3A_107, %ge3A_119 : i32
      %convert_element_type3A_121 = arith.extui %ge3A_120 : i1 to i32
      %cond3A_122 = arith.constant 0 : i32
      %cond3A_123 = arith.cmpi ne, %convert_element_type3A_121, %cond3A_122 : i32
      scf.if %cond3A_123 {
        %sub3A = arith.constant 2 : i32
        %sub3A_156 = arith.subi %add3A_107, %sub3A : i32
        %mul3A_157 = arith.constant 32 : i32
        %mul3A_158 = arith.muli %add3A, %mul3A_157 : i32
        %add3A_159 = arith.addi %mul3A_158, %sub3A_156 : i32
        %mul3A_160 = arith.constant 320 : i32
        %mul3A_161 = arith.muli %add3A_159, %mul3A_160 : i32
        %multiple_of3A_162 = tpu.assume_multiple %mul3A_161, 8 : i32
        %dma_wait3A_163 = arith.constant 1 : i32
        %dma_wait3A_164 = arith.constant 0 : i32
        %dma_wait3A_165 = tpu.memref_slice %arg4[%multiple_of3A_162, %dma_wait3A_164] : memref<327680x128xf32, #tpu.memory_space<hbm>> -> memref<320x128xf32, #tpu.memory_space<hbm>>
        %dma_wait3A_166 = tpu.memref_slice %arg11[%dma_wait3A_163] : memref<2x!tpu.dma_semaphore, #tpu.memory_space<semaphore_mem>> -> memref<1x!tpu.dma_semaphore, #tpu.memory_space<semaphore_mem>>
        %dma_wait3A_167 = tpu.memref_squeeze %dma_wait3A_166 : memref<1x!tpu.dma_semaphore, #tpu.memory_space<semaphore_mem>> -> memref<!tpu.dma_semaphore, #tpu.memory_space<semaphore_mem>>
        %dma_wait3A_168 = arith.constant 0 : i32
        %dma_wait3A_169 = tpu.memref_slice %arg4[%multiple_of3A_162, %dma_wait3A_168] : memref<327680x128xf32, #tpu.memory_space<hbm>> -> memref<320x128xf32, #tpu.memory_space<hbm>>
        tpu.wait_dma2 semaphore(%dma_wait3A_167 : memref<!tpu.dma_semaphore, #tpu.memory_space<semaphore_mem>>) src(%arg8 : memref<320x128xf32, #tpu.memory_space<vmem>>) dst(%dma_wait3A_169 : memref<320x128xf32, #tpu.memory_space<hbm>>)
      } else {
      }
      %dma_start3A_124 = arith.constant 1 : i32
      %dma_start3A_125 = arith.constant 0 : i32
      %dma_start3A_126 = arith.constant 0 : i32
      %dma_start3A_127 = tpu.memref_slice %arg2[%dma_start3A_125, %dma_start3A_126] : memref<10240x128xf32, #tpu.memory_space<hbm>> -> memref<10240x128xf32, #tpu.memory_space<hbm>>
      %dma_start3A_128 = tpu.memref_slice %arg10[%dma_start3A_124] : memref<2x!tpu.dma_semaphore, #tpu.memory_space<semaphore_mem>> -> memref<1x!tpu.dma_semaphore, #tpu.memory_space<semaphore_mem>>
      %dma_start3A_129 = tpu.memref_squeeze %dma_start3A_128 : memref<1x!tpu.dma_semaphore, #tpu.memory_space<semaphore_mem>> -> memref<!tpu.dma_semaphore, #tpu.memory_space<semaphore_mem>>
      tpu.enqueue_indirect_dma source(%dma_start3A_127 : memref<10240x128xf32, #tpu.memory_space<hbm>>) target(%arg8 : memref<320x128xf32, #tpu.memory_space<vmem>>) offsets(%arg6 : memref<320xi32, #tpu.memory_space<vmem>>) semaphore(%dma_start3A_129 : memref<!tpu.dma_semaphore, #tpu.memory_space<semaphore_mem>>)
      %dma_wait3A_130 = arith.constant 1 : i32
      %dma_wait3A_131 = arith.constant 0 : i32
      %dma_wait3A_132 = arith.constant 0 : i32
      %dma_wait3A_133 = tpu.memref_slice %arg2[%dma_wait3A_131, %dma_wait3A_132] : memref<10240x128xf32, #tpu.memory_space<hbm>> -> memref<10240x128xf32, #tpu.memory_space<hbm>>
      %dma_wait3A_134 = tpu.memref_slice %arg10[%dma_wait3A_130] : memref<2x!tpu.dma_semaphore, #tpu.memory_space<semaphore_mem>> -> memref<1x!tpu.dma_semaphore, #tpu.memory_space<semaphore_mem>>
      %dma_wait3A_135 = tpu.memref_squeeze %dma_wait3A_134 : memref<1x!tpu.dma_semaphore, #tpu.memory_space<semaphore_mem>> -> memref<!tpu.dma_semaphore, #tpu.memory_space<semaphore_mem>>
      tpu.wait_indirect_dma semaphore(%dma_wait3A_135 : memref<!tpu.dma_semaphore, #tpu.memory_space<semaphore_mem>>) src(%dma_wait3A_133 : memref<10240x128xf32, #tpu.memory_space<hbm>>) dst(%arg8 : memref<320x128xf32, #tpu.memory_space<vmem>>)
      %mul3A_136 = arith.constant 32 : i32
      %mul3A_137 = arith.muli %add3A, %mul3A_136 : i32
      %add3A_138 = arith.addi %mul3A_137, %add3A_107 : i32
      %mul3A_139 = arith.constant 320 : i32
      %mul3A_140 = arith.muli %add3A_138, %mul3A_139 : i32
      %multiple_of3A_141 = tpu.assume_multiple %mul3A_140, 8 : i32
      %dma_start3A_142 = arith.constant 1 : i32
      %dma_start3A_143 = arith.constant 0 : i32
      %dma_start3A_144 = tpu.memref_slice %arg4[%multiple_of3A_141, %dma_start3A_143] : memref<327680x128xf32, #tpu.memory_space<hbm>> -> memref<320x128xf32, #tpu.memory_space<hbm>>
      %dma_start3A_145 = tpu.memref_slice %arg11[%dma_start3A_142] : memref<2x!tpu.dma_semaphore, #tpu.memory_space<semaphore_mem>> -> memref<1x!tpu.dma_semaphore, #tpu.memory_space<semaphore_mem>>
      %dma_start3A_146 = tpu.memref_squeeze %dma_start3A_145 : memref<1x!tpu.dma_semaphore, #tpu.memory_space<semaphore_mem>> -> memref<!tpu.dma_semaphore, #tpu.memory_space<semaphore_mem>>
      %dma_start3A_147 = arith.constant 0 : i32
      %dma_start3A_148 = tpu.memref_slice %arg4[%multiple_of3A_141, %dma_start3A_147] : memref<327680x128xf32, #tpu.memory_space<hbm>> -> memref<320x128xf32, #tpu.memory_space<hbm>>
      tpu.enqueue_dma source(%arg8 : memref<320x128xf32, #tpu.memory_space<vmem>>) target(%dma_start3A_148 : memref<320x128xf32, #tpu.memory_space<hbm>>) target_semaphore(%dma_start3A_146 : memref<!tpu.dma_semaphore, #tpu.memory_space<semaphore_mem>>)
      %add3A_149 = arith.constant 2 : i32
      %add3A_150 = arith.addi %add3A_107, %add3A_149 : i32
      %lt3A_151 = arith.constant 32 : i32
      %lt3A_152 = arith.cmpi slt, %add3A_150, %lt3A_151 : i32
      %convert_element_type3A_153 = arith.extui %lt3A_152 : i1 to i32
      %cond3A_154 = arith.constant 0 : i32
      %cond3A_155 = arith.cmpi ne, %convert_element_type3A_153, %cond3A_154 : i32
      scf.if %cond3A_155 {
        %add3A_156 = arith.constant 2 : i32
        %add3A_157 = arith.addi %add3A_107, %add3A_156 : i32
        %mul3A_158 = arith.constant 32 : i32
        %mul3A_159 = arith.muli %add3A, %mul3A_158 : i32
        %add3A_160 = arith.addi %mul3A_159, %add3A_157 : i32
        %mul3A_161 = arith.constant 320 : i32
        %mul3A_162 = arith.muli %add3A_160, %mul3A_161 : i32
        %multiple_of3A_163 = tpu.assume_multiple %mul3A_162, 8 : i32
        %dma_start3A_164 = arith.constant 1 : i32
        %dma_start3A_165 = tpu.memref_slice %arg3[%multiple_of3A_163] : memref<327680xi32, #tpu.memory_space<hbm>> -> memref<320xi32, #tpu.memory_space<hbm>>
        %dma_start3A_166 = tpu.memref_slice %arg9[%dma_start3A_164] : memref<2x!tpu.dma_semaphore, #tpu.memory_space<semaphore_mem>> -> memref<1x!tpu.dma_semaphore, #tpu.memory_space<semaphore_mem>>
        %dma_start3A_167 = tpu.memref_squeeze %dma_start3A_166 : memref<1x!tpu.dma_semaphore, #tpu.memory_space<semaphore_mem>> -> memref<!tpu.dma_semaphore, #tpu.memory_space<semaphore_mem>>
        %dma_start3A_168 = tpu.memref_slice %arg3[%multiple_of3A_163] : memref<327680xi32, #tpu.memory_space<hbm>> -> memref<320xi32, #tpu.memory_space<hbm>>
        tpu.enqueue_dma source(%dma_start3A_168 : memref<320xi32, #tpu.memory_space<hbm>>) target(%arg6 : memref<320xi32, #tpu.memory_space<vmem>>) target_semaphore(%dma_start3A_167 : memref<!tpu.dma_semaphore, #tpu.memory_space<semaphore_mem>>)
      } else {
      }
    }
    %scan3A_27 = arith.constant 16 : i32
    %mul3A_28 = arith.constant 32 : i32
    %mul3A_29 = arith.muli %add3A, %mul3A_28 : i32
    %add3A_30 = arith.constant 30 : i32
    %add3A_31 = arith.addi %mul3A_29, %add3A_30 : i32
    %mul3A_32 = arith.constant 320 : i32
    %mul3A_33 = arith.muli %add3A_31, %mul3A_32 : i32
    %multiple_of3A_34 = tpu.assume_multiple %mul3A_33, 8 : i32
    %dma_wait3A = arith.constant 0 : i32
    %dma_wait3A_35 = arith.constant 0 : i32
    %dma_wait3A_36 = tpu.memref_slice %arg4[%multiple_of3A_34, %dma_wait3A_35] : memref<327680x128xf32, #tpu.memory_space<hbm>> -> memref<320x128xf32, #tpu.memory_space<hbm>>
    %dma_wait3A_37 = tpu.memref_slice %arg11[%dma_wait3A] : memref<2x!tpu.dma_semaphore, #tpu.memory_space<semaphore_mem>> -> memref<1x!tpu.dma_semaphore, #tpu.memory_space<semaphore_mem>>
    %dma_wait3A_38 = tpu.memref_squeeze %dma_wait3A_37 : memref<1x!tpu.dma_semaphore, #tpu.memory_space<semaphore_mem>> -> memref<!tpu.dma_semaphore, #tpu.memory_space<semaphore_mem>>
    %dma_wait3A_39 = arith.constant 0 : i32
    %dma_wait3A_40 = tpu.memref_slice %arg4[%multiple_of3A_34, %dma_wait3A_39] : memref<327680x128xf32, #tpu.memory_space<hbm>> -> memref<320x128xf32, #tpu.memory_space<hbm>>
    tpu.wait_dma2 semaphore(%dma_wait3A_38 : memref<!tpu.dma_semaphore, #tpu.memory_space<semaphore_mem>>) src(%arg7 : memref<320x128xf32, #tpu.memory_space<vmem>>) dst(%dma_wait3A_40 : memref<320x128xf32, #tpu.memory_space<hbm>>)
    %mul3A_41 = arith.constant 32 : i32
    %mul3A_42 = arith.muli %add3A, %mul3A_41 : i32
    %add3A_43 = arith.constant 31 : i32
    %add3A_44 = arith.addi %mul3A_42, %add3A_43 : i32
    %mul3A_45 = arith.constant 320 : i32
    %mul3A_46 = arith.muli %add3A_44, %mul3A_45 : i32
    %multiple_of3A_47 = tpu.assume_multiple %mul3A_46, 8 : i32
    %dma_wait3A_48 = arith.constant 1 : i32
    %dma_wait3A_49 = arith.constant 0 : i32
    %dma_wait3A_50 = tpu.memref_slice %arg4[%multiple_of3A_47, %dma_wait3A_49] : memref<327680x128xf32, #tpu.memory_space<hbm>> -> memref<320x128xf32, #tpu.memory_space<hbm>>
    %dma_wait3A_51 = tpu.memref_slice %arg11[%dma_wait3A_48] : memref<2x!tpu.dma_semaphore, #tpu.memory_space<semaphore_mem>> -> memref<1x!tpu.dma_semaphore, #tpu.memory_space<semaphore_mem>>
    %dma_wait3A_52 = tpu.memref_squeeze %dma_wait3A_51 : memref<1x!tpu.dma_semaphore, #tpu.memory_space<semaphore_mem>> -> memref<!tpu.dma_semaphore, #tpu.memory_space<semaphore_mem>>
    %dma_wait3A_53 = arith.constant 0 : i32
    %dma_wait3A_54 = tpu.memref_slice %arg4[%multiple_of3A_47, %dma_wait3A_53] : memref<327680x128xf32, #tpu.memory_space<hbm>> -> memref<320x128xf32, #tpu.memory_space<hbm>>
    tpu.wait_dma2 semaphore(%dma_wait3A_52 : memref<!tpu.dma_semaphore, #tpu.memory_space<semaphore_mem>>) src(%arg8 : memref<320x128xf32, #tpu.memory_space<vmem>>) dst(%dma_wait3A_54 : memref<320x128xf32, #tpu.memory_space<hbm>>)
    return
  }
}

#map = affine_map<(d0, d1) -> (0, 0)>
#map1 = affine_map<(d0, d1) -> (0)>
module attributes {stable_mosaic.version = 14 : i64} {
  func.func @k(%arg0: i32, %arg1: i32, %arg2: memref<10240x128xf32, #tpu.memory_space<hbm>>, %arg3: memref<10240xi32, #tpu.memory_space<hbm>>, %arg4: memref<10240x128xf32, #tpu.memory_space<hbm>>, %arg5: memref<320xi32, #tpu.memory_space<vmem>>, %arg6: memref<320xi32, #tpu.memory_space<vmem>>, %arg7: memref<320x128xf32, #tpu.memory_space<vmem>>, %arg8: memref<320x128xf32, #tpu.memory_space<vmem>>, %arg9: memref<2x!tpu.dma_semaphore, #tpu.memory_space<semaphore_mem>>, %arg10: memref<2x!tpu.dma_semaphore, #tpu.memory_space<semaphore_mem>>, %arg11: memref<2x!tpu.dma_semaphore, #tpu.memory_space<semaphore_mem>>) attributes {dimension_semantics = [#tpu.dimension_semantics<core_parallel>, #tpu.dimension_semantics<subcore_parallel>], iteration_bounds = array<i64: 2, 16>, scalar_prefetch = 0 : i64, scratch_operands = 7 : i64, tpu.core_type = #tpu.core_type<sc_vector_subcore>, window_params = [{transform_indices = #map}, {transform_indices = #map1}, {transform_indices = #map}]} {
    %mul3A = arith.constant 2 : i32
    %mul3A_0 = arith.muli %arg1, %mul3A : i32
    %add3A = arith.addi %mul3A_0, %arg0 : i32
    %mul3A_1 = arith.constant 1 : i32
    %mul3A_2 = arith.muli %add3A, %mul3A_1 : i32
    %add3A_3 = arith.constant 0 : i32
    %add3A_4 = arith.addi %mul3A_2, %add3A_3 : i32
    %mul3A_5 = arith.constant 320 : i32
    %mul3A_6 = arith.muli %add3A_4, %mul3A_5 : i32
    %multiple_of3A = tpu.assume_multiple %mul3A_6, 8 : i32
    "tpu.region"() ({
      %run_scoped3A = tpu.sem_alloc : memref<!tpu.dma_semaphore, #tpu.memory_space<semaphore_mem>>
      %dma_start3A_24 = tpu.memref_slice %arg3[%multiple_of3A] : memref<10240xi32, #tpu.memory_space<hbm>> -> memref<320xi32, #tpu.memory_space<hbm>>
      %dma_start3A_25 = tpu.memref_slice %arg3[%multiple_of3A] : memref<10240xi32, #tpu.memory_space<hbm>> -> memref<320xi32, #tpu.memory_space<hbm>>
      tpu.enqueue_dma source(%dma_start3A_25 : memref<320xi32, #tpu.memory_space<hbm>>) target(%arg5 : memref<320xi32, #tpu.memory_space<vmem>>) target_semaphore(%run_scoped3A : memref<!tpu.dma_semaphore, #tpu.memory_space<semaphore_mem>>)
      %dma_wait3A_26 = tpu.memref_slice %arg3[%multiple_of3A] : memref<10240xi32, #tpu.memory_space<hbm>> -> memref<320xi32, #tpu.memory_space<hbm>>
      %dma_wait3A_27 = tpu.memref_slice %arg3[%multiple_of3A] : memref<10240xi32, #tpu.memory_space<hbm>> -> memref<320xi32, #tpu.memory_space<hbm>>
      tpu.wait_dma2 semaphore(%run_scoped3A : memref<!tpu.dma_semaphore, #tpu.memory_space<semaphore_mem>>) src(%dma_wait3A_27 : memref<320xi32, #tpu.memory_space<hbm>>) dst(%arg5 : memref<320xi32, #tpu.memory_space<vmem>>)
      tpu.yield
    }) : () -> ()
    %dma_start3A = arith.constant 0 : i32
    %dma_start3A_7 = arith.constant 0 : i32
    %dma_start3A_8 = arith.constant 0 : i32
    %dma_start3A_9 = tpu.memref_slice %arg2[%dma_start3A_7, %dma_start3A_8] : memref<10240x128xf32, #tpu.memory_space<hbm>> -> memref<10240x128xf32, #tpu.memory_space<hbm>>
    %dma_start3A_10 = tpu.memref_slice %arg10[%dma_start3A] : memref<2x!tpu.dma_semaphore, #tpu.memory_space<semaphore_mem>> -> memref<1x!tpu.dma_semaphore, #tpu.memory_space<semaphore_mem>>
    %dma_start3A_11 = tpu.memref_squeeze %dma_start3A_10 : memref<1x!tpu.dma_semaphore, #tpu.memory_space<semaphore_mem>> -> memref<!tpu.dma_semaphore, #tpu.memory_space<semaphore_mem>>
    tpu.enqueue_indirect_dma source(%dma_start3A_9 : memref<10240x128xf32, #tpu.memory_space<hbm>>) target(%arg7 : memref<320x128xf32, #tpu.memory_space<vmem>>) offsets(%arg5 : memref<320xi32, #tpu.memory_space<vmem>>) semaphore(%dma_start3A_11 : memref<!tpu.dma_semaphore, #tpu.memory_space<semaphore_mem>>)
    %dma_wait3A = arith.constant 0 : i32
    %dma_wait3A_12 = arith.constant 0 : i32
    %dma_wait3A_13 = arith.constant 0 : i32
    %dma_wait3A_14 = tpu.memref_slice %arg2[%dma_wait3A_12, %dma_wait3A_13] : memref<10240x128xf32, #tpu.memory_space<hbm>> -> memref<10240x128xf32, #tpu.memory_space<hbm>>
    %dma_wait3A_15 = tpu.memref_slice %arg10[%dma_wait3A] : memref<2x!tpu.dma_semaphore, #tpu.memory_space<semaphore_mem>> -> memref<1x!tpu.dma_semaphore, #tpu.memory_space<semaphore_mem>>
    %dma_wait3A_16 = tpu.memref_squeeze %dma_wait3A_15 : memref<1x!tpu.dma_semaphore, #tpu.memory_space<semaphore_mem>> -> memref<!tpu.dma_semaphore, #tpu.memory_space<semaphore_mem>>
    tpu.wait_indirect_dma semaphore(%dma_wait3A_16 : memref<!tpu.dma_semaphore, #tpu.memory_space<semaphore_mem>>) src(%dma_wait3A_14 : memref<10240x128xf32, #tpu.memory_space<hbm>>) dst(%arg7 : memref<320x128xf32, #tpu.memory_space<vmem>>)
    %mul3A_17 = arith.constant 1 : i32
    %mul3A_18 = arith.muli %add3A, %mul3A_17 : i32
    %add3A_19 = arith.constant 0 : i32
    %add3A_20 = arith.addi %mul3A_18, %add3A_19 : i32
    %mul3A_21 = arith.constant 320 : i32
    %mul3A_22 = arith.muli %add3A_20, %mul3A_21 : i32
    %multiple_of3A_23 = tpu.assume_multiple %mul3A_22, 8 : i32
    "tpu.region"() ({
      %run_scoped3A = tpu.sem_alloc : memref<!tpu.dma_semaphore, #tpu.memory_space<semaphore_mem>>
      %dma_start3A_24 = arith.constant 0 : i32
      %dma_start3A_25 = tpu.memref_slice %arg4[%multiple_of3A_23, %dma_start3A_24] : memref<10240x128xf32, #tpu.memory_space<hbm>> -> memref<320x128xf32, #tpu.memory_space<hbm>>
      %dma_start3A_26 = arith.constant 0 : i32
      %dma_start3A_27 = tpu.memref_slice %arg4[%multiple_of3A_23, %dma_start3A_26] : memref<10240x128xf32, #tpu.memory_space<hbm>> -> memref<320x128xf32, #tpu.memory_space<hbm>>
      tpu.enqueue_dma source(%arg7 : memref<320x128xf32, #tpu.memory_space<vmem>>) target(%dma_start3A_27 : memref<320x128xf32, #tpu.memory_space<hbm>>) target_semaphore(%run_scoped3A : memref<!tpu.dma_semaphore, #tpu.memory_space<semaphore_mem>>)
      %dma_wait3A_28 = arith.constant 0 : i32
      %dma_wait3A_29 = tpu.memref_slice %arg4[%multiple_of3A_23, %dma_wait3A_28] : memref<10240x128xf32, #tpu.memory_space<hbm>> -> memref<320x128xf32, #tpu.memory_space<hbm>>
      %dma_wait3A_30 = arith.constant 0 : i32
      %dma_wait3A_31 = tpu.memref_slice %arg4[%multiple_of3A_23, %dma_wait3A_30] : memref<10240x128xf32, #tpu.memory_space<hbm>> -> memref<320x128xf32, #tpu.memory_space<hbm>>
      tpu.wait_dma2 semaphore(%run_scoped3A : memref<!tpu.dma_semaphore, #tpu.memory_space<semaphore_mem>>) src(%arg7 : memref<320x128xf32, #tpu.memory_space<vmem>>) dst(%dma_wait3A_31 : memref<320x128xf32, #tpu.memory_space<hbm>>)
      tpu.yield
    }) : () -> ()
    return
  }
}

module attributes {stable_mosaic.version = 14 : i64} {
  func.func @_lstm_kernel(%arg0: i32, %arg1: memref<1xi32, #tpu.memory_space<smem>>, %arg2: memref<1024x128xf32, #tpu.memory_space<vmem>>, %arg3: memref<1024x1xi32, #tpu.memory_space<vmem>>, %arg4: memref<80x128xi32, #tpu.memory_space<vmem>>, %arg5: memref<256x512xbf16, #tpu.memory_space<vmem>>, %arg6: memref<128x512xbf16, #tpu.memory_space<vmem>>, %arg7: memref<1x512xf32, #tpu.memory_space<vmem>>, %arg8: memref<128x128xbf16, #tpu.memory_space<vmem>>, %arg9: memref<128x128xf32, #tpu.memory_space<vmem>>, %arg10: memref<1x128xf32, #tpu.memory_space<vmem>>, %arg11: memref<327680x128xf32, #tpu.memory_space<any>>, %arg12: memref<1024x128xf32, #tpu.memory_space<vmem>>, %arg13: memref<2x1024x256xbf16, #tpu.memory_space<vmem>>, %arg14: memref<2x1024x128xf32, #tpu.memory_space<vmem>>, %arg15: memref<1024x128xf32, #tpu.memory_space<vmem>>, %arg16: memref<2x!tpu.dma_semaphore, #tpu.memory_space<semaphore_mem>>) attributes {dimension_semantics = [#tpu.dimension_semantics<arbitrary>], iteration_bounds = array<i64: 10>, scalar_prefetch = 1 : i64, scratch_operands = 4 : i64, tpu.core_type = #tpu.core_type<tc>, window_params = [{transform_indices = @transform_0, window_bounds = array<i64: 1024, 128>}, {transform_indices = @transform_1, window_bounds = array<i64: 1024, 1>}, {pipeline_mode = #tpu.pipeline_mode<synchronous>, transform_indices = @transform_2, window_bounds = array<i64: 80, 128>}, {pipeline_mode = #tpu.pipeline_mode<synchronous>, transform_indices = @transform_3, window_bounds = array<i64: 256, 512>}, {pipeline_mode = #tpu.pipeline_mode<synchronous>, transform_indices = @transform_4, window_bounds = array<i64: 128, 512>}, {pipeline_mode = #tpu.pipeline_mode<synchronous>, transform_indices = @transform_5, window_bounds = array<i64: 1, 512>}, {pipeline_mode = #tpu.pipeline_mode<synchronous>, transform_indices = @transform_6, window_bounds = array<i64: 128, 128>}, {pipeline_mode = #tpu.pipeline_mode<synchronous>, transform_indices = @transform_7, window_bounds = array<i64: 128, 128>}, {pipeline_mode = #tpu.pipeline_mode<synchronous>, transform_indices = @transform_8, window_bounds = array<i64: 1, 128>}, {}, {transform_indices = @transform_10, window_bounds = array<i64: 1024, 128>}]} {
    %get3A = arith.constant 0 : index
    %get3A_0 = memref.load %arg1[%get3A] : memref<1xi32, #tpu.memory_space<smem>>
    %mul3A = arith.constant 1024 : i32
    %mul3A_1 = arith.muli %arg0, %mul3A : i32
    %broadcast_in_dim3A = arith.constant 0.000000e+00 : f32
    %broadcast_in_dim3A_2 = vector.broadcast %broadcast_in_dim3A : f32 to vector<1024x128xf32>
    %swap3A = arith.constant 0 : index
    %swap3A_3 = arith.constant 0 : index
    %swap3A_4 = vector.load %arg15[%swap3A, %swap3A_3] : memref<1024x128xf32, #tpu.memory_space<vmem>>, vector<1024x128xf32>
    tpu.vector_store %arg15[%swap3A, %swap3A_3], %broadcast_in_dim3A_2 {strides = array<i32>} : memref<1024x128xf32, #tpu.memory_space<vmem>>, vector<1024x128xf32>,
    %broadcast_in_dim3A_5 = arith.constant 0.000000e+00 : bf16
    %broadcast_in_dim3A_6 = vector.broadcast %broadcast_in_dim3A_5 : bf16 to vector<1024x128xbf16>
    %swap3A_7 = arith.constant 0 : index
    %swap3A_8 = arith.constant 0 : index
    %swap3A_9 = arith.constant 128 : index
    %swap3A_10 = vector.load %arg13[%swap3A_7, %swap3A_8, %swap3A_9] : memref<2x1024x256xbf16, #tpu.memory_space<vmem>>, vector<1x1024x128xbf16>
    %swap3A_11 = vector.shape_cast %swap3A_10 : vector<1x1024x128xbf16> to vector<1024x128xbf16>
    %swap3A_12 = vector.shape_cast %broadcast_in_dim3A_6 : vector<1024x128xbf16> to vector<1x1024x128xbf16>
    tpu.vector_store %arg13[%swap3A_7, %swap3A_8, %swap3A_9], %swap3A_12 {strides = array<i32>} : memref<2x1024x256xbf16, #tpu.memory_space<vmem>>, vector<1x1024x128xbf16>,
    %get3A_13 = arith.constant 0 : index
    %get3A_14 = arith.constant 0 : index
    %get3A_15 = vector.load %arg3[%get3A_13, %get3A_14] : memref<1024x1xi32, #tpu.memory_space<vmem>>, vector<1024x1xi32>
    %get3A_16 = arith.constant 0 : index
    %get3A_17 = arith.constant 0 : index
    %get3A_18 = vector.load %arg4[%get3A_16, %get3A_17] : memref<80x128xi32, #tpu.memory_space<vmem>>, vector<80x128xi32>
    %get3A_19 = arith.constant 0 : index
    %get3A_20 = arith.constant 0 : index
    %get3A_21 = vector.load %arg5[%get3A_19, %get3A_20] : memref<256x512xbf16, #tpu.memory_space<vmem>>, vector<256x512xbf16>
    %get3A_22 = arith.constant 0 : index
    %get3A_23 = arith.constant 0 : index
    %get3A_24 = vector.load %arg6[%get3A_22, %get3A_23] : memref<128x512xbf16, #tpu.memory_space<vmem>>, vector<128x512xbf16>
    %get3A_25 = arith.constant 0 : index
    %get3A_26 = arith.constant 0 : index
    %get3A_27 = vector.load %arg7[%get3A_25, %get3A_26] : memref<1x512xf32, #tpu.memory_space<vmem>>, vector<1x512xf32>
    %gt3A = arith.constant 0 : i32
    %gt3A_28 = vector.broadcast %gt3A : i32 to vector<80x128xi32>
    %gt3A_29 = arith.cmpi sgt, %get3A_18, %gt3A_28 : vector<80x128xi32>
    %convert_element_type3A = arith.extui %gt3A_29 : vector<80x128xi1> to vector<80x128xi32>
    %reduce_sum3A = vector.shape_cast %convert_element_type3A : vector<80x128xi32> to vector<1x80x128xi32>
    %reduce_sum3A_30 = arith.constant dense<0> : vector<1xi32>
    %reduce_sum3A_31 = vector.multi_reduction <add>, %reduce_sum3A, %reduce_sum3A_30 [1, 2] : vector<1x80x128xi32> to vector<1xi32>
    %reduce_sum3A_32 = vector.shape_cast %reduce_sum3A_31 : vector<1xi32> to vector<1x1x1xi32>
    %reduce_sum3A_33 = vector.extract %reduce_sum3A_32[0, 0, 0] : i32 from vector<1x1x1xi32>
    %gt3A_34 = arith.cmpi sgt, %reduce_sum3A_33, %mul3A_1 : i32
    %convert_element_type3A_35 = arith.extui %gt3A_34 : i1 to i32
    %cond3A = arith.constant 0 : i32
    %cond3A_36 = arith.cmpi ne, %convert_element_type3A_35, %cond3A : i32
    scf.if %cond3A_36 {
      %min3A = arith.minsi %mul3A_1, %reduce_sum3A_33 : i32
      %rem3A_76 = arith.constant 0 : i32
      %rem3A_77 = arith.constant 2 : i32
      %rem3A_78 = arith.remsi %rem3A_76, %rem3A_77 : i32
      %dma_start3A = tpu.memref_slice %arg16[%rem3A_78] : memref<2x!tpu.dma_semaphore, #tpu.memory_space<semaphore_mem>> -> memref<1x!tpu.dma_semaphore, #tpu.memory_space<semaphore_mem>>
      %dma_start3A_79 = tpu.memref_squeeze %dma_start3A : memref<1x!tpu.dma_semaphore, #tpu.memory_space<semaphore_mem>> -> memref<!tpu.dma_semaphore, #tpu.memory_space<semaphore_mem>>
      %dma_start3A_80 = arith.constant 0 : i32
      %dma_start3A_81 = arith.constant 0 : i32
      %dma_start3A_82 = tpu.memref_slice %arg14[%rem3A_78, %dma_start3A_80, %dma_start3A_81] : memref<2x1024x128xf32, #tpu.memory_space<vmem>> -> memref<1x1024x128xf32, #tpu.memory_space<vmem>>
      %dma_start3A_83 = tpu.memref_squeeze %dma_start3A_82 : memref<1x1024x128xf32, #tpu.memory_space<vmem>> -> memref<1024x128xf32, #tpu.memory_space<vmem>>
      %dma_start3A_84 = arith.constant 0 : i32
      %dma_start3A_85 = tpu.memref_slice %arg11[%min3A, %dma_start3A_84] : memref<327680x128xf32, #tpu.memory_space<any>> -> memref<1024x128xf32, #tpu.memory_space<any>>
      tpu.enqueue_dma source(%dma_start3A_85 : memref<1024x128xf32, #tpu.memory_space<any>>) target(%dma_start3A_83 : memref<1024x128xf32, #tpu.memory_space<vmem>>) target_semaphore(%dma_start3A_79 : memref<!tpu.dma_semaphore, #tpu.memory_space<semaphore_mem>>)
    } else {
    }
    %while3A = arith.constant 0 : i32
    %while3A_37 = arith.constant 0 : i32
    %while3A_38 = arith.subi %get3A_0, %while3A : i32
    %while3A_39 = arith.addi %while3A, %while3A_38 : i32
    %while3A_40 = arith.constant 1 : i32
    %while3A_41 = arith.divsi %while3A_38, %while3A_40 : i32
    %while3A_42 = arith.muli %while3A_41, %while3A_40 : i32
    %while3A_43 = arith.addi %while3A, %while3A_42 : i32
    %while3A_44 = arith.constant 1 : i32
    %while3A_45:2 = scf.for %while3A_76 = %while3A to %while3A_43 step %while3A_44 iter_args(%while3A_77 = %while3A_37, %while3A_78 = %reduce_sum3A_33) -> (i32, i32)  : i32 {
      %add3A_79 = arith.addi %while3A_77, %while3A_78 : i32
      %add3A_80 = arith.constant 1 : i32
      %add3A_81 = arith.addi %while3A_76, %add3A_80 : i32
      %gt3A_82 = vector.broadcast %add3A_81 : i32 to vector<80x128xi32>
      %gt3A_83 = arith.cmpi sgt, %get3A_18, %gt3A_82 : vector<80x128xi32>
      %convert_element_type3A_84 = arith.extui %gt3A_83 : vector<80x128xi1> to vector<80x128xi32>
      %reduce_sum3A_85 = vector.shape_cast %convert_element_type3A_84 : vector<80x128xi32> to vector<1x80x128xi32>
      %reduce_sum3A_86 = arith.constant dense<0> : vector<1xi32>
      %reduce_sum3A_87 = vector.multi_reduction <add>, %reduce_sum3A_85, %reduce_sum3A_86 [1, 2] : vector<1x80x128xi32> to vector<1xi32>
      %reduce_sum3A_88 = vector.shape_cast %reduce_sum3A_87 : vector<1xi32> to vector<1x1x1xi32>
      %reduce_sum3A_89 = vector.extract %reduce_sum3A_88[0, 0, 0] : i32 from vector<1x1x1xi32>
      %rem3A_90 = arith.constant 2 : i32
      %rem3A_91 = arith.remsi %while3A_76, %rem3A_90 : i32
      %add3A_92 = arith.constant 1 : i32
      %add3A_93 = arith.addi %while3A_76, %add3A_92 : i32
      %lt3A = arith.cmpi slt, %add3A_93, %get3A_0 : i32
      %gt3A_94 = arith.cmpi sgt, %reduce_sum3A_89, %mul3A_1 : i32
      %and3A = arith.andi %lt3A, %gt3A_94 : i1
      %convert_element_type3A_95 = arith.extui %and3A : i1 to i32
      %cond3A_96 = arith.constant 0 : i32
      %cond3A_97 = arith.cmpi ne, %convert_element_type3A_95, %cond3A_96 : i32
      scf.if %cond3A_97 {
        %add3A_142 = arith.constant 1 : i32
        %add3A_143 = arith.addi %while3A_76, %add3A_142 : i32
        %min3A = arith.minsi %mul3A_1, %reduce_sum3A_89 : i32
        %add3A_144 = arith.addi %add3A_79, %min3A : i32
        %rem3A_145 = arith.constant 2 : i32
        %rem3A_146 = arith.remsi %add3A_143, %rem3A_145 : i32
        %dma_start3A = tpu.memref_slice %arg16[%rem3A_146] : memref<2x!tpu.dma_semaphore, #tpu.memory_space<semaphore_mem>> -> memref<1x!tpu.dma_semaphore, #tpu.memory_space<semaphore_mem>>
        %dma_start3A_147 = tpu.memref_squeeze %dma_start3A : memref<1x!tpu.dma_semaphore, #tpu.memory_space<semaphore_mem>> -> memref<!tpu.dma_semaphore, #tpu.memory_space<semaphore_mem>>
        %dma_start3A_148 = arith.constant 0 : i32
        %dma_start3A_149 = arith.constant 0 : i32
        %dma_start3A_150 = tpu.memref_slice %arg14[%rem3A_146, %dma_start3A_148, %dma_start3A_149] : memref<2x1024x128xf32, #tpu.memory_space<vmem>> -> memref<1x1024x128xf32, #tpu.memory_space<vmem>>
        %dma_start3A_151 = tpu.memref_squeeze %dma_start3A_150 : memref<1x1024x128xf32, #tpu.memory_space<vmem>> -> memref<1024x128xf32, #tpu.memory_space<vmem>>
        %dma_start3A_152 = arith.constant 0 : i32
        %dma_start3A_153 = tpu.memref_slice %arg11[%add3A_144, %dma_start3A_152] : memref<327680x128xf32, #tpu.memory_space<any>> -> memref<1024x128xf32, #tpu.memory_space<any>>
        tpu.enqueue_dma source(%dma_start3A_153 : memref<1024x128xf32, #tpu.memory_space<any>>) target(%dma_start3A_151 : memref<1024x128xf32, #tpu.memory_space<vmem>>) target_semaphore(%dma_start3A_147 : memref<!tpu.dma_semaphore, #tpu.memory_space<semaphore_mem>>)
      } else {
      }
      %gt3A_98 = arith.cmpi sgt, %while3A_78, %mul3A_1 : i32
      %convert_element_type3A_99 = arith.extui %gt3A_98 : i1 to i32
      %cond3A_100 = arith.constant 0 : i32
      %cond3A_101 = arith.cmpi ne, %convert_element_type3A_99, %cond3A_100 : i32
      %cond3A_102 = scf.if %cond3A_101 -> (vector<1024x512xf32>) {
        %min3A = arith.minsi %mul3A_1, %while3A_78 : i32
        %add3A_142 = arith.addi %while3A_77, %min3A : i32
        %dma_wait3A = tpu.memref_slice %arg16[%rem3A_91] : memref<2x!tpu.dma_semaphore, #tpu.memory_space<semaphore_mem>> -> memref<1x!tpu.dma_semaphore, #tpu.memory_space<semaphore_mem>>
        %dma_wait3A_143 = tpu.memref_squeeze %dma_wait3A : memref<1x!tpu.dma_semaphore, #tpu.memory_space<semaphore_mem>> -> memref<!tpu.dma_semaphore, #tpu.memory_space<semaphore_mem>>
        %dma_wait3A_144 = arith.constant 0 : i32
        %dma_wait3A_145 = arith.constant 0 : i32
        %dma_wait3A_146 = tpu.memref_slice %arg14[%rem3A_91, %dma_wait3A_144, %dma_wait3A_145] : memref<2x1024x128xf32, #tpu.memory_space<vmem>> -> memref<1x1024x128xf32, #tpu.memory_space<vmem>>
        %dma_wait3A_147 = tpu.memref_squeeze %dma_wait3A_146 : memref<1x1024x128xf32, #tpu.memory_space<vmem>> -> memref<1024x128xf32, #tpu.memory_space<vmem>>
        %dma_wait3A_148 = arith.constant 0 : i32
        %dma_wait3A_149 = tpu.memref_slice %arg11[%add3A_142, %dma_wait3A_148] : memref<327680x128xf32, #tpu.memory_space<any>> -> memref<1024x128xf32, #tpu.memory_space<any>>
        tpu.wait_dma2 semaphore(%dma_wait3A_143 : memref<!tpu.dma_semaphore, #tpu.memory_space<semaphore_mem>>) src(%dma_wait3A_149 : memref<1024x128xf32, #tpu.memory_space<any>>) dst(%dma_wait3A_147 : memref<1024x128xf32, #tpu.memory_space<vmem>>)
        %get3A_150 = arith.index_cast %rem3A_91 : i32 to index
        %get3A_151 = arith.constant 0 : index
        %get3A_152 = arith.constant 0 : index
        %get3A_153 = vector.load %arg14[%get3A_150, %get3A_151, %get3A_152] : memref<2x1024x128xf32, #tpu.memory_space<vmem>>, vector<1x1024x128xf32>
        %get3A_154 = vector.shape_cast %get3A_153 : vector<1x1024x128xf32> to vector<1024x128xf32>
        %convert_element_type3A_155 = arith.truncf %get3A_154 : vector<1024x128xf32> to vector<1024x128xbf16>
        %add3A_156 = arith.constant 1024 : i32
        %add3A_157 = arith.addi %mul3A_1, %add3A_156 : i32
        %ge3A = arith.cmpi sge, %while3A_78, %add3A_157 : i32
        %convert_element_type3A_158 = arith.extui %ge3A : i1 to i32
        %cond3A_159 = arith.constant 0 : i32
        %cond3A_160 = arith.cmpi ne, %convert_element_type3A_158, %cond3A_159 : i32
        scf.if %cond3A_160 {
          %swap3A_176 = arith.index_cast %rem3A_91 : i32 to index
          %swap3A_177 = arith.constant 0 : index
          %swap3A_178 = arith.constant 0 : index
          %swap3A_179 = vector.load %arg13[%swap3A_176, %swap3A_177, %swap3A_178] : memref<2x1024x256xbf16, #tpu.memory_space<vmem>>, vector<1x1024x128xbf16>
          %swap3A_180 = vector.shape_cast %swap3A_179 : vector<1x1024x128xbf16> to vector<1024x128xbf16>
          %swap3A_181 = vector.shape_cast %convert_element_type3A_155 : vector<1024x128xbf16> to vector<1x1024x128xbf16>
          tpu.vector_store %arg13[%swap3A_176, %swap3A_177, %swap3A_178], %swap3A_181 {strides = array<i32>} : memref<2x1024x256xbf16, #tpu.memory_space<vmem>>, vector<1x1024x128xbf16>,
        } else {
        }
        %add3A_161 = arith.constant 1024 : i32
        %add3A_162 = arith.addi %mul3A_1, %add3A_161 : i32
        %lt3A_163 = arith.cmpi slt, %while3A_78, %add3A_162 : i32
        %convert_element_type3A_164 = arith.extui %lt3A_163 : i1 to i32
        %cond3A_165 = arith.constant 0 : i32
        %cond3A_166 = arith.cmpi ne, %convert_element_type3A_164, %cond3A_165 : i32
        scf.if %cond3A_166 {
          %gt3A_176 = vector.broadcast %while3A_76 : i32 to vector<1024x1xi32>
          %gt3A_177 = arith.cmpi sgt, %get3A_15, %gt3A_176 : vector<1024x1xi32>
          %jit3A = arith.constant 0.000000e+00 : bf16
          %broadcast_in_dim3A_178 = vector.shape_cast %gt3A_177 : vector<1024x1xi1> to vector<1024x1xi1>
          %broadcast_in_dim3A_179 = vector.broadcast %broadcast_in_dim3A_178 : vector<1024x1xi1> to vector<1024x128xi1>
          %broadcast_in_dim3A_180 = vector.broadcast %jit3A : bf16 to vector<1024x128xbf16>
          %select_n3A = arith.select %broadcast_in_dim3A_179, %convert_element_type3A_155, %broadcast_in_dim3A_180 : vector<1024x128xi1>, vector<1024x128xbf16>
          %swap3A_181 = arith.index_cast %rem3A_91 : i32 to index
          %swap3A_182 = arith.constant 0 : index
          %swap3A_183 = arith.constant 0 : index
          %swap3A_184 = vector.load %arg13[%swap3A_181, %swap3A_182, %swap3A_183] : memref<2x1024x256xbf16, #tpu.memory_space<vmem>>, vector<1x1024x128xbf16>
          %swap3A_185 = vector.shape_cast %swap3A_184 : vector<1x1024x128xbf16> to vector<1024x128xbf16>
          %swap3A_186 = vector.shape_cast %select_n3A : vector<1024x128xbf16> to vector<1x1024x128xbf16>
          tpu.vector_store %arg13[%swap3A_181, %swap3A_182, %swap3A_183], %swap3A_186 {strides = array<i32>} : memref<2x1024x256xbf16, #tpu.memory_space<vmem>>, vector<1x1024x128xbf16>,
        } else {
        }
        %get3A_167 = arith.index_cast %rem3A_91 : i32 to index
        %get3A_168 = arith.constant 0 : index
        %get3A_169 = arith.constant 0 : index
        %get3A_170 = vector.load %arg13[%get3A_167, %get3A_168, %get3A_169] : memref<2x1024x256xbf16, #tpu.memory_space<vmem>>, vector<1x1024x256xbf16>
        %get3A_171 = vector.shape_cast %get3A_170 : vector<1x1024x256xbf16> to vector<1024x256xbf16>
        %dot_general3A_172 = arith.constant dense<0.000000e+00> : vector<1024x512xf32>
        %dot_general3A_173 = tpu.matmul %get3A_171, %get3A_21, %dot_general3A_172 {dimension_numbers = #tpu.dot_dimension_numbers<[1], [0], [0], [1], [0, 0, 1, 1], [], []>, transpose_lhs_hint = false} : vector<1024x256xbf16>, vector<256x512xbf16>, vector<1024x512xf32> -> vector<1024x512xf32>
        %add3A_174 = vector.broadcast %get3A_27 : vector<1x512xf32> to vector<1024x512xf32>
        %add3A_175 = arith.addf %dot_general3A_173, %add3A_174 : vector<1024x512xf32>
        scf.yield %add3A_175 : vector<1024x512xf32>
      } else {
        %get3A_142 = arith.index_cast %rem3A_91 : i32 to index
        %get3A_143 = arith.constant 0 : index
        %get3A_144 = arith.constant 128 : index
        %get3A_145 = vector.load %arg13[%get3A_142, %get3A_143, %get3A_144] : memref<2x1024x256xbf16, #tpu.memory_space<vmem>>, vector<1x1024x128xbf16>
        %get3A_146 = vector.shape_cast %get3A_145 : vector<1x1024x128xbf16> to vector<1024x128xbf16>
        %dot_general3A_147 = arith.constant dense<0.000000e+00> : vector<1024x512xf32>
        %dot_general3A_148 = tpu.matmul %get3A_146, %get3A_24, %dot_general3A_147 {dimension_numbers = #tpu.dot_dimension_numbers<[1], [0], [0], [1], [0, 0, 1, 1], [], []>, transpose_lhs_hint = false} : vector<1024x128xbf16>, vector<128x512xbf16>, vector<1024x512xf32> -> vector<1024x512xf32>
        %add3A_149 = vector.broadcast %get3A_27 : vector<1x512xf32> to vector<1024x512xf32>
        %add3A_150 = arith.addf %dot_general3A_148, %add3A_149 : vector<1024x512xf32>
        scf.yield %add3A_150 : vector<1024x512xf32>
      }
      %slice3A = vector.extract_strided_slice %cond3A_102 {offsets = [0, 0], sizes = [1024, 128], strides = [1, 1]} : vector<1024x512xf32> to vector<1024x128xf32>
      %slice3A_103 = vector.extract_strided_slice %cond3A_102 {offsets = [0, 128], sizes = [1024, 128], strides = [1, 1]} : vector<1024x512xf32> to vector<1024x128xf32>
      %slice3A_104 = vector.extract_strided_slice %cond3A_102 {offsets = [0, 256], sizes = [1024, 128], strides = [1, 1]} : vector<1024x512xf32> to vector<1024x128xf32>
      %slice3A_105 = vector.extract_strided_slice %cond3A_102 {offsets = [0, 384], sizes = [1024, 128], strides = [1, 1]} : vector<1024x512xf32> to vector<1024x128xf32>
      %logistic3A = arith.negf %slice3A_103 : vector<1024x128xf32>
      %logistic3A_106 = math.exp %logistic3A : vector<1024x128xf32>
      %logistic3A_107 = arith.constant 1.000000e+00 : f32
      %logistic3A_108 = vector.broadcast %logistic3A_107 : f32 to vector<1024x128xf32>
      %logistic3A_109 = arith.addf %logistic3A_108, %logistic3A_106 : vector<1024x128xf32>
      %logistic3A_110 = arith.divf %logistic3A_108, %logistic3A_109 : vector<1024x128xf32>
      %get3A_111 = arith.constant 0 : index
      %get3A_112 = arith.constant 0 : index
      %get3A_113 = vector.load %arg15[%get3A_111, %get3A_112] : memref<1024x128xf32, #tpu.memory_space<vmem>>, vector<1024x128xf32>
      %mul3A_114 = arith.mulf %logistic3A_110, %get3A_113 : vector<1024x128xf32>
      %logistic3A_115 = arith.negf %slice3A : vector<1024x128xf32>
      %logistic3A_116 = math.exp %logistic3A_115 : vector<1024x128xf32>
      %logistic3A_117 = arith.constant 1.000000e+00 : f32
      %logistic3A_118 = vector.broadcast %logistic3A_117 : f32 to vector<1024x128xf32>
      %logistic3A_119 = arith.addf %logistic3A_118, %logistic3A_116 : vector<1024x128xf32>
      %logistic3A_120 = arith.divf %logistic3A_118, %logistic3A_119 : vector<1024x128xf32>
      %tanh3A = math.tanh %slice3A_104 : vector<1024x128xf32>
      %mul3A_121 = arith.mulf %logistic3A_120, %tanh3A : vector<1024x128xf32>
      %add3A_122 = arith.addf %mul3A_114, %mul3A_121 : vector<1024x128xf32>
      %logistic3A_123 = arith.negf %slice3A_105 : vector<1024x128xf32>
      %logistic3A_124 = math.exp %logistic3A_123 : vector<1024x128xf32>
      %logistic3A_125 = arith.constant 1.000000e+00 : f32
      %logistic3A_126 = vector.broadcast %logistic3A_125 : f32 to vector<1024x128xf32>
      %logistic3A_127 = arith.addf %logistic3A_126, %logistic3A_124 : vector<1024x128xf32>
      %logistic3A_128 = arith.divf %logistic3A_126, %logistic3A_127 : vector<1024x128xf32>
      %tanh3A_129 = math.tanh %add3A_122 : vector<1024x128xf32>
      %mul3A_130 = arith.mulf %logistic3A_128, %tanh3A_129 : vector<1024x128xf32>
      %convert_element_type3A_131 = arith.truncf %mul3A_130 : vector<1024x128xf32> to vector<1024x128xbf16>
      %sub3A = arith.constant 1 : i32
      %sub3A_132 = arith.subi %sub3A, %rem3A_91 : i32
      %swap3A_133 = arith.index_cast %sub3A_132 : i32 to index
      %swap3A_134 = arith.constant 0 : index
      %swap3A_135 = arith.constant 128 : index
      %swap3A_136 = vector.load %arg13[%swap3A_133, %swap3A_134, %swap3A_135] : memref<2x1024x256xbf16, #tpu.memory_space<vmem>>, vector<1x1024x128xbf16>
      %swap3A_137 = vector.shape_cast %swap3A_136 : vector<1x1024x128xbf16> to vector<1024x128xbf16>
      %swap3A_138 = vector.shape_cast %convert_element_type3A_131 : vector<1024x128xbf16> to vector<1x1024x128xbf16>
      tpu.vector_store %arg13[%swap3A_133, %swap3A_134, %swap3A_135], %swap3A_138 {strides = array<i32>} : memref<2x1024x256xbf16, #tpu.memory_space<vmem>>, vector<1x1024x128xbf16>,
      %swap3A_139 = arith.constant 0 : index
      %swap3A_140 = arith.constant 0 : index
      %swap3A_141 = vector.load %arg15[%swap3A_139, %swap3A_140] : memref<1024x128xf32, #tpu.memory_space<vmem>>, vector<1024x128xf32>
      tpu.vector_store %arg15[%swap3A_139, %swap3A_140], %add3A_122 {strides = array<i32>} : memref<1024x128xf32, #tpu.memory_space<vmem>>, vector<1024x128xf32>,
      scf.yield %add3A_79, %reduce_sum3A_89 : i32, i32
    }
    %while3A_46 = arith.constant 1 : i32
    %while3A_47:2 = scf.for %while3A_76 = %while3A_43 to %while3A_39 step %while3A_46 iter_args(%while3A_77 = %while3A_45#0, %while3A_78 = %while3A_45#1) -> (i32, i32)  : i32 {
      %add3A_79 = arith.addi %while3A_77, %while3A_78 : i32
      %add3A_80 = arith.constant 1 : i32
      %add3A_81 = arith.addi %while3A_76, %add3A_80 : i32
      %gt3A_82 = vector.broadcast %add3A_81 : i32 to vector<80x128xi32>
      %gt3A_83 = arith.cmpi sgt, %get3A_18, %gt3A_82 : vector<80x128xi32>
      %convert_element_type3A_84 = arith.extui %gt3A_83 : vector<80x128xi1> to vector<80x128xi32>
      %reduce_sum3A_85 = vector.shape_cast %convert_element_type3A_84 : vector<80x128xi32> to vector<1x80x128xi32>
      %reduce_sum3A_86 = arith.constant dense<0> : vector<1xi32>
      %reduce_sum3A_87 = vector.multi_reduction <add>, %reduce_sum3A_85, %reduce_sum3A_86 [1, 2] : vector<1x80x128xi32> to vector<1xi32>
      %reduce_sum3A_88 = vector.shape_cast %reduce_sum3A_87 : vector<1xi32> to vector<1x1x1xi32>
      %reduce_sum3A_89 = vector.extract %reduce_sum3A_88[0, 0, 0] : i32 from vector<1x1x1xi32>
      %rem3A_90 = arith.constant 2 : i32
      %rem3A_91 = arith.remsi %while3A_76, %rem3A_90 : i32
      %add3A_92 = arith.constant 1 : i32
      %add3A_93 = arith.addi %while3A_76, %add3A_92 : i32
      %lt3A = arith.cmpi slt, %add3A_93, %get3A_0 : i32
      %gt3A_94 = arith.cmpi sgt, %reduce_sum3A_89, %mul3A_1 : i32
      %and3A = arith.andi %lt3A, %gt3A_94 : i1
      %convert_element_type3A_95 = arith.extui %and3A : i1 to i32
      %cond3A_96 = arith.constant 0 : i32
      %cond3A_97 = arith.cmpi ne, %convert_element_type3A_95, %cond3A_96 : i32
      scf.if %cond3A_97 {
        %add3A_142 = arith.constant 1 : i32
        %add3A_143 = arith.addi %while3A_76, %add3A_142 : i32
        %min3A = arith.minsi %mul3A_1, %reduce_sum3A_89 : i32
        %add3A_144 = arith.addi %add3A_79, %min3A : i32
        %rem3A_145 = arith.constant 2 : i32
        %rem3A_146 = arith.remsi %add3A_143, %rem3A_145 : i32
        %dma_start3A = tpu.memref_slice %arg16[%rem3A_146] : memref<2x!tpu.dma_semaphore, #tpu.memory_space<semaphore_mem>> -> memref<1x!tpu.dma_semaphore, #tpu.memory_space<semaphore_mem>>
        %dma_start3A_147 = tpu.memref_squeeze %dma_start3A : memref<1x!tpu.dma_semaphore, #tpu.memory_space<semaphore_mem>> -> memref<!tpu.dma_semaphore, #tpu.memory_space<semaphore_mem>>
        %dma_start3A_148 = arith.constant 0 : i32
        %dma_start3A_149 = arith.constant 0 : i32
        %dma_start3A_150 = tpu.memref_slice %arg14[%rem3A_146, %dma_start3A_148, %dma_start3A_149] : memref<2x1024x128xf32, #tpu.memory_space<vmem>> -> memref<1x1024x128xf32, #tpu.memory_space<vmem>>
        %dma_start3A_151 = tpu.memref_squeeze %dma_start3A_150 : memref<1x1024x128xf32, #tpu.memory_space<vmem>> -> memref<1024x128xf32, #tpu.memory_space<vmem>>
        %dma_start3A_152 = arith.constant 0 : i32
        %dma_start3A_153 = tpu.memref_slice %arg11[%add3A_144, %dma_start3A_152] : memref<327680x128xf32, #tpu.memory_space<any>> -> memref<1024x128xf32, #tpu.memory_space<any>>
        tpu.enqueue_dma source(%dma_start3A_153 : memref<1024x128xf32, #tpu.memory_space<any>>) target(%dma_start3A_151 : memref<1024x128xf32, #tpu.memory_space<vmem>>) target_semaphore(%dma_start3A_147 : memref<!tpu.dma_semaphore, #tpu.memory_space<semaphore_mem>>)
      } else {
      }
      %gt3A_98 = arith.cmpi sgt, %while3A_78, %mul3A_1 : i32
      %convert_element_type3A_99 = arith.extui %gt3A_98 : i1 to i32
      %cond3A_100 = arith.constant 0 : i32
      %cond3A_101 = arith.cmpi ne, %convert_element_type3A_99, %cond3A_100 : i32
      %cond3A_102 = scf.if %cond3A_101 -> (vector<1024x512xf32>) {
        %min3A = arith.minsi %mul3A_1, %while3A_78 : i32
        %add3A_142 = arith.addi %while3A_77, %min3A : i32
        %dma_wait3A = tpu.memref_slice %arg16[%rem3A_91] : memref<2x!tpu.dma_semaphore, #tpu.memory_space<semaphore_mem>> -> memref<1x!tpu.dma_semaphore, #tpu.memory_space<semaphore_mem>>
        %dma_wait3A_143 = tpu.memref_squeeze %dma_wait3A : memref<1x!tpu.dma_semaphore, #tpu.memory_space<semaphore_mem>> -> memref<!tpu.dma_semaphore, #tpu.memory_space<semaphore_mem>>
        %dma_wait3A_144 = arith.constant 0 : i32
        %dma_wait3A_145 = arith.constant 0 : i32
        %dma_wait3A_146 = tpu.memref_slice %arg14[%rem3A_91, %dma_wait3A_144, %dma_wait3A_145] : memref<2x1024x128xf32, #tpu.memory_space<vmem>> -> memref<1x1024x128xf32, #tpu.memory_space<vmem>>
        %dma_wait3A_147 = tpu.memref_squeeze %dma_wait3A_146 : memref<1x1024x128xf32, #tpu.memory_space<vmem>> -> memref<1024x128xf32, #tpu.memory_space<vmem>>
        %dma_wait3A_148 = arith.constant 0 : i32
        %dma_wait3A_149 = tpu.memref_slice %arg11[%add3A_142, %dma_wait3A_148] : memref<327680x128xf32, #tpu.memory_space<any>> -> memref<1024x128xf32, #tpu.memory_space<any>>
        tpu.wait_dma2 semaphore(%dma_wait3A_143 : memref<!tpu.dma_semaphore, #tpu.memory_space<semaphore_mem>>) src(%dma_wait3A_149 : memref<1024x128xf32, #tpu.memory_space<any>>) dst(%dma_wait3A_147 : memref<1024x128xf32, #tpu.memory_space<vmem>>)
        %get3A_150 = arith.index_cast %rem3A_91 : i32 to index
        %get3A_151 = arith.constant 0 : index
        %get3A_152 = arith.constant 0 : index
        %get3A_153 = vector.load %arg14[%get3A_150, %get3A_151, %get3A_152] : memref<2x1024x128xf32, #tpu.memory_space<vmem>>, vector<1x1024x128xf32>
        %get3A_154 = vector.shape_cast %get3A_153 : vector<1x1024x128xf32> to vector<1024x128xf32>
        %convert_element_type3A_155 = arith.truncf %get3A_154 : vector<1024x128xf32> to vector<1024x128xbf16>
        %add3A_156 = arith.constant 1024 : i32
        %add3A_157 = arith.addi %mul3A_1, %add3A_156 : i32
        %ge3A = arith.cmpi sge, %while3A_78, %add3A_157 : i32
        %convert_element_type3A_158 = arith.extui %ge3A : i1 to i32
        %cond3A_159 = arith.constant 0 : i32
        %cond3A_160 = arith.cmpi ne, %convert_element_type3A_158, %cond3A_159 : i32
        scf.if %cond3A_160 {
          %swap3A_176 = arith.index_cast %rem3A_91 : i32 to index
          %swap3A_177 = arith.constant 0 : index
          %swap3A_178 = arith.constant 0 : index
          %swap3A_179 = vector.load %arg13[%swap3A_176, %swap3A_177, %swap3A_178] : memref<2x1024x256xbf16, #tpu.memory_space<vmem>>, vector<1x1024x128xbf16>
          %swap3A_180 = vector.shape_cast %swap3A_179 : vector<1x1024x128xbf16> to vector<1024x128xbf16>
          %swap3A_181 = vector.shape_cast %convert_element_type3A_155 : vector<1024x128xbf16> to vector<1x1024x128xbf16>
          tpu.vector_store %arg13[%swap3A_176, %swap3A_177, %swap3A_178], %swap3A_181 {strides = array<i32>} : memref<2x1024x256xbf16, #tpu.memory_space<vmem>>, vector<1x1024x128xbf16>,
        } else {
        }
        %add3A_161 = arith.constant 1024 : i32
        %add3A_162 = arith.addi %mul3A_1, %add3A_161 : i32
        %lt3A_163 = arith.cmpi slt, %while3A_78, %add3A_162 : i32
        %convert_element_type3A_164 = arith.extui %lt3A_163 : i1 to i32
        %cond3A_165 = arith.constant 0 : i32
        %cond3A_166 = arith.cmpi ne, %convert_element_type3A_164, %cond3A_165 : i32
        scf.if %cond3A_166 {
          %gt3A_176 = vector.broadcast %while3A_76 : i32 to vector<1024x1xi32>
          %gt3A_177 = arith.cmpi sgt, %get3A_15, %gt3A_176 : vector<1024x1xi32>
          %jit3A = arith.constant 0.000000e+00 : bf16
          %broadcast_in_dim3A_178 = vector.shape_cast %gt3A_177 : vector<1024x1xi1> to vector<1024x1xi1>
          %broadcast_in_dim3A_179 = vector.broadcast %broadcast_in_dim3A_178 : vector<1024x1xi1> to vector<1024x128xi1>
          %broadcast_in_dim3A_180 = vector.broadcast %jit3A : bf16 to vector<1024x128xbf16>
          %select_n3A = arith.select %broadcast_in_dim3A_179, %convert_element_type3A_155, %broadcast_in_dim3A_180 : vector<1024x128xi1>, vector<1024x128xbf16>
          %swap3A_181 = arith.index_cast %rem3A_91 : i32 to index
          %swap3A_182 = arith.constant 0 : index
          %swap3A_183 = arith.constant 0 : index
          %swap3A_184 = vector.load %arg13[%swap3A_181, %swap3A_182, %swap3A_183] : memref<2x1024x256xbf16, #tpu.memory_space<vmem>>, vector<1x1024x128xbf16>
          %swap3A_185 = vector.shape_cast %swap3A_184 : vector<1x1024x128xbf16> to vector<1024x128xbf16>
          %swap3A_186 = vector.shape_cast %select_n3A : vector<1024x128xbf16> to vector<1x1024x128xbf16>
          tpu.vector_store %arg13[%swap3A_181, %swap3A_182, %swap3A_183], %swap3A_186 {strides = array<i32>} : memref<2x1024x256xbf16, #tpu.memory_space<vmem>>, vector<1x1024x128xbf16>,
        } else {
        }
        %get3A_167 = arith.index_cast %rem3A_91 : i32 to index
        %get3A_168 = arith.constant 0 : index
        %get3A_169 = arith.constant 0 : index
        %get3A_170 = vector.load %arg13[%get3A_167, %get3A_168, %get3A_169] : memref<2x1024x256xbf16, #tpu.memory_space<vmem>>, vector<1x1024x256xbf16>
        %get3A_171 = vector.shape_cast %get3A_170 : vector<1x1024x256xbf16> to vector<1024x256xbf16>
        %dot_general3A_172 = arith.constant dense<0.000000e+00> : vector<1024x512xf32>
        %dot_general3A_173 = tpu.matmul %get3A_171, %get3A_21, %dot_general3A_172 {dimension_numbers = #tpu.dot_dimension_numbers<[1], [0], [0], [1], [0, 0, 1, 1], [], []>, transpose_lhs_hint = false} : vector<1024x256xbf16>, vector<256x512xbf16>, vector<1024x512xf32> -> vector<1024x512xf32>
        %add3A_174 = vector.broadcast %get3A_27 : vector<1x512xf32> to vector<1024x512xf32>
        %add3A_175 = arith.addf %dot_general3A_173, %add3A_174 : vector<1024x512xf32>
        scf.yield %add3A_175 : vector<1024x512xf32>
      } else {
        %get3A_142 = arith.index_cast %rem3A_91 : i32 to index
        %get3A_143 = arith.constant 0 : index
        %get3A_144 = arith.constant 128 : index
        %get3A_145 = vector.load %arg13[%get3A_142, %get3A_143, %get3A_144] : memref<2x1024x256xbf16, #tpu.memory_space<vmem>>, vector<1x1024x128xbf16>
        %get3A_146 = vector.shape_cast %get3A_145 : vector<1x1024x128xbf16> to vector<1024x128xbf16>
        %dot_general3A_147 = arith.constant dense<0.000000e+00> : vector<1024x512xf32>
        %dot_general3A_148 = tpu.matmul %get3A_146, %get3A_24, %dot_general3A_147 {dimension_numbers = #tpu.dot_dimension_numbers<[1], [0], [0], [1], [0, 0, 1, 1], [], []>, transpose_lhs_hint = false} : vector<1024x128xbf16>, vector<128x512xbf16>, vector<1024x512xf32> -> vector<1024x512xf32>
        %add3A_149 = vector.broadcast %get3A_27 : vector<1x512xf32> to vector<1024x512xf32>
        %add3A_150 = arith.addf %dot_general3A_148, %add3A_149 : vector<1024x512xf32>
        scf.yield %add3A_150 : vector<1024x512xf32>
      }
      %slice3A = vector.extract_strided_slice %cond3A_102 {offsets = [0, 0], sizes = [1024, 128], strides = [1, 1]} : vector<1024x512xf32> to vector<1024x128xf32>
      %slice3A_103 = vector.extract_strided_slice %cond3A_102 {offsets = [0, 128], sizes = [1024, 128], strides = [1, 1]} : vector<1024x512xf32> to vector<1024x128xf32>
      %slice3A_104 = vector.extract_strided_slice %cond3A_102 {offsets = [0, 256], sizes = [1024, 128], strides = [1, 1]} : vector<1024x512xf32> to vector<1024x128xf32>
      %slice3A_105 = vector.extract_strided_slice %cond3A_102 {offsets = [0, 384], sizes = [1024, 128], strides = [1, 1]} : vector<1024x512xf32> to vector<1024x128xf32>
      %logistic3A = arith.negf %slice3A_103 : vector<1024x128xf32>
      %logistic3A_106 = math.exp %logistic3A : vector<1024x128xf32>
      %logistic3A_107 = arith.constant 1.000000e+00 : f32
      %logistic3A_108 = vector.broadcast %logistic3A_107 : f32 to vector<1024x128xf32>
      %logistic3A_109 = arith.addf %logistic3A_108, %logistic3A_106 : vector<1024x128xf32>
      %logistic3A_110 = arith.divf %logistic3A_108, %logistic3A_109 : vector<1024x128xf32>
      %get3A_111 = arith.constant 0 : index
      %get3A_112 = arith.constant 0 : index
      %get3A_113 = vector.load %arg15[%get3A_111, %get3A_112] : memref<1024x128xf32, #tpu.memory_space<vmem>>, vector<1024x128xf32>
      %mul3A_114 = arith.mulf %logistic3A_110, %get3A_113 : vector<1024x128xf32>
      %logistic3A_115 = arith.negf %slice3A : vector<1024x128xf32>
      %logistic3A_116 = math.exp %logistic3A_115 : vector<1024x128xf32>
      %logistic3A_117 = arith.constant 1.000000e+00 : f32
      %logistic3A_118 = vector.broadcast %logistic3A_117 : f32 to vector<1024x128xf32>
      %logistic3A_119 = arith.addf %logistic3A_118, %logistic3A_116 : vector<1024x128xf32>
      %logistic3A_120 = arith.divf %logistic3A_118, %logistic3A_119 : vector<1024x128xf32>
      %tanh3A = math.tanh %slice3A_104 : vector<1024x128xf32>
      %mul3A_121 = arith.mulf %logistic3A_120, %tanh3A : vector<1024x128xf32>
      %add3A_122 = arith.addf %mul3A_114, %mul3A_121 : vector<1024x128xf32>
      %logistic3A_123 = arith.negf %slice3A_105 : vector<1024x128xf32>
      %logistic3A_124 = math.exp %logistic3A_123 : vector<1024x128xf32>
      %logistic3A_125 = arith.constant 1.000000e+00 : f32
      %logistic3A_126 = vector.broadcast %logistic3A_125 : f32 to vector<1024x128xf32>
      %logistic3A_127 = arith.addf %logistic3A_126, %logistic3A_124 : vector<1024x128xf32>
      %logistic3A_128 = arith.divf %logistic3A_126, %logistic3A_127 : vector<1024x128xf32>
      %tanh3A_129 = math.tanh %add3A_122 : vector<1024x128xf32>
      %mul3A_130 = arith.mulf %logistic3A_128, %tanh3A_129 : vector<1024x128xf32>
      %convert_element_type3A_131 = arith.truncf %mul3A_130 : vector<1024x128xf32> to vector<1024x128xbf16>
      %sub3A = arith.constant 1 : i32
      %sub3A_132 = arith.subi %sub3A, %rem3A_91 : i32
      %swap3A_133 = arith.index_cast %sub3A_132 : i32 to index
      %swap3A_134 = arith.constant 0 : index
      %swap3A_135 = arith.constant 128 : index
      %swap3A_136 = vector.load %arg13[%swap3A_133, %swap3A_134, %swap3A_135] : memref<2x1024x256xbf16, #tpu.memory_space<vmem>>, vector<1x1024x128xbf16>
      %swap3A_137 = vector.shape_cast %swap3A_136 : vector<1x1024x128xbf16> to vector<1024x128xbf16>
      %swap3A_138 = vector.shape_cast %convert_element_type3A_131 : vector<1024x128xbf16> to vector<1x1024x128xbf16>
      tpu.vector_store %arg13[%swap3A_133, %swap3A_134, %swap3A_135], %swap3A_138 {strides = array<i32>} : memref<2x1024x256xbf16, #tpu.memory_space<vmem>>, vector<1x1024x128xbf16>,
      %swap3A_139 = arith.constant 0 : index
      %swap3A_140 = arith.constant 0 : index
      %swap3A_141 = vector.load %arg15[%swap3A_139, %swap3A_140] : memref<1024x128xf32, #tpu.memory_space<vmem>>, vector<1024x128xf32>
      tpu.vector_store %arg15[%swap3A_139, %swap3A_140], %add3A_122 {strides = array<i32>} : memref<1024x128xf32, #tpu.memory_space<vmem>>, vector<1024x128xf32>,
      scf.yield %add3A_79, %reduce_sum3A_89 : i32, i32
    }
    %rem3A = arith.constant 2 : i32
    %rem3A_48 = arith.remsi %get3A_0, %rem3A : i32
    %get3A_49 = arith.index_cast %rem3A_48 : i32 to index
    %get3A_50 = arith.constant 0 : index
    %get3A_51 = arith.constant 128 : index
    %get3A_52 = vector.load %arg13[%get3A_49, %get3A_50, %get3A_51] : memref<2x1024x256xbf16, #tpu.memory_space<vmem>>, vector<1x1024x128xbf16>
    %get3A_53 = vector.shape_cast %get3A_52 : vector<1x1024x128xbf16> to vector<1024x128xbf16>
    %get3A_54 = arith.constant 0 : index
    %get3A_55 = arith.constant 0 : index
    %get3A_56 = vector.load %arg8[%get3A_54, %get3A_55] : memref<128x128xbf16, #tpu.memory_space<vmem>>, vector<128x128xbf16>
    %dot_general3A = arith.constant dense<0.000000e+00> : vector<1024x128xf32>
    %dot_general3A_57 = tpu.matmul %get3A_53, %get3A_56, %dot_general3A {dimension_numbers = #tpu.dot_dimension_numbers<[1], [0], [0], [1], [0, 0, 1, 1], [], []>, transpose_lhs_hint = false} : vector<1024x128xbf16>, vector<128x128xbf16>, vector<1024x128xf32> -> vector<1024x128xf32>
    %get3A_58 = arith.constant 0 : index
    %get3A_59 = arith.constant 0 : index
    %get3A_60 = vector.load %arg10[%get3A_58, %get3A_59] : memref<1x128xf32, #tpu.memory_space<vmem>>, vector<1x128xf32>
    %add3A = vector.broadcast %get3A_60 : vector<1x128xf32> to vector<1024x128xf32>
    %add3A_61 = arith.addf %dot_general3A_57, %add3A : vector<1024x128xf32>
    %get3A_62 = arith.constant 0 : index
    %get3A_63 = arith.constant 0 : index
    %get3A_64 = vector.load %arg2[%get3A_62, %get3A_63] : memref<1024x128xf32, #tpu.memory_space<vmem>>, vector<1024x128xf32>
    %get3A_65 = arith.constant 0 : index
    %get3A_66 = arith.constant 0 : index
    %get3A_67 = vector.load %arg9[%get3A_65, %get3A_66] : memref<128x128xf32, #tpu.memory_space<vmem>>, vector<128x128xf32>
    %dot_general3A_68 = arith.constant dense<0.000000e+00> : vector<1024x128xf32>
    %dot_general3A_69 = tpu.matmul %get3A_64, %get3A_67, %dot_general3A_68 {dimension_numbers = #tpu.dot_dimension_numbers<[1], [0], [0], [1], [0, 0, 1, 1], [], []>, transpose_lhs_hint = false} : vector<1024x128xf32>, vector<128x128xf32>, vector<1024x128xf32> -> vector<1024x128xf32>
    %add3A_70 = arith.addf %add3A_61, %dot_general3A_69 : vector<1024x128xf32>
    %max3A = arith.constant 0.000000e+00 : f32
    %max3A_71 = vector.broadcast %max3A : f32 to vector<1024x128xf32>
    %max3A_72 = arith.maximumf %add3A_70, %max3A_71 : vector<1024x128xf32>
    %swap3A_73 = arith.constant 0 : index
    %swap3A_74 = arith.constant 0 : index
    %swap3A_75 = vector.load %arg12[%swap3A_73, %swap3A_74] : memref<1024x128xf32, #tpu.memory_space<vmem>>, vector<1024x128xf32>
    tpu.vector_store %arg12[%swap3A_73, %swap3A_74], %max3A_72 {strides = array<i32>} : memref<1024x128xf32, #tpu.memory_space<vmem>>, vector<1024x128xf32>,
    return
  }
  func.func @transform_0(%arg0: i32, %arg1: memref<1xi32, #tpu.memory_space<smem>>) -> (i32, i32) {
    %c0_i32 = arith.constant 0 : i32
    %c0_i32_0 = arith.constant 0 : i32
    return %arg0, %c0_i32 : i32, i32
  }
  func.func @transform_1(%arg0: i32, %arg1: memref<1xi32, #tpu.memory_space<smem>>) -> (i32, i32) {
    %c0_i32 = arith.constant 0 : i32
    %c0_i32_0 = arith.constant 0 : i32
    return %arg0, %c0_i32 : i32, i32
  }
  func.func @transform_2(%arg0: i32, %arg1: memref<1xi32, #tpu.memory_space<smem>>) -> (i32, i32) {
    %c0_i32 = arith.constant 0 : i32
    %c0_i32_0 = arith.constant 0 : i32
    %c0_i32_1 = arith.constant 0 : i32
    return %c0_i32, %c0_i32_0 : i32, i32
  }
  func.func @transform_3(%arg0: i32, %arg1: memref<1xi32, #tpu.memory_space<smem>>) -> (i32, i32) {
    %c0_i32 = arith.constant 0 : i32
    %c0_i32_0 = arith.constant 0 : i32
    %c0_i32_1 = arith.constant 0 : i32
    return %c0_i32, %c0_i32_0 : i32, i32
  }
  func.func @transform_4(%arg0: i32, %arg1: memref<1xi32, #tpu.memory_space<smem>>) -> (i32, i32) {
    %c0_i32 = arith.constant 0 : i32
    %c0_i32_0 = arith.constant 0 : i32
    %c0_i32_1 = arith.constant 0 : i32
    return %c0_i32, %c0_i32_0 : i32, i32
  }
  func.func @transform_5(%arg0: i32, %arg1: memref<1xi32, #tpu.memory_space<smem>>) -> (i32, i32) {
    %c0_i32 = arith.constant 0 : i32
    %c0_i32_0 = arith.constant 0 : i32
    %c0_i32_1 = arith.constant 0 : i32
    return %c0_i32, %c0_i32_0 : i32, i32
  }
  func.func @transform_6(%arg0: i32, %arg1: memref<1xi32, #tpu.memory_space<smem>>) -> (i32, i32) {
    %c0_i32 = arith.constant 0 : i32
    %c0_i32_0 = arith.constant 0 : i32
    %c0_i32_1 = arith.constant 0 : i32
    return %c0_i32, %c0_i32_0 : i32, i32
  }
  func.func @transform_7(%arg0: i32, %arg1: memref<1xi32, #tpu.memory_space<smem>>) -> (i32, i32) {
    %c0_i32 = arith.constant 0 : i32
    %c0_i32_0 = arith.constant 0 : i32
    %c0_i32_1 = arith.constant 0 : i32
    return %c0_i32, %c0_i32_0 : i32, i32
  }
  func.func @transform_8(%arg0: i32, %arg1: memref<1xi32, #tpu.memory_space<smem>>) -> (i32, i32) {
    %c0_i32 = arith.constant 0 : i32
    %c0_i32_0 = arith.constant 0 : i32
    %c0_i32_1 = arith.constant 0 : i32
    return %c0_i32, %c0_i32_0 : i32, i32
  }
  func.func @transform_10(%arg0: i32, %arg1: memref<1xi32, #tpu.memory_space<smem>>) -> (i32, i32) {
    %c0_i32 = arith.constant 0 : i32
    %c0_i32_0 = arith.constant 0 : i32
    return %arg0, %c0_i32 : i32, i32
  }
}

module attributes {stable_mosaic.version = 14 : i64} {
  func.func @_lstm_kernel(%arg0: i32, %arg1: memref<1xi32, #tpu.memory_space<smem>>, %arg2: memref<1024x128xf32, #tpu.memory_space<vmem>>, %arg3: memref<1024x1xi32, #tpu.memory_space<vmem>>, %arg4: memref<80x128xi32, #tpu.memory_space<vmem>>, %arg5: memref<256x512xbf16, #tpu.memory_space<vmem>>, %arg6: memref<128x512xbf16, #tpu.memory_space<vmem>>, %arg7: memref<1x512xf32, #tpu.memory_space<vmem>>, %arg8: memref<128x128xbf16, #tpu.memory_space<vmem>>, %arg9: memref<128x128xf32, #tpu.memory_space<vmem>>, %arg10: memref<1x128xf32, #tpu.memory_space<vmem>>, %arg11: memref<327680x128xf32, #tpu.memory_space<any>>, %arg12: memref<1024x128xf32, #tpu.memory_space<vmem>>, %arg13: memref<2x1024x256xbf16, #tpu.memory_space<vmem>>, %arg14: memref<2x1024x128xf32, #tpu.memory_space<vmem>>, %arg15: memref<1024x128xf32, #tpu.memory_space<vmem>>, %arg16: memref<2x!tpu.dma_semaphore, #tpu.memory_space<semaphore_mem>>) attributes {dimension_semantics = [#tpu.dimension_semantics<arbitrary>], iteration_bounds = array<i64: 10>, scalar_prefetch = 1 : i64, scratch_operands = 4 : i64, tpu.core_type = #tpu.core_type<tc>, window_params = [{transform_indices = @transform_0, window_bounds = array<i64: 1024, 128>}, {transform_indices = @transform_1, window_bounds = array<i64: 1024, 1>}, {pipeline_mode = #tpu.pipeline_mode<synchronous>, transform_indices = @transform_2, window_bounds = array<i64: 80, 128>}, {pipeline_mode = #tpu.pipeline_mode<synchronous>, transform_indices = @transform_3, window_bounds = array<i64: 256, 512>}, {pipeline_mode = #tpu.pipeline_mode<synchronous>, transform_indices = @transform_4, window_bounds = array<i64: 128, 512>}, {pipeline_mode = #tpu.pipeline_mode<synchronous>, transform_indices = @transform_5, window_bounds = array<i64: 1, 512>}, {pipeline_mode = #tpu.pipeline_mode<synchronous>, transform_indices = @transform_6, window_bounds = array<i64: 128, 128>}, {pipeline_mode = #tpu.pipeline_mode<synchronous>, transform_indices = @transform_7, window_bounds = array<i64: 128, 128>}, {pipeline_mode = #tpu.pipeline_mode<synchronous>, transform_indices = @transform_8, window_bounds = array<i64: 1, 128>}, {}, {transform_indices = @transform_10, window_bounds = array<i64: 1024, 128>}]} {
    %get3A = arith.constant 0 : index
    %get3A_0 = memref.load %arg1[%get3A] : memref<1xi32, #tpu.memory_space<smem>>
    %mul3A = arith.constant 1024 : i32
    %mul3A_1 = arith.muli %arg0, %mul3A : i32
    %broadcast_in_dim3A = arith.constant 0.000000e+00 : f32
    %broadcast_in_dim3A_2 = vector.broadcast %broadcast_in_dim3A : f32 to vector<1024x128xf32>
    %swap3A = arith.constant 0 : index
    %swap3A_3 = arith.constant 0 : index
    %swap3A_4 = vector.load %arg15[%swap3A, %swap3A_3] : memref<1024x128xf32, #tpu.memory_space<vmem>>, vector<1024x128xf32>
    tpu.vector_store %arg15[%swap3A, %swap3A_3], %broadcast_in_dim3A_2 {strides = array<i32>} : memref<1024x128xf32, #tpu.memory_space<vmem>>, vector<1024x128xf32>,
    %broadcast_in_dim3A_5 = arith.constant 0.000000e+00 : bf16
    %broadcast_in_dim3A_6 = vector.broadcast %broadcast_in_dim3A_5 : bf16 to vector<1024x128xbf16>
    %swap3A_7 = arith.constant 0 : index
    %swap3A_8 = arith.constant 0 : index
    %swap3A_9 = arith.constant 128 : index
    %swap3A_10 = vector.load %arg13[%swap3A_7, %swap3A_8, %swap3A_9] : memref<2x1024x256xbf16, #tpu.memory_space<vmem>>, vector<1x1024x128xbf16>
    %swap3A_11 = vector.shape_cast %swap3A_10 : vector<1x1024x128xbf16> to vector<1024x128xbf16>
    %swap3A_12 = vector.shape_cast %broadcast_in_dim3A_6 : vector<1024x128xbf16> to vector<1x1024x128xbf16>
    tpu.vector_store %arg13[%swap3A_7, %swap3A_8, %swap3A_9], %swap3A_12 {strides = array<i32>} : memref<2x1024x256xbf16, #tpu.memory_space<vmem>>, vector<1x1024x128xbf16>,
    %get3A_13 = arith.constant 0 : index
    %get3A_14 = arith.constant 0 : index
    %get3A_15 = vector.load %arg3[%get3A_13, %get3A_14] : memref<1024x1xi32, #tpu.memory_space<vmem>>, vector<1024x1xi32>
    %get3A_16 = arith.constant 0 : index
    %get3A_17 = arith.constant 0 : index
    %get3A_18 = vector.load %arg4[%get3A_16, %get3A_17] : memref<80x128xi32, #tpu.memory_space<vmem>>, vector<80x128xi32>
    %get3A_19 = arith.constant 0 : index
    %get3A_20 = arith.constant 0 : index
    %get3A_21 = vector.load %arg5[%get3A_19, %get3A_20] : memref<256x512xbf16, #tpu.memory_space<vmem>>, vector<256x512xbf16>
    %get3A_22 = arith.constant 0 : index
    %get3A_23 = arith.constant 0 : index
    %get3A_24 = vector.load %arg6[%get3A_22, %get3A_23] : memref<128x512xbf16, #tpu.memory_space<vmem>>, vector<128x512xbf16>
    %get3A_25 = arith.constant 0 : index
    %get3A_26 = arith.constant 0 : index
    %get3A_27 = vector.load %arg7[%get3A_25, %get3A_26] : memref<1x512xf32, #tpu.memory_space<vmem>>, vector<1x512xf32>
    %gt3A = arith.constant 0 : i32
    %gt3A_28 = vector.broadcast %gt3A : i32 to vector<80x128xi32>
    %gt3A_29 = arith.cmpi sgt, %get3A_18, %gt3A_28 : vector<80x128xi32>
    %convert_element_type3A = arith.extui %gt3A_29 : vector<80x128xi1> to vector<80x128xi32>
    %reduce_sum3A = vector.shape_cast %convert_element_type3A : vector<80x128xi32> to vector<1x80x128xi32>
    %reduce_sum3A_30 = arith.constant dense<0> : vector<1xi32>
    %reduce_sum3A_31 = vector.multi_reduction <add>, %reduce_sum3A, %reduce_sum3A_30 [1, 2] : vector<1x80x128xi32> to vector<1xi32>
    %reduce_sum3A_32 = vector.shape_cast %reduce_sum3A_31 : vector<1xi32> to vector<1x1x1xi32>
    %reduce_sum3A_33 = vector.extract %reduce_sum3A_32[0, 0, 0] : i32 from vector<1x1x1xi32>
    %gt3A_34 = arith.cmpi sgt, %reduce_sum3A_33, %mul3A_1 : i32
    %convert_element_type3A_35 = arith.extui %gt3A_34 : i1 to i32
    %cond3A = arith.constant 0 : i32
    %cond3A_36 = arith.cmpi ne, %convert_element_type3A_35, %cond3A : i32
    scf.if %cond3A_36 {
      %min3A = arith.minsi %mul3A_1, %reduce_sum3A_33 : i32
      %rem3A_74 = arith.constant 0 : i32
      %rem3A_75 = arith.constant 2 : i32
      %rem3A_76 = arith.remsi %rem3A_74, %rem3A_75 : i32
      %dma_start3A = tpu.memref_slice %arg16[%rem3A_76] : memref<2x!tpu.dma_semaphore, #tpu.memory_space<semaphore_mem>> -> memref<1x!tpu.dma_semaphore, #tpu.memory_space<semaphore_mem>>
      %dma_start3A_77 = tpu.memref_squeeze %dma_start3A : memref<1x!tpu.dma_semaphore, #tpu.memory_space<semaphore_mem>> -> memref<!tpu.dma_semaphore, #tpu.memory_space<semaphore_mem>>
      %dma_start3A_78 = arith.constant 0 : i32
      %dma_start3A_79 = arith.constant 0 : i32
      %dma_start3A_80 = tpu.memref_slice %arg14[%rem3A_76, %dma_start3A_78, %dma_start3A_79] : memref<2x1024x128xf32, #tpu.memory_space<vmem>> -> memref<1x1024x128xf32, #tpu.memory_space<vmem>>
      %dma_start3A_81 = tpu.memref_squeeze %dma_start3A_80 : memref<1x1024x128xf32, #tpu.memory_space<vmem>> -> memref<1024x128xf32, #tpu.memory_space<vmem>>
      %dma_start3A_82 = arith.constant 0 : i32
      %dma_start3A_83 = tpu.memref_slice %arg11[%min3A, %dma_start3A_82] : memref<327680x128xf32, #tpu.memory_space<any>> -> memref<1024x128xf32, #tpu.memory_space<any>>
      tpu.enqueue_dma source(%dma_start3A_83 : memref<1024x128xf32, #tpu.memory_space<any>>) target(%dma_start3A_81 : memref<1024x128xf32, #tpu.memory_space<vmem>>) target_semaphore(%dma_start3A_77 : memref<!tpu.dma_semaphore, #tpu.memory_space<semaphore_mem>>)
    } else {
    }
    %while3A = arith.constant 0 : i32
    %while3A_37 = arith.constant 0 : i32
    %while3A_38 = arith.subi %get3A_0, %while3A : i32
    %while3A_39 = arith.addi %while3A, %while3A_38 : i32
    %while3A_40 = arith.constant 1 : i32
    %while3A_41 = arith.divsi %while3A_38, %while3A_40 : i32
    %while3A_42 = arith.muli %while3A_41, %while3A_40 : i32
    %while3A_43 = arith.addi %while3A, %while3A_42 : i32
    %while3A_44 = arith.constant 1 : i32
    %while3A_45:2 = scf.for %while3A_74 = %while3A to %while3A_43 step %while3A_44 iter_args(%while3A_75 = %while3A_37, %while3A_76 = %reduce_sum3A_33) -> (i32, i32)  : i32 {
      %add3A_77 = arith.addi %while3A_75, %while3A_76 : i32
      %add3A_78 = arith.constant 1 : i32
      %add3A_79 = arith.addi %while3A_74, %add3A_78 : i32
      %gt3A_80 = vector.broadcast %add3A_79 : i32 to vector<80x128xi32>
      %gt3A_81 = arith.cmpi sgt, %get3A_18, %gt3A_80 : vector<80x128xi32>
      %convert_element_type3A_82 = arith.extui %gt3A_81 : vector<80x128xi1> to vector<80x128xi32>
      %reduce_sum3A_83 = vector.shape_cast %convert_element_type3A_82 : vector<80x128xi32> to vector<1x80x128xi32>
      %reduce_sum3A_84 = arith.constant dense<0> : vector<1xi32>
      %reduce_sum3A_85 = vector.multi_reduction <add>, %reduce_sum3A_83, %reduce_sum3A_84 [1, 2] : vector<1x80x128xi32> to vector<1xi32>
      %reduce_sum3A_86 = vector.shape_cast %reduce_sum3A_85 : vector<1xi32> to vector<1x1x1xi32>
      %reduce_sum3A_87 = vector.extract %reduce_sum3A_86[0, 0, 0] : i32 from vector<1x1x1xi32>
      %rem3A_88 = arith.constant 2 : i32
      %rem3A_89 = arith.remsi %while3A_74, %rem3A_88 : i32
      %add3A_90 = arith.constant 1 : i32
      %add3A_91 = arith.addi %while3A_74, %add3A_90 : i32
      %lt3A = arith.cmpi slt, %add3A_91, %get3A_0 : i32
      %gt3A_92 = arith.cmpi sgt, %reduce_sum3A_87, %mul3A_1 : i32
      %and3A = arith.andi %lt3A, %gt3A_92 : i1
      %convert_element_type3A_93 = arith.extui %and3A : i1 to i32
      %cond3A_94 = arith.constant 0 : i32
      %cond3A_95 = arith.cmpi ne, %convert_element_type3A_93, %cond3A_94 : i32
      scf.if %cond3A_95 {
        %add3A_140 = arith.constant 1 : i32
        %add3A_141 = arith.addi %while3A_74, %add3A_140 : i32
        %min3A = arith.minsi %mul3A_1, %reduce_sum3A_87 : i32
        %add3A_142 = arith.addi %add3A_77, %min3A : i32
        %rem3A_143 = arith.constant 2 : i32
        %rem3A_144 = arith.remsi %add3A_141, %rem3A_143 : i32
        %dma_start3A = tpu.memref_slice %arg16[%rem3A_144] : memref<2x!tpu.dma_semaphore, #tpu.memory_space<semaphore_mem>> -> memref<1x!tpu.dma_semaphore, #tpu.memory_space<semaphore_mem>>
        %dma_start3A_145 = tpu.memref_squeeze %dma_start3A : memref<1x!tpu.dma_semaphore, #tpu.memory_space<semaphore_mem>> -> memref<!tpu.dma_semaphore, #tpu.memory_space<semaphore_mem>>
        %dma_start3A_146 = arith.constant 0 : i32
        %dma_start3A_147 = arith.constant 0 : i32
        %dma_start3A_148 = tpu.memref_slice %arg14[%rem3A_144, %dma_start3A_146, %dma_start3A_147] : memref<2x1024x128xf32, #tpu.memory_space<vmem>> -> memref<1x1024x128xf32, #tpu.memory_space<vmem>>
        %dma_start3A_149 = tpu.memref_squeeze %dma_start3A_148 : memref<1x1024x128xf32, #tpu.memory_space<vmem>> -> memref<1024x128xf32, #tpu.memory_space<vmem>>
        %dma_start3A_150 = arith.constant 0 : i32
        %dma_start3A_151 = tpu.memref_slice %arg11[%add3A_142, %dma_start3A_150] : memref<327680x128xf32, #tpu.memory_space<any>> -> memref<1024x128xf32, #tpu.memory_space<any>>
        tpu.enqueue_dma source(%dma_start3A_151 : memref<1024x128xf32, #tpu.memory_space<any>>) target(%dma_start3A_149 : memref<1024x128xf32, #tpu.memory_space<vmem>>) target_semaphore(%dma_start3A_145 : memref<!tpu.dma_semaphore, #tpu.memory_space<semaphore_mem>>)
      } else {
      }
      %gt3A_96 = arith.cmpi sgt, %while3A_76, %mul3A_1 : i32
      %convert_element_type3A_97 = arith.extui %gt3A_96 : i1 to i32
      %cond3A_98 = arith.constant 0 : i32
      %cond3A_99 = arith.cmpi ne, %convert_element_type3A_97, %cond3A_98 : i32
      %cond3A_100 = scf.if %cond3A_99 -> (vector<1024x512xf32>) {
        %min3A = arith.minsi %mul3A_1, %while3A_76 : i32
        %add3A_140 = arith.addi %while3A_75, %min3A : i32
        %dma_wait3A = tpu.memref_slice %arg16[%rem3A_89] : memref<2x!tpu.dma_semaphore, #tpu.memory_space<semaphore_mem>> -> memref<1x!tpu.dma_semaphore, #tpu.memory_space<semaphore_mem>>
        %dma_wait3A_141 = tpu.memref_squeeze %dma_wait3A : memref<1x!tpu.dma_semaphore, #tpu.memory_space<semaphore_mem>> -> memref<!tpu.dma_semaphore, #tpu.memory_space<semaphore_mem>>
        %dma_wait3A_142 = arith.constant 0 : i32
        %dma_wait3A_143 = arith.constant 0 : i32
        %dma_wait3A_144 = tpu.memref_slice %arg14[%rem3A_89, %dma_wait3A_142, %dma_wait3A_143] : memref<2x1024x128xf32, #tpu.memory_space<vmem>> -> memref<1x1024x128xf32, #tpu.memory_space<vmem>>
        %dma_wait3A_145 = tpu.memref_squeeze %dma_wait3A_144 : memref<1x1024x128xf32, #tpu.memory_space<vmem>> -> memref<1024x128xf32, #tpu.memory_space<vmem>>
        %dma_wait3A_146 = arith.constant 0 : i32
        %dma_wait3A_147 = tpu.memref_slice %arg11[%add3A_140, %dma_wait3A_146] : memref<327680x128xf32, #tpu.memory_space<any>> -> memref<1024x128xf32, #tpu.memory_space<any>>
        tpu.wait_dma2 semaphore(%dma_wait3A_141 : memref<!tpu.dma_semaphore, #tpu.memory_space<semaphore_mem>>) src(%dma_wait3A_147 : memref<1024x128xf32, #tpu.memory_space<any>>) dst(%dma_wait3A_145 : memref<1024x128xf32, #tpu.memory_space<vmem>>)
        %get3A_148 = arith.index_cast %rem3A_89 : i32 to index
        %get3A_149 = arith.constant 0 : index
        %get3A_150 = arith.constant 0 : index
        %get3A_151 = vector.load %arg14[%get3A_148, %get3A_149, %get3A_150] : memref<2x1024x128xf32, #tpu.memory_space<vmem>>, vector<1x1024x128xf32>
        %get3A_152 = vector.shape_cast %get3A_151 : vector<1x1024x128xf32> to vector<1024x128xf32>
        %convert_element_type3A_153 = arith.truncf %get3A_152 : vector<1024x128xf32> to vector<1024x128xbf16>
        %add3A_154 = arith.constant 1024 : i32
        %add3A_155 = arith.addi %mul3A_1, %add3A_154 : i32
        %ge3A = arith.cmpi sge, %while3A_76, %add3A_155 : i32
        %convert_element_type3A_156 = arith.extui %ge3A : i1 to i32
        %cond3A_157 = arith.constant 0 : i32
        %cond3A_158 = arith.cmpi ne, %convert_element_type3A_156, %cond3A_157 : i32
        scf.if %cond3A_158 {
          %swap3A_174 = arith.index_cast %rem3A_89 : i32 to index
          %swap3A_175 = arith.constant 0 : index
          %swap3A_176 = arith.constant 0 : index
          %swap3A_177 = vector.load %arg13[%swap3A_174, %swap3A_175, %swap3A_176] : memref<2x1024x256xbf16, #tpu.memory_space<vmem>>, vector<1x1024x128xbf16>
          %swap3A_178 = vector.shape_cast %swap3A_177 : vector<1x1024x128xbf16> to vector<1024x128xbf16>
          %swap3A_179 = vector.shape_cast %convert_element_type3A_153 : vector<1024x128xbf16> to vector<1x1024x128xbf16>
          tpu.vector_store %arg13[%swap3A_174, %swap3A_175, %swap3A_176], %swap3A_179 {strides = array<i32>} : memref<2x1024x256xbf16, #tpu.memory_space<vmem>>, vector<1x1024x128xbf16>,
        } else {
        }
        %add3A_159 = arith.constant 1024 : i32
        %add3A_160 = arith.addi %mul3A_1, %add3A_159 : i32
        %lt3A_161 = arith.cmpi slt, %while3A_76, %add3A_160 : i32
        %convert_element_type3A_162 = arith.extui %lt3A_161 : i1 to i32
        %cond3A_163 = arith.constant 0 : i32
        %cond3A_164 = arith.cmpi ne, %convert_element_type3A_162, %cond3A_163 : i32
        scf.if %cond3A_164 {
          %gt3A_174 = vector.broadcast %while3A_74 : i32 to vector<1024x1xi32>
          %gt3A_175 = arith.cmpi sgt, %get3A_15, %gt3A_174 : vector<1024x1xi32>
          %jit3A = arith.constant 0.000000e+00 : bf16
          %broadcast_in_dim3A_176 = vector.shape_cast %gt3A_175 : vector<1024x1xi1> to vector<1024x1xi1>
          %broadcast_in_dim3A_177 = vector.broadcast %broadcast_in_dim3A_176 : vector<1024x1xi1> to vector<1024x128xi1>
          %broadcast_in_dim3A_178 = vector.broadcast %jit3A : bf16 to vector<1024x128xbf16>
          %select_n3A = arith.select %broadcast_in_dim3A_177, %convert_element_type3A_153, %broadcast_in_dim3A_178 : vector<1024x128xi1>, vector<1024x128xbf16>
          %swap3A_179 = arith.index_cast %rem3A_89 : i32 to index
          %swap3A_180 = arith.constant 0 : index
          %swap3A_181 = arith.constant 0 : index
          %swap3A_182 = vector.load %arg13[%swap3A_179, %swap3A_180, %swap3A_181] : memref<2x1024x256xbf16, #tpu.memory_space<vmem>>, vector<1x1024x128xbf16>
          %swap3A_183 = vector.shape_cast %swap3A_182 : vector<1x1024x128xbf16> to vector<1024x128xbf16>
          %swap3A_184 = vector.shape_cast %select_n3A : vector<1024x128xbf16> to vector<1x1024x128xbf16>
          tpu.vector_store %arg13[%swap3A_179, %swap3A_180, %swap3A_181], %swap3A_184 {strides = array<i32>} : memref<2x1024x256xbf16, #tpu.memory_space<vmem>>, vector<1x1024x128xbf16>,
        } else {
        }
        %get3A_165 = arith.index_cast %rem3A_89 : i32 to index
        %get3A_166 = arith.constant 0 : index
        %get3A_167 = arith.constant 0 : index
        %get3A_168 = vector.load %arg13[%get3A_165, %get3A_166, %get3A_167] : memref<2x1024x256xbf16, #tpu.memory_space<vmem>>, vector<1x1024x256xbf16>
        %get3A_169 = vector.shape_cast %get3A_168 : vector<1x1024x256xbf16> to vector<1024x256xbf16>
        %dot_general3A_170 = arith.constant dense<0.000000e+00> : vector<1024x512xf32>
        %dot_general3A_171 = tpu.matmul %get3A_169, %get3A_21, %dot_general3A_170 {dimension_numbers = #tpu.dot_dimension_numbers<[1], [0], [0], [1], [0, 0, 1, 1], [], []>, transpose_lhs_hint = false} : vector<1024x256xbf16>, vector<256x512xbf16>, vector<1024x512xf32> -> vector<1024x512xf32>
        %add3A_172 = vector.broadcast %get3A_27 : vector<1x512xf32> to vector<1024x512xf32>
        %add3A_173 = arith.addf %dot_general3A_171, %add3A_172 : vector<1024x512xf32>
        scf.yield %add3A_173 : vector<1024x512xf32>
      } else {
        %get3A_140 = arith.index_cast %rem3A_89 : i32 to index
        %get3A_141 = arith.constant 0 : index
        %get3A_142 = arith.constant 128 : index
        %get3A_143 = vector.load %arg13[%get3A_140, %get3A_141, %get3A_142] : memref<2x1024x256xbf16, #tpu.memory_space<vmem>>, vector<1x1024x128xbf16>
        %get3A_144 = vector.shape_cast %get3A_143 : vector<1x1024x128xbf16> to vector<1024x128xbf16>
        %dot_general3A_145 = arith.constant dense<0.000000e+00> : vector<1024x512xf32>
        %dot_general3A_146 = tpu.matmul %get3A_144, %get3A_24, %dot_general3A_145 {dimension_numbers = #tpu.dot_dimension_numbers<[1], [0], [0], [1], [0, 0, 1, 1], [], []>, transpose_lhs_hint = false} : vector<1024x128xbf16>, vector<128x512xbf16>, vector<1024x512xf32> -> vector<1024x512xf32>
        %add3A_147 = vector.broadcast %get3A_27 : vector<1x512xf32> to vector<1024x512xf32>
        %add3A_148 = arith.addf %dot_general3A_146, %add3A_147 : vector<1024x512xf32>
        scf.yield %add3A_148 : vector<1024x512xf32>
      }
      %slice3A = vector.extract_strided_slice %cond3A_100 {offsets = [0, 0], sizes = [1024, 128], strides = [1, 1]} : vector<1024x512xf32> to vector<1024x128xf32>
      %slice3A_101 = vector.extract_strided_slice %cond3A_100 {offsets = [0, 128], sizes = [1024, 128], strides = [1, 1]} : vector<1024x512xf32> to vector<1024x128xf32>
      %slice3A_102 = vector.extract_strided_slice %cond3A_100 {offsets = [0, 256], sizes = [1024, 128], strides = [1, 1]} : vector<1024x512xf32> to vector<1024x128xf32>
      %slice3A_103 = vector.extract_strided_slice %cond3A_100 {offsets = [0, 384], sizes = [1024, 128], strides = [1, 1]} : vector<1024x512xf32> to vector<1024x128xf32>
      %logistic3A = arith.negf %slice3A_101 : vector<1024x128xf32>
      %logistic3A_104 = math.exp %logistic3A : vector<1024x128xf32>
      %logistic3A_105 = arith.constant 1.000000e+00 : f32
      %logistic3A_106 = vector.broadcast %logistic3A_105 : f32 to vector<1024x128xf32>
      %logistic3A_107 = arith.addf %logistic3A_106, %logistic3A_104 : vector<1024x128xf32>
      %logistic3A_108 = arith.divf %logistic3A_106, %logistic3A_107 : vector<1024x128xf32>
      %get3A_109 = arith.constant 0 : index
      %get3A_110 = arith.constant 0 : index
      %get3A_111 = vector.load %arg15[%get3A_109, %get3A_110] : memref<1024x128xf32, #tpu.memory_space<vmem>>, vector<1024x128xf32>
      %mul3A_112 = arith.mulf %logistic3A_108, %get3A_111 : vector<1024x128xf32>
      %logistic3A_113 = arith.negf %slice3A : vector<1024x128xf32>
      %logistic3A_114 = math.exp %logistic3A_113 : vector<1024x128xf32>
      %logistic3A_115 = arith.constant 1.000000e+00 : f32
      %logistic3A_116 = vector.broadcast %logistic3A_115 : f32 to vector<1024x128xf32>
      %logistic3A_117 = arith.addf %logistic3A_116, %logistic3A_114 : vector<1024x128xf32>
      %logistic3A_118 = arith.divf %logistic3A_116, %logistic3A_117 : vector<1024x128xf32>
      %tanh3A = math.tanh %slice3A_102 : vector<1024x128xf32>
      %mul3A_119 = arith.mulf %logistic3A_118, %tanh3A : vector<1024x128xf32>
      %add3A_120 = arith.addf %mul3A_112, %mul3A_119 : vector<1024x128xf32>
      %logistic3A_121 = arith.negf %slice3A_103 : vector<1024x128xf32>
      %logistic3A_122 = math.exp %logistic3A_121 : vector<1024x128xf32>
      %logistic3A_123 = arith.constant 1.000000e+00 : f32
      %logistic3A_124 = vector.broadcast %logistic3A_123 : f32 to vector<1024x128xf32>
      %logistic3A_125 = arith.addf %logistic3A_124, %logistic3A_122 : vector<1024x128xf32>
      %logistic3A_126 = arith.divf %logistic3A_124, %logistic3A_125 : vector<1024x128xf32>
      %tanh3A_127 = math.tanh %add3A_120 : vector<1024x128xf32>
      %mul3A_128 = arith.mulf %logistic3A_126, %tanh3A_127 : vector<1024x128xf32>
      %convert_element_type3A_129 = arith.truncf %mul3A_128 : vector<1024x128xf32> to vector<1024x128xbf16>
      %sub3A = arith.constant 1 : i32
      %sub3A_130 = arith.subi %sub3A, %rem3A_89 : i32
      %swap3A_131 = arith.index_cast %sub3A_130 : i32 to index
      %swap3A_132 = arith.constant 0 : index
      %swap3A_133 = arith.constant 128 : index
      %swap3A_134 = vector.load %arg13[%swap3A_131, %swap3A_132, %swap3A_133] : memref<2x1024x256xbf16, #tpu.memory_space<vmem>>, vector<1x1024x128xbf16>
      %swap3A_135 = vector.shape_cast %swap3A_134 : vector<1x1024x128xbf16> to vector<1024x128xbf16>
      %swap3A_136 = vector.shape_cast %convert_element_type3A_129 : vector<1024x128xbf16> to vector<1x1024x128xbf16>
      tpu.vector_store %arg13[%swap3A_131, %swap3A_132, %swap3A_133], %swap3A_136 {strides = array<i32>} : memref<2x1024x256xbf16, #tpu.memory_space<vmem>>, vector<1x1024x128xbf16>,
      %swap3A_137 = arith.constant 0 : index
      %swap3A_138 = arith.constant 0 : index
      %swap3A_139 = vector.load %arg15[%swap3A_137, %swap3A_138] : memref<1024x128xf32, #tpu.memory_space<vmem>>, vector<1024x128xf32>
      tpu.vector_store %arg15[%swap3A_137, %swap3A_138], %add3A_120 {strides = array<i32>} : memref<1024x128xf32, #tpu.memory_space<vmem>>, vector<1024x128xf32>,
      scf.yield %add3A_77, %reduce_sum3A_87 : i32, i32
    }
    %while3A_46 = arith.constant 1 : i32
    %while3A_47:2 = scf.for %while3A_74 = %while3A_43 to %while3A_39 step %while3A_46 iter_args(%while3A_75 = %while3A_45#0, %while3A_76 = %while3A_45#1) -> (i32, i32)  : i32 {
      %add3A_77 = arith.addi %while3A_75, %while3A_76 : i32
      %add3A_78 = arith.constant 1 : i32
      %add3A_79 = arith.addi %while3A_74, %add3A_78 : i32
      %gt3A_80 = vector.broadcast %add3A_79 : i32 to vector<80x128xi32>
      %gt3A_81 = arith.cmpi sgt, %get3A_18, %gt3A_80 : vector<80x128xi32>
      %convert_element_type3A_82 = arith.extui %gt3A_81 : vector<80x128xi1> to vector<80x128xi32>
      %reduce_sum3A_83 = vector.shape_cast %convert_element_type3A_82 : vector<80x128xi32> to vector<1x80x128xi32>
      %reduce_sum3A_84 = arith.constant dense<0> : vector<1xi32>
      %reduce_sum3A_85 = vector.multi_reduction <add>, %reduce_sum3A_83, %reduce_sum3A_84 [1, 2] : vector<1x80x128xi32> to vector<1xi32>
      %reduce_sum3A_86 = vector.shape_cast %reduce_sum3A_85 : vector<1xi32> to vector<1x1x1xi32>
      %reduce_sum3A_87 = vector.extract %reduce_sum3A_86[0, 0, 0] : i32 from vector<1x1x1xi32>
      %rem3A_88 = arith.constant 2 : i32
      %rem3A_89 = arith.remsi %while3A_74, %rem3A_88 : i32
      %add3A_90 = arith.constant 1 : i32
      %add3A_91 = arith.addi %while3A_74, %add3A_90 : i32
      %lt3A = arith.cmpi slt, %add3A_91, %get3A_0 : i32
      %gt3A_92 = arith.cmpi sgt, %reduce_sum3A_87, %mul3A_1 : i32
      %and3A = arith.andi %lt3A, %gt3A_92 : i1
      %convert_element_type3A_93 = arith.extui %and3A : i1 to i32
      %cond3A_94 = arith.constant 0 : i32
      %cond3A_95 = arith.cmpi ne, %convert_element_type3A_93, %cond3A_94 : i32
      scf.if %cond3A_95 {
        %add3A_140 = arith.constant 1 : i32
        %add3A_141 = arith.addi %while3A_74, %add3A_140 : i32
        %min3A = arith.minsi %mul3A_1, %reduce_sum3A_87 : i32
        %add3A_142 = arith.addi %add3A_77, %min3A : i32
        %rem3A_143 = arith.constant 2 : i32
        %rem3A_144 = arith.remsi %add3A_141, %rem3A_143 : i32
        %dma_start3A = tpu.memref_slice %arg16[%rem3A_144] : memref<2x!tpu.dma_semaphore, #tpu.memory_space<semaphore_mem>> -> memref<1x!tpu.dma_semaphore, #tpu.memory_space<semaphore_mem>>
        %dma_start3A_145 = tpu.memref_squeeze %dma_start3A : memref<1x!tpu.dma_semaphore, #tpu.memory_space<semaphore_mem>> -> memref<!tpu.dma_semaphore, #tpu.memory_space<semaphore_mem>>
        %dma_start3A_146 = arith.constant 0 : i32
        %dma_start3A_147 = arith.constant 0 : i32
        %dma_start3A_148 = tpu.memref_slice %arg14[%rem3A_144, %dma_start3A_146, %dma_start3A_147] : memref<2x1024x128xf32, #tpu.memory_space<vmem>> -> memref<1x1024x128xf32, #tpu.memory_space<vmem>>
        %dma_start3A_149 = tpu.memref_squeeze %dma_start3A_148 : memref<1x1024x128xf32, #tpu.memory_space<vmem>> -> memref<1024x128xf32, #tpu.memory_space<vmem>>
        %dma_start3A_150 = arith.constant 0 : i32
        %dma_start3A_151 = tpu.memref_slice %arg11[%add3A_142, %dma_start3A_150] : memref<327680x128xf32, #tpu.memory_space<any>> -> memref<1024x128xf32, #tpu.memory_space<any>>
        tpu.enqueue_dma source(%dma_start3A_151 : memref<1024x128xf32, #tpu.memory_space<any>>) target(%dma_start3A_149 : memref<1024x128xf32, #tpu.memory_space<vmem>>) target_semaphore(%dma_start3A_145 : memref<!tpu.dma_semaphore, #tpu.memory_space<semaphore_mem>>)
      } else {
      }
      %gt3A_96 = arith.cmpi sgt, %while3A_76, %mul3A_1 : i32
      %convert_element_type3A_97 = arith.extui %gt3A_96 : i1 to i32
      %cond3A_98 = arith.constant 0 : i32
      %cond3A_99 = arith.cmpi ne, %convert_element_type3A_97, %cond3A_98 : i32
      %cond3A_100 = scf.if %cond3A_99 -> (vector<1024x512xf32>) {
        %min3A = arith.minsi %mul3A_1, %while3A_76 : i32
        %add3A_140 = arith.addi %while3A_75, %min3A : i32
        %dma_wait3A = tpu.memref_slice %arg16[%rem3A_89] : memref<2x!tpu.dma_semaphore, #tpu.memory_space<semaphore_mem>> -> memref<1x!tpu.dma_semaphore, #tpu.memory_space<semaphore_mem>>
        %dma_wait3A_141 = tpu.memref_squeeze %dma_wait3A : memref<1x!tpu.dma_semaphore, #tpu.memory_space<semaphore_mem>> -> memref<!tpu.dma_semaphore, #tpu.memory_space<semaphore_mem>>
        %dma_wait3A_142 = arith.constant 0 : i32
        %dma_wait3A_143 = arith.constant 0 : i32
        %dma_wait3A_144 = tpu.memref_slice %arg14[%rem3A_89, %dma_wait3A_142, %dma_wait3A_143] : memref<2x1024x128xf32, #tpu.memory_space<vmem>> -> memref<1x1024x128xf32, #tpu.memory_space<vmem>>
        %dma_wait3A_145 = tpu.memref_squeeze %dma_wait3A_144 : memref<1x1024x128xf32, #tpu.memory_space<vmem>> -> memref<1024x128xf32, #tpu.memory_space<vmem>>
        %dma_wait3A_146 = arith.constant 0 : i32
        %dma_wait3A_147 = tpu.memref_slice %arg11[%add3A_140, %dma_wait3A_146] : memref<327680x128xf32, #tpu.memory_space<any>> -> memref<1024x128xf32, #tpu.memory_space<any>>
        tpu.wait_dma2 semaphore(%dma_wait3A_141 : memref<!tpu.dma_semaphore, #tpu.memory_space<semaphore_mem>>) src(%dma_wait3A_147 : memref<1024x128xf32, #tpu.memory_space<any>>) dst(%dma_wait3A_145 : memref<1024x128xf32, #tpu.memory_space<vmem>>)
        %get3A_148 = arith.index_cast %rem3A_89 : i32 to index
        %get3A_149 = arith.constant 0 : index
        %get3A_150 = arith.constant 0 : index
        %get3A_151 = vector.load %arg14[%get3A_148, %get3A_149, %get3A_150] : memref<2x1024x128xf32, #tpu.memory_space<vmem>>, vector<1x1024x128xf32>
        %get3A_152 = vector.shape_cast %get3A_151 : vector<1x1024x128xf32> to vector<1024x128xf32>
        %convert_element_type3A_153 = arith.truncf %get3A_152 : vector<1024x128xf32> to vector<1024x128xbf16>
        %add3A_154 = arith.constant 1024 : i32
        %add3A_155 = arith.addi %mul3A_1, %add3A_154 : i32
        %ge3A = arith.cmpi sge, %while3A_76, %add3A_155 : i32
        %convert_element_type3A_156 = arith.extui %ge3A : i1 to i32
        %cond3A_157 = arith.constant 0 : i32
        %cond3A_158 = arith.cmpi ne, %convert_element_type3A_156, %cond3A_157 : i32
        scf.if %cond3A_158 {
          %swap3A_174 = arith.index_cast %rem3A_89 : i32 to index
          %swap3A_175 = arith.constant 0 : index
          %swap3A_176 = arith.constant 0 : index
          %swap3A_177 = vector.load %arg13[%swap3A_174, %swap3A_175, %swap3A_176] : memref<2x1024x256xbf16, #tpu.memory_space<vmem>>, vector<1x1024x128xbf16>
          %swap3A_178 = vector.shape_cast %swap3A_177 : vector<1x1024x128xbf16> to vector<1024x128xbf16>
          %swap3A_179 = vector.shape_cast %convert_element_type3A_153 : vector<1024x128xbf16> to vector<1x1024x128xbf16>
          tpu.vector_store %arg13[%swap3A_174, %swap3A_175, %swap3A_176], %swap3A_179 {strides = array<i32>} : memref<2x1024x256xbf16, #tpu.memory_space<vmem>>, vector<1x1024x128xbf16>,
        } else {
        }
        %add3A_159 = arith.constant 1024 : i32
        %add3A_160 = arith.addi %mul3A_1, %add3A_159 : i32
        %lt3A_161 = arith.cmpi slt, %while3A_76, %add3A_160 : i32
        %convert_element_type3A_162 = arith.extui %lt3A_161 : i1 to i32
        %cond3A_163 = arith.constant 0 : i32
        %cond3A_164 = arith.cmpi ne, %convert_element_type3A_162, %cond3A_163 : i32
        scf.if %cond3A_164 {
          %gt3A_174 = vector.broadcast %while3A_74 : i32 to vector<1024x1xi32>
          %gt3A_175 = arith.cmpi sgt, %get3A_15, %gt3A_174 : vector<1024x1xi32>
          %jit3A = arith.constant 0.000000e+00 : bf16
          %broadcast_in_dim3A_176 = vector.shape_cast %gt3A_175 : vector<1024x1xi1> to vector<1024x1xi1>
          %broadcast_in_dim3A_177 = vector.broadcast %broadcast_in_dim3A_176 : vector<1024x1xi1> to vector<1024x128xi1>
          %broadcast_in_dim3A_178 = vector.broadcast %jit3A : bf16 to vector<1024x128xbf16>
          %select_n3A = arith.select %broadcast_in_dim3A_177, %convert_element_type3A_153, %broadcast_in_dim3A_178 : vector<1024x128xi1>, vector<1024x128xbf16>
          %swap3A_179 = arith.index_cast %rem3A_89 : i32 to index
          %swap3A_180 = arith.constant 0 : index
          %swap3A_181 = arith.constant 0 : index
          %swap3A_182 = vector.load %arg13[%swap3A_179, %swap3A_180, %swap3A_181] : memref<2x1024x256xbf16, #tpu.memory_space<vmem>>, vector<1x1024x128xbf16>
          %swap3A_183 = vector.shape_cast %swap3A_182 : vector<1x1024x128xbf16> to vector<1024x128xbf16>
          %swap3A_184 = vector.shape_cast %select_n3A : vector<1024x128xbf16> to vector<1x1024x128xbf16>
          tpu.vector_store %arg13[%swap3A_179, %swap3A_180, %swap3A_181], %swap3A_184 {strides = array<i32>} : memref<2x1024x256xbf16, #tpu.memory_space<vmem>>, vector<1x1024x128xbf16>,
        } else {
        }
        %get3A_165 = arith.index_cast %rem3A_89 : i32 to index
        %get3A_166 = arith.constant 0 : index
        %get3A_167 = arith.constant 0 : index
        %get3A_168 = vector.load %arg13[%get3A_165, %get3A_166, %get3A_167] : memref<2x1024x256xbf16, #tpu.memory_space<vmem>>, vector<1x1024x256xbf16>
        %get3A_169 = vector.shape_cast %get3A_168 : vector<1x1024x256xbf16> to vector<1024x256xbf16>
        %dot_general3A_170 = arith.constant dense<0.000000e+00> : vector<1024x512xf32>
        %dot_general3A_171 = tpu.matmul %get3A_169, %get3A_21, %dot_general3A_170 {dimension_numbers = #tpu.dot_dimension_numbers<[1], [0], [0], [1], [0, 0, 1, 1], [], []>, transpose_lhs_hint = false} : vector<1024x256xbf16>, vector<256x512xbf16>, vector<1024x512xf32> -> vector<1024x512xf32>
        %add3A_172 = vector.broadcast %get3A_27 : vector<1x512xf32> to vector<1024x512xf32>
        %add3A_173 = arith.addf %dot_general3A_171, %add3A_172 : vector<1024x512xf32>
        scf.yield %add3A_173 : vector<1024x512xf32>
      } else {
        %get3A_140 = arith.index_cast %rem3A_89 : i32 to index
        %get3A_141 = arith.constant 0 : index
        %get3A_142 = arith.constant 128 : index
        %get3A_143 = vector.load %arg13[%get3A_140, %get3A_141, %get3A_142] : memref<2x1024x256xbf16, #tpu.memory_space<vmem>>, vector<1x1024x128xbf16>
        %get3A_144 = vector.shape_cast %get3A_143 : vector<1x1024x128xbf16> to vector<1024x128xbf16>
        %dot_general3A_145 = arith.constant dense<0.000000e+00> : vector<1024x512xf32>
        %dot_general3A_146 = tpu.matmul %get3A_144, %get3A_24, %dot_general3A_145 {dimension_numbers = #tpu.dot_dimension_numbers<[1], [0], [0], [1], [0, 0, 1, 1], [], []>, transpose_lhs_hint = false} : vector<1024x128xbf16>, vector<128x512xbf16>, vector<1024x512xf32> -> vector<1024x512xf32>
        %add3A_147 = vector.broadcast %get3A_27 : vector<1x512xf32> to vector<1024x512xf32>
        %add3A_148 = arith.addf %dot_general3A_146, %add3A_147 : vector<1024x512xf32>
        scf.yield %add3A_148 : vector<1024x512xf32>
      }
      %slice3A = vector.extract_strided_slice %cond3A_100 {offsets = [0, 0], sizes = [1024, 128], strides = [1, 1]} : vector<1024x512xf32> to vector<1024x128xf32>
      %slice3A_101 = vector.extract_strided_slice %cond3A_100 {offsets = [0, 128], sizes = [1024, 128], strides = [1, 1]} : vector<1024x512xf32> to vector<1024x128xf32>
      %slice3A_102 = vector.extract_strided_slice %cond3A_100 {offsets = [0, 256], sizes = [1024, 128], strides = [1, 1]} : vector<1024x512xf32> to vector<1024x128xf32>
      %slice3A_103 = vector.extract_strided_slice %cond3A_100 {offsets = [0, 384], sizes = [1024, 128], strides = [1, 1]} : vector<1024x512xf32> to vector<1024x128xf32>
      %logistic3A = arith.negf %slice3A_101 : vector<1024x128xf32>
      %logistic3A_104 = math.exp %logistic3A : vector<1024x128xf32>
      %logistic3A_105 = arith.constant 1.000000e+00 : f32
      %logistic3A_106 = vector.broadcast %logistic3A_105 : f32 to vector<1024x128xf32>
      %logistic3A_107 = arith.addf %logistic3A_106, %logistic3A_104 : vector<1024x128xf32>
      %logistic3A_108 = arith.divf %logistic3A_106, %logistic3A_107 : vector<1024x128xf32>
      %get3A_109 = arith.constant 0 : index
      %get3A_110 = arith.constant 0 : index
      %get3A_111 = vector.load %arg15[%get3A_109, %get3A_110] : memref<1024x128xf32, #tpu.memory_space<vmem>>, vector<1024x128xf32>
      %mul3A_112 = arith.mulf %logistic3A_108, %get3A_111 : vector<1024x128xf32>
      %logistic3A_113 = arith.negf %slice3A : vector<1024x128xf32>
      %logistic3A_114 = math.exp %logistic3A_113 : vector<1024x128xf32>
      %logistic3A_115 = arith.constant 1.000000e+00 : f32
      %logistic3A_116 = vector.broadcast %logistic3A_115 : f32 to vector<1024x128xf32>
      %logistic3A_117 = arith.addf %logistic3A_116, %logistic3A_114 : vector<1024x128xf32>
      %logistic3A_118 = arith.divf %logistic3A_116, %logistic3A_117 : vector<1024x128xf32>
      %tanh3A = math.tanh %slice3A_102 : vector<1024x128xf32>
      %mul3A_119 = arith.mulf %logistic3A_118, %tanh3A : vector<1024x128xf32>
      %add3A_120 = arith.addf %mul3A_112, %mul3A_119 : vector<1024x128xf32>
      %logistic3A_121 = arith.negf %slice3A_103 : vector<1024x128xf32>
      %logistic3A_122 = math.exp %logistic3A_121 : vector<1024x128xf32>
      %logistic3A_123 = arith.constant 1.000000e+00 : f32
      %logistic3A_124 = vector.broadcast %logistic3A_123 : f32 to vector<1024x128xf32>
      %logistic3A_125 = arith.addf %logistic3A_124, %logistic3A_122 : vector<1024x128xf32>
      %logistic3A_126 = arith.divf %logistic3A_124, %logistic3A_125 : vector<1024x128xf32>
      %tanh3A_127 = math.tanh %add3A_120 : vector<1024x128xf32>
      %mul3A_128 = arith.mulf %logistic3A_126, %tanh3A_127 : vector<1024x128xf32>
      %convert_element_type3A_129 = arith.truncf %mul3A_128 : vector<1024x128xf32> to vector<1024x128xbf16>
      %sub3A = arith.constant 1 : i32
      %sub3A_130 = arith.subi %sub3A, %rem3A_89 : i32
      %swap3A_131 = arith.index_cast %sub3A_130 : i32 to index
      %swap3A_132 = arith.constant 0 : index
      %swap3A_133 = arith.constant 128 : index
      %swap3A_134 = vector.load %arg13[%swap3A_131, %swap3A_132, %swap3A_133] : memref<2x1024x256xbf16, #tpu.memory_space<vmem>>, vector<1x1024x128xbf16>
      %swap3A_135 = vector.shape_cast %swap3A_134 : vector<1x1024x128xbf16> to vector<1024x128xbf16>
      %swap3A_136 = vector.shape_cast %convert_element_type3A_129 : vector<1024x128xbf16> to vector<1x1024x128xbf16>
      tpu.vector_store %arg13[%swap3A_131, %swap3A_132, %swap3A_133], %swap3A_136 {strides = array<i32>} : memref<2x1024x256xbf16, #tpu.memory_space<vmem>>, vector<1x1024x128xbf16>,
      %swap3A_137 = arith.constant 0 : index
      %swap3A_138 = arith.constant 0 : index
      %swap3A_139 = vector.load %arg15[%swap3A_137, %swap3A_138] : memref<1024x128xf32, #tpu.memory_space<vmem>>, vector<1024x128xf32>
      tpu.vector_store %arg15[%swap3A_137, %swap3A_138], %add3A_120 {strides = array<i32>} : memref<1024x128xf32, #tpu.memory_space<vmem>>, vector<1024x128xf32>,
      scf.yield %add3A_77, %reduce_sum3A_87 : i32, i32
    }
    %rem3A = arith.constant 2 : i32
    %rem3A_48 = arith.remsi %get3A_0, %rem3A : i32
    %get3A_49 = arith.index_cast %rem3A_48 : i32 to index
    %get3A_50 = arith.constant 0 : index
    %get3A_51 = arith.constant 128 : index
    %get3A_52 = vector.load %arg13[%get3A_49, %get3A_50, %get3A_51] : memref<2x1024x256xbf16, #tpu.memory_space<vmem>>, vector<1x1024x128xbf16>
    %get3A_53 = vector.shape_cast %get3A_52 : vector<1x1024x128xbf16> to vector<1024x128xbf16>
    %get3A_54 = arith.constant 0 : index
    %get3A_55 = arith.constant 0 : index
    %get3A_56 = vector.load %arg8[%get3A_54, %get3A_55] : memref<128x128xbf16, #tpu.memory_space<vmem>>, vector<128x128xbf16>
    %dot_general3A = arith.constant dense<0.000000e+00> : vector<1024x128xf32>
    %dot_general3A_57 = tpu.matmul %get3A_53, %get3A_56, %dot_general3A {dimension_numbers = #tpu.dot_dimension_numbers<[1], [0], [0], [1], [0, 0, 1, 1], [], []>, transpose_lhs_hint = false} : vector<1024x128xbf16>, vector<128x128xbf16>, vector<1024x128xf32> -> vector<1024x128xf32>
    %get3A_58 = arith.constant 0 : index
    %get3A_59 = arith.constant 0 : index
    %get3A_60 = vector.load %arg10[%get3A_58, %get3A_59] : memref<1x128xf32, #tpu.memory_space<vmem>>, vector<1x128xf32>
    %add3A = vector.broadcast %get3A_60 : vector<1x128xf32> to vector<1024x128xf32>
    %add3A_61 = arith.addf %dot_general3A_57, %add3A : vector<1024x128xf32>
    %get3A_62 = arith.constant 0 : index
    %get3A_63 = arith.constant 0 : index
    %get3A_64 = vector.load %arg2[%get3A_62, %get3A_63] : memref<1024x128xf32, #tpu.memory_space<vmem>>, vector<1024x128xf32>
    %get3A_65 = arith.constant 0 : index
    %get3A_66 = arith.constant 0 : index
    %get3A_67 = vector.load %arg9[%get3A_65, %get3A_66] : memref<128x128xf32, #tpu.memory_space<vmem>>, vector<128x128xf32>
    %dot_general3A_68 = arith.constant dense<0.000000e+00> : vector<1024x128xf32>
    %dot_general3A_69 = tpu.matmul %get3A_64, %get3A_67, %dot_general3A_68 {dimension_numbers = #tpu.dot_dimension_numbers<[1], [0], [0], [1], [0, 0, 1, 1], [], []>, transpose_lhs_hint = false} : vector<1024x128xf32>, vector<128x128xf32>, vector<1024x128xf32> -> vector<1024x128xf32>
    %add3A_70 = arith.addf %add3A_61, %dot_general3A_69 : vector<1024x128xf32>
    %swap3A_71 = arith.constant 0 : index
    %swap3A_72 = arith.constant 0 : index
    %swap3A_73 = vector.load %arg12[%swap3A_71, %swap3A_72] : memref<1024x128xf32, #tpu.memory_space<vmem>>, vector<1024x128xf32>
    tpu.vector_store %arg12[%swap3A_71, %swap3A_72], %add3A_70 {strides = array<i32>} : memref<1024x128xf32, #tpu.memory_space<vmem>>, vector<1024x128xf32>,
    return
  }
  func.func @transform_0(%arg0: i32, %arg1: memref<1xi32, #tpu.memory_space<smem>>) -> (i32, i32) {
    %c0_i32 = arith.constant 0 : i32
    %c0_i32_0 = arith.constant 0 : i32
    return %arg0, %c0_i32 : i32, i32
  }
  func.func @transform_1(%arg0: i32, %arg1: memref<1xi32, #tpu.memory_space<smem>>) -> (i32, i32) {
    %c0_i32 = arith.constant 0 : i32
    %c0_i32_0 = arith.constant 0 : i32
    return %arg0, %c0_i32 : i32, i32
  }
  func.func @transform_2(%arg0: i32, %arg1: memref<1xi32, #tpu.memory_space<smem>>) -> (i32, i32) {
    %c0_i32 = arith.constant 0 : i32
    %c0_i32_0 = arith.constant 0 : i32
    %c0_i32_1 = arith.constant 0 : i32
    return %c0_i32, %c0_i32_0 : i32, i32
  }
  func.func @transform_3(%arg0: i32, %arg1: memref<1xi32, #tpu.memory_space<smem>>) -> (i32, i32) {
    %c0_i32 = arith.constant 0 : i32
    %c0_i32_0 = arith.constant 0 : i32
    %c0_i32_1 = arith.constant 0 : i32
    return %c0_i32, %c0_i32_0 : i32, i32
  }
  func.func @transform_4(%arg0: i32, %arg1: memref<1xi32, #tpu.memory_space<smem>>) -> (i32, i32) {
    %c0_i32 = arith.constant 0 : i32
    %c0_i32_0 = arith.constant 0 : i32
    %c0_i32_1 = arith.constant 0 : i32
    return %c0_i32, %c0_i32_0 : i32, i32
  }
  func.func @transform_5(%arg0: i32, %arg1: memref<1xi32, #tpu.memory_space<smem>>) -> (i32, i32) {
    %c0_i32 = arith.constant 0 : i32
    %c0_i32_0 = arith.constant 0 : i32
    %c0_i32_1 = arith.constant 0 : i32
    return %c0_i32, %c0_i32_0 : i32, i32
  }
  func.func @transform_6(%arg0: i32, %arg1: memref<1xi32, #tpu.memory_space<smem>>) -> (i32, i32) {
    %c0_i32 = arith.constant 0 : i32
    %c0_i32_0 = arith.constant 0 : i32
    %c0_i32_1 = arith.constant 0 : i32
    return %c0_i32, %c0_i32_0 : i32, i32
  }
  func.func @transform_7(%arg0: i32, %arg1: memref<1xi32, #tpu.memory_space<smem>>) -> (i32, i32) {
    %c0_i32 = arith.constant 0 : i32
    %c0_i32_0 = arith.constant 0 : i32
    %c0_i32_1 = arith.constant 0 : i32
    return %c0_i32, %c0_i32_0 : i32, i32
  }
  func.func @transform_8(%arg0: i32, %arg1: memref<1xi32, #tpu.memory_space<smem>>) -> (i32, i32) {
    %c0_i32 = arith.constant 0 : i32
    %c0_i32_0 = arith.constant 0 : i32
    %c0_i32_1 = arith.constant 0 : i32
    return %c0_i32, %c0_i32_0 : i32, i32
  }
  func.func @transform_10(%arg0: i32, %arg1: memref<1xi32, #tpu.memory_space<smem>>) -> (i32, i32) {
    %c0_i32 = arith.constant 0 : i32
    %c0_i32_0 = arith.constant 0 : i32
    return %arg0, %c0_i32 : i32, i32
  }
}

</mosaic_0001>

<sc_bundles>
// kernel: branch_1_fun.3.cloned.1.call-start
scs
__scs_entry_jumppad:
0x0: {  	(pc) =	sbr.rel $0x88, $3  }
0x1: {  	(tag) =	ssettag $0x0;
	lr =	simm.s32 $0x1  }
0x2: {  	[smem:$0x3F8A] =	sst lr;
	_ =	strace $0xD0000000  }
0x3: {  	_ = 	snop  }
0x4: {  	_ = 	snop  }
0x5: {  	_ = 	snop  }
0x6: {  	_ = 	snop  }
0x7: {  	_ = 	snop  }
__scs_overlays_trampoline_lowered:
0x8: {  	[smem:$0x3F99] =	sst s0  }
0x9: {  	[smem:$0x3F9A] =	sst s1  }
0xa: {  	[smem:$0x3F9B] =	sst s2  }
0xb: {  	[smem:$0x3F9C] =	sst s3  }
0xc: {  	[smem:$0x3F9D] =	sst s4  }
0xd: {  	[smem:$0x3F9E] =	sst s5  }
0xe: {  	[smem:$0x3F9F] =	sst s6  }
0xf: {  	[smem:$0x3FA0] =	sst s7  }
0x10: {  	[smem:$0x3FA1] =	sst s8  }
0x11: {  	[smem:$0x3FA2] =	sst s9;
	s0 =	simm.s32 @!p0 $0x0  }
0x12: {  	s1 =	sld [smem:$0x3F88];
	s0 =	simm.s32 @p0 $0x1  }
0x13: {  	[smem:$0x3FA3] =	sst s0;
	s0 =	simm.s32 @!p1 $0x0  }
0x14: {  	s2 =	sld [smem:$0x3F87];
	s0 =	simm.s32 @p1 $0x1  }
0x15: {  	[smem:$0x3FA4] =	sst s0;
	s0 =	simm.s32 @!p2 $0x0  }
0x16: {  	s3 =	sld [smem:$0x3FDB];
	s0 =	simm.s32 @p2 $0x1  }
0x17: {  	s4 =	simm.s32 $0x1BF5;
	[smem:$0x3FA6] =	sst s0  }
0x18: {  	s0 =	sld [smem:$0x3F89];
	_ =	swait.ge [sflag:s4], $0x0  }
0x19: {  	s7 =	sld [smem:$0x3F8A]  }
0x1a: {  	s8 =	sadd.s32 $0xFFFFE003, lr  }
0x1b: {  	s9 =	sadd.s32 $0xFFFFFEF7, lr;
	s5 =	simm.s32 $0xFFFFFFFF;
	p2 =	slt.u32 s8, $0xFFFFF086  }
0x1c: {  	p1 =	slt.u32 s9, $0xF7A;
	s5 =	simm.s32 @!p2 $0x0  }
0x1d: {  	s5 =	simm.s32 @p1 $0x1;
	p0 =	seq.s32 s7, s2  }
0x1e: {  	s7 =	smul.u32 @!p0 $0xF7A, s2;
	p2 =	seq.s32 @!p0 s5, $0x0  }
0x1f: {  	s9 =	smul.u32 $0xF7A, s1;
	s8 =	simm.s32 @!p0 $0x1BF5;
	p2 =	por !p2, p0  }
0x20: {  	[sflag:s8] =	ssyncset.s32 @!p0 $0xFFFFF086;
	s6 =	sadd.s32 @!p0 s3, s7;
	s7 =	simm.s32 @!p0 $0x108  }
0x21: {  	s3 =	sadd.s32 s3, s9;
	s6 =	sadd.s32 @!p0 $0x88, s6;
	s7 =	simm.s32 @p2 $0x1082  }
0x22: {  	[simem:s7], [sflag:s8] =	dma.local @!p0 [hbm:s6], $0xF7A  }
0x23: {  	s9 =	sor.u32 $0xD0000000, s2;
	s6 =	simm.s32 $0x108;
	_ =	swait.ge @!p0 [sflag:s8], $0x0  }
0x24: {  	s3 =	sadd.s32 $0x88, s3;
	s6 =	simm.s32 @!p1 $0x1082;
	[sflag:s4] =	ssyncset.s32 $0xFFFFF086  }
0x25: {  	[simem:s6], [sflag:s4] =	dma.local [hbm:s3], $0xF7A  }
0x26: {  	[smem:$0x3F8A] =	sst s1;
	(tag) =	ssettag s2;
	_ =	strace s9  }
0x27: {  	s1 =	sld [smem:$0x3F9A]  }
0x28: {  	s2 =	sld [smem:$0x3F9B]  }
0x29: {  	s4 =	sld [smem:$0x3F9D]  }
0x2a: {  	p0 =	seq.s32 s5, $0x0;
	s5 =	sld [smem:$0x3F9E]  }
0x2b: {  	s6 =	sld [smem:$0x3F9F]  }
0x2c: {  	s7 =	sld [smem:$0x3FA0]  }
0x2d: {  	s3 =	simm.s32 $0x108;
	s8 =	sld [smem:$0x3FA1]  }
0x2e: {  	s3 =	simm.s32 @!p0 $0x1082;
	s9 =	sld [smem:$0x3FA2]  }
0x2f: {  	lr =	sadd.s32 s0, s3;
	s0 =	sld [smem:$0x3F99]  }
0x30: {  	s3 =	sld [smem:$0x3F9C]  }
0x31: {  	[smem:$0x3FA5] =	sst s10  }
0x32: {  	s10 =	sld [smem:$0x3FA3];
	_ =	sdelay $0x3  }
0x33: {  	p0 =	seq.s32 s10, $0x1;
	s10 =	sld [smem:$0x3FA5];
	_ =	sdelay $0x3  }
0x34: {  	[smem:$0x3FA5] =	sst s10  }
0x35: {  	s10 =	sld [smem:$0x3FA4];
	_ =	sdelay $0x3  }
0x36: {  	p1 =	seq.s32 s10, $0x1;
	s10 =	sld [smem:$0x3FA5];
	_ =	sdelay $0x3  }
0x37: {  	[smem:$0x3FA5] =	sst s10  }
0x38: {  	s10 =	sld [smem:$0x3FA6]  }
0x39: {  	_ = 	snop;
	(pc) =	sbr.ind lr, $3  }
0x3a: {  	_ = 	snop  }
0x3b: {  	_ = 	snop  }
0x3c: {  	p2 =	seq.s32 s10, $0x1;
	s10 =	sld [smem:$0x3FA5]  }
0x3d: {  	_ =	shalt  }
0x3e: {  	_ =	shalt  }
0x3f: {  	_ =	shalt  }
0x40: {  	_ =	shalt  }
0x41: {  	_ =	shalt  }
0x42: {  	_ =	shalt  }
0x43: {  	_ =	shalt  }
0x44: {  	_ =	shalt  }
0x45: {  	_ =	shalt  }
0x46: {  	_ =	shalt  }
0x47: {  	_ =	shalt  }
0x48: {  	_ =	shalt  }
0x49: {  	_ =	shalt  }
0x4a: {  	_ =	shalt  }
0x4b: {  	_ =	shalt  }
0x4c: {  	_ =	shalt  }
0x4d: {  	_ =	shalt  }
0x4e: {  	_ =	shalt  }
0x4f: {  	_ =	shalt  }
0x50: {  	_ =	shalt  }
0x51: {  	_ =	shalt  }
0x52: {  	_ =	shalt  }
0x53: {  	_ =	shalt  }
0x54: {  	_ =	shalt  }
0x55: {  	_ =	shalt  }
0x56: {  	_ =	shalt  }
0x57: {  	_ =	shalt  }
0x58: {  	_ =	shalt  }
0x59: {  	_ =	shalt  }
0x5a: {  	_ =	shalt  }
0x5b: {  	_ =	shalt  }
0x5c: {  	_ =	shalt  }
0x5d: {  	_ =	shalt  }
0x5e: {  	_ =	shalt  }
0x5f: {  	_ =	shalt  }
0x60: {  	_ =	shalt  }
0x61: {  	_ =	shalt  }
0x62: {  	_ =	shalt  }
0x63: {  	_ =	shalt  }
0x64: {  	_ =	shalt  }
0x65: {  	_ =	shalt  }
0x66: {  	_ =	shalt  }
0x67: {  	_ =	shalt  }
0x68: {  	_ =	shalt  }
0x69: {  	_ =	shalt  }
0x6a: {  	_ =	shalt  }
0x6b: {  	_ =	shalt  }
0x6c: {  	_ =	shalt  }
0x6d: {  	_ =	shalt  }
0x6e: {  	_ =	shalt  }
0x6f: {  	_ =	shalt  }
0x70: {  	_ =	shalt  }
0x71: {  	_ =	shalt  }
0x72: {  	_ =	shalt  }
0x73: {  	_ =	shalt  }
0x74: {  	_ =	shalt  }
0x75: {  	_ =	shalt  }
0x76: {  	_ =	shalt  }
0x77: {  	_ =	shalt  }
0x78: {  	_ =	shalt  }
0x79: {  	_ =	shalt  }
0x7a: {  	_ =	shalt  }
0x7b: {  	_ =	shalt  }
0x7c: {  	_ =	shalt  }
0x7d: {  	_ =	shalt  }
0x7e: {  	_ =	shalt  }
0x7f: {  	_ =	shalt  }
0x80: {  	_ =	shalt  }
0x81: {  	_ =	shalt  }
0x82: {  	_ =	shalt  }
0x83: {  	_ =	shalt  }
0x84: {  	_ =	shalt  }
0x85: {  	_ =	shalt  }
0x86: {  	_ =	shalt  }
0x87: {  	_ =	shalt  }
.Lfunc_end0:
.L_simem_size_0:
called_computation.5_lowered:
.L_overlay_start_0:
0x88: {  	s2 =	sld [smem:$0x3FD9]  }
0x89: {  	s3 =	sld [smem:$0x3FFE];
	_ =	sdelay $0x1  }
0x8a: {  	s1 =	srdreg.scid  }
0x8b: {  	s0 =	sand.u32 $0x1, s1  }
0x8c: {  	s17 =	sshll.u32 s0, $0xA;
	s2 =	sadd.s32 s3, s2  }
0x8d: {  	s2 =	sadd.s32 s2, s17  }
0x8e: {  	[smem:$0x3FB1] =	sst s2  }
0x8f: {  	_ = 	snop  }
0x90: {  	s2 =	sld [smem:$0x3FD0];
	(tm) =	ssettm $0x1  }
0x91: {  	s18 =	sld [smem:$0x3FFB];
	_ =	sdelay $0x3  }
0x92: {  	_ =	strace s18  }
0x93: {  	s3 =	sld [smem:$0x3FFC];
	_ =	sdelay $0x3  }
0x94: {  	_ =	strace s3  }
0x95: {  	s3 =	sld [smem:$0x3FFD];
	_ =	sdelay $0x3  }
0x96: {  	_ =	strace s3  }
0x97: {  	_ =	strace $0x8FFFFFFF  }
0x98: {  	s19 =	sld [smem:$0x3FDB];
	_ =	sdelay $0x1  }
0x99: {  	s4 =	simm.s32 $_scs_section_size  }
0x9a: {  	s5 =	simm.s32 $_size__tile_overlayer_lowered;
	s6 =	simm.s32 $_tile_overlayer_lowered  }
0x9b: {  	s22 =	simm.s32 $0x1BFF;
	s21 =	sshll.u32 s6, $0x1;
	s3 =	sadd.s32 s4, s19  }
0x9c: {  	s7 =	simm.s32 $0x0;
	s20 =	sshll.u32 s5, $0x1;
	s5 =	sadd.s32 s21, s3  }
0x9d: {  	[timem:s7], [sflag:s22] =	dma.local [hbm:s5], s20  }
0x9e: {  	_ =	swait.ge [sflag:s22], s20  }
0x9f: {  	s4 =	ssub.s32 $0x0, s20;
	[sflag:s22] =	ssyncset.done $0x0  }
0xa0: {  	[sflag:s22] =	ssyncadd.s32 s4;
	_ =	sdelay $0x1  }
0xa1: {  	s23 =	simm.s32 $0x1B8B  }
0xa2: {  	_ =	swait.ge [sflag:s23], $0x1  }
0xa3: {  	[sflag:s23] =	ssyncset.done $0x0  }
0xa4: {  	s25 =	simm.s32 $0x1B8E;
	s24 =	sld [smem:$0x3FFE];
	[sflag:s23] =	ssyncadd.s32 $0xFFFFFFFF  }
0xa5: {  	s26 =	simm.s32 $execute0_lowered;
	[smem:$0x3FD2] =	sst s25  }
0xa6: {  	s5 =	sshll.u32 s26, $0x1;
	_ =	strace $0x80000049;
	[dreg:$0x1] =	wrdreg $0xFFFFFFFF  }
0xa7: {  	s28 =	simm.s32 $_size_execute0_lowered;
	s3 =	sadd.s32 s3, s5;
	[dreg:$0x0] =	wrdreg $0x0  }
0xa8: {  	s5 =	sshll.u32 s28, $0x1;
	[dreg:$0x2] =	wrdreg s3  }
0xa9: {  	[dreg:$0x3] =	wrdreg s5  }
0xaa: {  	[dreg:$0x4] =	wrdreg $0xC0  }
0xab: {  	_ =	task [dreg:s7], $0x5FFFF  }
0xac: {  	[dreg:$0x1] =	wrdreg $0xFFFFFFFF  }
0xad: {  	[dreg:$0x0] =	wrdreg $0x60  }
0xae: {  	[dreg:$0x2] =	wrdreg s24  }
0xaf: {  	[dreg:$0x3] =	wrdreg s2  }
0xb0: {  	[dreg:$0x4] =	wrdreg $0x9  }
0xb1: {  	_ =	task.clear_ibuf [dreg:s7], $0x5FFFF;
	_ =	strace $0x90000049  }
0xb2: {  	s29 =	simm.s32 $0x9;
	_ =	strace $0x8000004B  }
0xb3: {  	_ =	swait.ge [sflag:s29], $0x1  }
0xb4: {  	[sflag:s29] =	ssyncadd.s32 $0xFFFFFFFF  }
0xb5: {  	_ =	strace $0x9000004B  }
0xb6: {  	_ =	sfence  }
0xb7: {  	s30 =	sld [smem:$0x0];
	_ =	sdelay $0x2  }
0xb8: {  	s31 =	sshll.u32 s1, $0xD;
	s1 =	sshrl.u32 s1, $0x2  }
0xb9: {  	s3 =	sand.u32 $0x4000, s31;
	s1 =	sadd.s32 s1, s30  }
0xba: {  	s0 =	sor.u32 s3, s0;
	s1 =	sshll.u32 s1, $0x11  }
0xbb: {  	s0 =	sor.u32 s1, s0  }
0xbc: {  	s0 =	sadd.s32 $0x8F2B, s0  }
0xbd: {  	[sflag:s0] =	ssyncadd.remote.s32 $0x1  }
0xbe: {  	_ =	sfence.sel $0xFFFF  }
0xbf: {  	[dreg:$0x0] =	wrdreg $0xFFFFFFFF;
	(pc) =	sbr.abs _section_cstart, $3  }
0xc0: {  	[dreg:$0x1] =	wrdreg $0xFFFFFFFF  }
0xc1: {  	_ =	task.clear_ibuf [dreg:s7], $0x2FFFF;
	_ =	strace $0x9FFFFFFF  }
0xc2: {  	(tm) =	ssettm $0x7FFFFFFF  }
0xc3: {  	_ =	shalt  }
tec
execute0_lowered:
.L_overlay_start_1:
0x0: {  	(tag) =	ssettag $0x1  }
0x1: {  	s5 =	rddreg [dreg:$0x0];
	s1 =	srdreg.scid  }
0x2: {  	s0 =	stileid.u32;
	s8 =	rddreg [dreg:$0x1]  }
0x3: {  	s2 =	simm.s32 $0x0;
	s11 =	simm.s32 $0x1;
	s12 =	simm.s32 $0x2780  }
0x4: {  	s13 =	simm.s32 $0x4F00;
	s14 =	simm.s32 $0x7680;
	s15 =	simm.s32 $0x9E00  }
0x5: {  	s16 =	simm.s32 $0xDE00;
	s3 =	sand.u32 $0x1, s1;
	s4 =	sshll.u32 s0, $0x1  }
0x6: {  	s17 =	simm.s32 $0x10580;
	s18 =	simm.s32 $0x0;
	s4 =	sor.u32 s3, s4  }
0x7: {  	[smem:$0x7FF] =	sst s2;
	s6 =	ssub.s32 $0x2, s3;
	s9 =	smul.u32 $0x4E2, s4  }
0x8: {  	s1 =	rddreg [dreg:$0x2];
	_ =	strace $0x8000004A;
	s7 =	sshrl.u32 s6, $0x1  }
0x9: {  	s3 =	sadd.s32 $0x1DC00, s5;
	s10 =	ssub.s32 s6, s7;
	s4 =	sadd.s32 s5, s9  }
0xa: {  	s5 =	sadd.s32 $0x13C00, s5;
	s8 =	sadd.s32 s8, s9;
	s10 =	smax.u32 s10, $0x1  }
0xb: {  	s6 =	sadd.s32 $0x28000, s4;
	s7 =	sadd.s32 $0x1E200, s4;
	s9 =	sadd.s32 $0x9E00, s4  }
.LBB2_1:
0xc: {  	[tilespmem:s2], [sflag:$0x1] =	stream.linear.gather [hbm4b:s4+s2], $0x2710, $0x38;
	[tilespmem:$0x12D00] =	vst v63  }
0xd: {  	_ =	swait.ge [sflag:s11], $0x2710  }
0xe: {  	[sflag:s11] =	ssyncset.done $0x0  }
0xf: {  	[sflag:s11] =	ssyncadd.s32 $0xFFFFD8F0  }
0x10: {  	[tilespmem:s12], [sflag:$0x1] =	stream.linear.gather [hbm4b:s6+s2], $0x2710, $0x38;
	[tilespmem:$0x12D00] =	vst v63  }
0x11: {  	_ =	swait.ge [sflag:s11], $0x2710  }
0x12: {  	[sflag:s11] =	ssyncset.done $0x0  }
0x13: {  	[sflag:s11] =	ssyncadd.s32 $0xFFFFD8F0  }
0x14: {  	[tilespmem:s13], [sflag:$0x1] =	stream.linear.gather [hbm4b:s7+s2], $0x2710, $0x38;
	[tilespmem:$0x12D00] =	vst v63  }
0x15: {  	_ =	swait.ge [sflag:s11], $0x2710  }
0x16: {  	[sflag:s11] =	ssyncset.done $0x0  }
0x17: {  	[sflag:s11] =	ssyncadd.s32 $0xFFFFD8F0  }
0x18: {  	[tilespmem:s14], [sflag:$0x1] =	stream.linear.gather [hbm4b:s3+s2], $0x2780, $0x38;
	[tilespmem:$0x12D00] =	vst v63  }
0x19: {  	_ =	swait.ge [sflag:s11], $0x2780  }
0x1a: {  	[sflag:s11] =	ssyncset.done $0x0  }
0x1b: {  	[sflag:s11] =	ssyncadd.s32 $0xFFFFD880  }
0x1c: {  	[tilespmem:s15], [sflag:$0x1] =	stream.linear.gather [hbm4b:s5+s2], $0x4000, $0x38;
	[tilespmem:$0x12D00] =	vst v63  }
0x1d: {  	_ =	swait.ge [sflag:s11], $0x4000  }
0x1e: {  	[sflag:s11] =	ssyncset.done $0x0  }
0x1f: {  	s20 =	simm.s32 $0x0;
	[sflag:s11] =	ssyncadd.s32 $0xFFFFC000  }
0x20: {  	v0 =	vld [tilespmem:s20+$0x4F00]  }
0x21: {  	v2 =	vld [tilespmem:s20+$0x0]  }
0x22: {  	v5 =	vld [tilespmem:s20+$0x2780];
	_ =	sdelay $0x3  }
0x23: {  	s19 =	simm.s32 $0x10  }
0x24: {  	v1 =	vld [tilespmem:s19+$0x4F00]  }
0x25: {  	v3 =	vld.idx.msk [tilespmem:v0+s15+$0x0], $0xffff  }
0x26: {  	v4 =	vld.idx.msk [tilespmem:v2+s14+$0x0], $0xffff  }
0x27: {  	v2 =	vld.idx.msk [tilespmem:v5+s14+$0x0], $0xffff  }
0x28: {  	s21 =	simm.s32 $0x80;
	v0 =	vld [tilespmem:s19+$0x0]  }
.LBB2_2:
0x29: {  	p0 =	sne.s32 s21, $0x9C00;
	v5 =	vld [tilespmem:s19+$0x2780];
	v6 =	vmov v1;
	s22 =	smov.u32 s21;
	s21 =	sadd.s32 $0x40, s21  }
0x2a: {  	_ =	sdelay $0x1  }
0x2b: {  	v1 =	vadd.s32 v4, v3  }
0x2c: {  	s22 =	sshra.s32 s22, $0x2;
	[tilespmem:s20+$0xDE00] =	vst v1  }
.Ltmp0:
0x2d: {  	v1 =	vld [tilespmem:s22+$0x4F00];
	[tilespmem:s20+$0x10580] =	vst v2;
	s20 =	smov.u32 s19;
	s19 =	smov.u32 s22;
	(pc) =	sbr.rel @p0 .LBB2_2-.Ltmp0, $4  }
0x2e: {  	v3 =	vld.idx.msk [tilespmem:v6+s15+$0x0], $0xffff  }
0x2f: {  	v4 =	vld.idx.msk [tilespmem:v0+s14+$0x0], $0xffff  }
0x30: {  	v2 =	vld.idx.msk [tilespmem:v5+s14+$0x0], $0xffff  }
0x31: {  	v0 =	vld [tilespmem:s19+$0x0]  }
0x32: {  	_ =	sdelay $0x1  }
0x33: {  	v5 =	vld [tilespmem:s19+$0x2780];
	_ =	sdelay $0x1  }
0x34: {  	v3 =	vadd.s32 v4, v3  }
0x35: {  	[tilespmem:s20+$0xDE00] =	vst v3  }
0x36: {  	[tilespmem:s20+$0x10580] =	vst v2  }
0x37: {  	v1 =	vld.idx.msk [tilespmem:v1+s15+$0x0], $0xffff  }
0x38: {  	v0 =	vld.idx.msk [tilespmem:v0+s14+$0x0], $0xffff;
	_ =	sdelay $0x1  }
0x39: {  	v2 =	vld.idx.msk [tilespmem:v5+s14+$0x0], $0xffff;
	_ =	sdelay $0x2  }
0x3a: {  	v0 =	vadd.s32 v0, v1  }
0x3b: {  	[tilespmem:s19+$0xDE00] =	vst v0  }
0x3c: {  	[tilespmem:s19+$0x10580] =	vst v2  }
0x3d: {  	[hbm4b:s8+s2] =	stream.linear.scatter [tilespmem:s16], [sflag:$0x1], $0x2710, $0x38;
	[tilespmem:$0x12D00] =	vst v63  }
0x3e: {  	s18 =	sadd.s32 $0x1, s18;
	_ =	swait.ge [sflag:s11], $0x2710  }
0x3f: {  	p0 =	sne.s32 s18, s10;
	[sflag:s11] =	ssyncset.done $0x0  }
.Ltmp1:
0x40: {  	[sflag:s11] =	ssyncadd.s32 $0xFFFFD8F0;
	(pc) =	sbr.rel @p0 .LBB2_1-.Ltmp1, $4  }
0x41: {  	[hbm4b:s9+s2] =	stream.linear.scatter [tilespmem:s17], [sflag:$0x1], $0x2710, $0x38;
	[tilespmem:$0x12D00] =	vst v63  }
0x42: {  	_ =	swait.ge [sflag:s11], $0x2710  }
0x43: {  	[sflag:s11] =	ssyncset.done $0x0  }
0x44: {  	[sflag:s11] =	ssyncadd.s32 $0xFFFFD8F0  }
0x45: {  	_ =	sfence.sel $0x180000  }
0x46: {  	[bflag:$0x0] =	sbarrier.arrive $0xFFFF  }
0x47: {  	p0 =	sne.s32 s0, $0x0;
	_ =	strace $0x9000004A  }
0x48: {  	s0 =	sadd.s32 @!p0 $0x100000, s1;
	[bflag:$0x2] =	sbarrier.arrive $0xFFFF  }
0x49: {  	[sflag:s0] =	ssyncadd.tile.s32 @!p0 $0x1;
	_ =	shalt  }
.Lfunc_end2:
_tile_overlayer_lowered:
.L_overlay_start_2:
0x4a: {  	(tag) =	ssettag $0x2  }
0x4b: {  	s0 =	rddreg [dreg:$0x0];
	s2 =	stileid.u32  }
0x4c: {  	s1 =	rddreg [dreg:$0x1];
	p0 =	sne.s32 s2, $0x0  }
0x4d: {  	s3 =	rddreg [dreg:$0x2];
	[bflag:$0x3] =	sbarrier.arrive $0xFFFF;
	s2 =	simm.s32 @!p0 $0x1C01  }
0x4e: {  	[timem:s3], [sflag:s2] =	dma.local @!p0 [hbm:s0], s1  }
0x4f: {  	s0 =	simm.s32 @!p0 $0x1  }
0x50: {  	_ =	swait.ge @!p0 [sflag:s0], s1  }
0x51: {  	s1 =	ssub.s32 @!p0 $0x0, s1;
	[sflag:s0] =	ssyncset.done @!p0 $0x0  }
0x52: {  	[sflag:s0] =	ssyncadd.s32 @!p0 s1  }
0x53: {  	[bflag:$0x3] =	sbarrier.arrive $0xFFFF  }
0x54: {  	_ =	shalt  }

// kernel: gather_offload_async_start
scs
__scs_entry_jumppad:
0x0: {  	(pc) =	sbr.rel $0x88, $3  }
0x1: {  	(tag) =	ssettag $0x0;
	lr =	simm.s32 $0x1  }
0x2: {  	[smem:$0x3F8A] =	sst lr;
	_ =	strace $0xD0000000  }
0x3: {  	_ = 	snop  }
0x4: {  	_ = 	snop  }
0x5: {  	_ = 	snop  }
0x6: {  	_ = 	snop  }
0x7: {  	_ = 	snop  }
__scs_overlays_trampoline_lowered:
0x8: {  	[smem:$0x3F99] =	sst s0  }
0x9: {  	[smem:$0x3F9A] =	sst s1  }
0xa: {  	[smem:$0x3F9B] =	sst s2  }
0xb: {  	[smem:$0x3F9C] =	sst s3  }
0xc: {  	[smem:$0x3F9D] =	sst s4  }
0xd: {  	[smem:$0x3F9E] =	sst s5  }
0xe: {  	[smem:$0x3F9F] =	sst s6  }
0xf: {  	[smem:$0x3FA0] =	sst s7  }
0x10: {  	[smem:$0x3FA1] =	sst s8  }
0x11: {  	[smem:$0x3FA2] =	sst s9;
	s0 =	simm.s32 @!p0 $0x0  }
0x12: {  	s1 =	sld [smem:$0x3F88];
	s0 =	simm.s32 @p0 $0x1  }
0x13: {  	[smem:$0x3FA3] =	sst s0;
	s0 =	simm.s32 @!p1 $0x0  }
0x14: {  	s2 =	sld [smem:$0x3F87];
	s0 =	simm.s32 @p1 $0x1  }
0x15: {  	[smem:$0x3FA4] =	sst s0;
	s0 =	simm.s32 @!p2 $0x0  }
0x16: {  	s3 =	sld [smem:$0x3FDB];
	s0 =	simm.s32 @p2 $0x1  }
0x17: {  	s4 =	simm.s32 $0x1BF5;
	[smem:$0x3FA6] =	sst s0  }
0x18: {  	s0 =	sld [smem:$0x3F89];
	_ =	swait.ge [sflag:s4], $0x0  }
0x19: {  	s7 =	sld [smem:$0x3F8A]  }
0x1a: {  	s8 =	sadd.s32 $0xFFFFE003, lr  }
0x1b: {  	s9 =	sadd.s32 $0xFFFFFEF7, lr;
	s5 =	simm.s32 $0xFFFFFFFF;
	p2 =	slt.u32 s8, $0xFFFFF086  }
0x1c: {  	p1 =	slt.u32 s9, $0xF7A;
	s5 =	simm.s32 @!p2 $0x0  }
0x1d: {  	s5 =	simm.s32 @p1 $0x1;
	p0 =	seq.s32 s7, s2  }
0x1e: {  	s7 =	smul.u32 @!p0 $0xF7A, s2;
	p2 =	seq.s32 @!p0 s5, $0x0  }
0x1f: {  	s9 =	smul.u32 $0xF7A, s1;
	s8 =	simm.s32 @!p0 $0x1BF5;
	p2 =	por !p2, p0  }
0x20: {  	[sflag:s8] =	ssyncset.s32 @!p0 $0xFFFFF086;
	s6 =	sadd.s32 @!p0 s3, s7;
	s7 =	simm.s32 @!p0 $0x108  }
0x21: {  	s3 =	sadd.s32 s3, s9;
	s6 =	sadd.s32 @!p0 $0x88, s6;
	s7 =	simm.s32 @p2 $0x1082  }
0x22: {  	[simem:s7], [sflag:s8] =	dma.local @!p0 [hbm:s6], $0xF7A  }
0x23: {  	s9 =	sor.u32 $0xD0000000, s2;
	s6 =	simm.s32 $0x108;
	_ =	swait.ge @!p0 [sflag:s8], $0x0  }
0x24: {  	s3 =	sadd.s32 $0x88, s3;
	s6 =	simm.s32 @!p1 $0x1082;
	[sflag:s4] =	ssyncset.s32 $0xFFFFF086  }
0x25: {  	[simem:s6], [sflag:s4] =	dma.local [hbm:s3], $0xF7A  }
0x26: {  	[smem:$0x3F8A] =	sst s1;
	(tag) =	ssettag s2;
	_ =	strace s9  }
0x27: {  	s1 =	sld [smem:$0x3F9A]  }
0x28: {  	s2 =	sld [smem:$0x3F9B]  }
0x29: {  	s4 =	sld [smem:$0x3F9D]  }
0x2a: {  	p0 =	seq.s32 s5, $0x0;
	s5 =	sld [smem:$0x3F9E]  }
0x2b: {  	s6 =	sld [smem:$0x3F9F]  }
0x2c: {  	s7 =	sld [smem:$0x3FA0]  }
0x2d: {  	s3 =	simm.s32 $0x108;
	s8 =	sld [smem:$0x3FA1]  }
0x2e: {  	s3 =	simm.s32 @!p0 $0x1082;
	s9 =	sld [smem:$0x3FA2]  }
0x2f: {  	lr =	sadd.s32 s0, s3;
	s0 =	sld [smem:$0x3F99]  }
0x30: {  	s3 =	sld [smem:$0x3F9C]  }
0x31: {  	[smem:$0x3FA5] =	sst s10  }
0x32: {  	s10 =	sld [smem:$0x3FA3];
	_ =	sdelay $0x3  }
0x33: {  	p0 =	seq.s32 s10, $0x1;
	s10 =	sld [smem:$0x3FA5];
	_ =	sdelay $0x3  }
0x34: {  	[smem:$0x3FA5] =	sst s10  }
0x35: {  	s10 =	sld [smem:$0x3FA4];
	_ =	sdelay $0x3  }
0x36: {  	p1 =	seq.s32 s10, $0x1;
	s10 =	sld [smem:$0x3FA5];
	_ =	sdelay $0x3  }
0x37: {  	[smem:$0x3FA5] =	sst s10  }
0x38: {  	s10 =	sld [smem:$0x3FA6]  }
0x39: {  	_ = 	snop;
	(pc) =	sbr.ind lr, $3  }
0x3a: {  	_ = 	snop  }
0x3b: {  	_ = 	snop  }
0x3c: {  	p2 =	seq.s32 s10, $0x1;
	s10 =	sld [smem:$0x3FA5]  }
0x3d: {  	_ =	shalt  }
0x3e: {  	_ =	shalt  }
0x3f: {  	_ =	shalt  }
0x40: {  	_ =	shalt  }
0x41: {  	_ =	shalt  }
0x42: {  	_ =	shalt  }
0x43: {  	_ =	shalt  }
0x44: {  	_ =	shalt  }
0x45: {  	_ =	shalt  }
0x46: {  	_ =	shalt  }
0x47: {  	_ =	shalt  }
0x48: {  	_ =	shalt  }
0x49: {  	_ =	shalt  }
0x4a: {  	_ =	shalt  }
0x4b: {  	_ =	shalt  }
0x4c: {  	_ =	shalt  }
0x4d: {  	_ =	shalt  }
0x4e: {  	_ =	shalt  }
0x4f: {  	_ =	shalt  }
0x50: {  	_ =	shalt  }
0x51: {  	_ =	shalt  }
0x52: {  	_ =	shalt  }
0x53: {  	_ =	shalt  }
0x54: {  	_ =	shalt  }
0x55: {  	_ =	shalt  }
0x56: {  	_ =	shalt  }
0x57: {  	_ =	shalt  }
0x58: {  	_ =	shalt  }
0x59: {  	_ =	shalt  }
0x5a: {  	_ =	shalt  }
0x5b: {  	_ =	shalt  }
0x5c: {  	_ =	shalt  }
0x5d: {  	_ =	shalt  }
0x5e: {  	_ =	shalt  }
0x5f: {  	_ =	shalt  }
0x60: {  	_ =	shalt  }
0x61: {  	_ =	shalt  }
0x62: {  	_ =	shalt  }
0x63: {  	_ =	shalt  }
0x64: {  	_ =	shalt  }
0x65: {  	_ =	shalt  }
0x66: {  	_ =	shalt  }
0x67: {  	_ =	shalt  }
0x68: {  	_ =	shalt  }
0x69: {  	_ =	shalt  }
0x6a: {  	_ =	shalt  }
0x6b: {  	_ =	shalt  }
0x6c: {  	_ =	shalt  }
0x6d: {  	_ =	shalt  }
0x6e: {  	_ =	shalt  }
0x6f: {  	_ =	shalt  }
0x70: {  	_ =	shalt  }
0x71: {  	_ =	shalt  }
0x72: {  	_ =	shalt  }
0x73: {  	_ =	shalt  }
0x74: {  	_ =	shalt  }
0x75: {  	_ =	shalt  }
0x76: {  	_ =	shalt  }
0x77: {  	_ =	shalt  }
0x78: {  	_ =	shalt  }
0x79: {  	_ =	shalt  }
0x7a: {  	_ =	shalt  }
0x7b: {  	_ =	shalt  }
0x7c: {  	_ =	shalt  }
0x7d: {  	_ =	shalt  }
0x7e: {  	_ =	shalt  }
0x7f: {  	_ =	shalt  }
0x80: {  	_ =	shalt  }
0x81: {  	_ =	shalt  }
0x82: {  	_ =	shalt  }
0x83: {  	_ =	shalt  }
0x84: {  	_ =	shalt  }
0x85: {  	_ =	shalt  }
0x86: {  	_ =	shalt  }
0x87: {  	_ =	shalt  }
.Lfunc_end0:
.L_simem_size_0:
called_computation.4_lowered:
.L_overlay_start_0:
0x88: {  	s2 =	sld [smem:$0x3FD9]  }
0x89: {  	s3 =	sld [smem:$0x3FFE];
	_ =	sdelay $0x1  }
0x8a: {  	s1 =	srdreg.scid  }
0x8b: {  	s0 =	sand.u32 $0x1, s1  }
0x8c: {  	s17 =	sshll.u32 s0, $0xA;
	s2 =	sadd.s32 s3, s2  }
0x8d: {  	s2 =	sadd.s32 s2, s17  }
0x8e: {  	[smem:$0x3FB1] =	sst s2  }
0x8f: {  	_ = 	snop  }
0x90: {  	s2 =	sld [smem:$0x3FD0];
	(tm) =	ssettm $0x1  }
0x91: {  	s18 =	sld [smem:$0x3FFB];
	_ =	sdelay $0x3  }
0x92: {  	_ =	strace s18  }
0x93: {  	s3 =	sld [smem:$0x3FFC];
	_ =	sdelay $0x3  }
0x94: {  	_ =	strace s3  }
0x95: {  	s3 =	sld [smem:$0x3FFD];
	_ =	sdelay $0x3  }
0x96: {  	_ =	strace s3  }
0x97: {  	_ =	strace $0x8FFFFFFF  }
0x98: {  	s19 =	sld [smem:$0x3FDB];
	_ =	sdelay $0x1  }
0x99: {  	s4 =	simm.s32 $_scs_section_size  }
0x9a: {  	s5 =	simm.s32 $_size__tile_overlayer_lowered;
	s6 =	simm.s32 $_tile_overlayer_lowered  }
0x9b: {  	s22 =	simm.s32 $0x1BFF;
	s21 =	sshll.u32 s6, $0x1;
	s3 =	sadd.s32 s4, s19  }
0x9c: {  	s7 =	simm.s32 $0x0;
	s20 =	sshll.u32 s5, $0x1;
	s5 =	sadd.s32 s21, s3  }
0x9d: {  	[timem:s7], [sflag:s22] =	dma.local [hbm:s5], s20  }
0x9e: {  	_ =	swait.ge [sflag:s22], s20  }
0x9f: {  	s4 =	ssub.s32 $0x0, s20;
	[sflag:s22] =	ssyncset.done $0x0  }
0xa0: {  	[sflag:s22] =	ssyncadd.s32 s4;
	_ =	sdelay $0x1  }
0xa1: {  	s23 =	simm.s32 $0x1B8B  }
0xa2: {  	_ =	swait.ge [sflag:s23], $0x1  }
0xa3: {  	[sflag:s23] =	ssyncset.done $0x0  }
0xa4: {  	s25 =	simm.s32 $0x1B8E;
	s24 =	sld [smem:$0x3FFE];
	[sflag:s23] =	ssyncadd.s32 $0xFFFFFFFF  }
0xa5: {  	s26 =	simm.s32 $execute0_lowered;
	[smem:$0x3FD2] =	sst s25  }
0xa6: {  	s5 =	sshll.u32 s26, $0x1;
	_ =	strace $0x80000046;
	[dreg:$0x1] =	wrdreg $0xFFFFFFFF  }
0xa7: {  	s28 =	simm.s32 $_size_execute0_lowered;
	s3 =	sadd.s32 s3, s5;
	[dreg:$0x0] =	wrdreg $0x0  }
0xa8: {  	s5 =	sshll.u32 s28, $0x1;
	[dreg:$0x2] =	wrdreg s3  }
0xa9: {  	[dreg:$0x3] =	wrdreg s5  }
0xaa: {  	[dreg:$0x4] =	wrdreg $0xC0  }
0xab: {  	_ =	task [dreg:s7], $0x5FFFF  }
0xac: {  	[dreg:$0x1] =	wrdreg $0xFFFFFFFF  }
0xad: {  	[dreg:$0x0] =	wrdreg $0x60  }
0xae: {  	[dreg:$0x2] =	wrdreg s2  }
0xaf: {  	[dreg:$0x3] =	wrdreg s24  }
0xb0: {  	[dreg:$0x4] =	wrdreg $0x9  }
0xb1: {  	_ =	task.clear_ibuf [dreg:s7], $0x5FFFF;
	_ =	strace $0x90000046  }
0xb2: {  	s29 =	simm.s32 $0x9;
	_ =	strace $0x80000048  }
0xb3: {  	_ =	swait.ge [sflag:s29], $0x1  }
0xb4: {  	[sflag:s29] =	ssyncadd.s32 $0xFFFFFFFF  }
0xb5: {  	_ =	strace $0x90000048  }
0xb6: {  	_ =	sfence  }
0xb7: {  	s30 =	sld [smem:$0x0];
	_ =	sdelay $0x2  }
0xb8: {  	s31 =	sshll.u32 s1, $0xD;
	s1 =	sshrl.u32 s1, $0x2  }
0xb9: {  	s3 =	sand.u32 $0x4000, s31;
	s1 =	sadd.s32 s1, s30  }
0xba: {  	s0 =	sor.u32 s3, s0;
	s1 =	sshll.u32 s1, $0x11  }
0xbb: {  	s0 =	sor.u32 s1, s0  }
0xbc: {  	s0 =	sadd.s32 $0x8F2B, s0  }
0xbd: {  	[sflag:s0] =	ssyncadd.remote.s32 $0x1  }
0xbe: {  	_ =	sfence.sel $0xFFFF  }
0xbf: {  	[dreg:$0x0] =	wrdreg $0xFFFFFFFF;
	(pc) =	sbr.abs _section_cstart, $3  }
0xc0: {  	[dreg:$0x1] =	wrdreg $0xFFFFFFFF  }
0xc1: {  	_ =	task.clear_ibuf [dreg:s7], $0x2FFFF;
	_ =	strace $0x9FFFFFFF  }
0xc2: {  	(tm) =	ssettm $0x7FFFFFFF  }
0xc3: {  	_ =	shalt  }
tec
execute0_lowered:
.L_overlay_start_1:
0x0: {  	(tag) =	ssettag $0x1  }
0x1: {  	s2 =	rddreg [dreg:$0x0]  }
0x2: {  	s3 =	rddreg [dreg:$0x1];
	s1 =	stileid.u32  }
0x3: {  	s4 =	srdreg.scid;
	s0 =	rddreg [dreg:$0x2];
	_ =	strace $0x80000047  }
0x4: {  	s7 =	simm.s32 $0x1;
	s8 =	simm.s32 $0x1;
	s9 =	simm.s32 $0x3  }
0x5: {  	s10 =	simm.s32 $0x0;
	s5 =	sand.u32 $0x1, s4;
	s6 =	sshll.u32 s1, $0x1  }
0x6: {  	s13 =	simm.s32 $0x0;
	s4 =	simm.s32 $0x1;
	s5 =	sor.u32 s6, s5  }
.Ltmp0:
0x7: {  	[sflag:s4] =	ssyncpa.u1 $0x0;
	p0 =	slt.u32 s5, $0x9;
	(pc) =	sbr.rel .LBB2_1-.Ltmp0, $4  }
0x8: {  	s6 =	simm.s32 $0x2;
	s7 =	simm.s32 @!p0 $0x0;
	p0 =	sne.s32 s5, $0x8  }
0x9: {  	[sflag:s6] =	ssyncpa.u1 $0x0;
	s5 =	smul.u32 $0x1F40, s5;
	s8 =	simm.s32 @!p0 $0x0  }
0xa: {  	s12 =	simm.s32 $0x0;
	[sflag:s9] =	ssyncpa.u1 $0x0;
	s7 =	sadd.s32 s8, s7  }
0xb: {  	vm0 =	vmmov $0xffff;
	s8 =	sadd.s32 $0x28000, s3;
	s11 =	smov.u32 s5;
	s9 =	sadd.s32 $0x1, s7  }
.LBB2_4:
0xc: {  	v2 =	vnsel vm1, $0x0, v2  }
0xd: {  	vm1 =	vgt.s32 v0, $0x0;
	v2 =	vmin.u32 v2, $0x4E1FF  }
0xe: {  	v0 =	vnsel vm1, $0x0, v0  }
0xf: {  	v0 =	vmin.u32 v0, $0x4E1FF  }
0x10: {  	[tilespmem:s18], [sflag:$0x1] =	stream.indirect_vreg.gather [hbm4b:s2+s10], $0x1, v1, vm0, $0x4038;
	[tilespmem:$0x7D00] =	vst v63  }
0x11: {  	(ifvalue) =	ssetifvalue $0x7FFFFFFF  }
0x12: {  	[tilespmem:s15], [sflag:$0x1] =	stream.indirect_vreg.gather [hbm4b:s2+s10], $0x1, v2, vm0, $0x4038;
	[tilespmem:$0x7D00] =	vst v63  }
0x13: {  	s29 =	sadd.s32 $0x10, s15;
	(ifvalue) =	ssetifvalue $0x7FFFFFFF  }
0x14: {  	[tilespmem:s29], [sflag:$0x1] =	stream.indirect_vreg.gather [hbm4b:s2+s10], $0x1, v0, vm0, $0x4038;
	[tilespmem:$0x7D00] =	vst v63  }
0x15: {  	_ =	swait.ge [sflag:s4], $0x1F40  }
0x16: {  	s30 =	sshrl.u32 s13, $0x3;
	[sflag:s4] =	ssyncset.done $0x0  }
0x17: {  	s31 =	sand.u32 $0x7, s13;
	s15 =	sadd.s32 s8, s30;
	[sflag:s4] =	ssyncadd.s32 $0xFFFFE0C0  }
0x18: {  	[hbm4b:s15+s31] =	stream.linear.scatter [tilespmem:s14], [sflag:$0x3], $0x1F40, $0x38;
	[tilespmem:$0x7D00] =	vst v63  }
.LBB2_5:
0x19: {  	s15 =	sadd.s32 $0x3E800, s11  }
0x1a: {  	p1 =	sgt.s32 s15, $0x4E1FF  }
0x1b: {  	s15 =	smov.u32 @p1 s5;
	p1 =	sne.s32 s12, s9  }
.Ltmp1:
0x1c: {  	p0 =	slt.u32 s12, $0x2;
	(pc) =	sbr.rel @!p1 .LBB2_6-.Ltmp1, $4  }
0x1d: {  	s14 =	simm.s32 @!p0 $0x3  }
0x1e: {  	_ =	swait.ge @!p0 [sflag:s14], $0x1F40  }
0x1f: {  	s16 =	sadd.s32 $0x1, s12;
	s13 =	smov.u32 s11;
	[sflag:s14] =	ssyncset.done @!p0 $0x0  }
0x20: {  	s12 =	smov.u32 s16;
	s11 =	smov.u32 s15;
	[sflag:s14] =	ssyncadd.s32 @!p0 $0xFFFFE0C0  }
.LBB2_1:
0x21: {  	p0 =	sge.u32 s12, s7  }
0x22: {  	s14 =	sxor.u32 @!p0 $0x1, s12  }
0x23: {  	s14 =	smul.u32 @!p0 $0x7D00, s14  }
0x24: {  	s31 =	sadd.s32 $0xFFFFFFFF, s12;
	s15 =	sshrl.u32 @!p0 s11, $0x3  }
0x25: {  	s16 =	sand.u32 @!p0 $0x7, s11;
	s15 =	sadd.s32 @!p0 s3, s15;
	s14 =	sshra.s32 @!p0 s14, $0x2  }
0x26: {  	[tilespmem:s14], [sflag:$0x2] =	stream.linear.gather @!p0 [hbm4b:s15+s16], $0x1F40, $0x38;
	[tilespmem:$0x7D00] =	vst v63  }
0x27: {  	p0 =	sge.u32 s31, s7  }
.Ltmp2:
0x28: {  	_ = 	snop;
	(pc) =	sbr.rel @p0 .LBB2_5-.Ltmp2, $1  }
0x29: {  	_ =	sdelay $0x3  }
0x2a: {  	s14 =	sand.u32 $0x1, s12  }
0x2b: {  	_ =	swait.ge [sflag:s6], $0x1F40;
	p0 =	seq.s32 s14, $0x1;
	s14 =	simm.s32 $0x1F40  }
0x2c: {  	[sflag:s6] =	ssyncset.done $0x0;
	s14 =	simm.s32 @!p0 $0x0  }
0x2d: {  	[sflag:s6] =	ssyncadd.s32 $0xFFFFE0C0;
	(ifvalue) =	ssetifvalue $0x7FFFFFFF;
	v0 =	vld.msk [tilespmem:s14+$0x0 ss:$0x1], $0xffff;
	_ =	sdelay $0x4  }
0x2e: {  	s15 =	sadd.s32 $0x10, s14;
	vm1 =	vgt.s32 v0, $0x0  }
0x2f: {  	v2 =	vld.msk [tilespmem:s15+$0x0 ss:$0x1], $0xffff;
	v1 =	vnsel vm1, $0x0, v0  }
0x30: {  	v1 =	vmin.u32 v1, $0x4E1FF;
	_ =	sdelay $0x2  }
0x31: {  	s17 =	simm.s32 $0x20;
	s14 =	sadd.s32 $0x3E80, s14;
	s16 =	sadd.s32 $0x10, s15  }
0x32: {  	s15 =	sadd.s32 $0x10, s14;
	s18 =	smov.u32 s14;
	v0 =	vld.msk [tilespmem:s16+$0x0 ss:$0x1], $0xffff;
	vm1 =	vgt.s32 v2, $0x0;
	(ifvalue) =	ssetifvalue $0x7FFFFFFF  }
.LBB2_3:
0x33: {  	[tilespmem:s18], [sflag:$0x1] =	stream.indirect_vreg.gather [hbm4b:s2+s10], $0x1, v1, vm0, $0x4038;
	[tilespmem:$0x7D00] =	vst v63  }
0x34: {  	s17 =	sadd.s32 $0x10, s17  }
0x35: {  	v2 =	vnsel vm1, $0x0, v2;
	p0 =	slt.u32 s17, $0x1F30  }
.Ltmp3:
0x36: {  	s18 =	smov.u32 s15;
	v1 =	vmin.u32 v2, $0x4E1FF;
	(pc) =	sbr.rel @p0 .LBB2_3-.Ltmp3, $3  }
0x37: {  	_ =	sdelay $0x1  }
0x38: {  	s16 =	sadd.s32 $0x10, s16  }
0x39: {  	vm1 =	vgt.s32 v0, $0x0;
	s15 =	sadd.s32 $0x10, s15;
	v2 =	vmov v0;
	(ifvalue) =	ssetifvalue $0x7FFFFFFF;
	v0 =	vld.msk [tilespmem:s16+$0x0 ss:$0x1], $0xffff  }
.Ltmp4:
0x3a: {  	_ = 	snop;
	(pc) =	sbr.rel .LBB2_4-.Ltmp4, $1  }
0x3b: {  	_ =	sdelay $0x3  }
.LBB2_6:
0x3c: {  	_ =	sfence.sel $0x180000  }
0x3d: {  	s2 =	simm.s32 $0x2;
	[bflag:$0x0] =	sbarrier.arrive $0xFFFF  }
0x3e: {  	s30 =	simm.s32 $0x3;
	[sflag:s2] =	ssyncpa.u1 $0x1  }
0x3f: {  	s31 =	simm.s32 $0x1;
	[sflag:s30] =	ssyncpa.u1 $0x1  }
0x40: {  	[sflag:s31] =	ssyncpa.u1 $0x1  }
0x41: {  	p0 =	sne.s32 s1, $0x0;
	_ =	strace $0x90000047  }
0x42: {  	s0 =	sadd.s32 @!p0 $0x100000, s0;
	[bflag:$0x2] =	sbarrier.arrive $0xFFFF  }
0x43: {  	[sflag:s0] =	ssyncadd.tile.s32 @!p0 $0x1;
	_ =	shalt  }
.Lfunc_end2:
_tile_overlayer_lowered:
.L_overlay_start_2:
0x44: {  	(tag) =	ssettag $0x2  }
0x45: {  	s0 =	rddreg [dreg:$0x0];
	s2 =	stileid.u32  }
0x46: {  	s1 =	rddreg [dreg:$0x1];
	p0 =	sne.s32 s2, $0x0  }
0x47: {  	s3 =	rddreg [dreg:$0x2];
	[bflag:$0x3] =	sbarrier.arrive $0xFFFF;
	s2 =	simm.s32 @!p0 $0x1C01  }
0x48: {  	[timem:s3], [sflag:s2] =	dma.local @!p0 [hbm:s0], s1  }
0x49: {  	s0 =	simm.s32 @!p0 $0x1  }
0x4a: {  	_ =	swait.ge @!p0 [sflag:s0], s1  }
0x4b: {  	s1 =	ssub.s32 @!p0 $0x0, s1;
	[sflag:s0] =	ssyncset.done @!p0 $0x0  }
0x4c: {  	[sflag:s0] =	ssyncadd.s32 @!p0 s1  }
0x4d: {  	[bflag:$0x3] =	sbarrier.arrive $0xFFFF  }
0x4e: {  	_ =	shalt  }

// kernel: kernel.10.cloned.1.call-start
scs
__scs_entry_jumppad:
0x0: {  	(pc) =	sbr.rel $0x88, $3  }
0x1: {  	(tag) =	ssettag $0x0;
	lr =	simm.s32 $0x1  }
0x2: {  	[smem:$0x3F8A] =	sst lr;
	_ =	strace $0xD0000000  }
0x3: {  	_ = 	snop  }
0x4: {  	_ = 	snop  }
0x5: {  	_ = 	snop  }
0x6: {  	_ = 	snop  }
0x7: {  	_ = 	snop  }
__scs_overlays_trampoline_lowered:
0x8: {  	[smem:$0x3F99] =	sst s0  }
0x9: {  	[smem:$0x3F9A] =	sst s1  }
0xa: {  	[smem:$0x3F9B] =	sst s2  }
0xb: {  	[smem:$0x3F9C] =	sst s3  }
0xc: {  	[smem:$0x3F9D] =	sst s4  }
0xd: {  	[smem:$0x3F9E] =	sst s5  }
0xe: {  	[smem:$0x3F9F] =	sst s6  }
0xf: {  	[smem:$0x3FA0] =	sst s7  }
0x10: {  	[smem:$0x3FA1] =	sst s8  }
0x11: {  	[smem:$0x3FA2] =	sst s9;
	s0 =	simm.s32 @!p0 $0x0  }
0x12: {  	s1 =	sld [smem:$0x3F88];
	s0 =	simm.s32 @p0 $0x1  }
0x13: {  	[smem:$0x3FA3] =	sst s0;
	s0 =	simm.s32 @!p1 $0x0  }
0x14: {  	s2 =	sld [smem:$0x3F87];
	s0 =	simm.s32 @p1 $0x1  }
0x15: {  	[smem:$0x3FA4] =	sst s0;
	s0 =	simm.s32 @!p2 $0x0  }
0x16: {  	s3 =	sld [smem:$0x3FDB];
	s0 =	simm.s32 @p2 $0x1  }
0x17: {  	s4 =	simm.s32 $0x1BF5;
	[smem:$0x3FA6] =	sst s0  }
0x18: {  	s0 =	sld [smem:$0x3F89];
	_ =	swait.ge [sflag:s4], $0x0  }
0x19: {  	s7 =	sld [smem:$0x3F8A]  }
0x1a: {  	s8 =	sadd.s32 $0xFFFFE003, lr  }
0x1b: {  	s9 =	sadd.s32 $0xFFFFFEF7, lr;
	s5 =	simm.s32 $0xFFFFFFFF;
	p2 =	slt.u32 s8, $0xFFFFF086  }
0x1c: {  	p1 =	slt.u32 s9, $0xF7A;
	s5 =	simm.s32 @!p2 $0x0  }
0x1d: {  	s5 =	simm.s32 @p1 $0x1;
	p0 =	seq.s32 s7, s2  }
0x1e: {  	s7 =	smul.u32 @!p0 $0xF7A, s2;
	p2 =	seq.s32 @!p0 s5, $0x0  }
0x1f: {  	s9 =	smul.u32 $0xF7A, s1;
	s8 =	simm.s32 @!p0 $0x1BF5;
	p2 =	por !p2, p0  }
0x20: {  	[sflag:s8] =	ssyncset.s32 @!p0 $0xFFFFF086;
	s6 =	sadd.s32 @!p0 s3, s7;
	s7 =	simm.s32 @!p0 $0x108  }
0x21: {  	s3 =	sadd.s32 s3, s9;
	s6 =	sadd.s32 @!p0 $0x88, s6;
	s7 =	simm.s32 @p2 $0x1082  }
0x22: {  	[simem:s7], [sflag:s8] =	dma.local @!p0 [hbm:s6], $0xF7A  }
0x23: {  	s9 =	sor.u32 $0xD0000000, s2;
	s6 =	simm.s32 $0x108;
	_ =	swait.ge @!p0 [sflag:s8], $0x0  }
0x24: {  	s3 =	sadd.s32 $0x88, s3;
	s6 =	simm.s32 @!p1 $0x1082;
	[sflag:s4] =	ssyncset.s32 $0xFFFFF086  }
0x25: {  	[simem:s6], [sflag:s4] =	dma.local [hbm:s3], $0xF7A  }
0x26: {  	[smem:$0x3F8A] =	sst s1;
	(tag) =	ssettag s2;
	_ =	strace s9  }
0x27: {  	s1 =	sld [smem:$0x3F9A]  }
0x28: {  	s2 =	sld [smem:$0x3F9B]  }
0x29: {  	s4 =	sld [smem:$0x3F9D]  }
0x2a: {  	p0 =	seq.s32 s5, $0x0;
	s5 =	sld [smem:$0x3F9E]  }
0x2b: {  	s6 =	sld [smem:$0x3F9F]  }
0x2c: {  	s7 =	sld [smem:$0x3FA0]  }
0x2d: {  	s3 =	simm.s32 $0x108;
	s8 =	sld [smem:$0x3FA1]  }
0x2e: {  	s3 =	simm.s32 @!p0 $0x1082;
	s9 =	sld [smem:$0x3FA2]  }
0x2f: {  	lr =	sadd.s32 s0, s3;
	s0 =	sld [smem:$0x3F99]  }
0x30: {  	s3 =	sld [smem:$0x3F9C]  }
0x31: {  	[smem:$0x3FA5] =	sst s10  }
0x32: {  	s10 =	sld [smem:$0x3FA3];
	_ =	sdelay $0x3  }
0x33: {  	p0 =	seq.s32 s10, $0x1;
	s10 =	sld [smem:$0x3FA5];
	_ =	sdelay $0x3  }
0x34: {  	[smem:$0x3FA5] =	sst s10  }
0x35: {  	s10 =	sld [smem:$0x3FA4];
	_ =	sdelay $0x3  }
0x36: {  	p1 =	seq.s32 s10, $0x1;
	s10 =	sld [smem:$0x3FA5];
	_ =	sdelay $0x3  }
0x37: {  	[smem:$0x3FA5] =	sst s10  }
0x38: {  	s10 =	sld [smem:$0x3FA6]  }
0x39: {  	_ = 	snop;
	(pc) =	sbr.ind lr, $3  }
0x3a: {  	_ = 	snop  }
0x3b: {  	_ = 	snop  }
0x3c: {  	p2 =	seq.s32 s10, $0x1;
	s10 =	sld [smem:$0x3FA5]  }
0x3d: {  	_ =	shalt  }
0x3e: {  	_ =	shalt  }
0x3f: {  	_ =	shalt  }
0x40: {  	_ =	shalt  }
0x41: {  	_ =	shalt  }
0x42: {  	_ =	shalt  }
0x43: {  	_ =	shalt  }
0x44: {  	_ =	shalt  }
0x45: {  	_ =	shalt  }
0x46: {  	_ =	shalt  }
0x47: {  	_ =	shalt  }
0x48: {  	_ =	shalt  }
0x49: {  	_ =	shalt  }
0x4a: {  	_ =	shalt  }
0x4b: {  	_ =	shalt  }
0x4c: {  	_ =	shalt  }
0x4d: {  	_ =	shalt  }
0x4e: {  	_ =	shalt  }
0x4f: {  	_ =	shalt  }
0x50: {  	_ =	shalt  }
0x51: {  	_ =	shalt  }
0x52: {  	_ =	shalt  }
0x53: {  	_ =	shalt  }
0x54: {  	_ =	shalt  }
0x55: {  	_ =	shalt  }
0x56: {  	_ =	shalt  }
0x57: {  	_ =	shalt  }
0x58: {  	_ =	shalt  }
0x59: {  	_ =	shalt  }
0x5a: {  	_ =	shalt  }
0x5b: {  	_ =	shalt  }
0x5c: {  	_ =	shalt  }
0x5d: {  	_ =	shalt  }
0x5e: {  	_ =	shalt  }
0x5f: {  	_ =	shalt  }
0x60: {  	_ =	shalt  }
0x61: {  	_ =	shalt  }
0x62: {  	_ =	shalt  }
0x63: {  	_ =	shalt  }
0x64: {  	_ =	shalt  }
0x65: {  	_ =	shalt  }
0x66: {  	_ =	shalt  }
0x67: {  	_ =	shalt  }
0x68: {  	_ =	shalt  }
0x69: {  	_ =	shalt  }
0x6a: {  	_ =	shalt  }
0x6b: {  	_ =	shalt  }
0x6c: {  	_ =	shalt  }
0x6d: {  	_ =	shalt  }
0x6e: {  	_ =	shalt  }
0x6f: {  	_ =	shalt  }
0x70: {  	_ =	shalt  }
0x71: {  	_ =	shalt  }
0x72: {  	_ =	shalt  }
0x73: {  	_ =	shalt  }
0x74: {  	_ =	shalt  }
0x75: {  	_ =	shalt  }
0x76: {  	_ =	shalt  }
0x77: {  	_ =	shalt  }
0x78: {  	_ =	shalt  }
0x79: {  	_ =	shalt  }
0x7a: {  	_ =	shalt  }
0x7b: {  	_ =	shalt  }
0x7c: {  	_ =	shalt  }
0x7d: {  	_ =	shalt  }
0x7e: {  	_ =	shalt  }
0x7f: {  	_ =	shalt  }
0x80: {  	_ =	shalt  }
0x81: {  	_ =	shalt  }
0x82: {  	_ =	shalt  }
0x83: {  	_ =	shalt  }
0x84: {  	_ =	shalt  }
0x85: {  	_ =	shalt  }
0x86: {  	_ =	shalt  }
0x87: {  	_ =	shalt  }
.Lfunc_end0:
.L_simem_size_0:
called_computation.6_lowered:
.L_overlay_start_0:
0x88: {  	s2 =	sld [smem:$0x3FD9]  }
0x89: {  	s3 =	sld [smem:$0x3FFE];
	_ =	sdelay $0x1  }
0x8a: {  	s1 =	srdreg.scid  }
0x8b: {  	s0 =	sand.u32 $0x1, s1  }
0x8c: {  	s17 =	sshll.u32 s0, $0xA;
	s2 =	sadd.s32 s3, s2  }
0x8d: {  	s2 =	sadd.s32 s2, s17  }
0x8e: {  	[smem:$0x3FB1] =	sst s2  }
0x8f: {  	_ = 	snop  }
0x90: {  	s18 =	sld [smem:$0x3FC9];
	(tm) =	ssettm $0x1  }
0x91: {  	s19 =	sld [smem:$0x3FFB];
	_ =	sdelay $0x3  }
0x92: {  	_ =	strace s19  }
0x93: {  	s2 =	sld [smem:$0x3FFC];
	_ =	sdelay $0x3  }
0x94: {  	_ =	strace s2  }
0x95: {  	s2 =	sld [smem:$0x3FFD];
	_ =	sdelay $0x3  }
0x96: {  	_ =	strace s2  }
0x97: {  	_ =	strace $0x8FFFFFFF  }
0x98: {  	s20 =	sld [smem:$0x3FDB];
	_ =	sdelay $0x1  }
0x99: {  	s4 =	simm.s32 $_scs_section_size  }
0x9a: {  	s5 =	simm.s32 $_size__tile_overlayer_lowered;
	s6 =	simm.s32 $_tile_overlayer_lowered  }
0x9b: {  	s7 =	simm.s32 $0x1BFF;
	s21 =	sshll.u32 s6, $0x1;
	s4 =	sadd.s32 s4, s20  }
0x9c: {  	s22 =	simm.s32 $0x0;
	s5 =	sshll.u32 s5, $0x1;
	s6 =	sadd.s32 s21, s4  }
0x9d: {  	[timem:s22], [sflag:s7] =	dma.local [hbm:s6], s5  }
0x9e: {  	_ =	swait.ge [sflag:s7], s5  }
0x9f: {  	s5 =	ssub.s32 $0x0, s5;
	[sflag:s7] =	ssyncset.done $0x0  }
0xa0: {  	[sflag:s7] =	ssyncadd.s32 s5;
	_ =	sdelay $0x1  }
0xa1: {  	s23 =	simm.s32 $0x1B8B  }
0xa2: {  	_ =	swait.ge [sflag:s23], $0x1  }
0xa3: {  	[sflag:s23] =	ssyncset.done $0x0  }
0xa4: {  	[sflag:s23] =	ssyncadd.s32 $0xFFFFFFFF  }
0xa5: {  	s5 =	sld [smem:$0x0]  }
0xa6: {  	s6 =	sand.u32 $0xFFFFFFFE, s1  }
0xa7: {  	p0 =	sne.s32 s1, s6  }
0xa8: {  	s6 =	sshll.u32 @p0 s6, $0xE  }
0xa9: {  	s6 =	sadd.s32 @p0 $0x11B8D, s6;
	s7 =	sshll.u32 @p0 s5, $0x11  }
0xaa: {  	s6 =	sor.u32 @p0 s7, s6  }
0xab: {  	[sflag:s6] =	ssyncadd.remote.s32 @p0 $0x1;
	_ =	sdelay $0x1  }
0xac: {  	s6 =	simm.s32 @p0 $0x1B8D  }
0xad: {  	_ =	swait.eq @p0 [sflag:s6], $0x1  }
0xae: {  	[sflag:s6] =	ssyncadd.s32 @p0 $0xFFFFFFFF  }
0xaf: {  	s7 =	sshll.u32 @!p0 s1, $0xE  }
0xb0: {  	s7 =	sor.u32 @!p0 $0x4000, s7;
	s6 =	simm.s32 @!p0 $0x1B8D  }
0xb1: {  	s5 =	sshll.u32 @!p0 s5, $0x11;
	s7 =	sadd.s32 @!p0 $0x11B8D, s7;
	_ =	swait.eq @!p0 [sflag:s6], $0x1  }
0xb2: {  	s5 =	sor.u32 @!p0 s5, s7;
	[sflag:s6] =	ssyncadd.s32 @!p0 $0xFFFFFFFF  }
0xb3: {  	s25 =	simm.s32 $0x1B8E;
	s24 =	sld [smem:$0x3FFE];
	[sflag:s5] =	ssyncadd.remote.s32 @!p0 $0x1  }
0xb4: {  	s26 =	simm.s32 $execute0_lowered;
	[smem:$0x3FD2] =	sst s25  }
0xb5: {  	s6 =	sshll.u32 s26, $0x1;
	_ =	strace $0x8000005B;
	[dreg:$0x1] =	wrdreg $0xFFFFFFFF  }
0xb6: {  	s28 =	simm.s32 $_size_execute0_lowered;
	s4 =	sadd.s32 s4, s6;
	[dreg:$0x0] =	wrdreg $0x0  }
0xb7: {  	s6 =	sshll.u32 s28, $0x1;
	[dreg:$0x2] =	wrdreg s4  }
0xb8: {  	[dreg:$0x3] =	wrdreg s6  }
0xb9: {  	[dreg:$0x4] =	wrdreg $0xC0  }
0xba: {  	_ =	task [dreg:s22], $0x5FFFF  }
0xbb: {  	[dreg:$0x1] =	wrdreg $0xFFFFFFFF  }
0xbc: {  	[dreg:$0x0] =	wrdreg $0x60  }
0xbd: {  	[dreg:$0x2] =	wrdreg s18  }
0xbe: {  	[dreg:$0x3] =	wrdreg s24  }
0xbf: {  	[dreg:$0x4] =	wrdreg $0xA  }
0xc0: {  	_ =	task.clear_ibuf [dreg:s22], $0x5FFFF;
	_ =	strace $0x9000005B  }
0xc1: {  	s29 =	simm.s32 $0xA;
	_ =	strace $0x8000005D  }
0xc2: {  	_ =	swait.ge [sflag:s29], $0x1  }
0xc3: {  	[sflag:s29] =	ssyncadd.s32 $0xFFFFFFFF  }
0xc4: {  	_ =	strace $0x9000005D  }
0xc5: {  	_ =	sfence  }
0xc6: {  	s30 =	sld [smem:$0x0];
	_ =	sdelay $0x2  }
0xc7: {  	s31 =	sshll.u32 s1, $0xD;
	s1 =	sshrl.u32 s1, $0x2  }
0xc8: {  	s4 =	sand.u32 $0x4000, s31;
	s1 =	sadd.s32 s1, s30  }
0xc9: {  	s0 =	sor.u32 s4, s0;
	s1 =	sshll.u32 s1, $0x11  }
0xca: {  	s0 =	sor.u32 s1, s0  }
0xcb: {  	s0 =	sadd.s32 $0x8F2B, s0  }
0xcc: {  	[sflag:s0] =	ssyncadd.remote.s32 $0x1  }
0xcd: {  	_ =	sfence.sel $0xFFFF  }
0xce: {  	[dreg:$0x0] =	wrdreg $0xFFFFFFFF;
	(pc) =	sbr.abs _section_cstart, $3  }
0xcf: {  	[dreg:$0x1] =	wrdreg $0xFFFFFFFF  }
0xd0: {  	_ =	task.clear_ibuf [dreg:s22], $0x2FFFF;
	_ =	strace $0x9FFFFFFF  }
0xd1: {  	(tm) =	ssettm $0x7FFFFFFF  }
tec
execute0_lowered:
.L_overlay_start_1:
0x0: {  	(tag) =	ssettag $0x1  }
0x1: {  	s1 =	srdreg.scid;
	s0 =	stileid.u32  }
0x2: {  	s2 =	rddreg [dreg:$0x0];
	s6 =	sand.u32 $0x1, s1;
	s30 =	sshll.u32 s0, $0x1  }
0x3: {  	s9 =	rddreg [dreg:$0x1];
	s7 =	sor.u32 s6, s30  }
0x4: {  	s3 =	simm.s32 $0x0;
	s1 =	rddreg [dreg:$0x2];
	s4 =	smul.u32 $0x28, s7  }
0x5: {  	s8 =	simm.s32 $0x1;
	[smem:$0x7FF] =	sst s3  }
0x6: {  	_ =	strace $0x8000005C;
	s11 =	ssub.s32 $0x2, s6;
	s4 =	sadd.s32 s4, s9  }
0x7: {  	s6 =	simm.s32 $0x140;
	s5 =	sadd.s32 $0x14800, s4;
	s4 =	simm.s32 $0x3  }
0x8: {  	[tilespmem:s3], [sflag:$0x3] =	stream.linear.gather [hbm4b:s5+s3], $0x140, $0x38;
	[tilespmem:$0xA180] =	vst v63  }
0x9: {  	s10 =	smul.u32 $0x1400, s7;
	s12 =	sshrl.u32 s11, $0x1;
	_ =	swait.ge [sflag:s4], $0x140  }
0xa: {  	s7 =	simm.s32 $0x180;
	s31 =	ssub.s32 s11, s12;
	[sflag:s4] =	ssyncset.done $0x0  }
0xb: {  	s9 =	sadd.s32 s10, s9;
	s10 =	smax.u32 s31, $0x1;
	[sflag:s4] =	ssyncadd.s32 $0xFFFFFEC0  }
0xc: {  	[tilespmem:s7], [sflag:$0x1] =	stream.indirect.gather [hbm4b:s2+s6], $0x80, s3, s6, $0xb8;
	[tilespmem:$0xA180] =	vst v63  }
0xd: {  	p0 =	sne.s32 s10, $0x1;
	_ =	swait.ge [sflag:s8], $0xA000  }
.Ltmp0:
0xe: {  	[sflag:s8] =	ssyncset.done $0x0;
	(pc) =	sbr.rel @!p0 .LBB2_2-.Ltmp0, $4  }
0xf: {  	s9 =	sadd.s32 $0x1E200, s9;
	[sflag:s8] =	ssyncadd.s32 $0xFFFF6000  }
0x10: {  	[hbm4b:s9+s3] =	stream.linear.scatter [tilespmem:s7], [sflag:$0x3], $0xA000, $0x38;
	[tilespmem:$0xA180] =	vst v63  }
0x11: {  	_ =	swait.ge [sflag:s4], $0xA000  }
0x12: {  	s10 =	sadd.s32 $0xFFFFFFFF, s10;
	[sflag:s4] =	ssyncset.done $0x0  }
.LBB2_1:
0x13: {  	p0 =	sne.s32 s10, $0x1;
	s10 =	sadd.s32 $0xFFFFFFFF, s10;
	[sflag:s4] =	ssyncadd.s32 $0xFFFF6000  }
0x14: {  	[tilespmem:s3], [sflag:$0x3] =	stream.linear.gather [hbm4b:s5+s3], $0x140, $0x38;
	[tilespmem:$0xA180] =	vst v63  }
0x15: {  	_ =	swait.ge [sflag:s4], $0x140  }
0x16: {  	[sflag:s4] =	ssyncset.done $0x0  }
0x17: {  	[sflag:s4] =	ssyncadd.s32 $0xFFFFFEC0  }
0x18: {  	[tilespmem:s7], [sflag:$0x1] =	stream.indirect.gather [hbm4b:s2+s6], $0x80, s3, s6, $0xb8;
	[tilespmem:$0xA180] =	vst v63  }
0x19: {  	_ =	swait.ge [sflag:s8], $0xA000  }
.Ltmp1:
0x1a: {  	[sflag:s8] =	ssyncset.done $0x0;
	(pc) =	sbr.rel @p0 .LBB2_1-.Ltmp1, $4  }
0x1b: {  	[sflag:s8] =	ssyncadd.s32 $0xFFFF6000  }
0x1c: {  	[hbm4b:s9+s3] =	stream.linear.scatter [tilespmem:s7], [sflag:$0x3], $0xA000, $0x38;
	[tilespmem:$0xA180] =	vst v63  }
0x1d: {  	_ =	swait.ge [sflag:s4], $0xA000  }
0x1e: {  	[sflag:s4] =	ssyncset.done $0x0  }
.LBB2_2:
0x1f: {  	[sflag:s4] =	ssyncadd.s32 $0xFFFF6000  }
0x20: {  	_ =	sfence.sel $0x180000  }
0x21: {  	[bflag:$0x0] =	sbarrier.arrive $0xFFFF  }
0x22: {  	p0 =	sne.s32 s0, $0x0;
	_ =	strace $0x9000005C  }
0x23: {  	s0 =	sadd.s32 @!p0 $0x100000, s1;
	[bflag:$0x2] =	sbarrier.arrive $0xFFFF  }
0x24: {  	[sflag:s0] =	ssyncadd.tile.s32 @!p0 $0x1;
	_ =	shalt  }
.Lfunc_end2:
_tile_overlayer_lowered:
.L_overlay_start_2:
0x25: {  	(tag) =	ssettag $0x2  }
0x26: {  	s0 =	rddreg [dreg:$0x0];
	s2 =	stileid.u32  }
0x27: {  	s1 =	rddreg [dreg:$0x1];
	p0 =	sne.s32 s2, $0x0  }
0x28: {  	s3 =	rddreg [dreg:$0x2];
	[bflag:$0x3] =	sbarrier.arrive $0xFFFF;
	s2 =	simm.s32 @!p0 $0x1C03  }
0x29: {  	[timem:s3], [sflag:s2] =	dma.local @!p0 [hbm:s0], s1  }
0x2a: {  	s0 =	simm.s32 @!p0 $0x3  }
0x2b: {  	_ =	swait.ge @!p0 [sflag:s0], s1  }
0x2c: {  	s1 =	ssub.s32 @!p0 $0x0, s1;
	[sflag:s0] =	ssyncset.done @!p0 $0x0  }
0x2d: {  	[sflag:s0] =	ssyncadd.s32 @!p0 s1  }
0x2e: {  	[bflag:$0x3] =	sbarrier.arrive $0xFFFF  }
0x2f: {  	_ =	shalt  }

// kernel: kernel.13.cloned.1.call-start
scs
__scs_entry_jumppad:
0x0: {  	(pc) =	sbr.rel $0x88, $3  }
0x1: {  	(tag) =	ssettag $0x0;
	lr =	simm.s32 $0x1  }
0x2: {  	[smem:$0x3F8A] =	sst lr;
	_ =	strace $0xD0000000  }
0x3: {  	_ = 	snop  }
0x4: {  	_ = 	snop  }
0x5: {  	_ = 	snop  }
0x6: {  	_ = 	snop  }
0x7: {  	_ = 	snop  }
__scs_overlays_trampoline_lowered:
0x8: {  	[smem:$0x3F99] =	sst s0  }
0x9: {  	[smem:$0x3F9A] =	sst s1  }
0xa: {  	[smem:$0x3F9B] =	sst s2  }
0xb: {  	[smem:$0x3F9C] =	sst s3  }
0xc: {  	[smem:$0x3F9D] =	sst s4  }
0xd: {  	[smem:$0x3F9E] =	sst s5  }
0xe: {  	[smem:$0x3F9F] =	sst s6  }
0xf: {  	[smem:$0x3FA0] =	sst s7  }
0x10: {  	[smem:$0x3FA1] =	sst s8  }
0x11: {  	[smem:$0x3FA2] =	sst s9;
	s0 =	simm.s32 @!p0 $0x0  }
0x12: {  	s1 =	sld [smem:$0x3F88];
	s0 =	simm.s32 @p0 $0x1  }
0x13: {  	[smem:$0x3FA3] =	sst s0;
	s0 =	simm.s32 @!p1 $0x0  }
0x14: {  	s2 =	sld [smem:$0x3F87];
	s0 =	simm.s32 @p1 $0x1  }
0x15: {  	[smem:$0x3FA4] =	sst s0;
	s0 =	simm.s32 @!p2 $0x0  }
0x16: {  	s3 =	sld [smem:$0x3FDB];
	s0 =	simm.s32 @p2 $0x1  }
0x17: {  	s4 =	simm.s32 $0x1BF5;
	[smem:$0x3FA6] =	sst s0  }
0x18: {  	s0 =	sld [smem:$0x3F89];
	_ =	swait.ge [sflag:s4], $0x0  }
0x19: {  	s7 =	sld [smem:$0x3F8A]  }
0x1a: {  	s8 =	sadd.s32 $0xFFFFE003, lr  }
0x1b: {  	s9 =	sadd.s32 $0xFFFFFEF7, lr;
	s5 =	simm.s32 $0xFFFFFFFF;
	p2 =	slt.u32 s8, $0xFFFFF086  }
0x1c: {  	p1 =	slt.u32 s9, $0xF7A;
	s5 =	simm.s32 @!p2 $0x0  }
0x1d: {  	s5 =	simm.s32 @p1 $0x1;
	p0 =	seq.s32 s7, s2  }
0x1e: {  	s7 =	smul.u32 @!p0 $0xF7A, s2;
	p2 =	seq.s32 @!p0 s5, $0x0  }
0x1f: {  	s9 =	smul.u32 $0xF7A, s1;
	s8 =	simm.s32 @!p0 $0x1BF5;
	p2 =	por !p2, p0  }
0x20: {  	[sflag:s8] =	ssyncset.s32 @!p0 $0xFFFFF086;
	s6 =	sadd.s32 @!p0 s3, s7;
	s7 =	simm.s32 @!p0 $0x108  }
0x21: {  	s3 =	sadd.s32 s3, s9;
	s6 =	sadd.s32 @!p0 $0x88, s6;
	s7 =	simm.s32 @p2 $0x1082  }
0x22: {  	[simem:s7], [sflag:s8] =	dma.local @!p0 [hbm:s6], $0xF7A  }
0x23: {  	s9 =	sor.u32 $0xD0000000, s2;
	s6 =	simm.s32 $0x108;
	_ =	swait.ge @!p0 [sflag:s8], $0x0  }
0x24: {  	s3 =	sadd.s32 $0x88, s3;
	s6 =	simm.s32 @!p1 $0x1082;
	[sflag:s4] =	ssyncset.s32 $0xFFFFF086  }
0x25: {  	[simem:s6], [sflag:s4] =	dma.local [hbm:s3], $0xF7A  }
0x26: {  	[smem:$0x3F8A] =	sst s1;
	(tag) =	ssettag s2;
	_ =	strace s9  }
0x27: {  	s1 =	sld [smem:$0x3F9A]  }
0x28: {  	s2 =	sld [smem:$0x3F9B]  }
0x29: {  	s4 =	sld [smem:$0x3F9D]  }
0x2a: {  	p0 =	seq.s32 s5, $0x0;
	s5 =	sld [smem:$0x3F9E]  }
0x2b: {  	s6 =	sld [smem:$0x3F9F]  }
0x2c: {  	s7 =	sld [smem:$0x3FA0]  }
0x2d: {  	s3 =	simm.s32 $0x108;
	s8 =	sld [smem:$0x3FA1]  }
0x2e: {  	s3 =	simm.s32 @!p0 $0x1082;
	s9 =	sld [smem:$0x3FA2]  }
0x2f: {  	lr =	sadd.s32 s0, s3;
	s0 =	sld [smem:$0x3F99]  }
0x30: {  	s3 =	sld [smem:$0x3F9C]  }
0x31: {  	[smem:$0x3FA5] =	sst s10  }
0x32: {  	s10 =	sld [smem:$0x3FA3];
	_ =	sdelay $0x3  }
0x33: {  	p0 =	seq.s32 s10, $0x1;
	s10 =	sld [smem:$0x3FA5];
	_ =	sdelay $0x3  }
0x34: {  	[smem:$0x3FA5] =	sst s10  }
0x35: {  	s10 =	sld [smem:$0x3FA4];
	_ =	sdelay $0x3  }
0x36: {  	p1 =	seq.s32 s10, $0x1;
	s10 =	sld [smem:$0x3FA5];
	_ =	sdelay $0x3  }
0x37: {  	[smem:$0x3FA5] =	sst s10  }
0x38: {  	s10 =	sld [smem:$0x3FA6]  }
0x39: {  	_ = 	snop;
	(pc) =	sbr.ind lr, $3  }
0x3a: {  	_ = 	snop  }
0x3b: {  	_ = 	snop  }
0x3c: {  	p2 =	seq.s32 s10, $0x1;
	s10 =	sld [smem:$0x3FA5]  }
0x3d: {  	_ =	shalt  }
0x3e: {  	_ =	shalt  }
0x3f: {  	_ =	shalt  }
0x40: {  	_ =	shalt  }
0x41: {  	_ =	shalt  }
0x42: {  	_ =	shalt  }
0x43: {  	_ =	shalt  }
0x44: {  	_ =	shalt  }
0x45: {  	_ =	shalt  }
0x46: {  	_ =	shalt  }
0x47: {  	_ =	shalt  }
0x48: {  	_ =	shalt  }
0x49: {  	_ =	shalt  }
0x4a: {  	_ =	shalt  }
0x4b: {  	_ =	shalt  }
0x4c: {  	_ =	shalt  }
0x4d: {  	_ =	shalt  }
0x4e: {  	_ =	shalt  }
0x4f: {  	_ =	shalt  }
0x50: {  	_ =	shalt  }
0x51: {  	_ =	shalt  }
0x52: {  	_ =	shalt  }
0x53: {  	_ =	shalt  }
0x54: {  	_ =	shalt  }
0x55: {  	_ =	shalt  }
0x56: {  	_ =	shalt  }
0x57: {  	_ =	shalt  }
0x58: {  	_ =	shalt  }
0x59: {  	_ =	shalt  }
0x5a: {  	_ =	shalt  }
0x5b: {  	_ =	shalt  }
0x5c: {  	_ =	shalt  }
0x5d: {  	_ =	shalt  }
0x5e: {  	_ =	shalt  }
0x5f: {  	_ =	shalt  }
0x60: {  	_ =	shalt  }
0x61: {  	_ =	shalt  }
0x62: {  	_ =	shalt  }
0x63: {  	_ =	shalt  }
0x64: {  	_ =	shalt  }
0x65: {  	_ =	shalt  }
0x66: {  	_ =	shalt  }
0x67: {  	_ =	shalt  }
0x68: {  	_ =	shalt  }
0x69: {  	_ =	shalt  }
0x6a: {  	_ =	shalt  }
0x6b: {  	_ =	shalt  }
0x6c: {  	_ =	shalt  }
0x6d: {  	_ =	shalt  }
0x6e: {  	_ =	shalt  }
0x6f: {  	_ =	shalt  }
0x70: {  	_ =	shalt  }
0x71: {  	_ =	shalt  }
0x72: {  	_ =	shalt  }
0x73: {  	_ =	shalt  }
0x74: {  	_ =	shalt  }
0x75: {  	_ =	shalt  }
0x76: {  	_ =	shalt  }
0x77: {  	_ =	shalt  }
0x78: {  	_ =	shalt  }
0x79: {  	_ =	shalt  }
0x7a: {  	_ =	shalt  }
0x7b: {  	_ =	shalt  }
0x7c: {  	_ =	shalt  }
0x7d: {  	_ =	shalt  }
0x7e: {  	_ =	shalt  }
0x7f: {  	_ =	shalt  }
0x80: {  	_ =	shalt  }
0x81: {  	_ =	shalt  }
0x82: {  	_ =	shalt  }
0x83: {  	_ =	shalt  }
0x84: {  	_ =	shalt  }
0x85: {  	_ =	shalt  }
0x86: {  	_ =	shalt  }
0x87: {  	_ =	shalt  }
.Lfunc_end0:
.L_simem_size_0:
called_computation.7_lowered:
.L_overlay_start_0:
0x88: {  	s2 =	sld [smem:$0x3FD9]  }
0x89: {  	s3 =	sld [smem:$0x3FFE];
	_ =	sdelay $0x1  }
0x8a: {  	s1 =	srdreg.scid  }
0x8b: {  	s0 =	sand.u32 $0x1, s1  }
0x8c: {  	s17 =	sshll.u32 s0, $0xA;
	s2 =	sadd.s32 s3, s2  }
0x8d: {  	s2 =	sadd.s32 s2, s17  }
0x8e: {  	[smem:$0x3FB1] =	sst s2  }
0x8f: {  	_ = 	snop  }
0x90: {  	s2 =	sld [smem:$0x3FD0];
	(tm) =	ssettm $0x1  }
0x91: {  	s18 =	sld [smem:$0x3FFB];
	_ =	sdelay $0x3  }
0x92: {  	_ =	strace s18  }
0x93: {  	s3 =	sld [smem:$0x3FFC];
	_ =	sdelay $0x3  }
0x94: {  	_ =	strace s3  }
0x95: {  	s3 =	sld [smem:$0x3FFD];
	_ =	sdelay $0x3  }
0x96: {  	_ =	strace s3  }
0x97: {  	_ =	strace $0x8FFFFFFF  }
0x98: {  	s19 =	sld [smem:$0x3FDB];
	_ =	sdelay $0x1  }
0x99: {  	s4 =	simm.s32 $_scs_section_size  }
0x9a: {  	s5 =	simm.s32 $_size__tile_overlayer_lowered;
	s6 =	simm.s32 $_tile_overlayer_lowered  }
0x9b: {  	s22 =	simm.s32 $0x1BFF;
	s21 =	sshll.u32 s6, $0x1;
	s3 =	sadd.s32 s4, s19  }
0x9c: {  	s7 =	simm.s32 $0x0;
	s20 =	sshll.u32 s5, $0x1;
	s5 =	sadd.s32 s21, s3  }
0x9d: {  	[timem:s7], [sflag:s22] =	dma.local [hbm:s5], s20  }
0x9e: {  	_ =	swait.ge [sflag:s22], s20  }
0x9f: {  	s4 =	ssub.s32 $0x0, s20;
	[sflag:s22] =	ssyncset.done $0x0  }
0xa0: {  	[sflag:s22] =	ssyncadd.s32 s4;
	_ =	sdelay $0x1  }
0xa1: {  	s23 =	simm.s32 $0x1B8B  }
0xa2: {  	_ =	swait.ge [sflag:s23], $0x1  }
0xa3: {  	[sflag:s23] =	ssyncset.done $0x0  }
0xa4: {  	s25 =	simm.s32 $0x1B8E;
	s24 =	sld [smem:$0x3FFE];
	[sflag:s23] =	ssyncadd.s32 $0xFFFFFFFF  }
0xa5: {  	s26 =	simm.s32 $execute0_lowered;
	[smem:$0x3FD2] =	sst s25  }
0xa6: {  	s5 =	sshll.u32 s26, $0x1;
	_ =	strace $0x8000005E;
	[dreg:$0x1] =	wrdreg $0xFFFFFFFF  }
0xa7: {  	s28 =	simm.s32 $_size_execute0_lowered;
	s3 =	sadd.s32 s3, s5;
	[dreg:$0x0] =	wrdreg $0x0  }
0xa8: {  	s5 =	sshll.u32 s28, $0x1;
	[dreg:$0x2] =	wrdreg s3  }
0xa9: {  	[dreg:$0x3] =	wrdreg s5  }
0xaa: {  	[dreg:$0x4] =	wrdreg $0xC0  }
0xab: {  	_ =	task [dreg:s7], $0x5FFFF  }
0xac: {  	[dreg:$0x1] =	wrdreg $0xFFFFFFFF  }
0xad: {  	[dreg:$0x0] =	wrdreg $0x60  }
0xae: {  	[dreg:$0x2] =	wrdreg s24  }
0xaf: {  	[dreg:$0x3] =	wrdreg s2  }
0xb0: {  	[dreg:$0x4] =	wrdreg $0x9  }
0xb1: {  	_ =	task.clear_ibuf [dreg:s7], $0x5FFFF;
	_ =	strace $0x9000005E  }
0xb2: {  	s29 =	simm.s32 $0x9;
	_ =	strace $0x80000060  }
0xb3: {  	_ =	swait.ge [sflag:s29], $0x1  }
0xb4: {  	[sflag:s29] =	ssyncadd.s32 $0xFFFFFFFF  }
0xb5: {  	_ =	strace $0x90000060  }
0xb6: {  	_ =	sfence  }
0xb7: {  	s30 =	sld [smem:$0x0];
	_ =	sdelay $0x2  }
0xb8: {  	s31 =	sshll.u32 s1, $0xD;
	s1 =	sshrl.u32 s1, $0x2  }
0xb9: {  	s3 =	sand.u32 $0x4000, s31;
	s1 =	sadd.s32 s1, s30  }
0xba: {  	s0 =	sor.u32 s3, s0;
	s1 =	sshll.u32 s1, $0x11  }
0xbb: {  	s0 =	sor.u32 s1, s0  }
0xbc: {  	s0 =	sadd.s32 $0x8F2B, s0  }
0xbd: {  	[sflag:s0] =	ssyncadd.remote.s32 $0x1  }
0xbe: {  	_ =	sfence.sel $0xFFFF  }
0xbf: {  	[dreg:$0x0] =	wrdreg $0xFFFFFFFF;
	(pc) =	sbr.abs _section_cstart, $3  }
0xc0: {  	[dreg:$0x1] =	wrdreg $0xFFFFFFFF  }
0xc1: {  	_ =	task.clear_ibuf [dreg:s7], $0x2FFFF;
	_ =	strace $0x9FFFFFFF  }
0xc2: {  	(tm) =	ssettm $0x7FFFFFFF  }
0xc3: {  	_ =	shalt  }
tec
execute0_lowered:
.L_overlay_start_1:
0x0: {  	(tag) =	ssettag $0x1  }
0x1: {  	s4 =	rddreg [dreg:$0x0]  }
0x2: {  	s1 =	srdreg.scid;
	s0 =	stileid.u32  }
0x3: {  	s10 =	rddreg [dreg:$0x1];
	s18 =	simm.s32 $0x2;
	s19 =	simm.s32 $0xA300  }
0x4: {  	s20 =	simm.s32 $0x4;
	s21 =	simm.s32 $0x5;
	s22 =	simm.s32 $0x6  }
0x5: {  	s23 =	simm.s32 $0x0;
	s9 =	sand.u32 $0x1, s1;
	s14 =	smul.u32 $0xA00, s0  }
0x6: {  	s2 =	sshll.u32 s0, $0x1;
	s1 =	rddreg [dreg:$0x2];
	s16 =	smul.u32 $0x50000, s0  }
0x7: {  	s13 =	sadd.s32 $0x46200, s4;
	s3 =	sor.u32 s9, s2;
	s15 =	smul.u32 $0x500, s9  }
0x8: {  	s2 =	simm.s32 $0x0;
	s26 =	ssub.s32 $0x2, s9;
	s17 =	smul.u32 $0x28000, s9  }
0x9: {  	s5 =	smul.u32 $0x500, s3;
	s6 =	sshll.u32 s3, $0x5;
	[smem:$0x7FF] =	sst s2  }
0xa: {  	s8 =	smul.u32 $0x28000, s3;
	s3 =	sadd.s32 $0x1E200, s4;
	s28 =	sshrl.u32 s26, $0x1  }
0xb: {  	s30 =	sadd.s32 s14, s10;
	s14 =	simm.s32 $0x1;
	s7 =	sor.u32 $0x2, s6  }
0xc: {  	_ =	strace $0x8000005F;
	s6 =	sor.u32 $0x3, s6;
	s11 =	smul.u32 $0x28, s7  }
0xd: {  	s29 =	ssub.s32 s26, s28;
	s12 =	smul.u32 $0x28, s6;
	s4 =	sadd.s32 s10, s5  }
.Ltmp0:
0xe: {  	s6 =	smax.u32 s29, $0x1;
	s7 =	sadd.s32 s13, s8;
	(pc) =	sbr.rel .LBB2_1-.Ltmp0, $4  }
0xf: {  	s13 =	sadd.s32 s16, s13;
	s16 =	simm.s32 $0x300;
	s5 =	sadd.s32 $0x28, s4  }
0x10: {  	s9 =	sadd.s32 $0x1400, s7;
	s31 =	sadd.s32 s17, s13;
	s13 =	simm.s32 $0x180  }
0x11: {  	s17 =	simm.s32 $0x3;
	s8 =	sadd.s32 s10, s11;
	s10 =	sadd.s32 s10, s12  }
0x12: {  	s11 =	sadd.s32 s15, s30;
	s12 =	sadd.s32 $0x2800, s31;
	s15 =	simm.s32 $0x140  }
.LBB2_4:
0x13: {  	s23 =	sadd.s32 $0x1, s23  }
0x14: {  	_ =	swait.ge [sflag:s21], $0xA000;
	p0 =	sne.s32 s23, s6  }
.Ltmp1:
0x15: {  	[sflag:s21] =	ssyncset.done $0x0;
	(pc) =	sbr.rel @!p0 .LBB2_5-.Ltmp1, $4  }
0x16: {  	[sflag:s21] =	ssyncadd.s32 $0xFFFF6000  }
0x17: {  	_ =	swait.ge [sflag:s22], $0xA000  }
0x18: {  	[sflag:s22] =	ssyncset.done $0x0  }
0x19: {  	[sflag:s22] =	ssyncadd.s32 $0xFFFF6000  }
.LBB2_1:
0x1a: {  	[tilespmem:s2], [sflag:$0x1] =	stream.linear.gather [hbm4b:s4+s2], $0x140, $0x38;
	[tilespmem:$0x14300] =	vst v63  }
0x1b: {  	_ = 	snop  }
0x1c: {  	[tilespmem:s13], [sflag:$0x2] =	stream.linear.gather [hbm4b:s5+s2], $0x140, $0x38;
	[tilespmem:$0x14300] =	vst v63  }
0x1d: {  	_ =	swait.ge [sflag:s14], $0x140  }
0x1e: {  	[sflag:s14] =	ssyncset.done $0x0  }
0x1f: {  	[sflag:s14] =	ssyncadd.s32 $0xFFFFFEC0  }
0x20: {  	[tilespmem:s16], [sflag:$0x3] =	stream.indirect.gather [hbm4b:s3+s15], $0x80, s2, s15, $0xb8;
	[tilespmem:$0x14300] =	vst v63  }
0x21: {  	_ =	swait.ge [sflag:s17], $0xA000  }
0x22: {  	[sflag:s17] =	ssyncset.done $0x0  }
0x23: {  	[sflag:s17] =	ssyncadd.s32 $0xFFFF6000  }
0x24: {  	[hbm4b:s7+s2] =	stream.linear.scatter [tilespmem:s16], [sflag:$0x5], $0xA000, $0x38;
	[tilespmem:$0x14300] =	vst v63  }
0x25: {  	_ = 	snop  }
0x26: {  	[tilespmem:s2], [sflag:$0x1] =	stream.linear.gather [hbm4b:s8+s2], $0x140, $0x38;
	[tilespmem:$0x14300] =	vst v63  }
0x27: {  	_ =	swait.ge [sflag:s18], $0x140  }
0x28: {  	[sflag:s18] =	ssyncset.done $0x0  }
0x29: {  	[sflag:s18] =	ssyncadd.s32 $0xFFFFFEC0  }
0x2a: {  	[tilespmem:s19], [sflag:$0x4] =	stream.indirect.gather [hbm4b:s3+s15], $0x80, s13, s15, $0xb8;
	[tilespmem:$0x14300] =	vst v63  }
0x2b: {  	_ =	swait.ge [sflag:s20], $0xA000  }
0x2c: {  	[sflag:s20] =	ssyncset.done $0x0  }
0x2d: {  	[sflag:s20] =	ssyncadd.s32 $0xFFFF6000  }
0x2e: {  	[hbm4b:s9+s2] =	stream.linear.scatter [tilespmem:s19], [sflag:$0x6], $0xA000, $0x38;
	[tilespmem:$0x14300] =	vst v63  }
0x2f: {  	s24 =	smov.u32 s12;
	s25 =	simm.s32 $0x0  }
0x30: {  	[tilespmem:s13], [sflag:$0x2] =	stream.linear.gather [hbm4b:s10+s2], $0x140, $0x38;
	[tilespmem:$0x14300] =	vst v63  }
.LBB2_2:
0x31: {  	_ =	swait.ge [sflag:s14], $0x140  }
0x32: {  	[sflag:s14] =	ssyncset.done $0x0  }
0x33: {  	[sflag:s14] =	ssyncadd.s32 $0xFFFFFEC0  }
0x34: {  	_ =	swait.ge [sflag:s21], $0xA000  }
0x35: {  	[sflag:s21] =	ssyncset.done $0x0  }
0x36: {  	[sflag:s21] =	ssyncadd.s32 $0xFFFF6000  }
0x37: {  	[tilespmem:s16], [sflag:$0x3] =	stream.indirect.gather [hbm4b:s3+s15], $0x80, s2, s15, $0xb8;
	[tilespmem:$0x14300] =	vst v63  }
0x38: {  	_ =	swait.ge [sflag:s17], $0xA000  }
0x39: {  	p0 =	seq.s32 s25, $0x460;
	[sflag:s17] =	ssyncset.done $0x0  }
0x3a: {  	s26 =	sadd.s32 @!p0 s25, s11;
	[sflag:s17] =	ssyncadd.s32 $0xFFFF6000  }
0x3b: {  	[hbm4b:s24+s2] =	stream.linear.scatter [tilespmem:s16], [sflag:$0x5], $0xA000, $0x38;
	[tilespmem:$0x14300] =	vst v63  }
0x3c: {  	s28 =	simm.s32 @!p0 $0x0;
	s26 =	sadd.s32 @!p0 $0xA0, s26  }
0x3d: {  	[tilespmem:s28], [sflag:$0x1] =	stream.linear.gather @!p0 [hbm4b:s26+s28], $0x140, $0x38;
	[tilespmem:$0x14300] =	vst v63  }
0x3e: {  	_ =	swait.ge [sflag:s18], $0x140  }
0x3f: {  	[sflag:s18] =	ssyncset.done $0x0  }
0x40: {  	[sflag:s18] =	ssyncadd.s32 $0xFFFFFEC0  }
0x41: {  	_ =	swait.ge [sflag:s22], $0xA000  }
0x42: {  	[sflag:s22] =	ssyncset.done $0x0  }
0x43: {  	[sflag:s22] =	ssyncadd.s32 $0xFFFF6000  }
0x44: {  	[tilespmem:s19], [sflag:$0x4] =	stream.indirect.gather [hbm4b:s3+s15], $0x80, s13, s15, $0xb8;
	[tilespmem:$0x14300] =	vst v63  }
.Ltmp2:
0x45: {  	_ = 	snop;
	(pc) =	sbr.rel @p0 .LBB2_4-.Ltmp2, $4  }
0x46: {  	_ =	swait.ge [sflag:s20], $0xA000  }
0x47: {  	[sflag:s20] =	ssyncset.done $0x0  }
0x48: {  	s31 =	sadd.s32 $0x1400, s24;
	[sflag:s20] =	ssyncadd.s32 $0xFFFF6000  }
0x49: {  	[hbm4b:s31+s2] =	stream.linear.scatter [tilespmem:s19], [sflag:$0x6], $0xA000, $0x38;
	[tilespmem:$0x14300] =	vst v63  }
.Ltmp3:
0x4a: {  	(pc) =	sbr.rel .LBB2_2-.Ltmp3, $4  }
0x4b: {  	_ = 	snop  }
0x4c: {  	s26 =	sadd.s32 s25, s11  }
0x4d: {  	s25 =	sadd.s32 $0x50, s25;
	s24 =	sadd.s32 $0x2800, s24;
	s26 =	sadd.s32 $0xC8, s26  }
0x4e: {  	[tilespmem:s13], [sflag:$0x2] =	stream.linear.gather [hbm4b:s26+s2], $0x140, $0x38;
	[tilespmem:$0x14300] =	vst v63  }
.LBB2_5:
0x4f: {  	_ =	sfence.sel $0x180000  }
0x50: {  	[bflag:$0x0] =	sbarrier.arrive $0xFFFF  }
0x51: {  	p0 =	sne.s32 s0, $0x0;
	_ =	strace $0x9000005F  }
0x52: {  	s0 =	sadd.s32 @!p0 $0x100000, s1;
	[bflag:$0x2] =	sbarrier.arrive $0xFFFF  }
0x53: {  	[sflag:s0] =	ssyncadd.tile.s32 @!p0 $0x1;
	_ =	shalt  }
.Lfunc_end2:
_tile_overlayer_lowered:
.L_overlay_start_2:
0x54: {  	(tag) =	ssettag $0x2  }
0x55: {  	s0 =	rddreg [dreg:$0x0];
	s2 =	stileid.u32  }
0x56: {  	s1 =	rddreg [dreg:$0x1];
	p0 =	sne.s32 s2, $0x0  }
0x57: {  	s3 =	rddreg [dreg:$0x2];
	[bflag:$0x3] =	sbarrier.arrive $0xFFFF;
	s2 =	simm.s32 @!p0 $0x1C07  }
0x58: {  	[timem:s3], [sflag:s2] =	dma.local @!p0 [hbm:s0], s1  }
0x59: {  	s0 =	simm.s32 @!p0 $0x7  }
0x5a: {  	_ =	swait.ge @!p0 [sflag:s0], s1  }
0x5b: {  	s1 =	ssub.s32 @!p0 $0x0, s1;
	[sflag:s0] =	ssyncset.done @!p0 $0x0  }
0x5c: {  	[sflag:s0] =	ssyncadd.s32 @!p0 s1  }
0x5d: {  	[bflag:$0x3] =	sbarrier.arrive $0xFFFF  }
0x5e: {  	_ =	shalt  }

// kernel: kernel.16.cloned.1.call-start
scs
__scs_entry_jumppad:
0x0: {  	(pc) =	sbr.rel $0x88, $3  }
0x1: {  	(tag) =	ssettag $0x0;
	lr =	simm.s32 $0x1  }
0x2: {  	[smem:$0x3F8A] =	sst lr;
	_ =	strace $0xD0000000  }
0x3: {  	_ = 	snop  }
0x4: {  	_ = 	snop  }
0x5: {  	_ = 	snop  }
0x6: {  	_ = 	snop  }
0x7: {  	_ = 	snop  }
__scs_overlays_trampoline_lowered:
0x8: {  	[smem:$0x3F99] =	sst s0  }
0x9: {  	[smem:$0x3F9A] =	sst s1  }
0xa: {  	[smem:$0x3F9B] =	sst s2  }
0xb: {  	[smem:$0x3F9C] =	sst s3  }
0xc: {  	[smem:$0x3F9D] =	sst s4  }
0xd: {  	[smem:$0x3F9E] =	sst s5  }
0xe: {  	[smem:$0x3F9F] =	sst s6  }
0xf: {  	[smem:$0x3FA0] =	sst s7  }
0x10: {  	[smem:$0x3FA1] =	sst s8  }
0x11: {  	[smem:$0x3FA2] =	sst s9;
	s0 =	simm.s32 @!p0 $0x0  }
0x12: {  	s1 =	sld [smem:$0x3F88];
	s0 =	simm.s32 @p0 $0x1  }
0x13: {  	[smem:$0x3FA3] =	sst s0;
	s0 =	simm.s32 @!p1 $0x0  }
0x14: {  	s2 =	sld [smem:$0x3F87];
	s0 =	simm.s32 @p1 $0x1  }
0x15: {  	[smem:$0x3FA4] =	sst s0;
	s0 =	simm.s32 @!p2 $0x0  }
0x16: {  	s3 =	sld [smem:$0x3FDB];
	s0 =	simm.s32 @p2 $0x1  }
0x17: {  	s4 =	simm.s32 $0x1BF5;
	[smem:$0x3FA6] =	sst s0  }
0x18: {  	s0 =	sld [smem:$0x3F89];
	_ =	swait.ge [sflag:s4], $0x0  }
0x19: {  	s7 =	sld [smem:$0x3F8A]  }
0x1a: {  	s8 =	sadd.s32 $0xFFFFE003, lr  }
0x1b: {  	s9 =	sadd.s32 $0xFFFFFEF7, lr;
	s5 =	simm.s32 $0xFFFFFFFF;
	p2 =	slt.u32 s8, $0xFFFFF086  }
0x1c: {  	p1 =	slt.u32 s9, $0xF7A;
	s5 =	simm.s32 @!p2 $0x0  }
0x1d: {  	s5 =	simm.s32 @p1 $0x1;
	p0 =	seq.s32 s7, s2  }
0x1e: {  	s7 =	smul.u32 @!p0 $0xF7A, s2;
	p2 =	seq.s32 @!p0 s5, $0x0  }
0x1f: {  	s9 =	smul.u32 $0xF7A, s1;
	s8 =	simm.s32 @!p0 $0x1BF5;
	p2 =	por !p2, p0  }
0x20: {  	[sflag:s8] =	ssyncset.s32 @!p0 $0xFFFFF086;
	s6 =	sadd.s32 @!p0 s3, s7;
	s7 =	simm.s32 @!p0 $0x108  }
0x21: {  	s3 =	sadd.s32 s3, s9;
	s6 =	sadd.s32 @!p0 $0x88, s6;
	s7 =	simm.s32 @p2 $0x1082  }
0x22: {  	[simem:s7], [sflag:s8] =	dma.local @!p0 [hbm:s6], $0xF7A  }
0x23: {  	s9 =	sor.u32 $0xD0000000, s2;
	s6 =	simm.s32 $0x108;
	_ =	swait.ge @!p0 [sflag:s8], $0x0  }
0x24: {  	s3 =	sadd.s32 $0x88, s3;
	s6 =	simm.s32 @!p1 $0x1082;
	[sflag:s4] =	ssyncset.s32 $0xFFFFF086  }
0x25: {  	[simem:s6], [sflag:s4] =	dma.local [hbm:s3], $0xF7A  }
0x26: {  	[smem:$0x3F8A] =	sst s1;
	(tag) =	ssettag s2;
	_ =	strace s9  }
0x27: {  	s1 =	sld [smem:$0x3F9A]  }
0x28: {  	s2 =	sld [smem:$0x3F9B]  }
0x29: {  	s4 =	sld [smem:$0x3F9D]  }
0x2a: {  	p0 =	seq.s32 s5, $0x0;
	s5 =	sld [smem:$0x3F9E]  }
0x2b: {  	s6 =	sld [smem:$0x3F9F]  }
0x2c: {  	s7 =	sld [smem:$0x3FA0]  }
0x2d: {  	s3 =	simm.s32 $0x108;
	s8 =	sld [smem:$0x3FA1]  }
0x2e: {  	s3 =	simm.s32 @!p0 $0x1082;
	s9 =	sld [smem:$0x3FA2]  }
0x2f: {  	lr =	sadd.s32 s0, s3;
	s0 =	sld [smem:$0x3F99]  }
0x30: {  	s3 =	sld [smem:$0x3F9C]  }
0x31: {  	[smem:$0x3FA5] =	sst s10  }
0x32: {  	s10 =	sld [smem:$0x3FA3];
	_ =	sdelay $0x3  }
0x33: {  	p0 =	seq.s32 s10, $0x1;
	s10 =	sld [smem:$0x3FA5];
	_ =	sdelay $0x3  }
0x34: {  	[smem:$0x3FA5] =	sst s10  }
0x35: {  	s10 =	sld [smem:$0x3FA4];
	_ =	sdelay $0x3  }
0x36: {  	p1 =	seq.s32 s10, $0x1;
	s10 =	sld [smem:$0x3FA5];
	_ =	sdelay $0x3  }
0x37: {  	[smem:$0x3FA5] =	sst s10  }
0x38: {  	s10 =	sld [smem:$0x3FA6]  }
0x39: {  	_ = 	snop;
	(pc) =	sbr.ind lr, $3  }
0x3a: {  	_ = 	snop  }
0x3b: {  	_ = 	snop  }
0x3c: {  	p2 =	seq.s32 s10, $0x1;
	s10 =	sld [smem:$0x3FA5]  }
0x3d: {  	_ =	shalt  }
0x3e: {  	_ =	shalt  }
0x3f: {  	_ =	shalt  }
0x40: {  	_ =	shalt  }
0x41: {  	_ =	shalt  }
0x42: {  	_ =	shalt  }
0x43: {  	_ =	shalt  }
0x44: {  	_ =	shalt  }
0x45: {  	_ =	shalt  }
0x46: {  	_ =	shalt  }
0x47: {  	_ =	shalt  }
0x48: {  	_ =	shalt  }
0x49: {  	_ =	shalt  }
0x4a: {  	_ =	shalt  }
0x4b: {  	_ =	shalt  }
0x4c: {  	_ =	shalt  }
0x4d: {  	_ =	shalt  }
0x4e: {  	_ =	shalt  }
0x4f: {  	_ =	shalt  }
0x50: {  	_ =	shalt  }
0x51: {  	_ =	shalt  }
0x52: {  	_ =	shalt  }
0x53: {  	_ =	shalt  }
0x54: {  	_ =	shalt  }
0x55: {  	_ =	shalt  }
0x56: {  	_ =	shalt  }
0x57: {  	_ =	shalt  }
0x58: {  	_ =	shalt  }
0x59: {  	_ =	shalt  }
0x5a: {  	_ =	shalt  }
0x5b: {  	_ =	shalt  }
0x5c: {  	_ =	shalt  }
0x5d: {  	_ =	shalt  }
0x5e: {  	_ =	shalt  }
0x5f: {  	_ =	shalt  }
0x60: {  	_ =	shalt  }
0x61: {  	_ =	shalt  }
0x62: {  	_ =	shalt  }
0x63: {  	_ =	shalt  }
0x64: {  	_ =	shalt  }
0x65: {  	_ =	shalt  }
0x66: {  	_ =	shalt  }
0x67: {  	_ =	shalt  }
0x68: {  	_ =	shalt  }
0x69: {  	_ =	shalt  }
0x6a: {  	_ =	shalt  }
0x6b: {  	_ =	shalt  }
0x6c: {  	_ =	shalt  }
0x6d: {  	_ =	shalt  }
0x6e: {  	_ =	shalt  }
0x6f: {  	_ =	shalt  }
0x70: {  	_ =	shalt  }
0x71: {  	_ =	shalt  }
0x72: {  	_ =	shalt  }
0x73: {  	_ =	shalt  }
0x74: {  	_ =	shalt  }
0x75: {  	_ =	shalt  }
0x76: {  	_ =	shalt  }
0x77: {  	_ =	shalt  }
0x78: {  	_ =	shalt  }
0x79: {  	_ =	shalt  }
0x7a: {  	_ =	shalt  }
0x7b: {  	_ =	shalt  }
0x7c: {  	_ =	shalt  }
0x7d: {  	_ =	shalt  }
0x7e: {  	_ =	shalt  }
0x7f: {  	_ =	shalt  }
0x80: {  	_ =	shalt  }
0x81: {  	_ =	shalt  }
0x82: {  	_ =	shalt  }
0x83: {  	_ =	shalt  }
0x84: {  	_ =	shalt  }
0x85: {  	_ =	shalt  }
0x86: {  	_ =	shalt  }
0x87: {  	_ =	shalt  }
.Lfunc_end0:
.L_simem_size_0:
called_computation.8_lowered:
.L_overlay_start_0:
0x88: {  	s2 =	sld [smem:$0x3FD9]  }
0x89: {  	s3 =	sld [smem:$0x3FFE];
	_ =	sdelay $0x1  }
0x8a: {  	s1 =	srdreg.scid  }
0x8b: {  	s0 =	sand.u32 $0x1, s1  }
0x8c: {  	s17 =	sshll.u32 s0, $0xA;
	s2 =	sadd.s32 s3, s2  }
0x8d: {  	s2 =	sadd.s32 s2, s17  }
0x8e: {  	[smem:$0x3FB1] =	sst s2  }
0x8f: {  	_ = 	snop  }
0x90: {  	s2 =	sld [smem:$0x3FD0];
	(tm) =	ssettm $0x1  }
0x91: {  	s18 =	sld [smem:$0x3FFB];
	_ =	sdelay $0x3  }
0x92: {  	_ =	strace s18  }
0x93: {  	s3 =	sld [smem:$0x3FFC];
	_ =	sdelay $0x3  }
0x94: {  	_ =	strace s3  }
0x95: {  	s3 =	sld [smem:$0x3FFD];
	_ =	sdelay $0x3  }
0x96: {  	_ =	strace s3  }
0x97: {  	_ =	strace $0x8FFFFFFF  }
0x98: {  	s19 =	sld [smem:$0x3FDB];
	_ =	sdelay $0x1  }
0x99: {  	s4 =	simm.s32 $_scs_section_size  }
0x9a: {  	s5 =	simm.s32 $_size__tile_overlayer_lowered;
	s6 =	simm.s32 $_tile_overlayer_lowered  }
0x9b: {  	s22 =	simm.s32 $0x1BFF;
	s21 =	sshll.u32 s6, $0x1;
	s3 =	sadd.s32 s4, s19  }
0x9c: {  	s7 =	simm.s32 $0x0;
	s20 =	sshll.u32 s5, $0x1;
	s5 =	sadd.s32 s21, s3  }
0x9d: {  	[timem:s7], [sflag:s22] =	dma.local [hbm:s5], s20  }
0x9e: {  	_ =	swait.ge [sflag:s22], s20  }
0x9f: {  	s4 =	ssub.s32 $0x0, s20;
	[sflag:s22] =	ssyncset.done $0x0  }
0xa0: {  	[sflag:s22] =	ssyncadd.s32 s4;
	_ =	sdelay $0x1  }
0xa1: {  	s23 =	simm.s32 $0x1B8B  }
0xa2: {  	_ =	swait.ge [sflag:s23], $0x1  }
0xa3: {  	[sflag:s23] =	ssyncset.done $0x0  }
0xa4: {  	s25 =	simm.s32 $0x1B8E;
	s24 =	sld [smem:$0x3FFE];
	[sflag:s23] =	ssyncadd.s32 $0xFFFFFFFF  }
0xa5: {  	s26 =	simm.s32 $execute0_lowered;
	[smem:$0x3FD2] =	sst s25  }
0xa6: {  	s5 =	sshll.u32 s26, $0x1;
	_ =	strace $0x80000061;
	[dreg:$0x1] =	wrdreg $0xFFFFFFFF  }
0xa7: {  	s28 =	simm.s32 $_size_execute0_lowered;
	s3 =	sadd.s32 s3, s5;
	[dreg:$0x0] =	wrdreg $0x0  }
0xa8: {  	s5 =	sshll.u32 s28, $0x1;
	[dreg:$0x2] =	wrdreg s3  }
0xa9: {  	[dreg:$0x3] =	wrdreg s5  }
0xaa: {  	[dreg:$0x4] =	wrdreg $0xC0  }
0xab: {  	_ =	task [dreg:s7], $0x5FFFF  }
0xac: {  	[dreg:$0x1] =	wrdreg $0xFFFFFFFF  }
0xad: {  	[dreg:$0x0] =	wrdreg $0x60  }
0xae: {  	[dreg:$0x2] =	wrdreg s24  }
0xaf: {  	[dreg:$0x3] =	wrdreg s2  }
0xb0: {  	[dreg:$0x4] =	wrdreg $0x9  }
0xb1: {  	_ =	task.clear_ibuf [dreg:s7], $0x5FFFF;
	_ =	strace $0x90000061  }
0xb2: {  	s29 =	simm.s32 $0x9;
	_ =	strace $0x80000063  }
0xb3: {  	_ =	swait.ge [sflag:s29], $0x1  }
0xb4: {  	[sflag:s29] =	ssyncadd.s32 $0xFFFFFFFF  }
0xb5: {  	_ =	strace $0x90000063  }
0xb6: {  	_ =	sfence  }
0xb7: {  	s30 =	sld [smem:$0x0];
	_ =	sdelay $0x2  }
0xb8: {  	s31 =	sshll.u32 s1, $0xD;
	s1 =	sshrl.u32 s1, $0x2  }
0xb9: {  	s3 =	sand.u32 $0x4000, s31;
	s1 =	sadd.s32 s1, s30  }
0xba: {  	s0 =	sor.u32 s3, s0;
	s1 =	sshll.u32 s1, $0x11  }
0xbb: {  	s0 =	sor.u32 s1, s0  }
0xbc: {  	s0 =	sadd.s32 $0x8F2B, s0  }
0xbd: {  	[sflag:s0] =	ssyncadd.remote.s32 $0x1  }
0xbe: {  	_ =	sfence.sel $0xFFFF  }
0xbf: {  	[dreg:$0x0] =	wrdreg $0xFFFFFFFF;
	(pc) =	sbr.abs _section_cstart, $3  }
0xc0: {  	[dreg:$0x1] =	wrdreg $0xFFFFFFFF  }
0xc1: {  	_ =	task.clear_ibuf [dreg:s7], $0x2FFFF;
	_ =	strace $0x9FFFFFFF  }
0xc2: {  	(tm) =	ssettm $0x7FFFFFFF  }
0xc3: {  	_ =	shalt  }
tec
execute0_lowered:
.L_overlay_start_1:
0x0: {  	(tag) =	ssettag $0x1  }
0x1: {  	s4 =	rddreg [dreg:$0x0]  }
0x2: {  	s1 =	srdreg.scid;
	s0 =	stileid.u32  }
0x3: {  	s10 =	rddreg [dreg:$0x1];
	s18 =	simm.s32 $0x2;
	s19 =	simm.s32 $0xA300  }
0x4: {  	s20 =	simm.s32 $0x4;
	s21 =	simm.s32 $0x5;
	s22 =	simm.s32 $0x6  }
0x5: {  	s23 =	simm.s32 $0x0;
	s9 =	sand.u32 $0x1, s1;
	s14 =	smul.u32 $0xA00, s0  }
0x6: {  	s2 =	sshll.u32 s0, $0x1;
	s1 =	rddreg [dreg:$0x2];
	s16 =	smul.u32 $0x50000, s0  }
0x7: {  	s13 =	sadd.s32 $0x46200, s4;
	s3 =	sor.u32 s9, s2;
	s15 =	smul.u32 $0x500, s9  }
0x8: {  	s2 =	simm.s32 $0x0;
	s26 =	ssub.s32 $0x2, s9;
	s17 =	smul.u32 $0x28000, s9  }
0x9: {  	s5 =	smul.u32 $0x500, s3;
	s6 =	sshll.u32 s3, $0x5;
	[smem:$0x7FF] =	sst s2  }
0xa: {  	s8 =	smul.u32 $0x28000, s3;
	s3 =	sadd.s32 $0x1E200, s4;
	s28 =	sshrl.u32 s26, $0x1  }
0xb: {  	s30 =	sadd.s32 s14, s10;
	s14 =	simm.s32 $0x1;
	s7 =	sor.u32 $0x2, s6  }
0xc: {  	_ =	strace $0x80000062;
	s6 =	sor.u32 $0x3, s6;
	s11 =	smul.u32 $0x28, s7  }
0xd: {  	s29 =	ssub.s32 s26, s28;
	s12 =	smul.u32 $0x28, s6;
	s4 =	sadd.s32 s10, s5  }
.Ltmp0:
0xe: {  	s6 =	smax.u32 s29, $0x1;
	s7 =	sadd.s32 s13, s8;
	(pc) =	sbr.rel .LBB2_1-.Ltmp0, $4  }
0xf: {  	s13 =	sadd.s32 s16, s13;
	s16 =	simm.s32 $0x300;
	s5 =	sadd.s32 $0x28, s4  }
0x10: {  	s9 =	sadd.s32 $0x1400, s7;
	s31 =	sadd.s32 s17, s13;
	s13 =	simm.s32 $0x180  }
0x11: {  	s17 =	simm.s32 $0x3;
	s8 =	sadd.s32 s10, s11;
	s10 =	sadd.s32 s10, s12  }
0x12: {  	s11 =	sadd.s32 s15, s30;
	s12 =	sadd.s32 $0x2800, s31;
	s15 =	simm.s32 $0x140  }
.LBB2_4:
0x13: {  	s23 =	sadd.s32 $0x1, s23  }
0x14: {  	_ =	swait.ge [sflag:s21], $0xA000;
	p0 =	sne.s32 s23, s6  }
.Ltmp1:
0x15: {  	[sflag:s21] =	ssyncset.done $0x0;
	(pc) =	sbr.rel @!p0 .LBB2_5-.Ltmp1, $4  }
0x16: {  	[sflag:s21] =	ssyncadd.s32 $0xFFFF6000  }
0x17: {  	_ =	swait.ge [sflag:s22], $0xA000  }
0x18: {  	[sflag:s22] =	ssyncset.done $0x0  }
0x19: {  	[sflag:s22] =	ssyncadd.s32 $0xFFFF6000  }
.LBB2_1:
0x1a: {  	[tilespmem:s2], [sflag:$0x1] =	stream.linear.gather [hbm4b:s4+s2], $0x140, $0x38;
	[tilespmem:$0x14300] =	vst v63  }
0x1b: {  	_ = 	snop  }
0x1c: {  	[tilespmem:s13], [sflag:$0x2] =	stream.linear.gather [hbm4b:s5+s2], $0x140, $0x38;
	[tilespmem:$0x14300] =	vst v63  }
0x1d: {  	_ =	swait.ge [sflag:s14], $0x140  }
0x1e: {  	[sflag:s14] =	ssyncset.done $0x0  }
0x1f: {  	[sflag:s14] =	ssyncadd.s32 $0xFFFFFEC0  }
0x20: {  	[tilespmem:s16], [sflag:$0x3] =	stream.indirect.gather [hbm4b:s3+s15], $0x80, s2, s15, $0xb8;
	[tilespmem:$0x14300] =	vst v63  }
0x21: {  	_ =	swait.ge [sflag:s17], $0xA000  }
0x22: {  	[sflag:s17] =	ssyncset.done $0x0  }
0x23: {  	[sflag:s17] =	ssyncadd.s32 $0xFFFF6000  }
0x24: {  	[hbm4b:s7+s2] =	stream.linear.scatter [tilespmem:s16], [sflag:$0x5], $0xA000, $0x38;
	[tilespmem:$0x14300] =	vst v63  }
0x25: {  	_ = 	snop  }
0x26: {  	[tilespmem:s2], [sflag:$0x1] =	stream.linear.gather [hbm4b:s8+s2], $0x140, $0x38;
	[tilespmem:$0x14300] =	vst v63  }
0x27: {  	_ =	swait.ge [sflag:s18], $0x140  }
0x28: {  	[sflag:s18] =	ssyncset.done $0x0  }
0x29: {  	[sflag:s18] =	ssyncadd.s32 $0xFFFFFEC0  }
0x2a: {  	[tilespmem:s19], [sflag:$0x4] =	stream.indirect.gather [hbm4b:s3+s15], $0x80, s13, s15, $0xb8;
	[tilespmem:$0x14300] =	vst v63  }
0x2b: {  	_ =	swait.ge [sflag:s20], $0xA000  }
0x2c: {  	[sflag:s20] =	ssyncset.done $0x0  }
0x2d: {  	[sflag:s20] =	ssyncadd.s32 $0xFFFF6000  }
0x2e: {  	[hbm4b:s9+s2] =	stream.linear.scatter [tilespmem:s19], [sflag:$0x6], $0xA000, $0x38;
	[tilespmem:$0x14300] =	vst v63  }
0x2f: {  	s24 =	smov.u32 s12;
	s25 =	simm.s32 $0x0  }
0x30: {  	[tilespmem:s13], [sflag:$0x2] =	stream.linear.gather [hbm4b:s10+s2], $0x140, $0x38;
	[tilespmem:$0x14300] =	vst v63  }
.LBB2_2:
0x31: {  	_ =	swait.ge [sflag:s14], $0x140  }
0x32: {  	[sflag:s14] =	ssyncset.done $0x0  }
0x33: {  	[sflag:s14] =	ssyncadd.s32 $0xFFFFFEC0  }
0x34: {  	_ =	swait.ge [sflag:s21], $0xA000  }
0x35: {  	[sflag:s21] =	ssyncset.done $0x0  }
0x36: {  	[sflag:s21] =	ssyncadd.s32 $0xFFFF6000  }
0x37: {  	[tilespmem:s16], [sflag:$0x3] =	stream.indirect.gather [hbm4b:s3+s15], $0x80, s2, s15, $0xb8;
	[tilespmem:$0x14300] =	vst v63  }
0x38: {  	_ =	swait.ge [sflag:s17], $0xA000  }
0x39: {  	p0 =	seq.s32 s25, $0x460;
	[sflag:s17] =	ssyncset.done $0x0  }
0x3a: {  	s26 =	sadd.s32 @!p0 s25, s11;
	[sflag:s17] =	ssyncadd.s32 $0xFFFF6000  }
0x3b: {  	[hbm4b:s24+s2] =	stream.linear.scatter [tilespmem:s16], [sflag:$0x5], $0xA000, $0x38;
	[tilespmem:$0x14300] =	vst v63  }
0x3c: {  	s28 =	simm.s32 @!p0 $0x0;
	s26 =	sadd.s32 @!p0 $0xA0, s26  }
0x3d: {  	[tilespmem:s28], [sflag:$0x1] =	stream.linear.gather @!p0 [hbm4b:s26+s28], $0x140, $0x38;
	[tilespmem:$0x14300] =	vst v63  }
0x3e: {  	_ =	swait.ge [sflag:s18], $0x140  }
0x3f: {  	[sflag:s18] =	ssyncset.done $0x0  }
0x40: {  	[sflag:s18] =	ssyncadd.s32 $0xFFFFFEC0  }
0x41: {  	_ =	swait.ge [sflag:s22], $0xA000  }
0x42: {  	[sflag:s22] =	ssyncset.done $0x0  }
0x43: {  	[sflag:s22] =	ssyncadd.s32 $0xFFFF6000  }
0x44: {  	[tilespmem:s19], [sflag:$0x4] =	stream.indirect.gather [hbm4b:s3+s15], $0x80, s13, s15, $0xb8;
	[tilespmem:$0x14300] =	vst v63  }
.Ltmp2:
0x45: {  	_ = 	snop;
	(pc) =	sbr.rel @p0 .LBB2_4-.Ltmp2, $4  }
0x46: {  	_ =	swait.ge [sflag:s20], $0xA000  }
0x47: {  	[sflag:s20] =	ssyncset.done $0x0  }
0x48: {  	s31 =	sadd.s32 $0x1400, s24;
	[sflag:s20] =	ssyncadd.s32 $0xFFFF6000  }
0x49: {  	[hbm4b:s31+s2] =	stream.linear.scatter [tilespmem:s19], [sflag:$0x6], $0xA000, $0x38;
	[tilespmem:$0x14300] =	vst v63  }
.Ltmp3:
0x4a: {  	(pc) =	sbr.rel .LBB2_2-.Ltmp3, $4  }
0x4b: {  	_ = 	snop  }
0x4c: {  	s26 =	sadd.s32 s25, s11  }
0x4d: {  	s25 =	sadd.s32 $0x50, s25;
	s24 =	sadd.s32 $0x2800, s24;
	s26 =	sadd.s32 $0xC8, s26  }
0x4e: {  	[tilespmem:s13], [sflag:$0x2] =	stream.linear.gather [hbm4b:s26+s2], $0x140, $0x38;
	[tilespmem:$0x14300] =	vst v63  }
.LBB2_5:
0x4f: {  	_ =	sfence.sel $0x180000  }
0x50: {  	[bflag:$0x0] =	sbarrier.arrive $0xFFFF  }
0x51: {  	p0 =	sne.s32 s0, $0x0;
	_ =	strace $0x90000062  }
0x52: {  	s0 =	sadd.s32 @!p0 $0x100000, s1;
	[bflag:$0x2] =	sbarrier.arrive $0xFFFF  }
0x53: {  	[sflag:s0] =	ssyncadd.tile.s32 @!p0 $0x1;
	_ =	shalt  }
.Lfunc_end2:
_tile_overlayer_lowered:
.L_overlay_start_2:
0x54: {  	(tag) =	ssettag $0x2  }
0x55: {  	s0 =	rddreg [dreg:$0x0];
	s2 =	stileid.u32  }
0x56: {  	s1 =	rddreg [dreg:$0x1];
	p0 =	sne.s32 s2, $0x0  }
0x57: {  	s3 =	rddreg [dreg:$0x2];
	[bflag:$0x3] =	sbarrier.arrive $0xFFFF;
	s2 =	simm.s32 @!p0 $0x1C07  }
0x58: {  	[timem:s3], [sflag:s2] =	dma.local @!p0 [hbm:s0], s1  }
0x59: {  	s0 =	simm.s32 @!p0 $0x7  }
0x5a: {  	_ =	swait.ge @!p0 [sflag:s0], s1  }
0x5b: {  	s1 =	ssub.s32 @!p0 $0x0, s1;
	[sflag:s0] =	ssyncset.done @!p0 $0x0  }
0x5c: {  	[sflag:s0] =	ssyncadd.s32 @!p0 s1  }
0x5d: {  	[bflag:$0x3] =	sbarrier.arrive $0xFFFF  }
0x5e: {  	_ =	shalt  }

// kernel: kernel.19.cloned.1.call-start
scs
__scs_entry_jumppad:
0x0: {  	(pc) =	sbr.rel $0x88, $3  }
0x1: {  	(tag) =	ssettag $0x0;
	lr =	simm.s32 $0x1  }
0x2: {  	[smem:$0x3F8A] =	sst lr;
	_ =	strace $0xD0000000  }
0x3: {  	_ = 	snop  }
0x4: {  	_ = 	snop  }
0x5: {  	_ = 	snop  }
0x6: {  	_ = 	snop  }
0x7: {  	_ = 	snop  }
__scs_overlays_trampoline_lowered:
0x8: {  	[smem:$0x3F99] =	sst s0  }
0x9: {  	[smem:$0x3F9A] =	sst s1  }
0xa: {  	[smem:$0x3F9B] =	sst s2  }
0xb: {  	[smem:$0x3F9C] =	sst s3  }
0xc: {  	[smem:$0x3F9D] =	sst s4  }
0xd: {  	[smem:$0x3F9E] =	sst s5  }
0xe: {  	[smem:$0x3F9F] =	sst s6  }
0xf: {  	[smem:$0x3FA0] =	sst s7  }
0x10: {  	[smem:$0x3FA1] =	sst s8  }
0x11: {  	[smem:$0x3FA2] =	sst s9;
	s0 =	simm.s32 @!p0 $0x0  }
0x12: {  	s1 =	sld [smem:$0x3F88];
	s0 =	simm.s32 @p0 $0x1  }
0x13: {  	[smem:$0x3FA3] =	sst s0;
	s0 =	simm.s32 @!p1 $0x0  }
0x14: {  	s2 =	sld [smem:$0x3F87];
	s0 =	simm.s32 @p1 $0x1  }
0x15: {  	[smem:$0x3FA4] =	sst s0;
	s0 =	simm.s32 @!p2 $0x0  }
0x16: {  	s3 =	sld [smem:$0x3FDB];
	s0 =	simm.s32 @p2 $0x1  }
0x17: {  	s4 =	simm.s32 $0x1BF5;
	[smem:$0x3FA6] =	sst s0  }
0x18: {  	s0 =	sld [smem:$0x3F89];
	_ =	swait.ge [sflag:s4], $0x0  }
0x19: {  	s7 =	sld [smem:$0x3F8A]  }
0x1a: {  	s8 =	sadd.s32 $0xFFFFE003, lr  }
0x1b: {  	s9 =	sadd.s32 $0xFFFFFEF7, lr;
	s5 =	simm.s32 $0xFFFFFFFF;
	p2 =	slt.u32 s8, $0xFFFFF086  }
0x1c: {  	p1 =	slt.u32 s9, $0xF7A;
	s5 =	simm.s32 @!p2 $0x0  }
0x1d: {  	s5 =	simm.s32 @p1 $0x1;
	p0 =	seq.s32 s7, s2  }
0x1e: {  	s7 =	smul.u32 @!p0 $0xF7A, s2;
	p2 =	seq.s32 @!p0 s5, $0x0  }
0x1f: {  	s9 =	smul.u32 $0xF7A, s1;
	s8 =	simm.s32 @!p0 $0x1BF5;
	p2 =	por !p2, p0  }
0x20: {  	[sflag:s8] =	ssyncset.s32 @!p0 $0xFFFFF086;
	s6 =	sadd.s32 @!p0 s3, s7;
	s7 =	simm.s32 @!p0 $0x108  }
0x21: {  	s3 =	sadd.s32 s3, s9;
	s6 =	sadd.s32 @!p0 $0x88, s6;
	s7 =	simm.s32 @p2 $0x1082  }
0x22: {  	[simem:s7], [sflag:s8] =	dma.local @!p0 [hbm:s6], $0xF7A  }
0x23: {  	s9 =	sor.u32 $0xD0000000, s2;
	s6 =	simm.s32 $0x108;
	_ =	swait.ge @!p0 [sflag:s8], $0x0  }
0x24: {  	s3 =	sadd.s32 $0x88, s3;
	s6 =	simm.s32 @!p1 $0x1082;
	[sflag:s4] =	ssyncset.s32 $0xFFFFF086  }
0x25: {  	[simem:s6], [sflag:s4] =	dma.local [hbm:s3], $0xF7A  }
0x26: {  	[smem:$0x3F8A] =	sst s1;
	(tag) =	ssettag s2;
	_ =	strace s9  }
0x27: {  	s1 =	sld [smem:$0x3F9A]  }
0x28: {  	s2 =	sld [smem:$0x3F9B]  }
0x29: {  	s4 =	sld [smem:$0x3F9D]  }
0x2a: {  	p0 =	seq.s32 s5, $0x0;
	s5 =	sld [smem:$0x3F9E]  }
0x2b: {  	s6 =	sld [smem:$0x3F9F]  }
0x2c: {  	s7 =	sld [smem:$0x3FA0]  }
0x2d: {  	s3 =	simm.s32 $0x108;
	s8 =	sld [smem:$0x3FA1]  }
0x2e: {  	s3 =	simm.s32 @!p0 $0x1082;
	s9 =	sld [smem:$0x3FA2]  }
0x2f: {  	lr =	sadd.s32 s0, s3;
	s0 =	sld [smem:$0x3F99]  }
0x30: {  	s3 =	sld [smem:$0x3F9C]  }
0x31: {  	[smem:$0x3FA5] =	sst s10  }
0x32: {  	s10 =	sld [smem:$0x3FA3];
	_ =	sdelay $0x3  }
0x33: {  	p0 =	seq.s32 s10, $0x1;
	s10 =	sld [smem:$0x3FA5];
	_ =	sdelay $0x3  }
0x34: {  	[smem:$0x3FA5] =	sst s10  }
0x35: {  	s10 =	sld [smem:$0x3FA4];
	_ =	sdelay $0x3  }
0x36: {  	p1 =	seq.s32 s10, $0x1;
	s10 =	sld [smem:$0x3FA5];
	_ =	sdelay $0x3  }
0x37: {  	[smem:$0x3FA5] =	sst s10  }
0x38: {  	s10 =	sld [smem:$0x3FA6]  }
0x39: {  	_ = 	snop;
	(pc) =	sbr.ind lr, $3  }
0x3a: {  	_ = 	snop  }
0x3b: {  	_ = 	snop  }
0x3c: {  	p2 =	seq.s32 s10, $0x1;
	s10 =	sld [smem:$0x3FA5]  }
0x3d: {  	_ =	shalt  }
0x3e: {  	_ =	shalt  }
0x3f: {  	_ =	shalt  }
0x40: {  	_ =	shalt  }
0x41: {  	_ =	shalt  }
0x42: {  	_ =	shalt  }
0x43: {  	_ =	shalt  }
0x44: {  	_ =	shalt  }
0x45: {  	_ =	shalt  }
0x46: {  	_ =	shalt  }
0x47: {  	_ =	shalt  }
0x48: {  	_ =	shalt  }
0x49: {  	_ =	shalt  }
0x4a: {  	_ =	shalt  }
0x4b: {  	_ =	shalt  }
0x4c: {  	_ =	shalt  }
0x4d: {  	_ =	shalt  }
0x4e: {  	_ =	shalt  }
0x4f: {  	_ =	shalt  }
0x50: {  	_ =	shalt  }
0x51: {  	_ =	shalt  }
0x52: {  	_ =	shalt  }
0x53: {  	_ =	shalt  }
0x54: {  	_ =	shalt  }
0x55: {  	_ =	shalt  }
0x56: {  	_ =	shalt  }
0x57: {  	_ =	shalt  }
0x58: {  	_ =	shalt  }
0x59: {  	_ =	shalt  }
0x5a: {  	_ =	shalt  }
0x5b: {  	_ =	shalt  }
0x5c: {  	_ =	shalt  }
0x5d: {  	_ =	shalt  }
0x5e: {  	_ =	shalt  }
0x5f: {  	_ =	shalt  }
0x60: {  	_ =	shalt  }
0x61: {  	_ =	shalt  }
0x62: {  	_ =	shalt  }
0x63: {  	_ =	shalt  }
0x64: {  	_ =	shalt  }
0x65: {  	_ =	shalt  }
0x66: {  	_ =	shalt  }
0x67: {  	_ =	shalt  }
0x68: {  	_ =	shalt  }
0x69: {  	_ =	shalt  }
0x6a: {  	_ =	shalt  }
0x6b: {  	_ =	shalt  }
0x6c: {  	_ =	shalt  }
0x6d: {  	_ =	shalt  }
0x6e: {  	_ =	shalt  }
0x6f: {  	_ =	shalt  }
0x70: {  	_ =	shalt  }
0x71: {  	_ =	shalt  }
0x72: {  	_ =	shalt  }
0x73: {  	_ =	shalt  }
0x74: {  	_ =	shalt  }
0x75: {  	_ =	shalt  }
0x76: {  	_ =	shalt  }
0x77: {  	_ =	shalt  }
0x78: {  	_ =	shalt  }
0x79: {  	_ =	shalt  }
0x7a: {  	_ =	shalt  }
0x7b: {  	_ =	shalt  }
0x7c: {  	_ =	shalt  }
0x7d: {  	_ =	shalt  }
0x7e: {  	_ =	shalt  }
0x7f: {  	_ =	shalt  }
0x80: {  	_ =	shalt  }
0x81: {  	_ =	shalt  }
0x82: {  	_ =	shalt  }
0x83: {  	_ =	shalt  }
0x84: {  	_ =	shalt  }
0x85: {  	_ =	shalt  }
0x86: {  	_ =	shalt  }
0x87: {  	_ =	shalt  }
.Lfunc_end0:
.L_simem_size_0:
called_computation.9_lowered:
.L_overlay_start_0:
0x88: {  	s2 =	sld [smem:$0x3FD9]  }
0x89: {  	s3 =	sld [smem:$0x3FFE];
	_ =	sdelay $0x1  }
0x8a: {  	s1 =	srdreg.scid  }
0x8b: {  	s0 =	sand.u32 $0x1, s1  }
0x8c: {  	s17 =	sshll.u32 s0, $0xA;
	s2 =	sadd.s32 s3, s2  }
0x8d: {  	s2 =	sadd.s32 s2, s17  }
0x8e: {  	[smem:$0x3FB1] =	sst s2  }
0x8f: {  	_ = 	snop  }
0x90: {  	s2 =	sld [smem:$0x3FD0];
	(tm) =	ssettm $0x1  }
0x91: {  	s18 =	sld [smem:$0x3FFB];
	_ =	sdelay $0x3  }
0x92: {  	_ =	strace s18  }
0x93: {  	s3 =	sld [smem:$0x3FFC];
	_ =	sdelay $0x3  }
0x94: {  	_ =	strace s3  }
0x95: {  	s3 =	sld [smem:$0x3FFD];
	_ =	sdelay $0x3  }
0x96: {  	_ =	strace s3  }
0x97: {  	_ =	strace $0x8FFFFFFF  }
0x98: {  	s19 =	sld [smem:$0x3FDB];
	_ =	sdelay $0x1  }
0x99: {  	s4 =	simm.s32 $_scs_section_size  }
0x9a: {  	s5 =	simm.s32 $_size__tile_overlayer_lowered;
	s6 =	simm.s32 $_tile_overlayer_lowered  }
0x9b: {  	s22 =	simm.s32 $0x1BFF;
	s21 =	sshll.u32 s6, $0x1;
	s3 =	sadd.s32 s4, s19  }
0x9c: {  	s7 =	simm.s32 $0x0;
	s20 =	sshll.u32 s5, $0x1;
	s5 =	sadd.s32 s21, s3  }
0x9d: {  	[timem:s7], [sflag:s22] =	dma.local [hbm:s5], s20  }
0x9e: {  	_ =	swait.ge [sflag:s22], s20  }
0x9f: {  	s4 =	ssub.s32 $0x0, s20;
	[sflag:s22] =	ssyncset.done $0x0  }
0xa0: {  	[sflag:s22] =	ssyncadd.s32 s4;
	_ =	sdelay $0x1  }
0xa1: {  	s23 =	simm.s32 $0x1B8B  }
0xa2: {  	_ =	swait.ge [sflag:s23], $0x1  }
0xa3: {  	[sflag:s23] =	ssyncset.done $0x0  }
0xa4: {  	s25 =	simm.s32 $0x1B8E;
	s24 =	sld [smem:$0x3FFE];
	[sflag:s23] =	ssyncadd.s32 $0xFFFFFFFF  }
0xa5: {  	s26 =	simm.s32 $execute0_lowered;
	[smem:$0x3FD2] =	sst s25  }
0xa6: {  	s5 =	sshll.u32 s26, $0x1;
	_ =	strace $0x80000064;
	[dreg:$0x1] =	wrdreg $0xFFFFFFFF  }
0xa7: {  	s28 =	simm.s32 $_size_execute0_lowered;
	s3 =	sadd.s32 s3, s5;
	[dreg:$0x0] =	wrdreg $0x0  }
0xa8: {  	s5 =	sshll.u32 s28, $0x1;
	[dreg:$0x2] =	wrdreg s3  }
0xa9: {  	[dreg:$0x3] =	wrdreg s5  }
0xaa: {  	[dreg:$0x4] =	wrdreg $0xC0  }
0xab: {  	_ =	task [dreg:s7], $0x5FFFF  }
0xac: {  	[dreg:$0x1] =	wrdreg $0xFFFFFFFF  }
0xad: {  	[dreg:$0x0] =	wrdreg $0x60  }
0xae: {  	[dreg:$0x2] =	wrdreg s24  }
0xaf: {  	[dreg:$0x3] =	wrdreg s2  }
0xb0: {  	[dreg:$0x4] =	wrdreg $0x9  }
0xb1: {  	_ =	task.clear_ibuf [dreg:s7], $0x5FFFF;
	_ =	strace $0x90000064  }
0xb2: {  	s29 =	simm.s32 $0x9;
	_ =	strace $0x80000066  }
0xb3: {  	_ =	swait.ge [sflag:s29], $0x1  }
0xb4: {  	[sflag:s29] =	ssyncadd.s32 $0xFFFFFFFF  }
0xb5: {  	_ =	strace $0x90000066  }
0xb6: {  	_ =	sfence  }
0xb7: {  	s30 =	sld [smem:$0x0];
	_ =	sdelay $0x2  }
0xb8: {  	s31 =	sshll.u32 s1, $0xD;
	s1 =	sshrl.u32 s1, $0x2  }
0xb9: {  	s3 =	sand.u32 $0x4000, s31;
	s1 =	sadd.s32 s1, s30  }
0xba: {  	s0 =	sor.u32 s3, s0;
	s1 =	sshll.u32 s1, $0x11  }
0xbb: {  	s0 =	sor.u32 s1, s0  }
0xbc: {  	s0 =	sadd.s32 $0x8F2B, s0  }
0xbd: {  	[sflag:s0] =	ssyncadd.remote.s32 $0x1  }
0xbe: {  	_ =	sfence.sel $0xFFFF  }
0xbf: {  	[dreg:$0x0] =	wrdreg $0xFFFFFFFF;
	(pc) =	sbr.abs _section_cstart, $3  }
0xc0: {  	[dreg:$0x1] =	wrdreg $0xFFFFFFFF  }
0xc1: {  	_ =	task.clear_ibuf [dreg:s7], $0x2FFFF;
	_ =	strace $0x9FFFFFFF  }
0xc2: {  	(tm) =	ssettm $0x7FFFFFFF  }
0xc3: {  	_ =	shalt  }
tec
execute0_lowered:
.L_overlay_start_1:
0x0: {  	(tag) =	ssettag $0x1  }
0x1: {  	s4 =	rddreg [dreg:$0x0]  }
0x2: {  	s1 =	srdreg.scid;
	s0 =	stileid.u32  }
0x3: {  	s10 =	rddreg [dreg:$0x1];
	s18 =	simm.s32 $0x2;
	s19 =	simm.s32 $0xA300  }
0x4: {  	s20 =	simm.s32 $0x4;
	s21 =	simm.s32 $0x5;
	s22 =	simm.s32 $0x6  }
0x5: {  	s23 =	simm.s32 $0x0;
	s9 =	sand.u32 $0x1, s1;
	s14 =	smul.u32 $0xA00, s0  }
0x6: {  	s2 =	sshll.u32 s0, $0x1;
	s1 =	rddreg [dreg:$0x2];
	s16 =	smul.u32 $0x50000, s0  }
0x7: {  	s13 =	sadd.s32 $0x46200, s4;
	s3 =	sor.u32 s9, s2;
	s15 =	smul.u32 $0x500, s9  }
0x8: {  	s2 =	simm.s32 $0x0;
	s26 =	ssub.s32 $0x2, s9;
	s17 =	smul.u32 $0x28000, s9  }
0x9: {  	s5 =	smul.u32 $0x500, s3;
	s6 =	sshll.u32 s3, $0x5;
	[smem:$0x7FF] =	sst s2  }
0xa: {  	s8 =	smul.u32 $0x28000, s3;
	s3 =	sadd.s32 $0x1E200, s4;
	s28 =	sshrl.u32 s26, $0x1  }
0xb: {  	s30 =	sadd.s32 s14, s10;
	s14 =	simm.s32 $0x1;
	s7 =	sor.u32 $0x2, s6  }
0xc: {  	_ =	strace $0x80000065;
	s6 =	sor.u32 $0x3, s6;
	s11 =	smul.u32 $0x28, s7  }
0xd: {  	s29 =	ssub.s32 s26, s28;
	s12 =	smul.u32 $0x28, s6;
	s4 =	sadd.s32 s10, s5  }
.Ltmp0:
0xe: {  	s6 =	smax.u32 s29, $0x1;
	s7 =	sadd.s32 s13, s8;
	(pc) =	sbr.rel .LBB2_1-.Ltmp0, $4  }
0xf: {  	s13 =	sadd.s32 s16, s13;
	s16 =	simm.s32 $0x300;
	s5 =	sadd.s32 $0x28, s4  }
0x10: {  	s9 =	sadd.s32 $0x1400, s7;
	s31 =	sadd.s32 s17, s13;
	s13 =	simm.s32 $0x180  }
0x11: {  	s17 =	simm.s32 $0x3;
	s8 =	sadd.s32 s10, s11;
	s10 =	sadd.s32 s10, s12  }
0x12: {  	s11 =	sadd.s32 s15, s30;
	s12 =	sadd.s32 $0x2800, s31;
	s15 =	simm.s32 $0x140  }
.LBB2_4:
0x13: {  	s23 =	sadd.s32 $0x1, s23  }
0x14: {  	_ =	swait.ge [sflag:s21], $0xA000;
	p0 =	sne.s32 s23, s6  }
.Ltmp1:
0x15: {  	[sflag:s21] =	ssyncset.done $0x0;
	(pc) =	sbr.rel @!p0 .LBB2_5-.Ltmp1, $4  }
0x16: {  	[sflag:s21] =	ssyncadd.s32 $0xFFFF6000  }
0x17: {  	_ =	swait.ge [sflag:s22], $0xA000  }
0x18: {  	[sflag:s22] =	ssyncset.done $0x0  }
0x19: {  	[sflag:s22] =	ssyncadd.s32 $0xFFFF6000  }
.LBB2_1:
0x1a: {  	[tilespmem:s2], [sflag:$0x1] =	stream.linear.gather [hbm4b:s4+s2], $0x140, $0x38;
	[tilespmem:$0x14300] =	vst v63  }
0x1b: {  	_ = 	snop  }
0x1c: {  	[tilespmem:s13], [sflag:$0x2] =	stream.linear.gather [hbm4b:s5+s2], $0x140, $0x38;
	[tilespmem:$0x14300] =	vst v63  }
0x1d: {  	_ =	swait.ge [sflag:s14], $0x140  }
0x1e: {  	[sflag:s14] =	ssyncset.done $0x0  }
0x1f: {  	[sflag:s14] =	ssyncadd.s32 $0xFFFFFEC0  }
0x20: {  	[tilespmem:s16], [sflag:$0x3] =	stream.indirect.gather [hbm4b:s3+s15], $0x80, s2, s15, $0xb8;
	[tilespmem:$0x14300] =	vst v63  }
0x21: {  	_ =	swait.ge [sflag:s17], $0xA000  }
0x22: {  	[sflag:s17] =	ssyncset.done $0x0  }
0x23: {  	[sflag:s17] =	ssyncadd.s32 $0xFFFF6000  }
0x24: {  	[hbm4b:s7+s2] =	stream.linear.scatter [tilespmem:s16], [sflag:$0x5], $0xA000, $0x38;
	[tilespmem:$0x14300] =	vst v63  }
0x25: {  	_ = 	snop  }
0x26: {  	[tilespmem:s2], [sflag:$0x1] =	stream.linear.gather [hbm4b:s8+s2], $0x140, $0x38;
	[tilespmem:$0x14300] =	vst v63  }
0x27: {  	_ =	swait.ge [sflag:s18], $0x140  }
0x28: {  	[sflag:s18] =	ssyncset.done $0x0  }
0x29: {  	[sflag:s18] =	ssyncadd.s32 $0xFFFFFEC0  }
0x2a: {  	[tilespmem:s19], [sflag:$0x4] =	stream.indirect.gather [hbm4b:s3+s15], $0x80, s13, s15, $0xb8;
	[tilespmem:$0x14300] =	vst v63  }
0x2b: {  	_ =	swait.ge [sflag:s20], $0xA000  }
0x2c: {  	[sflag:s20] =	ssyncset.done $0x0  }
0x2d: {  	[sflag:s20] =	ssyncadd.s32 $0xFFFF6000  }
0x2e: {  	[hbm4b:s9+s2] =	stream.linear.scatter [tilespmem:s19], [sflag:$0x6], $0xA000, $0x38;
	[tilespmem:$0x14300] =	vst v63  }
0x2f: {  	s24 =	smov.u32 s12;
	s25 =	simm.s32 $0x0  }
0x30: {  	[tilespmem:s13], [sflag:$0x2] =	stream.linear.gather [hbm4b:s10+s2], $0x140, $0x38;
	[tilespmem:$0x14300] =	vst v63  }
.LBB2_2:
0x31: {  	_ =	swait.ge [sflag:s14], $0x140  }
0x32: {  	[sflag:s14] =	ssyncset.done $0x0  }
0x33: {  	[sflag:s14] =	ssyncadd.s32 $0xFFFFFEC0  }
0x34: {  	_ =	swait.ge [sflag:s21], $0xA000  }
0x35: {  	[sflag:s21] =	ssyncset.done $0x0  }
0x36: {  	[sflag:s21] =	ssyncadd.s32 $0xFFFF6000  }
0x37: {  	[tilespmem:s16], [sflag:$0x3] =	stream.indirect.gather [hbm4b:s3+s15], $0x80, s2, s15, $0xb8;
	[tilespmem:$0x14300] =	vst v63  }
0x38: {  	_ =	swait.ge [sflag:s17], $0xA000  }
0x39: {  	p0 =	seq.s32 s25, $0x460;
	[sflag:s17] =	ssyncset.done $0x0  }
0x3a: {  	s26 =	sadd.s32 @!p0 s25, s11;
	[sflag:s17] =	ssyncadd.s32 $0xFFFF6000  }
0x3b: {  	[hbm4b:s24+s2] =	stream.linear.scatter [tilespmem:s16], [sflag:$0x5], $0xA000, $0x38;
	[tilespmem:$0x14300] =	vst v63  }
0x3c: {  	s28 =	simm.s32 @!p0 $0x0;
	s26 =	sadd.s32 @!p0 $0xA0, s26  }
0x3d: {  	[tilespmem:s28], [sflag:$0x1] =	stream.linear.gather @!p0 [hbm4b:s26+s28], $0x140, $0x38;
	[tilespmem:$0x14300] =	vst v63  }
0x3e: {  	_ =	swait.ge [sflag:s18], $0x140  }
0x3f: {  	[sflag:s18] =	ssyncset.done $0x0  }
0x40: {  	[sflag:s18] =	ssyncadd.s32 $0xFFFFFEC0  }
0x41: {  	_ =	swait.ge [sflag:s22], $0xA000  }
0x42: {  	[sflag:s22] =	ssyncset.done $0x0  }
0x43: {  	[sflag:s22] =	ssyncadd.s32 $0xFFFF6000  }
0x44: {  	[tilespmem:s19], [sflag:$0x4] =	stream.indirect.gather [hbm4b:s3+s15], $0x80, s13, s15, $0xb8;
	[tilespmem:$0x14300] =	vst v63  }
.Ltmp2:
0x45: {  	_ = 	snop;
	(pc) =	sbr.rel @p0 .LBB2_4-.Ltmp2, $4  }
0x46: {  	_ =	swait.ge [sflag:s20], $0xA000  }
0x47: {  	[sflag:s20] =	ssyncset.done $0x0  }
0x48: {  	s31 =	sadd.s32 $0x1400, s24;
	[sflag:s20] =	ssyncadd.s32 $0xFFFF6000  }
0x49: {  	[hbm4b:s31+s2] =	stream.linear.scatter [tilespmem:s19], [sflag:$0x6], $0xA000, $0x38;
	[tilespmem:$0x14300] =	vst v63  }
.Ltmp3:
0x4a: {  	(pc) =	sbr.rel .LBB2_2-.Ltmp3, $4  }
0x4b: {  	_ = 	snop  }
0x4c: {  	s26 =	sadd.s32 s25, s11  }
0x4d: {  	s25 =	sadd.s32 $0x50, s25;
	s24 =	sadd.s32 $0x2800, s24;
	s26 =	sadd.s32 $0xC8, s26  }
0x4e: {  	[tilespmem:s13], [sflag:$0x2] =	stream.linear.gather [hbm4b:s26+s2], $0x140, $0x38;
	[tilespmem:$0x14300] =	vst v63  }
.LBB2_5:
0x4f: {  	_ =	sfence.sel $0x180000  }
0x50: {  	[bflag:$0x0] =	sbarrier.arrive $0xFFFF  }
0x51: {  	p0 =	sne.s32 s0, $0x0;
	_ =	strace $0x90000065  }
0x52: {  	s0 =	sadd.s32 @!p0 $0x100000, s1;
	[bflag:$0x2] =	sbarrier.arrive $0xFFFF  }
0x53: {  	[sflag:s0] =	ssyncadd.tile.s32 @!p0 $0x1;
	_ =	shalt  }
.Lfunc_end2:
_tile_overlayer_lowered:
.L_overlay_start_2:
0x54: {  	(tag) =	ssettag $0x2  }
0x55: {  	s0 =	rddreg [dreg:$0x0];
	s2 =	stileid.u32  }
0x56: {  	s1 =	rddreg [dreg:$0x1];
	p0 =	sne.s32 s2, $0x0  }
0x57: {  	s3 =	rddreg [dreg:$0x2];
	[bflag:$0x3] =	sbarrier.arrive $0xFFFF;
	s2 =	simm.s32 @!p0 $0x1C07  }
0x58: {  	[timem:s3], [sflag:s2] =	dma.local @!p0 [hbm:s0], s1  }
0x59: {  	s0 =	simm.s32 @!p0 $0x7  }
0x5a: {  	_ =	swait.ge @!p0 [sflag:s0], s1  }
0x5b: {  	s1 =	ssub.s32 @!p0 $0x0, s1;
	[sflag:s0] =	ssyncset.done @!p0 $0x0  }
0x5c: {  	[sflag:s0] =	ssyncadd.s32 @!p0 s1  }
0x5d: {  	[bflag:$0x3] =	sbarrier.arrive $0xFFFF  }
0x5e: {  	_ =	shalt  }

// kernel: kernel.22.cloned.1.call-start
scs
__scs_entry_jumppad:
0x0: {  	(pc) =	sbr.rel $0x88, $3  }
0x1: {  	(tag) =	ssettag $0x0;
	lr =	simm.s32 $0x1  }
0x2: {  	[smem:$0x3F8A] =	sst lr;
	_ =	strace $0xD0000000  }
0x3: {  	_ = 	snop  }
0x4: {  	_ = 	snop  }
0x5: {  	_ = 	snop  }
0x6: {  	_ = 	snop  }
0x7: {  	_ = 	snop  }
__scs_overlays_trampoline_lowered:
0x8: {  	[smem:$0x3F99] =	sst s0  }
0x9: {  	[smem:$0x3F9A] =	sst s1  }
0xa: {  	[smem:$0x3F9B] =	sst s2  }
0xb: {  	[smem:$0x3F9C] =	sst s3  }
0xc: {  	[smem:$0x3F9D] =	sst s4  }
0xd: {  	[smem:$0x3F9E] =	sst s5  }
0xe: {  	[smem:$0x3F9F] =	sst s6  }
0xf: {  	[smem:$0x3FA0] =	sst s7  }
0x10: {  	[smem:$0x3FA1] =	sst s8  }
0x11: {  	[smem:$0x3FA2] =	sst s9;
	s0 =	simm.s32 @!p0 $0x0  }
0x12: {  	s1 =	sld [smem:$0x3F88];
	s0 =	simm.s32 @p0 $0x1  }
0x13: {  	[smem:$0x3FA3] =	sst s0;
	s0 =	simm.s32 @!p1 $0x0  }
0x14: {  	s2 =	sld [smem:$0x3F87];
	s0 =	simm.s32 @p1 $0x1  }
0x15: {  	[smem:$0x3FA4] =	sst s0;
	s0 =	simm.s32 @!p2 $0x0  }
0x16: {  	s3 =	sld [smem:$0x3FDB];
	s0 =	simm.s32 @p2 $0x1  }
0x17: {  	s4 =	simm.s32 $0x1BF5;
	[smem:$0x3FA6] =	sst s0  }
0x18: {  	s0 =	sld [smem:$0x3F89];
	_ =	swait.ge [sflag:s4], $0x0  }
0x19: {  	s7 =	sld [smem:$0x3F8A]  }
0x1a: {  	s8 =	sadd.s32 $0xFFFFE003, lr  }
0x1b: {  	s9 =	sadd.s32 $0xFFFFFEF7, lr;
	s5 =	simm.s32 $0xFFFFFFFF;
	p2 =	slt.u32 s8, $0xFFFFF086  }
0x1c: {  	p1 =	slt.u32 s9, $0xF7A;
	s5 =	simm.s32 @!p2 $0x0  }
0x1d: {  	s5 =	simm.s32 @p1 $0x1;
	p0 =	seq.s32 s7, s2  }
0x1e: {  	s7 =	smul.u32 @!p0 $0xF7A, s2;
	p2 =	seq.s32 @!p0 s5, $0x0  }
0x1f: {  	s9 =	smul.u32 $0xF7A, s1;
	s8 =	simm.s32 @!p0 $0x1BF5;
	p2 =	por !p2, p0  }
0x20: {  	[sflag:s8] =	ssyncset.s32 @!p0 $0xFFFFF086;
	s6 =	sadd.s32 @!p0 s3, s7;
	s7 =	simm.s32 @!p0 $0x108  }
0x21: {  	s3 =	sadd.s32 s3, s9;
	s6 =	sadd.s32 @!p0 $0x88, s6;
	s7 =	simm.s32 @p2 $0x1082  }
0x22: {  	[simem:s7], [sflag:s8] =	dma.local @!p0 [hbm:s6], $0xF7A  }
0x23: {  	s9 =	sor.u32 $0xD0000000, s2;
	s6 =	simm.s32 $0x108;
	_ =	swait.ge @!p0 [sflag:s8], $0x0  }
0x24: {  	s3 =	sadd.s32 $0x88, s3;
	s6 =	simm.s32 @!p1 $0x1082;
	[sflag:s4] =	ssyncset.s32 $0xFFFFF086  }
0x25: {  	[simem:s6], [sflag:s4] =	dma.local [hbm:s3], $0xF7A  }
0x26: {  	[smem:$0x3F8A] =	sst s1;
	(tag) =	ssettag s2;
	_ =	strace s9  }
0x27: {  	s1 =	sld [smem:$0x3F9A]  }
0x28: {  	s2 =	sld [smem:$0x3F9B]  }
0x29: {  	s4 =	sld [smem:$0x3F9D]  }
0x2a: {  	p0 =	seq.s32 s5, $0x0;
	s5 =	sld [smem:$0x3F9E]  }
0x2b: {  	s6 =	sld [smem:$0x3F9F]  }
0x2c: {  	s7 =	sld [smem:$0x3FA0]  }
0x2d: {  	s3 =	simm.s32 $0x108;
	s8 =	sld [smem:$0x3FA1]  }
0x2e: {  	s3 =	simm.s32 @!p0 $0x1082;
	s9 =	sld [smem:$0x3FA2]  }
0x2f: {  	lr =	sadd.s32 s0, s3;
	s0 =	sld [smem:$0x3F99]  }
0x30: {  	s3 =	sld [smem:$0x3F9C]  }
0x31: {  	[smem:$0x3FA5] =	sst s10  }
0x32: {  	s10 =	sld [smem:$0x3FA3];
	_ =	sdelay $0x3  }
0x33: {  	p0 =	seq.s32 s10, $0x1;
	s10 =	sld [smem:$0x3FA5];
	_ =	sdelay $0x3  }
0x34: {  	[smem:$0x3FA5] =	sst s10  }
0x35: {  	s10 =	sld [smem:$0x3FA4];
	_ =	sdelay $0x3  }
0x36: {  	p1 =	seq.s32 s10, $0x1;
	s10 =	sld [smem:$0x3FA5];
	_ =	sdelay $0x3  }
0x37: {  	[smem:$0x3FA5] =	sst s10  }
0x38: {  	s10 =	sld [smem:$0x3FA6]  }
0x39: {  	_ = 	snop;
	(pc) =	sbr.ind lr, $3  }
0x3a: {  	_ = 	snop  }
0x3b: {  	_ = 	snop  }
0x3c: {  	p2 =	seq.s32 s10, $0x1;
	s10 =	sld [smem:$0x3FA5]  }
0x3d: {  	_ =	shalt  }
0x3e: {  	_ =	shalt  }
0x3f: {  	_ =	shalt  }
0x40: {  	_ =	shalt  }
0x41: {  	_ =	shalt  }
0x42: {  	_ =	shalt  }
0x43: {  	_ =	shalt  }
0x44: {  	_ =	shalt  }
0x45: {  	_ =	shalt  }
0x46: {  	_ =	shalt  }
0x47: {  	_ =	shalt  }
0x48: {  	_ =	shalt  }
0x49: {  	_ =	shalt  }
0x4a: {  	_ =	shalt  }
0x4b: {  	_ =	shalt  }
0x4c: {  	_ =	shalt  }
0x4d: {  	_ =	shalt  }
0x4e: {  	_ =	shalt  }
0x4f: {  	_ =	shalt  }
0x50: {  	_ =	shalt  }
0x51: {  	_ =	shalt  }
0x52: {  	_ =	shalt  }
0x53: {  	_ =	shalt  }
0x54: {  	_ =	shalt  }
0x55: {  	_ =	shalt  }
0x56: {  	_ =	shalt  }
0x57: {  	_ =	shalt  }
0x58: {  	_ =	shalt  }
0x59: {  	_ =	shalt  }
0x5a: {  	_ =	shalt  }
0x5b: {  	_ =	shalt  }
0x5c: {  	_ =	shalt  }
0x5d: {  	_ =	shalt  }
0x5e: {  	_ =	shalt  }
0x5f: {  	_ =	shalt  }
0x60: {  	_ =	shalt  }
0x61: {  	_ =	shalt  }
0x62: {  	_ =	shalt  }
0x63: {  	_ =	shalt  }
0x64: {  	_ =	shalt  }
0x65: {  	_ =	shalt  }
0x66: {  	_ =	shalt  }
0x67: {  	_ =	shalt  }
0x68: {  	_ =	shalt  }
0x69: {  	_ =	shalt  }
0x6a: {  	_ =	shalt  }
0x6b: {  	_ =	shalt  }
0x6c: {  	_ =	shalt  }
0x6d: {  	_ =	shalt  }
0x6e: {  	_ =	shalt  }
0x6f: {  	_ =	shalt  }
0x70: {  	_ =	shalt  }
0x71: {  	_ =	shalt  }
0x72: {  	_ =	shalt  }
0x73: {  	_ =	shalt  }
0x74: {  	_ =	shalt  }
0x75: {  	_ =	shalt  }
0x76: {  	_ =	shalt  }
0x77: {  	_ =	shalt  }
0x78: {  	_ =	shalt  }
0x79: {  	_ =	shalt  }
0x7a: {  	_ =	shalt  }
0x7b: {  	_ =	shalt  }
0x7c: {  	_ =	shalt  }
0x7d: {  	_ =	shalt  }
0x7e: {  	_ =	shalt  }
0x7f: {  	_ =	shalt  }
0x80: {  	_ =	shalt  }
0x81: {  	_ =	shalt  }
0x82: {  	_ =	shalt  }
0x83: {  	_ =	shalt  }
0x84: {  	_ =	shalt  }
0x85: {  	_ =	shalt  }
0x86: {  	_ =	shalt  }
0x87: {  	_ =	shalt  }
.Lfunc_end0:
.L_simem_size_0:
called_computation.10_lowered:
.L_overlay_start_0:
0x88: {  	s2 =	sld [smem:$0x3FD9]  }
0x89: {  	s3 =	sld [smem:$0x3FFE];
	_ =	sdelay $0x1  }
0x8a: {  	s1 =	srdreg.scid  }
0x8b: {  	s0 =	sand.u32 $0x1, s1  }
0x8c: {  	s16 =	sshll.u32 s0, $0xA;
	s2 =	sadd.s32 s3, s2  }
0x8d: {  	s2 =	sadd.s32 s2, s16  }
0x8e: {  	[smem:$0x3FB1] =	sst s2  }
0x8f: {  	_ = 	snop  }
0x90: {  	(tm) =	ssettm $0x1  }
0x91: {  	s17 =	sld [smem:$0x3FFB];
	_ =	sdelay $0x3  }
0x92: {  	_ =	strace s17  }
0x93: {  	s2 =	sld [smem:$0x3FFC];
	_ =	sdelay $0x3  }
0x94: {  	_ =	strace s2  }
0x95: {  	s2 =	sld [smem:$0x3FFD];
	_ =	sdelay $0x3  }
0x96: {  	_ =	strace s2  }
0x97: {  	_ =	strace $0x8FFFFFFF  }
0x98: {  	s18 =	sld [smem:$0x3FDB];
	_ =	sdelay $0x1  }
0x99: {  	s19 =	simm.s32 $_scs_section_size  }
0x9a: {  	s4 =	simm.s32 $_size__tile_overlayer_lowered;
	s5 =	simm.s32 $_tile_overlayer_lowered  }
0x9b: {  	s22 =	simm.s32 $0x1BFF;
	s21 =	sshll.u32 s5, $0x1;
	s2 =	sadd.s32 s19, s18  }
0x9c: {  	s6 =	simm.s32 $0x0;
	s20 =	sshll.u32 s4, $0x1;
	s4 =	sadd.s32 s21, s2  }
0x9d: {  	[timem:s6], [sflag:s22] =	dma.local [hbm:s4], s20  }
0x9e: {  	_ =	swait.ge [sflag:s22], s20  }
0x9f: {  	s3 =	ssub.s32 $0x0, s20;
	[sflag:s22] =	ssyncset.done $0x0  }
0xa0: {  	[sflag:s22] =	ssyncadd.s32 s3;
	_ =	sdelay $0x1  }
0xa1: {  	s23 =	simm.s32 $0x1B8B  }
0xa2: {  	_ =	swait.ge [sflag:s23], $0x1  }
0xa3: {  	[sflag:s23] =	ssyncset.done $0x0  }
0xa4: {  	s25 =	simm.s32 $0x1B8E;
	s24 =	sld [smem:$0x3FFE];
	[sflag:s23] =	ssyncadd.s32 $0xFFFFFFFF  }
0xa5: {  	s26 =	simm.s32 $execute0_lowered;
	[smem:$0x3FD2] =	sst s25  }
0xa6: {  	s4 =	sshll.u32 s26, $0x1;
	_ =	strace $0x80000067;
	[dreg:$0x1] =	wrdreg $0xFFFFFFFF  }
0xa7: {  	s28 =	simm.s32 $_size_execute0_lowered;
	s2 =	sadd.s32 s2, s4;
	[dreg:$0x0] =	wrdreg $0x0  }
0xa8: {  	s4 =	sshll.u32 s28, $0x1;
	[dreg:$0x2] =	wrdreg s2  }
0xa9: {  	[dreg:$0x3] =	wrdreg s4  }
0xaa: {  	[dreg:$0x4] =	wrdreg $0xC0  }
0xab: {  	_ =	task [dreg:s6], $0x5FFFF  }
0xac: {  	[dreg:$0x1] =	wrdreg $0xFFFFFFFF  }
0xad: {  	[dreg:$0x0] =	wrdreg $0x60  }
0xae: {  	[dreg:$0x2] =	wrdreg s24  }
0xaf: {  	[dreg:$0x3] =	wrdreg $0x9  }
0xb0: {  	_ =	task.clear_ibuf [dreg:s6], $0x4FFFF;
	_ =	strace $0x90000067  }
0xb1: {  	s29 =	simm.s32 $0x9;
	_ =	strace $0x80000069  }
0xb2: {  	_ =	swait.ge [sflag:s29], $0x1  }
0xb3: {  	[sflag:s29] =	ssyncadd.s32 $0xFFFFFFFF  }
0xb4: {  	_ =	strace $0x90000069  }
0xb5: {  	_ =	sfence  }
0xb6: {  	s30 =	sld [smem:$0x0];
	_ =	sdelay $0x2  }
0xb7: {  	s31 =	sshll.u32 s1, $0xD;
	s1 =	sshrl.u32 s1, $0x2  }
0xb8: {  	s3 =	sand.u32 $0x4000, s31;
	s1 =	sadd.s32 s1, s30  }
0xb9: {  	s0 =	sor.u32 s3, s0;
	s1 =	sshll.u32 s1, $0x11  }
0xba: {  	s0 =	sor.u32 s1, s0  }
0xbb: {  	s0 =	sadd.s32 $0x8F2B, s0  }
0xbc: {  	[sflag:s0] =	ssyncadd.remote.s32 $0x1  }
0xbd: {  	_ =	sfence.sel $0xFFFF  }
0xbe: {  	[dreg:$0x0] =	wrdreg $0xFFFFFFFF;
	(pc) =	sbr.abs _section_cstart, $3  }
0xbf: {  	[dreg:$0x1] =	wrdreg $0xFFFFFFFF  }
0xc0: {  	_ =	task.clear_ibuf [dreg:s6], $0x2FFFF;
	_ =	strace $0x9FFFFFFF  }
0xc1: {  	(tm) =	ssettm $0x7FFFFFFF  }
tec
execute0_lowered:
.L_overlay_start_1:
0x0: {  	(tag) =	ssettag $0x1  }
0x1: {  	s1 =	srdreg.scid;
	s0 =	stileid.u32  }
0x2: {  	s6 =	sand.u32 $0x1, s1;
	s30 =	sshll.u32 s0, $0x1  }
0x3: {  	s9 =	rddreg [dreg:$0x0];
	s7 =	sor.u32 s6, s30  }
0x4: {  	s2 =	simm.s32 $0x0;
	s1 =	rddreg [dreg:$0x1];
	s3 =	smul.u32 $0x28, s7  }
0x5: {  	s8 =	simm.s32 $0x1;
	[smem:$0x7FF] =	sst s2;
	s5 =	sadd.s32 $0x16200, s9  }
0x6: {  	_ =	strace $0x80000068;
	s11 =	ssub.s32 $0x2, s6;
	s3 =	sadd.s32 s3, s9  }
0x7: {  	s6 =	simm.s32 $0x140;
	s4 =	sadd.s32 $0x15C00, s3;
	s3 =	simm.s32 $0x3  }
0x8: {  	[tilespmem:s2], [sflag:$0x3] =	stream.linear.gather [hbm4b:s4+s2], $0x140, $0x38;
	[tilespmem:$0xA180] =	vst v63  }
0x9: {  	s10 =	smul.u32 $0x1400, s7;
	s12 =	sshrl.u32 s11, $0x1;
	_ =	swait.ge [sflag:s3], $0x140  }
0xa: {  	s7 =	simm.s32 $0x180;
	s31 =	ssub.s32 s11, s12;
	[sflag:s3] =	ssyncset.done $0x0  }
0xb: {  	s9 =	sadd.s32 s10, s9;
	s10 =	smax.u32 s31, $0x1;
	[sflag:s3] =	ssyncadd.s32 $0xFFFFFEC0  }
0xc: {  	[tilespmem:s7], [sflag:$0x1] =	stream.indirect.gather [hbm4b:s5+s6], $0x80, s2, s6, $0xb8;
	[tilespmem:$0xA180] =	vst v63  }
0xd: {  	p0 =	sne.s32 s10, $0x1;
	_ =	swait.ge [sflag:s8], $0xA000  }
.Ltmp0:
0xe: {  	[sflag:s8] =	ssyncset.done $0x0;
	(pc) =	sbr.rel @!p0 .LBB2_2-.Ltmp0, $4  }
0xf: {  	s9 =	sadd.s32 $0x3E200, s9;
	[sflag:s8] =	ssyncadd.s32 $0xFFFF6000  }
0x10: {  	[hbm4b:s9+s2] =	stream.linear.scatter [tilespmem:s7], [sflag:$0x3], $0xA000, $0x38;
	[tilespmem:$0xA180] =	vst v63  }
0x11: {  	_ =	swait.ge [sflag:s3], $0xA000  }
0x12: {  	s10 =	sadd.s32 $0xFFFFFFFF, s10;
	[sflag:s3] =	ssyncset.done $0x0  }
.LBB2_1:
0x13: {  	p0 =	sne.s32 s10, $0x1;
	s10 =	sadd.s32 $0xFFFFFFFF, s10;
	[sflag:s3] =	ssyncadd.s32 $0xFFFF6000  }
0x14: {  	[tilespmem:s2], [sflag:$0x3] =	stream.linear.gather [hbm4b:s4+s2], $0x140, $0x38;
	[tilespmem:$0xA180] =	vst v63  }
0x15: {  	_ =	swait.ge [sflag:s3], $0x140  }
0x16: {  	[sflag:s3] =	ssyncset.done $0x0  }
0x17: {  	[sflag:s3] =	ssyncadd.s32 $0xFFFFFEC0  }
0x18: {  	[tilespmem:s7], [sflag:$0x1] =	stream.indirect.gather [hbm4b:s5+s6], $0x80, s2, s6, $0xb8;
	[tilespmem:$0xA180] =	vst v63  }
0x19: {  	_ =	swait.ge [sflag:s8], $0xA000  }
.Ltmp1:
0x1a: {  	[sflag:s8] =	ssyncset.done $0x0;
	(pc) =	sbr.rel @p0 .LBB2_1-.Ltmp1, $4  }
0x1b: {  	[sflag:s8] =	ssyncadd.s32 $0xFFFF6000  }
0x1c: {  	[hbm4b:s9+s2] =	stream.linear.scatter [tilespmem:s7], [sflag:$0x3], $0xA000, $0x38;
	[tilespmem:$0xA180] =	vst v63  }
0x1d: {  	_ =	swait.ge [sflag:s3], $0xA000  }
0x1e: {  	[sflag:s3] =	ssyncset.done $0x0  }
.LBB2_2:
0x1f: {  	[sflag:s3] =	ssyncadd.s32 $0xFFFF6000  }
0x20: {  	_ =	sfence.sel $0x180000  }
0x21: {  	[bflag:$0x0] =	sbarrier.arrive $0xFFFF  }
0x22: {  	p0 =	sne.s32 s0, $0x0;
	_ =	strace $0x90000068  }
0x23: {  	s0 =	sadd.s32 @!p0 $0x100000, s1;
	[bflag:$0x2] =	sbarrier.arrive $0xFFFF  }
0x24: {  	[sflag:s0] =	ssyncadd.tile.s32 @!p0 $0x1;
	_ =	shalt  }
.Lfunc_end2:
_tile_overlayer_lowered:
.L_overlay_start_2:
0x25: {  	(tag) =	ssettag $0x2  }
0x26: {  	s0 =	rddreg [dreg:$0x0];
	s2 =	stileid.u32  }
0x27: {  	s1 =	rddreg [dreg:$0x1];
	p0 =	sne.s32 s2, $0x0  }
0x28: {  	s3 =	rddreg [dreg:$0x2];
	[bflag:$0x3] =	sbarrier.arrive $0xFFFF;
	s2 =	simm.s32 @!p0 $0x1C03  }
0x29: {  	[timem:s3], [sflag:s2] =	dma.local @!p0 [hbm:s0], s1  }
0x2a: {  	s0 =	simm.s32 @!p0 $0x3  }
0x2b: {  	_ =	swait.ge @!p0 [sflag:s0], s1  }
0x2c: {  	s1 =	ssub.s32 @!p0 $0x0, s1;
	[sflag:s0] =	ssyncset.done @!p0 $0x0  }
0x2d: {  	[sflag:s0] =	ssyncadd.s32 @!p0 s1  }
0x2e: {  	[bflag:$0x3] =	sbarrier.arrive $0xFFFF  }
0x2f: {  	_ =	shalt  }

// kernel: scatter_offload_async_start.1
scs
__scs_entry_jumppad:
0x0: {  	(pc) =	sbr.rel $0x88, $3  }
0x1: {  	(tag) =	ssettag $0x0;
	lr =	simm.s32 $0x1  }
0x2: {  	[smem:$0x3F8A] =	sst lr;
	_ =	strace $0xD0000000  }
0x3: {  	_ = 	snop  }
0x4: {  	_ = 	snop  }
0x5: {  	_ = 	snop  }
0x6: {  	_ = 	snop  }
0x7: {  	_ = 	snop  }
__scs_overlays_trampoline_lowered:
0x8: {  	[smem:$0x3F99] =	sst s0  }
0x9: {  	[smem:$0x3F9A] =	sst s1  }
0xa: {  	[smem:$0x3F9B] =	sst s2  }
0xb: {  	[smem:$0x3F9C] =	sst s3  }
0xc: {  	[smem:$0x3F9D] =	sst s4  }
0xd: {  	[smem:$0x3F9E] =	sst s5  }
0xe: {  	[smem:$0x3F9F] =	sst s6  }
0xf: {  	[smem:$0x3FA0] =	sst s7  }
0x10: {  	[smem:$0x3FA1] =	sst s8  }
0x11: {  	[smem:$0x3FA2] =	sst s9;
	s0 =	simm.s32 @!p0 $0x0  }
0x12: {  	s1 =	sld [smem:$0x3F88];
	s0 =	simm.s32 @p0 $0x1  }
0x13: {  	[smem:$0x3FA3] =	sst s0;
	s0 =	simm.s32 @!p1 $0x0  }
0x14: {  	s2 =	sld [smem:$0x3F87];
	s0 =	simm.s32 @p1 $0x1  }
0x15: {  	[smem:$0x3FA4] =	sst s0;
	s0 =	simm.s32 @!p2 $0x0  }
0x16: {  	s3 =	sld [smem:$0x3FDB];
	s0 =	simm.s32 @p2 $0x1  }
0x17: {  	s4 =	simm.s32 $0x1BF5;
	[smem:$0x3FA6] =	sst s0  }
0x18: {  	s0 =	sld [smem:$0x3F89];
	_ =	swait.ge [sflag:s4], $0x0  }
0x19: {  	s7 =	sld [smem:$0x3F8A]  }
0x1a: {  	s8 =	sadd.s32 $0xFFFFE003, lr  }
0x1b: {  	s9 =	sadd.s32 $0xFFFFFEF7, lr;
	s5 =	simm.s32 $0xFFFFFFFF;
	p2 =	slt.u32 s8, $0xFFFFF086  }
0x1c: {  	p1 =	slt.u32 s9, $0xF7A;
	s5 =	simm.s32 @!p2 $0x0  }
0x1d: {  	s5 =	simm.s32 @p1 $0x1;
	p0 =	seq.s32 s7, s2  }
0x1e: {  	s7 =	smul.u32 @!p0 $0xF7A, s2;
	p2 =	seq.s32 @!p0 s5, $0x0  }
0x1f: {  	s9 =	smul.u32 $0xF7A, s1;
	s8 =	simm.s32 @!p0 $0x1BF5;
	p2 =	por !p2, p0  }
0x20: {  	[sflag:s8] =	ssyncset.s32 @!p0 $0xFFFFF086;
	s6 =	sadd.s32 @!p0 s3, s7;
	s7 =	simm.s32 @!p0 $0x108  }
0x21: {  	s3 =	sadd.s32 s3, s9;
	s6 =	sadd.s32 @!p0 $0x88, s6;
	s7 =	simm.s32 @p2 $0x1082  }
0x22: {  	[simem:s7], [sflag:s8] =	dma.local @!p0 [hbm:s6], $0xF7A  }
0x23: {  	s9 =	sor.u32 $0xD0000000, s2;
	s6 =	simm.s32 $0x108;
	_ =	swait.ge @!p0 [sflag:s8], $0x0  }
0x24: {  	s3 =	sadd.s32 $0x88, s3;
	s6 =	simm.s32 @!p1 $0x1082;
	[sflag:s4] =	ssyncset.s32 $0xFFFFF086  }
0x25: {  	[simem:s6], [sflag:s4] =	dma.local [hbm:s3], $0xF7A  }
0x26: {  	[smem:$0x3F8A] =	sst s1;
	(tag) =	ssettag s2;
	_ =	strace s9  }
0x27: {  	s1 =	sld [smem:$0x3F9A]  }
0x28: {  	s2 =	sld [smem:$0x3F9B]  }
0x29: {  	s4 =	sld [smem:$0x3F9D]  }
0x2a: {  	p0 =	seq.s32 s5, $0x0;
	s5 =	sld [smem:$0x3F9E]  }
0x2b: {  	s6 =	sld [smem:$0x3F9F]  }
0x2c: {  	s7 =	sld [smem:$0x3FA0]  }
0x2d: {  	s3 =	simm.s32 $0x108;
	s8 =	sld [smem:$0x3FA1]  }
0x2e: {  	s3 =	simm.s32 @!p0 $0x1082;
	s9 =	sld [smem:$0x3FA2]  }
0x2f: {  	lr =	sadd.s32 s0, s3;
	s0 =	sld [smem:$0x3F99]  }
0x30: {  	s3 =	sld [smem:$0x3F9C]  }
0x31: {  	[smem:$0x3FA5] =	sst s10  }
0x32: {  	s10 =	sld [smem:$0x3FA3];
	_ =	sdelay $0x3  }
0x33: {  	p0 =	seq.s32 s10, $0x1;
	s10 =	sld [smem:$0x3FA5];
	_ =	sdelay $0x3  }
0x34: {  	[smem:$0x3FA5] =	sst s10  }
0x35: {  	s10 =	sld [smem:$0x3FA4];
	_ =	sdelay $0x3  }
0x36: {  	p1 =	seq.s32 s10, $0x1;
	s10 =	sld [smem:$0x3FA5];
	_ =	sdelay $0x3  }
0x37: {  	[smem:$0x3FA5] =	sst s10  }
0x38: {  	s10 =	sld [smem:$0x3FA6]  }
0x39: {  	_ = 	snop;
	(pc) =	sbr.ind lr, $3  }
0x3a: {  	_ = 	snop  }
0x3b: {  	_ = 	snop  }
0x3c: {  	p2 =	seq.s32 s10, $0x1;
	s10 =	sld [smem:$0x3FA5]  }
0x3d: {  	_ =	shalt  }
0x3e: {  	_ =	shalt  }
0x3f: {  	_ =	shalt  }
0x40: {  	_ =	shalt  }
0x41: {  	_ =	shalt  }
0x42: {  	_ =	shalt  }
0x43: {  	_ =	shalt  }
0x44: {  	_ =	shalt  }
0x45: {  	_ =	shalt  }
0x46: {  	_ =	shalt  }
0x47: {  	_ =	shalt  }
0x48: {  	_ =	shalt  }
0x49: {  	_ =	shalt  }
0x4a: {  	_ =	shalt  }
0x4b: {  	_ =	shalt  }
0x4c: {  	_ =	shalt  }
0x4d: {  	_ =	shalt  }
0x4e: {  	_ =	shalt  }
0x4f: {  	_ =	shalt  }
0x50: {  	_ =	shalt  }
0x51: {  	_ =	shalt  }
0x52: {  	_ =	shalt  }
0x53: {  	_ =	shalt  }
0x54: {  	_ =	shalt  }
0x55: {  	_ =	shalt  }
0x56: {  	_ =	shalt  }
0x57: {  	_ =	shalt  }
0x58: {  	_ =	shalt  }
0x59: {  	_ =	shalt  }
0x5a: {  	_ =	shalt  }
0x5b: {  	_ =	shalt  }
0x5c: {  	_ =	shalt  }
0x5d: {  	_ =	shalt  }
0x5e: {  	_ =	shalt  }
0x5f: {  	_ =	shalt  }
0x60: {  	_ =	shalt  }
0x61: {  	_ =	shalt  }
0x62: {  	_ =	shalt  }
0x63: {  	_ =	shalt  }
0x64: {  	_ =	shalt  }
0x65: {  	_ =	shalt  }
0x66: {  	_ =	shalt  }
0x67: {  	_ =	shalt  }
0x68: {  	_ =	shalt  }
0x69: {  	_ =	shalt  }
0x6a: {  	_ =	shalt  }
0x6b: {  	_ =	shalt  }
0x6c: {  	_ =	shalt  }
0x6d: {  	_ =	shalt  }
0x6e: {  	_ =	shalt  }
0x6f: {  	_ =	shalt  }
0x70: {  	_ =	shalt  }
0x71: {  	_ =	shalt  }
0x72: {  	_ =	shalt  }
0x73: {  	_ =	shalt  }
0x74: {  	_ =	shalt  }
0x75: {  	_ =	shalt  }
0x76: {  	_ =	shalt  }
0x77: {  	_ =	shalt  }
0x78: {  	_ =	shalt  }
0x79: {  	_ =	shalt  }
0x7a: {  	_ =	shalt  }
0x7b: {  	_ =	shalt  }
0x7c: {  	_ =	shalt  }
0x7d: {  	_ =	shalt  }
0x7e: {  	_ =	shalt  }
0x7f: {  	_ =	shalt  }
0x80: {  	_ =	shalt  }
0x81: {  	_ =	shalt  }
0x82: {  	_ =	shalt  }
0x83: {  	_ =	shalt  }
0x84: {  	_ =	shalt  }
0x85: {  	_ =	shalt  }
0x86: {  	_ =	shalt  }
0x87: {  	_ =	shalt  }
.Lfunc_end0:
.L_simem_size_0:
called_computation.1_lowered:
.L_overlay_start_0:
0x88: {  	s0 =	sld [smem:$0x3FD9]  }
0x89: {  	s1 =	sld [smem:$0x3FFE];
	_ =	sdelay $0x3  }
0x8a: {  	s0 =	sadd.s32 s1, s0  }
0x8b: {  	[smem:$0x3FB1] =	sst s0  }
0x8c: {  	_ = 	snop  }
0x8d: {  	(tm) =	ssettm $0x1  }
0x8e: {  	s15 =	sld [smem:$0x3FFB];
	_ =	sdelay $0x3  }
0x8f: {  	_ =	strace s15  }
0x90: {  	s0 =	sld [smem:$0x3FFC];
	_ =	sdelay $0x3  }
0x91: {  	_ =	strace s0  }
0x92: {  	s0 =	sld [smem:$0x3FFD];
	_ =	sdelay $0x3  }
0x93: {  	_ =	strace s0  }
0x94: {  	_ =	strace $0x8FFFFFFF  }
0x95: {  	s16 =	sld [smem:$0x3FDB];
	_ =	sdelay $0x1  }
0x96: {  	s17 =	simm.s32 $_scs_section_size  }
0x97: {  	s2 =	simm.s32 $_size__tile_overlayer_lowered;
	s3 =	simm.s32 $_tile_overlayer_lowered  }
0x98: {  	s20 =	simm.s32 $0x1BFF;
	s19 =	sshll.u32 s3, $0x1;
	s0 =	sadd.s32 s17, s16  }
0x99: {  	s4 =	simm.s32 $0x0;
	s18 =	sshll.u32 s2, $0x1;
	s2 =	sadd.s32 s19, s0  }
0x9a: {  	[timem:s4], [sflag:s20] =	dma.local [hbm:s2], s18  }
0x9b: {  	_ =	swait.ge [sflag:s20], s18  }
0x9c: {  	s1 =	ssub.s32 $0x0, s18;
	[sflag:s20] =	ssyncset.done $0x0  }
0x9d: {  	[sflag:s20] =	ssyncadd.s32 s1;
	_ =	sdelay $0x1  }
0x9e: {  	s21 =	simm.s32 $0x1B8B  }
0x9f: {  	_ =	swait.ge [sflag:s21], $0x1  }
0xa0: {  	[sflag:s21] =	ssyncset.done $0x0  }
0xa1: {  	s23 =	simm.s32 $0x1B8E;
	s22 =	sld [smem:$0x3FFE];
	[sflag:s21] =	ssyncadd.s32 $0xFFFFFFFF  }
0xa2: {  	s24 =	simm.s32 $execute0_lowered;
	[smem:$0x3FD2] =	sst s23  }
0xa3: {  	s2 =	sshll.u32 s24, $0x1;
	_ =	strace $0x80000055;
	[dreg:$0x1] =	wrdreg $0xFFFFFFFF  }
0xa4: {  	s25 =	simm.s32 $_size_execute0_lowered;
	s0 =	sadd.s32 s0, s2;
	[dreg:$0x0] =	wrdreg $0x0  }
0xa5: {  	s2 =	sshll.u32 s25, $0x1;
	[dreg:$0x2] =	wrdreg s0  }
0xa6: {  	[dreg:$0x3] =	wrdreg s2  }
0xa7: {  	[dreg:$0x4] =	wrdreg $0xC0  }
0xa8: {  	_ =	task [dreg:s4], $0x5FFFF  }
0xa9: {  	[dreg:$0x1] =	wrdreg $0xFFFFFFFF  }
0xaa: {  	[dreg:$0x0] =	wrdreg $0x60  }
0xab: {  	[dreg:$0x2] =	wrdreg s22  }
0xac: {  	[dreg:$0x3] =	wrdreg $0x9  }
0xad: {  	_ =	task.clear_ibuf [dreg:s4], $0x4FFFF;
	_ =	strace $0x90000055  }
0xae: {  	s26 =	simm.s32 $0x9;
	_ =	strace $0x80000057  }
0xaf: {  	_ =	swait.ge [sflag:s26], $0x1  }
0xb0: {  	[sflag:s26] =	ssyncadd.s32 $0xFFFFFFFF  }
0xb1: {  	_ =	strace $0x90000057  }
0xb2: {  	_ =	sfence  }
0xb3: {  	s28 =	sld [smem:$0x0];
	_ =	sdelay $0x1  }
0xb4: {  	s29 =	srdreg.scid  }
0xb5: {  	s30 =	sshll.u32 s29, $0xD;
	s31 =	sshrl.u32 s29, $0x2  }
0xb6: {  	s1 =	sand.u32 $0x1, s29;
	s2 =	sand.u32 $0x4000, s30;
	s0 =	sadd.s32 s31, s28  }
0xb7: {  	s1 =	sor.u32 s2, s1;
	s0 =	sshll.u32 s0, $0x11  }
0xb8: {  	s0 =	sor.u32 s0, s1  }
0xb9: {  	s0 =	sadd.s32 $0x8F2B, s0  }
0xba: {  	[sflag:s0] =	ssyncadd.remote.s32 $0x1  }
0xbb: {  	_ =	sfence.sel $0xFFFF  }
0xbc: {  	[dreg:$0x0] =	wrdreg $0xFFFFFFFF;
	(pc) =	sbr.abs _section_cstart, $3  }
0xbd: {  	[dreg:$0x1] =	wrdreg $0xFFFFFFFF  }
0xbe: {  	_ =	task.clear_ibuf [dreg:s4], $0x2FFFF;
	_ =	strace $0x9FFFFFFF  }
0xbf: {  	(tm) =	ssettm $0x7FFFFFFF  }
tec
execute0_lowered:
.L_overlay_start_1:
0x0: {  	(tag) =	ssettag $0x1  }
0x1: {  	s7 =	rddreg [dreg:$0x0]  }
0x2: {  	s0 =	rddreg [dreg:$0x1]  }
0x3: {  	_ =	strace $0x80000056;
	s3 =	stileid.u32;
	s4 =	simm.s32 $0x3E  }
0x4: {  	s1 =	sadd.s32 $0x1DC00, s7;
	p0 =	sne.s32 s3, $0x0;
	[sflag:s4] =	ssyncpa.u1 $0x0  }
0x5: {  	s30 =	smin.u32 s3, $0x9;
	s2 =	simm.s32 @!p0 $0x1C3E;
	s5 =	simm.s32 @!p0 $0x0  }
0x6: {  	[spmem:s5], [sflag:s2] =	dma.local @!p0 [hbm:s1], $0x500  }
0x7: {  	s2 =	sadd.s32 s3, s30  }
0x8: {  	p1 =	slt.u32 s3, $0x9;
	s3 =	simm.s32 $0x320;
	s2 =	smul.u32 $0x190, s2  }
0x9: {  	s3 =	simm.s32 @!p1 $0x190  }
0xa: {  	s3 =	sadd.s32 s3, s2  }
0xb: {  	s3 =	smin.u32 s3, $0x2710  }
0xc: {  	s8 =	ssub.s32 s3, s2  }
0xd: {  	p1 =	sgt.s32 s8, $0x0  }
0xe: {  	s8 =	simm.s32 @!p1 $0x0  }
0xf: {  	s6 =	sand.u32 $0xFFF0, s8  }
0x10: {  	s5 =	simm.s32 @!p0 $0x3E;
	s6 =	sshrl.u32 s6, $0x4  }
0x11: {  	_ =	swait.ge @!p0 [sflag:s5], $0x500;
	s31 =	smul.u32 $0xA3E, s6  }
0x12: {  	[sflag:s5] =	ssyncset.done @!p0 $0x0  }
0x13: {  	[sflag:s5] =	ssyncadd.s32 @!p0 $0xFFFFFB00;
	s9 =	sshrl.u32 s31, $0x10  }
0x14: {  	s11 =	simm.s32 $0x0;
	[bflag:$0x0] =	sbarrier.arrive $0xFFFF;
	s10 =	smul.u32 $0x190, s9  }
.Ltmp0:
0x15: {  	[sflag:s4] =	ssyncpa.u1 $0x1;
	s4 =	simm.s32 $0x1;
	(pc) =	sbr.rel .LBB2_1-.Ltmp0, $4  }
0x16: {  	s5 =	sadd.s32 $0x14200, s7;
	s7 =	sadd.s32 $0x13C00, s7;
	[sflag:s4] =	ssyncpa.u1 $0x0  }
0x17: {  	s6 =	simm.s32 $0x2;
	p1 =	sne.s32 s8, s10;
	s8 =	simm.s32 $0x1  }
0x18: {  	(ifvalue) =	ssetifvalue $0x2800;
	[sflag:s6] =	ssyncpa.u1 $0x0;
	s8 =	simm.s32 @!p1 $0x0  }
0x19: {  	vm0 =	vmmov $0xffff;
	s10 =	smov.u32 s2;
	s8 =	sadd.s32 s9, s8;
	s9 =	simm.s32 $0x0  }
.LBB2_5:
0x1a: {  	p2 =	sne.s32 s11, s8  }
.Ltmp1:
0x1b: {  	_ = 	snop;
	(pc) =	sbr.rel @!p2 .LBB2_6-.Ltmp1, $4  }
0x1c: {  	_ = 	snop  }
0x1d: {  	s12 =	sadd.s32 $0x190, s10  }
0x1e: {  	s10 =	smov.u32 s2;
	s13 =	sadd.s32 $0x1, s11;
	p1 =	slt.s32 s12, s3  }
0x1f: {  	s11 =	smov.u32 s13;
	s10 =	smov.u32 @p1 s12  }
.LBB2_1:
0x20: {  	p1 =	sge.u32 s11, s8  }
0x21: {  	s12 =	sxor.u32 @!p1 $0xFFFFFFFF, s11  }
0x22: {  	s12 =	sand.u32 @!p1 $0x1, s12  }
0x23: {  	s12 =	smul.u32 @!p1 $0x190, s12  }
0x24: {  	s13 =	sshrl.u32 @!p1 s10, $0x3  }
0x25: {  	s16 =	sand.u32 @!p1 $0x7, s10;
	s14 =	sadd.s32 @!p1 s5, s13;
	s15 =	sadd.s32 @!p1 $0x280, s12  }
0x26: {  	[tilespmem:s15], [sflag:$0x2] =	stream.linear.gather @!p1 [hbm4b:s14+s16], $0x190, $0x38;
	[tilespmem:$0x8C0] =	vst v63  }
0x27: {  	s13 =	sadd.s32 @!p1 s7, s13;
	s12 =	sadd.s32 @!p1 $0x5A0, s12  }
0x28: {  	[tilespmem:s12], [sflag:$0x2] =	stream.linear.gather @!p1 [hbm4b:s13+s16], $0x190, $0x38;
	[tilespmem:$0x8C0] =	vst v63  }
0x29: {  	p1 =	seq.s32 s11, $0x0  }
.Ltmp2:
0x2a: {  	_ = 	snop;
	(pc) =	sbr.rel @p1 .LBB2_5-.Ltmp2, $1  }
0x2b: {  	_ =	sdelay $0x3  }
0x2c: {  	s12 =	sand.u32 $0x1, s11  }
0x2d: {  	_ =	swait.ge [sflag:s6], $0x320;
	p1 =	seq.s32 s12, $0x1;
	s12 =	simm.s32 $0x190  }
0x2e: {  	[sflag:s6] =	ssyncset.done $0x0;
	s12 =	simm.s32 @!p1 $0x0  }
0x2f: {  	[sflag:s6] =	ssyncadd.s32 $0xFFFFFCE0;
	s14 =	sadd.s32 $0x280, s12  }
0x30: {  	v0 =	vld.msk [tilespmem:s14+$0x0 ss:$0x1], $0xffff;
	_ =	sdelay $0x4  }
0x31: {  	v0 =	vmin.u32 v0, $0x2800;
	_ =	sdelay $0x3  }
0x32: {  	s13 =	simm.s32 $0x0;
	s12 =	sadd.s32 $0x5A0, s12;
	s14 =	sadd.s32 $0x10, s14  }
0x33: {  	[spmem:s9] =	stream.indirect_vreg.scatter.add.s32 [tilespmem:s12], [sflag:$0x1], $0x1, v0, vm0, $0x4038;
	[tilespmem:$0x8C0] =	vst v63  }
.LBB2_3:
0x34: {  	v0 =	vld.msk [tilespmem:s14+$0x0 ss:$0x1], $0xffff;
	s13 =	sadd.s32 $0x10, s13  }
0x35: {  	p1 =	slt.u32 s13, $0x180;
	_ =	sdelay $0x4  }
0x36: {  	v0 =	vmin.u32 v0, $0x2800  }
.Ltmp3:
0x37: {  	(pc) =	sbr.rel @p1 .LBB2_3-.Ltmp3, $3  }
0x38: {  	_ =	sdelay $0x1  }
0x39: {  	s14 =	sadd.s32 $0x10, s14;
	s12 =	sadd.s32 $0x10, s12  }
0x3a: {  	[spmem:s9] =	stream.indirect_vreg.scatter.add.s32 [tilespmem:s12], [sflag:$0x1], $0x1, v0, vm0, $0x4038;
	[tilespmem:$0x8C0] =	vst v63  }
.Ltmp4:
0x3b: {  	(pc) =	sbr.rel .LBB2_5-.Ltmp4, $4  }
0x3c: {  	_ = 	snop  }
0x3d: {  	_ =	swait.ge [sflag:s4], $0x190  }
0x3e: {  	[sflag:s4] =	ssyncset.done $0x0  }
0x3f: {  	[sflag:s4] =	ssyncadd.s32 $0xFFFFFE70  }
.LBB2_6:
0x40: {  	_ =	sfence.sel $0x180000  }
0x41: {  	s2 =	simm.s32 $0x2;
	[bflag:$0x0] =	sbarrier.arrive $0xFFFF  }
0x42: {  	s30 =	simm.s32 $0x1;
	[sflag:s2] =	ssyncpa.u1 $0x1  }
0x43: {  	[sflag:s30] =	ssyncpa.u1 $0x1  }
0x44: {  	_ =	sfence.stream.spmem  }
0x45: {  	s31 =	simm.s32 $0x3D;
	[bflag:$0x0] =	sbarrier.arrive $0xFFFF  }
0x46: {  	s2 =	simm.s32 @p0 $0x3D;
	[sflag:s31] =	ssyncpa.u1 $0x0  }
0x47: {  	[sflag:s2] =	ssyncpa.u1 @p0 $0x1  }
0x48: {  	[bflag:$0x0] =	sbarrier.arrive @p0 $0xFFFF  }
0x49: {  	_ =	strace @p0 $0x90000056  }
0x4a: {  	s3 =	simm.s32 @!p0 $0x1C3D;
	s2 =	simm.s32 @!p0 $0x0;
	[bflag:$0x2] =	sbarrier.arrive @p0 $0xFFFF  }
0x4b: {  	[hbm:s1], [sflag:s3] =	dma.local @!p0 [spmem:s2], $0x500  }
0x4c: {  	s1 =	simm.s32 @!p0 $0x3D  }
0x4d: {  	_ =	swait.ge @!p0 [sflag:s1], $0x500  }
0x4e: {  	[sflag:s1] =	ssyncset.done @!p0 $0x0  }
0x4f: {  	[sflag:s1] =	ssyncadd.s32 @!p0 $0xFFFFFB00  }
0x50: {  	[sflag:s1] =	ssyncpa.u1 @!p0 $0x1  }
0x51: {  	[bflag:$0x0] =	sbarrier.arrive @!p0 $0xFFFF  }
0x52: {  	_ =	strace @!p0 $0x90000056  }
0x53: {  	s0 =	sadd.s32 @!p0 $0x100000, s0;
	[bflag:$0x2] =	sbarrier.arrive @!p0 $0xFFFF  }
0x54: {  	[sflag:s0] =	ssyncadd.tile.s32 @!p0 $0x1;
	_ =	shalt  }
.Lfunc_end2:
_tile_overlayer_lowered:
.L_overlay_start_2:
0x55: {  	(tag) =	ssettag $0x2  }
0x56: {  	s0 =	rddreg [dreg:$0x0];
	s2 =	stileid.u32  }
0x57: {  	s1 =	rddreg [dreg:$0x1];
	p0 =	sne.s32 s2, $0x0  }
0x58: {  	s3 =	rddreg [dreg:$0x2];
	[bflag:$0x3] =	sbarrier.arrive $0xFFFF;
	s2 =	simm.s32 @!p0 $0x1C01  }
0x59: {  	[timem:s3], [sflag:s2] =	dma.local @!p0 [hbm:s0], s1  }
0x5a: {  	s0 =	simm.s32 @!p0 $0x1  }
0x5b: {  	_ =	swait.ge @!p0 [sflag:s0], s1  }
0x5c: {  	s1 =	ssub.s32 @!p0 $0x0, s1;
	[sflag:s0] =	ssyncset.done @!p0 $0x0  }
0x5d: {  	[sflag:s0] =	ssyncadd.s32 @!p0 s1  }
0x5e: {  	[bflag:$0x3] =	sbarrier.arrive $0xFFFF  }
0x5f: {  	_ =	shalt  }

// kernel: scatter_offload_async_start.2
scs
__scs_entry_jumppad:
0x0: {  	(pc) =	sbr.rel $0x88, $3  }
0x1: {  	(tag) =	ssettag $0x0;
	lr =	simm.s32 $0x1  }
0x2: {  	[smem:$0x3F8A] =	sst lr;
	_ =	strace $0xD0000000  }
0x3: {  	_ = 	snop  }
0x4: {  	_ = 	snop  }
0x5: {  	_ = 	snop  }
0x6: {  	_ = 	snop  }
0x7: {  	_ = 	snop  }
__scs_overlays_trampoline_lowered:
0x8: {  	[smem:$0x3F99] =	sst s0  }
0x9: {  	[smem:$0x3F9A] =	sst s1  }
0xa: {  	[smem:$0x3F9B] =	sst s2  }
0xb: {  	[smem:$0x3F9C] =	sst s3  }
0xc: {  	[smem:$0x3F9D] =	sst s4  }
0xd: {  	[smem:$0x3F9E] =	sst s5  }
0xe: {  	[smem:$0x3F9F] =	sst s6  }
0xf: {  	[smem:$0x3FA0] =	sst s7  }
0x10: {  	[smem:$0x3FA1] =	sst s8  }
0x11: {  	[smem:$0x3FA2] =	sst s9;
	s0 =	simm.s32 @!p0 $0x0  }
0x12: {  	s1 =	sld [smem:$0x3F88];
	s0 =	simm.s32 @p0 $0x1  }
0x13: {  	[smem:$0x3FA3] =	sst s0;
	s0 =	simm.s32 @!p1 $0x0  }
0x14: {  	s2 =	sld [smem:$0x3F87];
	s0 =	simm.s32 @p1 $0x1  }
0x15: {  	[smem:$0x3FA4] =	sst s0;
	s0 =	simm.s32 @!p2 $0x0  }
0x16: {  	s3 =	sld [smem:$0x3FDB];
	s0 =	simm.s32 @p2 $0x1  }
0x17: {  	s4 =	simm.s32 $0x1BF5;
	[smem:$0x3FA6] =	sst s0  }
0x18: {  	s0 =	sld [smem:$0x3F89];
	_ =	swait.ge [sflag:s4], $0x0  }
0x19: {  	s7 =	sld [smem:$0x3F8A]  }
0x1a: {  	s8 =	sadd.s32 $0xFFFFE003, lr  }
0x1b: {  	s9 =	sadd.s32 $0xFFFFFEF7, lr;
	s5 =	simm.s32 $0xFFFFFFFF;
	p2 =	slt.u32 s8, $0xFFFFF086  }
0x1c: {  	p1 =	slt.u32 s9, $0xF7A;
	s5 =	simm.s32 @!p2 $0x0  }
0x1d: {  	s5 =	simm.s32 @p1 $0x1;
	p0 =	seq.s32 s7, s2  }
0x1e: {  	s7 =	smul.u32 @!p0 $0xF7A, s2;
	p2 =	seq.s32 @!p0 s5, $0x0  }
0x1f: {  	s9 =	smul.u32 $0xF7A, s1;
	s8 =	simm.s32 @!p0 $0x1BF5;
	p2 =	por !p2, p0  }
0x20: {  	[sflag:s8] =	ssyncset.s32 @!p0 $0xFFFFF086;
	s6 =	sadd.s32 @!p0 s3, s7;
	s7 =	simm.s32 @!p0 $0x108  }
0x21: {  	s3 =	sadd.s32 s3, s9;
	s6 =	sadd.s32 @!p0 $0x88, s6;
	s7 =	simm.s32 @p2 $0x1082  }
0x22: {  	[simem:s7], [sflag:s8] =	dma.local @!p0 [hbm:s6], $0xF7A  }
0x23: {  	s9 =	sor.u32 $0xD0000000, s2;
	s6 =	simm.s32 $0x108;
	_ =	swait.ge @!p0 [sflag:s8], $0x0  }
0x24: {  	s3 =	sadd.s32 $0x88, s3;
	s6 =	simm.s32 @!p1 $0x1082;
	[sflag:s4] =	ssyncset.s32 $0xFFFFF086  }
0x25: {  	[simem:s6], [sflag:s4] =	dma.local [hbm:s3], $0xF7A  }
0x26: {  	[smem:$0x3F8A] =	sst s1;
	(tag) =	ssettag s2;
	_ =	strace s9  }
0x27: {  	s1 =	sld [smem:$0x3F9A]  }
0x28: {  	s2 =	sld [smem:$0x3F9B]  }
0x29: {  	s4 =	sld [smem:$0x3F9D]  }
0x2a: {  	p0 =	seq.s32 s5, $0x0;
	s5 =	sld [smem:$0x3F9E]  }
0x2b: {  	s6 =	sld [smem:$0x3F9F]  }
0x2c: {  	s7 =	sld [smem:$0x3FA0]  }
0x2d: {  	s3 =	simm.s32 $0x108;
	s8 =	sld [smem:$0x3FA1]  }
0x2e: {  	s3 =	simm.s32 @!p0 $0x1082;
	s9 =	sld [smem:$0x3FA2]  }
0x2f: {  	lr =	sadd.s32 s0, s3;
	s0 =	sld [smem:$0x3F99]  }
0x30: {  	s3 =	sld [smem:$0x3F9C]  }
0x31: {  	[smem:$0x3FA5] =	sst s10  }
0x32: {  	s10 =	sld [smem:$0x3FA3];
	_ =	sdelay $0x3  }
0x33: {  	p0 =	seq.s32 s10, $0x1;
	s10 =	sld [smem:$0x3FA5];
	_ =	sdelay $0x3  }
0x34: {  	[smem:$0x3FA5] =	sst s10  }
0x35: {  	s10 =	sld [smem:$0x3FA4];
	_ =	sdelay $0x3  }
0x36: {  	p1 =	seq.s32 s10, $0x1;
	s10 =	sld [smem:$0x3FA5];
	_ =	sdelay $0x3  }
0x37: {  	[smem:$0x3FA5] =	sst s10  }
0x38: {  	s10 =	sld [smem:$0x3FA6]  }
0x39: {  	_ = 	snop;
	(pc) =	sbr.ind lr, $3  }
0x3a: {  	_ = 	snop  }
0x3b: {  	_ = 	snop  }
0x3c: {  	p2 =	seq.s32 s10, $0x1;
	s10 =	sld [smem:$0x3FA5]  }
0x3d: {  	_ =	shalt  }
0x3e: {  	_ =	shalt  }
0x3f: {  	_ =	shalt  }
0x40: {  	_ =	shalt  }
0x41: {  	_ =	shalt  }
0x42: {  	_ =	shalt  }
0x43: {  	_ =	shalt  }
0x44: {  	_ =	shalt  }
0x45: {  	_ =	shalt  }
0x46: {  	_ =	shalt  }
0x47: {  	_ =	shalt  }
0x48: {  	_ =	shalt  }
0x49: {  	_ =	shalt  }
0x4a: {  	_ =	shalt  }
0x4b: {  	_ =	shalt  }
0x4c: {  	_ =	shalt  }
0x4d: {  	_ =	shalt  }
0x4e: {  	_ =	shalt  }
0x4f: {  	_ =	shalt  }
0x50: {  	_ =	shalt  }
0x51: {  	_ =	shalt  }
0x52: {  	_ =	shalt  }
0x53: {  	_ =	shalt  }
0x54: {  	_ =	shalt  }
0x55: {  	_ =	shalt  }
0x56: {  	_ =	shalt  }
0x57: {  	_ =	shalt  }
0x58: {  	_ =	shalt  }
0x59: {  	_ =	shalt  }
0x5a: {  	_ =	shalt  }
0x5b: {  	_ =	shalt  }
0x5c: {  	_ =	shalt  }
0x5d: {  	_ =	shalt  }
0x5e: {  	_ =	shalt  }
0x5f: {  	_ =	shalt  }
0x60: {  	_ =	shalt  }
0x61: {  	_ =	shalt  }
0x62: {  	_ =	shalt  }
0x63: {  	_ =	shalt  }
0x64: {  	_ =	shalt  }
0x65: {  	_ =	shalt  }
0x66: {  	_ =	shalt  }
0x67: {  	_ =	shalt  }
0x68: {  	_ =	shalt  }
0x69: {  	_ =	shalt  }
0x6a: {  	_ =	shalt  }
0x6b: {  	_ =	shalt  }
0x6c: {  	_ =	shalt  }
0x6d: {  	_ =	shalt  }
0x6e: {  	_ =	shalt  }
0x6f: {  	_ =	shalt  }
0x70: {  	_ =	shalt  }
0x71: {  	_ =	shalt  }
0x72: {  	_ =	shalt  }
0x73: {  	_ =	shalt  }
0x74: {  	_ =	shalt  }
0x75: {  	_ =	shalt  }
0x76: {  	_ =	shalt  }
0x77: {  	_ =	shalt  }
0x78: {  	_ =	shalt  }
0x79: {  	_ =	shalt  }
0x7a: {  	_ =	shalt  }
0x7b: {  	_ =	shalt  }
0x7c: {  	_ =	shalt  }
0x7d: {  	_ =	shalt  }
0x7e: {  	_ =	shalt  }
0x7f: {  	_ =	shalt  }
0x80: {  	_ =	shalt  }
0x81: {  	_ =	shalt  }
0x82: {  	_ =	shalt  }
0x83: {  	_ =	shalt  }
0x84: {  	_ =	shalt  }
0x85: {  	_ =	shalt  }
0x86: {  	_ =	shalt  }
0x87: {  	_ =	shalt  }
.Lfunc_end0:
.L_simem_size_0:
called_computation.2_lowered:
.L_overlay_start_0:
0x88: {  	s0 =	sld [smem:$0x3FD9]  }
0x89: {  	s1 =	sld [smem:$0x3FFE];
	_ =	sdelay $0x3  }
0x8a: {  	s0 =	sadd.s32 s1, s0  }
0x8b: {  	[smem:$0x3FB1] =	sst s0  }
0x8c: {  	_ = 	snop  }
0x8d: {  	s0 =	sld [smem:$0x3FD0];
	(tm) =	ssettm $0x1  }
0x8e: {  	s16 =	sld [smem:$0x3FFB];
	_ =	sdelay $0x3  }
0x8f: {  	_ =	strace s16  }
0x90: {  	s1 =	sld [smem:$0x3FFC];
	_ =	sdelay $0x3  }
0x91: {  	_ =	strace s1  }
0x92: {  	s1 =	sld [smem:$0x3FFD];
	_ =	sdelay $0x3  }
0x93: {  	_ =	strace s1  }
0x94: {  	_ =	strace $0x8FFFFFFF  }
0x95: {  	s17 =	sld [smem:$0x3FDB];
	_ =	sdelay $0x1  }
0x96: {  	s2 =	simm.s32 $_scs_section_size  }
0x97: {  	s3 =	simm.s32 $_size__tile_overlayer_lowered;
	s4 =	simm.s32 $_tile_overlayer_lowered  }
0x98: {  	s20 =	simm.s32 $0x1BFF;
	s19 =	sshll.u32 s4, $0x1;
	s1 =	sadd.s32 s2, s17  }
0x99: {  	s5 =	simm.s32 $0x0;
	s18 =	sshll.u32 s3, $0x1;
	s3 =	sadd.s32 s19, s1  }
0x9a: {  	[timem:s5], [sflag:s20] =	dma.local [hbm:s3], s18  }
0x9b: {  	_ =	swait.ge [sflag:s20], s18  }
0x9c: {  	s2 =	ssub.s32 $0x0, s18;
	[sflag:s20] =	ssyncset.done $0x0  }
0x9d: {  	[sflag:s20] =	ssyncadd.s32 s2;
	_ =	sdelay $0x1  }
0x9e: {  	s21 =	simm.s32 $0x1B8B  }
0x9f: {  	_ =	swait.ge [sflag:s21], $0x1  }
0xa0: {  	[sflag:s21] =	ssyncset.done $0x0  }
0xa1: {  	s23 =	simm.s32 $0x1B8E;
	s22 =	sld [smem:$0x3FFE];
	[sflag:s21] =	ssyncadd.s32 $0xFFFFFFFF  }
0xa2: {  	s24 =	simm.s32 $execute0_lowered;
	[smem:$0x3FD2] =	sst s23  }
0xa3: {  	s3 =	sshll.u32 s24, $0x1;
	_ =	strace $0x80000052;
	[dreg:$0x1] =	wrdreg $0xFFFFFFFF  }
0xa4: {  	s25 =	simm.s32 $_size_execute0_lowered;
	s1 =	sadd.s32 s1, s3;
	[dreg:$0x0] =	wrdreg $0x0  }
0xa5: {  	s3 =	sshll.u32 s25, $0x1;
	[dreg:$0x2] =	wrdreg s1  }
0xa6: {  	[dreg:$0x3] =	wrdreg s3  }
0xa7: {  	[dreg:$0x4] =	wrdreg $0xC0  }
0xa8: {  	_ =	task [dreg:s5], $0x5FFFF  }
0xa9: {  	[dreg:$0x1] =	wrdreg $0xFFFFFFFF  }
0xaa: {  	[dreg:$0x0] =	wrdreg $0x60  }
0xab: {  	[dreg:$0x2] =	wrdreg s0  }
0xac: {  	[dreg:$0x3] =	wrdreg s22  }
0xad: {  	[dreg:$0x4] =	wrdreg $0x9  }
0xae: {  	_ =	task.clear_ibuf [dreg:s5], $0x5FFFF;
	_ =	strace $0x90000052  }
0xaf: {  	s26 =	simm.s32 $0x9;
	_ =	strace $0x80000054  }
0xb0: {  	_ =	swait.ge [sflag:s26], $0x1  }
0xb1: {  	[sflag:s26] =	ssyncadd.s32 $0xFFFFFFFF  }
0xb2: {  	_ =	strace $0x90000054  }
0xb3: {  	_ =	sfence  }
0xb4: {  	s28 =	sld [smem:$0x0];
	_ =	sdelay $0x1  }
0xb5: {  	s29 =	srdreg.scid  }
0xb6: {  	s30 =	sshll.u32 s29, $0xD;
	s31 =	sshrl.u32 s29, $0x2  }
0xb7: {  	s2 =	sand.u32 $0x4000, s30;
	s1 =	sand.u32 $0x1, s29;
	s0 =	sadd.s32 s31, s28  }
0xb8: {  	s1 =	sor.u32 s2, s1;
	s0 =	sshll.u32 s0, $0x11  }
0xb9: {  	s0 =	sor.u32 s0, s1  }
0xba: {  	s0 =	sadd.s32 $0x8F2B, s0  }
0xbb: {  	[sflag:s0] =	ssyncadd.remote.s32 $0x1  }
0xbc: {  	_ =	sfence.sel $0xFFFF  }
0xbd: {  	[dreg:$0x0] =	wrdreg $0xFFFFFFFF;
	(pc) =	sbr.abs _section_cstart, $3  }
0xbe: {  	[dreg:$0x1] =	wrdreg $0xFFFFFFFF  }
0xbf: {  	_ =	task.clear_ibuf [dreg:s5], $0x2FFFF;
	_ =	strace $0x9FFFFFFF  }
0xc0: {  	(tm) =	ssettm $0x7FFFFFFF  }
0xc1: {  	_ =	shalt  }
tec
execute0_lowered:
.L_overlay_start_1:
0x0: {  	(tag) =	ssettag $0x1  }
0x1: {  	s1 =	rddreg [dreg:$0x0]  }
0x2: {  	s7 =	rddreg [dreg:$0x1]  }
0x3: {  	s0 =	rddreg [dreg:$0x2]  }
0x4: {  	s3 =	stileid.u32;
	_ =	strace $0x80000053;
	s4 =	simm.s32 $0x3E  }
0x5: {  	p0 =	sne.s32 s3, $0x0;
	[sflag:s4] =	ssyncpa.u1 $0x0  }
0x6: {  	s30 =	smin.u32 s3, $0x9;
	s2 =	simm.s32 @!p0 $0x1C3E;
	s5 =	simm.s32 @!p0 $0x0  }
0x7: {  	[spmem:s5], [sflag:s2] =	dma.local @!p0 [hbm:s1], $0x9C80  }
0x8: {  	s2 =	sadd.s32 s3, s30  }
0x9: {  	p1 =	slt.u32 s3, $0x9;
	s3 =	simm.s32 $0x320;
	s2 =	smul.u32 $0x190, s2  }
0xa: {  	s3 =	simm.s32 @!p1 $0x190  }
0xb: {  	s3 =	sadd.s32 s3, s2  }
0xc: {  	s3 =	smin.u32 s3, $0x2710  }
0xd: {  	s8 =	ssub.s32 s3, s2  }
0xe: {  	p1 =	sgt.s32 s8, $0x0  }
0xf: {  	s8 =	simm.s32 @!p1 $0x0  }
0x10: {  	s6 =	sand.u32 $0xFFF0, s8  }
0x11: {  	s5 =	simm.s32 @!p0 $0x3E;
	s6 =	sshrl.u32 s6, $0x4  }
0x12: {  	_ =	swait.ge @!p0 [sflag:s5], $0x9C80;
	s31 =	smul.u32 $0xA3E, s6  }
0x13: {  	[sflag:s5] =	ssyncset.done @!p0 $0x0  }
0x14: {  	[sflag:s5] =	ssyncadd.s32 @!p0 $0xFFFF6380;
	s9 =	sshrl.u32 s31, $0x10  }
0x15: {  	s11 =	simm.s32 $0x0;
	[bflag:$0x0] =	sbarrier.arrive $0xFFFF;
	s10 =	smul.u32 $0x190, s9  }
.Ltmp0:
0x16: {  	[sflag:s4] =	ssyncpa.u1 $0x1;
	s4 =	simm.s32 $0x1;
	(pc) =	sbr.rel .LBB2_1-.Ltmp0, $4  }
0x17: {  	s5 =	sadd.s32 $0x1E200, s7;
	s7 =	sadd.s32 $0x15800, s7;
	[sflag:s4] =	ssyncpa.u1 $0x0  }
0x18: {  	s6 =	simm.s32 $0x2;
	p1 =	sne.s32 s8, s10;
	s8 =	simm.s32 $0x1  }
0x19: {  	(ifvalue) =	ssetifvalue $0x4E400;
	[sflag:s6] =	ssyncpa.u1 $0x0;
	s8 =	simm.s32 @!p1 $0x0  }
0x1a: {  	vm0 =	vmmov $0xffff;
	s10 =	smov.u32 s2;
	s8 =	sadd.s32 s9, s8;
	s9 =	simm.s32 $0x0  }
.LBB2_5:
0x1b: {  	p2 =	sne.s32 s11, s8  }
.Ltmp1:
0x1c: {  	_ = 	snop;
	(pc) =	sbr.rel @!p2 .LBB2_6-.Ltmp1, $4  }
0x1d: {  	_ = 	snop  }
0x1e: {  	s12 =	sadd.s32 $0x190, s10  }
0x1f: {  	s10 =	smov.u32 s2;
	s13 =	sadd.s32 $0x1, s11;
	p1 =	slt.s32 s12, s3  }
0x20: {  	s11 =	smov.u32 s13;
	s10 =	smov.u32 @p1 s12  }
.LBB2_1:
0x21: {  	p1 =	sge.u32 s11, s8  }
0x22: {  	s12 =	sxor.u32 @!p1 $0xFFFFFFFF, s11  }
0x23: {  	s12 =	sand.u32 @!p1 $0x1, s12  }
0x24: {  	s12 =	smul.u32 @!p1 $0x190, s12  }
0x25: {  	s13 =	sshrl.u32 @!p1 s10, $0x3  }
0x26: {  	s16 =	sand.u32 @!p1 $0x7, s10;
	s14 =	sadd.s32 @!p1 s5, s13;
	s15 =	sadd.s32 @!p1 $0x4E40, s12  }
0x27: {  	[tilespmem:s15], [sflag:$0x2] =	stream.linear.gather @!p1 [hbm4b:s14+s16], $0x190, $0x38;
	[tilespmem:$0x5480] =	vst v63  }
0x28: {  	s13 =	sadd.s32 @!p1 s7, s13;
	s12 =	sadd.s32 @!p1 $0x5160, s12  }
0x29: {  	[tilespmem:s12], [sflag:$0x2] =	stream.linear.gather @!p1 [hbm4b:s13+s16], $0x190, $0x38;
	[tilespmem:$0x5480] =	vst v63  }
0x2a: {  	p1 =	seq.s32 s11, $0x0  }
.Ltmp2:
0x2b: {  	_ = 	snop;
	(pc) =	sbr.rel @p1 .LBB2_5-.Ltmp2, $1  }
0x2c: {  	_ =	sdelay $0x3  }
0x2d: {  	s12 =	sand.u32 $0x1, s11  }
0x2e: {  	_ =	swait.ge [sflag:s6], $0x320;
	p1 =	seq.s32 s12, $0x1;
	s12 =	simm.s32 $0x190  }
0x2f: {  	[sflag:s6] =	ssyncset.done $0x0;
	s12 =	simm.s32 @!p1 $0x0  }
0x30: {  	[sflag:s6] =	ssyncadd.s32 $0xFFFFFCE0;
	s14 =	sor.u32 $0x4E40, s12  }
0x31: {  	v0 =	vld.msk [tilespmem:s14+$0x0 ss:$0x1], $0xffff;
	_ =	sdelay $0x4  }
0x32: {  	v0 =	vmin.u32 v0, $0x4E400;
	_ =	sdelay $0x3  }
0x33: {  	s13 =	simm.s32 $0x0;
	s12 =	sadd.s32 $0x5160, s12;
	s14 =	sadd.s32 $0x10, s14  }
0x34: {  	[spmem:s9] =	stream.indirect_vreg.scatter.add.s32 [tilespmem:s12], [sflag:$0x1], $0x1, v0, vm0, $0x4038;
	[tilespmem:$0x5480] =	vst v63  }
.LBB2_3:
0x35: {  	v0 =	vld.msk [tilespmem:s14+$0x0 ss:$0x1], $0xffff;
	s13 =	sadd.s32 $0x10, s13  }
0x36: {  	p1 =	slt.u32 s13, $0x180;
	_ =	sdelay $0x4  }
0x37: {  	v0 =	vmin.u32 v0, $0x4E400  }
.Ltmp3:
0x38: {  	(pc) =	sbr.rel @p1 .LBB2_3-.Ltmp3, $3  }
0x39: {  	_ =	sdelay $0x1  }
0x3a: {  	s14 =	sadd.s32 $0x10, s14;
	s12 =	sadd.s32 $0x10, s12  }
0x3b: {  	[spmem:s9] =	stream.indirect_vreg.scatter.add.s32 [tilespmem:s12], [sflag:$0x1], $0x1, v0, vm0, $0x4038;
	[tilespmem:$0x5480] =	vst v63  }
.Ltmp4:
0x3c: {  	(pc) =	sbr.rel .LBB2_5-.Ltmp4, $4  }
0x3d: {  	_ = 	snop  }
0x3e: {  	_ =	swait.ge [sflag:s4], $0x190  }
0x3f: {  	[sflag:s4] =	ssyncset.done $0x0  }
0x40: {  	[sflag:s4] =	ssyncadd.s32 $0xFFFFFE70  }
.LBB2_6:
0x41: {  	_ =	sfence.sel $0x180000  }
0x42: {  	s2 =	simm.s32 $0x2;
	[bflag:$0x0] =	sbarrier.arrive $0xFFFF  }
0x43: {  	s30 =	simm.s32 $0x1;
	[sflag:s2] =	ssyncpa.u1 $0x1  }
0x44: {  	[sflag:s30] =	ssyncpa.u1 $0x1  }
0x45: {  	_ =	sfence.stream.spmem  }
0x46: {  	s31 =	simm.s32 $0x3D;
	[bflag:$0x0] =	sbarrier.arrive $0xFFFF  }
0x47: {  	s2 =	simm.s32 @p0 $0x3D;
	[sflag:s31] =	ssyncpa.u1 $0x0  }
0x48: {  	[sflag:s2] =	ssyncpa.u1 @p0 $0x1  }
0x49: {  	[bflag:$0x0] =	sbarrier.arrive @p0 $0xFFFF  }
0x4a: {  	_ =	strace @p0 $0x90000053  }
0x4b: {  	s3 =	simm.s32 @!p0 $0x1C3D;
	s2 =	simm.s32 @!p0 $0x0;
	[bflag:$0x2] =	sbarrier.arrive @p0 $0xFFFF  }
0x4c: {  	[hbm:s1], [sflag:s3] =	dma.local @!p0 [spmem:s2], $0x9C80  }
0x4d: {  	s1 =	simm.s32 @!p0 $0x3D  }
0x4e: {  	_ =	swait.ge @!p0 [sflag:s1], $0x9C80  }
0x4f: {  	[sflag:s1] =	ssyncset.done @!p0 $0x0  }
0x50: {  	[sflag:s1] =	ssyncadd.s32 @!p0 $0xFFFF6380  }
0x51: {  	[sflag:s1] =	ssyncpa.u1 @!p0 $0x1  }
0x52: {  	[bflag:$0x0] =	sbarrier.arrive @!p0 $0xFFFF  }
0x53: {  	_ =	strace @!p0 $0x90000053  }
0x54: {  	s0 =	sadd.s32 @!p0 $0x100000, s0;
	[bflag:$0x2] =	sbarrier.arrive @!p0 $0xFFFF  }
0x55: {  	[sflag:s0] =	ssyncadd.tile.s32 @!p0 $0x1;
	_ =	shalt  }
.Lfunc_end2:
_tile_overlayer_lowered:
.L_overlay_start_2:
0x56: {  	(tag) =	ssettag $0x2  }
0x57: {  	s0 =	rddreg [dreg:$0x0];
	s2 =	stileid.u32  }
0x58: {  	s1 =	rddreg [dreg:$0x1];
	p0 =	sne.s32 s2, $0x0  }
0x59: {  	s3 =	rddreg [dreg:$0x2];
	[bflag:$0x3] =	sbarrier.arrive $0xFFFF;
	s2 =	simm.s32 @!p0 $0x1C01  }
0x5a: {  	[timem:s3], [sflag:s2] =	dma.local @!p0 [hbm:s0], s1  }
0x5b: {  	s0 =	simm.s32 @!p0 $0x1  }
0x5c: {  	_ =	swait.ge @!p0 [sflag:s0], s1  }
0x5d: {  	s1 =	ssub.s32 @!p0 $0x0, s1;
	[sflag:s0] =	ssyncset.done @!p0 $0x0  }
0x5e: {  	[sflag:s0] =	ssyncadd.s32 @!p0 s1  }
0x5f: {  	[bflag:$0x3] =	sbarrier.arrive $0xFFFF  }
0x60: {  	_ =	shalt  }

// kernel: scatter_offload_async_start.3
scs
__scs_entry_jumppad:
0x0: {  	(pc) =	sbr.rel $0x88, $3  }
0x1: {  	(tag) =	ssettag $0x0;
	lr =	simm.s32 $0x1  }
0x2: {  	[smem:$0x3F8A] =	sst lr;
	_ =	strace $0xD0000000  }
0x3: {  	_ = 	snop  }
0x4: {  	_ = 	snop  }
0x5: {  	_ = 	snop  }
0x6: {  	_ = 	snop  }
0x7: {  	_ = 	snop  }
__scs_overlays_trampoline_lowered:
0x8: {  	[smem:$0x3F99] =	sst s0  }
0x9: {  	[smem:$0x3F9A] =	sst s1  }
0xa: {  	[smem:$0x3F9B] =	sst s2  }
0xb: {  	[smem:$0x3F9C] =	sst s3  }
0xc: {  	[smem:$0x3F9D] =	sst s4  }
0xd: {  	[smem:$0x3F9E] =	sst s5  }
0xe: {  	[smem:$0x3F9F] =	sst s6  }
0xf: {  	[smem:$0x3FA0] =	sst s7  }
0x10: {  	[smem:$0x3FA1] =	sst s8  }
0x11: {  	[smem:$0x3FA2] =	sst s9;
	s0 =	simm.s32 @!p0 $0x0  }
0x12: {  	s1 =	sld [smem:$0x3F88];
	s0 =	simm.s32 @p0 $0x1  }
0x13: {  	[smem:$0x3FA3] =	sst s0;
	s0 =	simm.s32 @!p1 $0x0  }
0x14: {  	s2 =	sld [smem:$0x3F87];
	s0 =	simm.s32 @p1 $0x1  }
0x15: {  	[smem:$0x3FA4] =	sst s0;
	s0 =	simm.s32 @!p2 $0x0  }
0x16: {  	s3 =	sld [smem:$0x3FDB];
	s0 =	simm.s32 @p2 $0x1  }
0x17: {  	s4 =	simm.s32 $0x1BF5;
	[smem:$0x3FA6] =	sst s0  }
0x18: {  	s0 =	sld [smem:$0x3F89];
	_ =	swait.ge [sflag:s4], $0x0  }
0x19: {  	s7 =	sld [smem:$0x3F8A]  }
0x1a: {  	s8 =	sadd.s32 $0xFFFFE003, lr  }
0x1b: {  	s9 =	sadd.s32 $0xFFFFFEF7, lr;
	s5 =	simm.s32 $0xFFFFFFFF;
	p2 =	slt.u32 s8, $0xFFFFF086  }
0x1c: {  	p1 =	slt.u32 s9, $0xF7A;
	s5 =	simm.s32 @!p2 $0x0  }
0x1d: {  	s5 =	simm.s32 @p1 $0x1;
	p0 =	seq.s32 s7, s2  }
0x1e: {  	s7 =	smul.u32 @!p0 $0xF7A, s2;
	p2 =	seq.s32 @!p0 s5, $0x0  }
0x1f: {  	s9 =	smul.u32 $0xF7A, s1;
	s8 =	simm.s32 @!p0 $0x1BF5;
	p2 =	por !p2, p0  }
0x20: {  	[sflag:s8] =	ssyncset.s32 @!p0 $0xFFFFF086;
	s6 =	sadd.s32 @!p0 s3, s7;
	s7 =	simm.s32 @!p0 $0x108  }
0x21: {  	s3 =	sadd.s32 s3, s9;
	s6 =	sadd.s32 @!p0 $0x88, s6;
	s7 =	simm.s32 @p2 $0x1082  }
0x22: {  	[simem:s7], [sflag:s8] =	dma.local @!p0 [hbm:s6], $0xF7A  }
0x23: {  	s9 =	sor.u32 $0xD0000000, s2;
	s6 =	simm.s32 $0x108;
	_ =	swait.ge @!p0 [sflag:s8], $0x0  }
0x24: {  	s3 =	sadd.s32 $0x88, s3;
	s6 =	simm.s32 @!p1 $0x1082;
	[sflag:s4] =	ssyncset.s32 $0xFFFFF086  }
0x25: {  	[simem:s6], [sflag:s4] =	dma.local [hbm:s3], $0xF7A  }
0x26: {  	[smem:$0x3F8A] =	sst s1;
	(tag) =	ssettag s2;
	_ =	strace s9  }
0x27: {  	s1 =	sld [smem:$0x3F9A]  }
0x28: {  	s2 =	sld [smem:$0x3F9B]  }
0x29: {  	s4 =	sld [smem:$0x3F9D]  }
0x2a: {  	p0 =	seq.s32 s5, $0x0;
	s5 =	sld [smem:$0x3F9E]  }
0x2b: {  	s6 =	sld [smem:$0x3F9F]  }
0x2c: {  	s7 =	sld [smem:$0x3FA0]  }
0x2d: {  	s3 =	simm.s32 $0x108;
	s8 =	sld [smem:$0x3FA1]  }
0x2e: {  	s3 =	simm.s32 @!p0 $0x1082;
	s9 =	sld [smem:$0x3FA2]  }
0x2f: {  	lr =	sadd.s32 s0, s3;
	s0 =	sld [smem:$0x3F99]  }
0x30: {  	s3 =	sld [smem:$0x3F9C]  }
0x31: {  	[smem:$0x3FA5] =	sst s10  }
0x32: {  	s10 =	sld [smem:$0x3FA3];
	_ =	sdelay $0x3  }
0x33: {  	p0 =	seq.s32 s10, $0x1;
	s10 =	sld [smem:$0x3FA5];
	_ =	sdelay $0x3  }
0x34: {  	[smem:$0x3FA5] =	sst s10  }
0x35: {  	s10 =	sld [smem:$0x3FA4];
	_ =	sdelay $0x3  }
0x36: {  	p1 =	seq.s32 s10, $0x1;
	s10 =	sld [smem:$0x3FA5];
	_ =	sdelay $0x3  }
0x37: {  	[smem:$0x3FA5] =	sst s10  }
0x38: {  	s10 =	sld [smem:$0x3FA6]  }
0x39: {  	_ = 	snop;
	(pc) =	sbr.ind lr, $3  }
0x3a: {  	_ = 	snop  }
0x3b: {  	_ = 	snop  }
0x3c: {  	p2 =	seq.s32 s10, $0x1;
	s10 =	sld [smem:$0x3FA5]  }
0x3d: {  	_ =	shalt  }
0x3e: {  	_ =	shalt  }
0x3f: {  	_ =	shalt  }
0x40: {  	_ =	shalt  }
0x41: {  	_ =	shalt  }
0x42: {  	_ =	shalt  }
0x43: {  	_ =	shalt  }
0x44: {  	_ =	shalt  }
0x45: {  	_ =	shalt  }
0x46: {  	_ =	shalt  }
0x47: {  	_ =	shalt  }
0x48: {  	_ =	shalt  }
0x49: {  	_ =	shalt  }
0x4a: {  	_ =	shalt  }
0x4b: {  	_ =	shalt  }
0x4c: {  	_ =	shalt  }
0x4d: {  	_ =	shalt  }
0x4e: {  	_ =	shalt  }
0x4f: {  	_ =	shalt  }
0x50: {  	_ =	shalt  }
0x51: {  	_ =	shalt  }
0x52: {  	_ =	shalt  }
0x53: {  	_ =	shalt  }
0x54: {  	_ =	shalt  }
0x55: {  	_ =	shalt  }
0x56: {  	_ =	shalt  }
0x57: {  	_ =	shalt  }
0x58: {  	_ =	shalt  }
0x59: {  	_ =	shalt  }
0x5a: {  	_ =	shalt  }
0x5b: {  	_ =	shalt  }
0x5c: {  	_ =	shalt  }
0x5d: {  	_ =	shalt  }
0x5e: {  	_ =	shalt  }
0x5f: {  	_ =	shalt  }
0x60: {  	_ =	shalt  }
0x61: {  	_ =	shalt  }
0x62: {  	_ =	shalt  }
0x63: {  	_ =	shalt  }
0x64: {  	_ =	shalt  }
0x65: {  	_ =	shalt  }
0x66: {  	_ =	shalt  }
0x67: {  	_ =	shalt  }
0x68: {  	_ =	shalt  }
0x69: {  	_ =	shalt  }
0x6a: {  	_ =	shalt  }
0x6b: {  	_ =	shalt  }
0x6c: {  	_ =	shalt  }
0x6d: {  	_ =	shalt  }
0x6e: {  	_ =	shalt  }
0x6f: {  	_ =	shalt  }
0x70: {  	_ =	shalt  }
0x71: {  	_ =	shalt  }
0x72: {  	_ =	shalt  }
0x73: {  	_ =	shalt  }
0x74: {  	_ =	shalt  }
0x75: {  	_ =	shalt  }
0x76: {  	_ =	shalt  }
0x77: {  	_ =	shalt  }
0x78: {  	_ =	shalt  }
0x79: {  	_ =	shalt  }
0x7a: {  	_ =	shalt  }
0x7b: {  	_ =	shalt  }
0x7c: {  	_ =	shalt  }
0x7d: {  	_ =	shalt  }
0x7e: {  	_ =	shalt  }
0x7f: {  	_ =	shalt  }
0x80: {  	_ =	shalt  }
0x81: {  	_ =	shalt  }
0x82: {  	_ =	shalt  }
0x83: {  	_ =	shalt  }
0x84: {  	_ =	shalt  }
0x85: {  	_ =	shalt  }
0x86: {  	_ =	shalt  }
0x87: {  	_ =	shalt  }
.Lfunc_end0:
.L_simem_size_0:
called_computation.3_lowered:
.L_overlay_start_0:
0x88: {  	s0 =	sld [smem:$0x3FD9]  }
0x89: {  	s1 =	sld [smem:$0x3FFE];
	_ =	sdelay $0x3  }
0x8a: {  	s0 =	sadd.s32 s1, s0  }
0x8b: {  	[smem:$0x3FB1] =	sst s0  }
0x8c: {  	_ = 	snop  }
0x8d: {  	s0 =	sld [smem:$0x3FD0];
	(tm) =	ssettm $0x1  }
0x8e: {  	s16 =	sld [smem:$0x3FFB];
	_ =	sdelay $0x3  }
0x8f: {  	_ =	strace s16  }
0x90: {  	s1 =	sld [smem:$0x3FFC];
	_ =	sdelay $0x3  }
0x91: {  	_ =	strace s1  }
0x92: {  	s1 =	sld [smem:$0x3FFD];
	_ =	sdelay $0x3  }
0x93: {  	_ =	strace s1  }
0x94: {  	_ =	strace $0x8FFFFFFF  }
0x95: {  	s17 =	sld [smem:$0x3FDB];
	_ =	sdelay $0x1  }
0x96: {  	s2 =	simm.s32 $_scs_section_size  }
0x97: {  	s3 =	simm.s32 $_size__tile_overlayer_lowered;
	s4 =	simm.s32 $_tile_overlayer_lowered  }
0x98: {  	s20 =	simm.s32 $0x1BFF;
	s19 =	sshll.u32 s4, $0x1;
	s1 =	sadd.s32 s2, s17  }
0x99: {  	s5 =	simm.s32 $0x0;
	s18 =	sshll.u32 s3, $0x1;
	s3 =	sadd.s32 s19, s1  }
0x9a: {  	[timem:s5], [sflag:s20] =	dma.local [hbm:s3], s18  }
0x9b: {  	_ =	swait.ge [sflag:s20], s18  }
0x9c: {  	s2 =	ssub.s32 $0x0, s18;
	[sflag:s20] =	ssyncset.done $0x0  }
0x9d: {  	[sflag:s20] =	ssyncadd.s32 s2;
	_ =	sdelay $0x1  }
0x9e: {  	s21 =	simm.s32 $0x1B8B  }
0x9f: {  	_ =	swait.ge [sflag:s21], $0x1  }
0xa0: {  	[sflag:s21] =	ssyncset.done $0x0  }
0xa1: {  	s23 =	simm.s32 $0x1B8E;
	s22 =	sld [smem:$0x3FFE];
	[sflag:s21] =	ssyncadd.s32 $0xFFFFFFFF  }
0xa2: {  	s24 =	simm.s32 $execute0_lowered;
	[smem:$0x3FD2] =	sst s23  }
0xa3: {  	s3 =	sshll.u32 s24, $0x1;
	_ =	strace $0x80000058;
	[dreg:$0x1] =	wrdreg $0xFFFFFFFF  }
0xa4: {  	s25 =	simm.s32 $_size_execute0_lowered;
	s1 =	sadd.s32 s1, s3;
	[dreg:$0x0] =	wrdreg $0x0  }
0xa5: {  	s3 =	sshll.u32 s25, $0x1;
	[dreg:$0x2] =	wrdreg s1  }
0xa6: {  	[dreg:$0x3] =	wrdreg s3  }
0xa7: {  	[dreg:$0x4] =	wrdreg $0xC0  }
0xa8: {  	_ =	task [dreg:s5], $0x5FFFF  }
0xa9: {  	[dreg:$0x1] =	wrdreg $0xFFFFFFFF  }
0xaa: {  	[dreg:$0x0] =	wrdreg $0x60  }
0xab: {  	[dreg:$0x2] =	wrdreg s0  }
0xac: {  	[dreg:$0x3] =	wrdreg s22  }
0xad: {  	[dreg:$0x4] =	wrdreg $0x9  }
0xae: {  	_ =	task.clear_ibuf [dreg:s5], $0x5FFFF;
	_ =	strace $0x90000058  }
0xaf: {  	s26 =	simm.s32 $0x9;
	_ =	strace $0x8000005A  }
0xb0: {  	_ =	swait.ge [sflag:s26], $0x1  }
0xb1: {  	[sflag:s26] =	ssyncadd.s32 $0xFFFFFFFF  }
0xb2: {  	_ =	strace $0x9000005A  }
0xb3: {  	_ =	sfence  }
0xb4: {  	s28 =	sld [smem:$0x0];
	_ =	sdelay $0x1  }
0xb5: {  	s29 =	srdreg.scid  }
0xb6: {  	s30 =	sshll.u32 s29, $0xD;
	s31 =	sshrl.u32 s29, $0x2  }
0xb7: {  	s2 =	sand.u32 $0x4000, s30;
	s1 =	sand.u32 $0x1, s29;
	s0 =	sadd.s32 s31, s28  }
0xb8: {  	s1 =	sor.u32 s2, s1;
	s0 =	sshll.u32 s0, $0x11  }
0xb9: {  	s0 =	sor.u32 s0, s1  }
0xba: {  	s0 =	sadd.s32 $0x8F2B, s0  }
0xbb: {  	[sflag:s0] =	ssyncadd.remote.s32 $0x1  }
0xbc: {  	_ =	sfence.sel $0xFFFF  }
0xbd: {  	[dreg:$0x0] =	wrdreg $0xFFFFFFFF;
	(pc) =	sbr.abs _section_cstart, $3  }
0xbe: {  	[dreg:$0x1] =	wrdreg $0xFFFFFFFF  }
0xbf: {  	_ =	task.clear_ibuf [dreg:s5], $0x2FFFF;
	_ =	strace $0x9FFFFFFF  }
0xc0: {  	(tm) =	ssettm $0x7FFFFFFF  }
0xc1: {  	_ =	shalt  }
tec
execute0_lowered:
.L_overlay_start_1:
0x0: {  	(tag) =	ssettag $0x1  }
0x1: {  	s1 =	rddreg [dreg:$0x0]  }
0x2: {  	s2 =	rddreg [dreg:$0x1]  }
0x3: {  	s0 =	rddreg [dreg:$0x2]  }
0x4: {  	s4 =	stileid.u32;
	_ =	strace $0x80000059;
	s5 =	simm.s32 $0x3E  }
0x5: {  	p0 =	sne.s32 s4, $0x0;
	[sflag:s5] =	ssyncpa.u1 $0x0;
	s29 =	smin.u32 s4, $0x8  }
0x6: {  	s30 =	sshll.u32 s4, $0x1;
	s3 =	simm.s32 @!p0 $0x1C3E;
	s6 =	simm.s32 @!p0 $0x0  }
0x7: {  	[spmem:s6], [sflag:s3] =	dma.local @!p0 [hbm:s1], $0xA000  }
0x8: {  	s3 =	sadd.s32 s29, s30  }
0x9: {  	p1 =	slt.u32 s4, $0x8;
	s4 =	simm.s32 $0x5DC0;
	s3 =	smul.u32 $0x1F40, s3  }
0xa: {  	s4 =	simm.s32 @!p1 $0x3E80  }
0xb: {  	s4 =	sadd.s32 s4, s3  }
0xc: {  	s4 =	smin.u32 s4, $0x4E200  }
0xd: {  	s7 =	ssub.s32 s4, s3  }
0xe: {  	p1 =	sgt.s32 s7, $0x0  }
0xf: {  	s7 =	simm.s32 @!p1 $0x0  }
0x10: {  	s6 =	simm.s32 @!p0 $0x3E;
	s31 =	smulhi.u32 $0x10624DD3, s7  }
0x11: {  	_ =	swait.ge @!p0 [sflag:s6], $0xA000  }
0x12: {  	[sflag:s6] =	ssyncset.done @!p0 $0x0;
	s8 =	sshrl.u32 s31, $0x9  }
0x13: {  	s11 =	simm.s32 $0x0;
	[sflag:s6] =	ssyncadd.s32 @!p0 $0xFFFF6000;
	s9 =	smul.u32 $0x1F40, s8  }
.Ltmp0:
0x14: {  	s6 =	simm.s32 $0x2;
	[bflag:$0x0] =	sbarrier.arrive $0xFFFF;
	(pc) =	sbr.rel .LBB2_1-.Ltmp0, $4  }
0x15: {  	s10 =	smov.u32 s3;
	[sflag:s5] =	ssyncpa.u1 $0x1;
	s5 =	simm.s32 $0x1  }
0x16: {  	[sflag:s5] =	ssyncpa.u1 $0x0;
	p1 =	sne.s32 s7, s9;
	s9 =	simm.s32 $0x1  }
0x17: {  	(ifvalue) =	ssetifvalue $0x50000;
	[sflag:s6] =	ssyncpa.u1 $0x0;
	s9 =	simm.s32 @!p1 $0x0  }
0x18: {  	vm0 =	vmmov $0xffff;
	s7 =	sadd.s32 $0x9E00, s2;
	s8 =	sadd.s32 s9, s8;
	s9 =	simm.s32 $0x0  }
.LBB2_5:
0x19: {  	p2 =	sne.s32 s11, s8  }
.Ltmp1:
0x1a: {  	_ = 	snop;
	(pc) =	sbr.rel @!p2 .LBB2_6-.Ltmp1, $4  }
0x1b: {  	_ = 	snop  }
0x1c: {  	s12 =	sadd.s32 $0x1F40, s10  }
0x1d: {  	s10 =	smov.u32 s3;
	s13 =	sadd.s32 $0x1, s11;
	p1 =	slt.s32 s12, s4  }
0x1e: {  	s11 =	smov.u32 s13;
	s10 =	smov.u32 @p1 s12  }
.LBB2_1:
0x1f: {  	p1 =	sge.u32 s11, s8  }
0x20: {  	s12 =	sxor.u32 @!p1 $0xFFFFFFFF, s11  }
0x21: {  	s12 =	sand.u32 @!p1 $0x1, s12  }
0x22: {  	s12 =	smul.u32 @!p1 $0x1F40, s12  }
0x23: {  	s13 =	sshrl.u32 @!p1 s10, $0x3  }
0x24: {  	s16 =	sand.u32 @!p1 $0x7, s10;
	s14 =	sadd.s32 @!p1 s2, s13;
	s15 =	sadd.s32 @!p1 $0x5000, s12  }
0x25: {  	[tilespmem:s15], [sflag:$0x2] =	stream.linear.gather @!p1 [hbm4b:s14+s16], $0x1F40, $0x38;
	[tilespmem:$0xCD00] =	vst v63  }
0x26: {  	s13 =	sadd.s32 @!p1 s7, s13;
	s12 =	sadd.s32 @!p1 $0x8E80, s12  }
0x27: {  	[tilespmem:s12], [sflag:$0x2] =	stream.linear.gather @!p1 [hbm4b:s13+s16], $0x1F40, $0x38;
	[tilespmem:$0xCD00] =	vst v63  }
0x28: {  	p1 =	seq.s32 s11, $0x0  }
.Ltmp2:
0x29: {  	_ = 	snop;
	(pc) =	sbr.rel @p1 .LBB2_5-.Ltmp2, $1  }
0x2a: {  	_ =	sdelay $0x3  }
0x2b: {  	s12 =	sand.u32 $0x1, s11  }
0x2c: {  	_ =	swait.ge [sflag:s6], $0x3E80;
	p1 =	seq.s32 s12, $0x1;
	s12 =	simm.s32 $0x1F40  }
0x2d: {  	[sflag:s6] =	ssyncset.done $0x0;
	s12 =	simm.s32 @!p1 $0x0  }
0x2e: {  	[sflag:s6] =	ssyncadd.s32 $0xFFFFC180;
	s14 =	sadd.s32 $0x5000, s12  }
0x2f: {  	v0 =	vld.msk [tilespmem:s14+$0x0 ss:$0x1], $0xffff;
	_ =	sdelay $0x4  }
0x30: {  	v0 =	vmin.u32 v0, $0x50000;
	_ =	sdelay $0x3  }
0x31: {  	s13 =	simm.s32 $0x0;
	s12 =	sadd.s32 $0x8E80, s12;
	s14 =	sadd.s32 $0x10, s14  }
0x32: {  	[spmem:s9] =	stream.indirect_vreg.scatter.add.s32 [tilespmem:s12], [sflag:$0x1], $0x1, v0, vm0, $0x4038;
	[tilespmem:$0xCD00] =	vst v63  }
.LBB2_3:
0x33: {  	v0 =	vld.msk [tilespmem:s14+$0x0 ss:$0x1], $0xffff;
	s13 =	sadd.s32 $0x10, s13  }
0x34: {  	p1 =	slt.u32 s13, $0x1F30;
	_ =	sdelay $0x4  }
0x35: {  	v0 =	vmin.u32 v0, $0x50000  }
.Ltmp3:
0x36: {  	(pc) =	sbr.rel @p1 .LBB2_3-.Ltmp3, $3  }
0x37: {  	_ =	sdelay $0x1  }
0x38: {  	s14 =	sadd.s32 $0x10, s14;
	s12 =	sadd.s32 $0x10, s12  }
0x39: {  	[spmem:s9] =	stream.indirect_vreg.scatter.add.s32 [tilespmem:s12], [sflag:$0x1], $0x1, v0, vm0, $0x4038;
	[tilespmem:$0xCD00] =	vst v63  }
.Ltmp4:
0x3a: {  	(pc) =	sbr.rel .LBB2_5-.Ltmp4, $4  }
0x3b: {  	_ = 	snop  }
0x3c: {  	_ =	swait.ge [sflag:s5], $0x1F40  }
0x3d: {  	[sflag:s5] =	ssyncset.done $0x0  }
0x3e: {  	[sflag:s5] =	ssyncadd.s32 $0xFFFFE0C0  }
.LBB2_6:
0x3f: {  	_ =	sfence.sel $0x180000  }
0x40: {  	s2 =	simm.s32 $0x2;
	[bflag:$0x0] =	sbarrier.arrive $0xFFFF  }
0x41: {  	s30 =	simm.s32 $0x1;
	[sflag:s2] =	ssyncpa.u1 $0x1  }
0x42: {  	[sflag:s30] =	ssyncpa.u1 $0x1  }
0x43: {  	_ =	sfence.stream.spmem  }
0x44: {  	s31 =	simm.s32 $0x3D;
	[bflag:$0x0] =	sbarrier.arrive $0xFFFF  }
0x45: {  	s2 =	simm.s32 @p0 $0x3D;
	[sflag:s31] =	ssyncpa.u1 $0x0  }
0x46: {  	[sflag:s2] =	ssyncpa.u1 @p0 $0x1  }
0x47: {  	[bflag:$0x0] =	sbarrier.arrive @p0 $0xFFFF  }
0x48: {  	_ =	strace @p0 $0x90000059  }
0x49: {  	s3 =	simm.s32 @!p0 $0x1C3D;
	s2 =	simm.s32 @!p0 $0x0;
	[bflag:$0x2] =	sbarrier.arrive @p0 $0xFFFF  }
0x4a: {  	[hbm:s1], [sflag:s3] =	dma.local @!p0 [spmem:s2], $0xA000  }
0x4b: {  	s1 =	simm.s32 @!p0 $0x3D  }
0x4c: {  	_ =	swait.ge @!p0 [sflag:s1], $0xA000  }
0x4d: {  	[sflag:s1] =	ssyncset.done @!p0 $0x0  }
0x4e: {  	[sflag:s1] =	ssyncadd.s32 @!p0 $0xFFFF6000  }
0x4f: {  	[sflag:s1] =	ssyncpa.u1 @!p0 $0x1  }
0x50: {  	[bflag:$0x0] =	sbarrier.arrive @!p0 $0xFFFF  }
0x51: {  	_ =	strace @!p0 $0x90000059  }
0x52: {  	s0 =	sadd.s32 @!p0 $0x100000, s0;
	[bflag:$0x2] =	sbarrier.arrive @!p0 $0xFFFF  }
0x53: {  	[sflag:s0] =	ssyncadd.tile.s32 @!p0 $0x1;
	_ =	shalt  }
.Lfunc_end2:
_tile_overlayer_lowered:
.L_overlay_start_2:
0x54: {  	(tag) =	ssettag $0x2  }
0x55: {  	s0 =	rddreg [dreg:$0x0];
	s2 =	stileid.u32  }
0x56: {  	s1 =	rddreg [dreg:$0x1];
	p0 =	sne.s32 s2, $0x0  }
0x57: {  	s3 =	rddreg [dreg:$0x2];
	[bflag:$0x3] =	sbarrier.arrive $0xFFFF;
	s2 =	simm.s32 @!p0 $0x1C01  }
0x58: {  	[timem:s3], [sflag:s2] =	dma.local @!p0 [hbm:s0], s1  }
0x59: {  	s0 =	simm.s32 @!p0 $0x1  }
0x5a: {  	_ =	swait.ge @!p0 [sflag:s0], s1  }
0x5b: {  	s1 =	ssub.s32 @!p0 $0x0, s1;
	[sflag:s0] =	ssyncset.done @!p0 $0x0  }
0x5c: {  	[sflag:s0] =	ssyncadd.s32 @!p0 s1  }
0x5d: {  	[bflag:$0x3] =	sbarrier.arrive $0xFFFF  }
0x5e: {  	_ =	shalt  }

// kernel: scatter_offload_async_start
scs
__scs_entry_jumppad:
0x0: {  	(pc) =	sbr.rel $0x88, $3  }
0x1: {  	(tag) =	ssettag $0x0;
	lr =	simm.s32 $0x1  }
0x2: {  	[smem:$0x3F8A] =	sst lr;
	_ =	strace $0xD0000000  }
0x3: {  	_ = 	snop  }
0x4: {  	_ = 	snop  }
0x5: {  	_ = 	snop  }
0x6: {  	_ = 	snop  }
0x7: {  	_ = 	snop  }
__scs_overlays_trampoline_lowered:
0x8: {  	[smem:$0x3F99] =	sst s0  }
0x9: {  	[smem:$0x3F9A] =	sst s1  }
0xa: {  	[smem:$0x3F9B] =	sst s2  }
0xb: {  	[smem:$0x3F9C] =	sst s3  }
0xc: {  	[smem:$0x3F9D] =	sst s4  }
0xd: {  	[smem:$0x3F9E] =	sst s5  }
0xe: {  	[smem:$0x3F9F] =	sst s6  }
0xf: {  	[smem:$0x3FA0] =	sst s7  }
0x10: {  	[smem:$0x3FA1] =	sst s8  }
0x11: {  	[smem:$0x3FA2] =	sst s9;
	s0 =	simm.s32 @!p0 $0x0  }
0x12: {  	s1 =	sld [smem:$0x3F88];
	s0 =	simm.s32 @p0 $0x1  }
0x13: {  	[smem:$0x3FA3] =	sst s0;
	s0 =	simm.s32 @!p1 $0x0  }
0x14: {  	s2 =	sld [smem:$0x3F87];
	s0 =	simm.s32 @p1 $0x1  }
0x15: {  	[smem:$0x3FA4] =	sst s0;
	s0 =	simm.s32 @!p2 $0x0  }
0x16: {  	s3 =	sld [smem:$0x3FDB];
	s0 =	simm.s32 @p2 $0x1  }
0x17: {  	s4 =	simm.s32 $0x1BF5;
	[smem:$0x3FA6] =	sst s0  }
0x18: {  	s0 =	sld [smem:$0x3F89];
	_ =	swait.ge [sflag:s4], $0x0  }
0x19: {  	s7 =	sld [smem:$0x3F8A]  }
0x1a: {  	s8 =	sadd.s32 $0xFFFFE003, lr  }
0x1b: {  	s9 =	sadd.s32 $0xFFFFFEF7, lr;
	s5 =	simm.s32 $0xFFFFFFFF;
	p2 =	slt.u32 s8, $0xFFFFF086  }
0x1c: {  	p1 =	slt.u32 s9, $0xF7A;
	s5 =	simm.s32 @!p2 $0x0  }
0x1d: {  	s5 =	simm.s32 @p1 $0x1;
	p0 =	seq.s32 s7, s2  }
0x1e: {  	s7 =	smul.u32 @!p0 $0xF7A, s2;
	p2 =	seq.s32 @!p0 s5, $0x0  }
0x1f: {  	s9 =	smul.u32 $0xF7A, s1;
	s8 =	simm.s32 @!p0 $0x1BF5;
	p2 =	por !p2, p0  }
0x20: {  	[sflag:s8] =	ssyncset.s32 @!p0 $0xFFFFF086;
	s6 =	sadd.s32 @!p0 s3, s7;
	s7 =	simm.s32 @!p0 $0x108  }
0x21: {  	s3 =	sadd.s32 s3, s9;
	s6 =	sadd.s32 @!p0 $0x88, s6;
	s7 =	simm.s32 @p2 $0x1082  }
0x22: {  	[simem:s7], [sflag:s8] =	dma.local @!p0 [hbm:s6], $0xF7A  }
0x23: {  	s9 =	sor.u32 $0xD0000000, s2;
	s6 =	simm.s32 $0x108;
	_ =	swait.ge @!p0 [sflag:s8], $0x0  }
0x24: {  	s3 =	sadd.s32 $0x88, s3;
	s6 =	simm.s32 @!p1 $0x1082;
	[sflag:s4] =	ssyncset.s32 $0xFFFFF086  }
0x25: {  	[simem:s6], [sflag:s4] =	dma.local [hbm:s3], $0xF7A  }
0x26: {  	[smem:$0x3F8A] =	sst s1;
	(tag) =	ssettag s2;
	_ =	strace s9  }
0x27: {  	s1 =	sld [smem:$0x3F9A]  }
0x28: {  	s2 =	sld [smem:$0x3F9B]  }
0x29: {  	s4 =	sld [smem:$0x3F9D]  }
0x2a: {  	p0 =	seq.s32 s5, $0x0;
	s5 =	sld [smem:$0x3F9E]  }
0x2b: {  	s6 =	sld [smem:$0x3F9F]  }
0x2c: {  	s7 =	sld [smem:$0x3FA0]  }
0x2d: {  	s3 =	simm.s32 $0x108;
	s8 =	sld [smem:$0x3FA1]  }
0x2e: {  	s3 =	simm.s32 @!p0 $0x1082;
	s9 =	sld [smem:$0x3FA2]  }
0x2f: {  	lr =	sadd.s32 s0, s3;
	s0 =	sld [smem:$0x3F99]  }
0x30: {  	s3 =	sld [smem:$0x3F9C]  }
0x31: {  	[smem:$0x3FA5] =	sst s10  }
0x32: {  	s10 =	sld [smem:$0x3FA3];
	_ =	sdelay $0x3  }
0x33: {  	p0 =	seq.s32 s10, $0x1;
	s10 =	sld [smem:$0x3FA5];
	_ =	sdelay $0x3  }
0x34: {  	[smem:$0x3FA5] =	sst s10  }
0x35: {  	s10 =	sld [smem:$0x3FA4];
	_ =	sdelay $0x3  }
0x36: {  	p1 =	seq.s32 s10, $0x1;
	s10 =	sld [smem:$0x3FA5];
	_ =	sdelay $0x3  }
0x37: {  	[smem:$0x3FA5] =	sst s10  }
0x38: {  	s10 =	sld [smem:$0x3FA6]  }
0x39: {  	_ = 	snop;
	(pc) =	sbr.ind lr, $3  }
0x3a: {  	_ = 	snop  }
0x3b: {  	_ = 	snop  }
0x3c: {  	p2 =	seq.s32 s10, $0x1;
	s10 =	sld [smem:$0x3FA5]  }
0x3d: {  	_ =	shalt  }
0x3e: {  	_ =	shalt  }
0x3f: {  	_ =	shalt  }
0x40: {  	_ =	shalt  }
0x41: {  	_ =	shalt  }
0x42: {  	_ =	shalt  }
0x43: {  	_ =	shalt  }
0x44: {  	_ =	shalt  }
0x45: {  	_ =	shalt  }
0x46: {  	_ =	shalt  }
0x47: {  	_ =	shalt  }
0x48: {  	_ =	shalt  }
0x49: {  	_ =	shalt  }
0x4a: {  	_ =	shalt  }
0x4b: {  	_ =	shalt  }
0x4c: {  	_ =	shalt  }
0x4d: {  	_ =	shalt  }
0x4e: {  	_ =	shalt  }
0x4f: {  	_ =	shalt  }
0x50: {  	_ =	shalt  }
0x51: {  	_ =	shalt  }
0x52: {  	_ =	shalt  }
0x53: {  	_ =	shalt  }
0x54: {  	_ =	shalt  }
0x55: {  	_ =	shalt  }
0x56: {  	_ =	shalt  }
0x57: {  	_ =	shalt  }
0x58: {  	_ =	shalt  }
0x59: {  	_ =	shalt  }
0x5a: {  	_ =	shalt  }
0x5b: {  	_ =	shalt  }
0x5c: {  	_ =	shalt  }
0x5d: {  	_ =	shalt  }
0x5e: {  	_ =	shalt  }
0x5f: {  	_ =	shalt  }
0x60: {  	_ =	shalt  }
0x61: {  	_ =	shalt  }
0x62: {  	_ =	shalt  }
0x63: {  	_ =	shalt  }
0x64: {  	_ =	shalt  }
0x65: {  	_ =	shalt  }
0x66: {  	_ =	shalt  }
0x67: {  	_ =	shalt  }
0x68: {  	_ =	shalt  }
0x69: {  	_ =	shalt  }
0x6a: {  	_ =	shalt  }
0x6b: {  	_ =	shalt  }
0x6c: {  	_ =	shalt  }
0x6d: {  	_ =	shalt  }
0x6e: {  	_ =	shalt  }
0x6f: {  	_ =	shalt  }
0x70: {  	_ =	shalt  }
0x71: {  	_ =	shalt  }
0x72: {  	_ =	shalt  }
0x73: {  	_ =	shalt  }
0x74: {  	_ =	shalt  }
0x75: {  	_ =	shalt  }
0x76: {  	_ =	shalt  }
0x77: {  	_ =	shalt  }
0x78: {  	_ =	shalt  }
0x79: {  	_ =	shalt  }
0x7a: {  	_ =	shalt  }
0x7b: {  	_ =	shalt  }
0x7c: {  	_ =	shalt  }
0x7d: {  	_ =	shalt  }
0x7e: {  	_ =	shalt  }
0x7f: {  	_ =	shalt  }
0x80: {  	_ =	shalt  }
0x81: {  	_ =	shalt  }
0x82: {  	_ =	shalt  }
0x83: {  	_ =	shalt  }
0x84: {  	_ =	shalt  }
0x85: {  	_ =	shalt  }
0x86: {  	_ =	shalt  }
0x87: {  	_ =	shalt  }
.Lfunc_end0:
.L_simem_size_0:
called_computation_lowered:
.L_overlay_start_0:
0x88: {  	s0 =	sld [smem:$0x3FD9]  }
0x89: {  	s1 =	sld [smem:$0x3FFE];
	_ =	sdelay $0x3  }
0x8a: {  	s0 =	sadd.s32 s1, s0  }
0x8b: {  	[smem:$0x3FB1] =	sst s0  }
0x8c: {  	_ = 	snop  }
0x8d: {  	(tm) =	ssettm $0x1  }
0x8e: {  	s14 =	sld [smem:$0x3FFB];
	_ =	sdelay $0x3  }
0x8f: {  	_ =	strace s14  }
0x90: {  	s0 =	sld [smem:$0x3FFC];
	_ =	sdelay $0x3  }
0x91: {  	_ =	strace s0  }
0x92: {  	s0 =	sld [smem:$0x3FFD];
	_ =	sdelay $0x3  }
0x93: {  	_ =	strace s0  }
0x94: {  	_ =	strace $0x8FFFFFFF  }
0x95: {  	s15 =	sld [smem:$0x3FDB];
	_ =	sdelay $0x1  }
0x96: {  	s16 =	simm.s32 $_scs_section_size  }
0x97: {  	s2 =	simm.s32 $_size__tile_overlayer_lowered;
	s3 =	simm.s32 $_tile_overlayer_lowered  }
0x98: {  	s4 =	simm.s32 $0x1BFF;
	s17 =	sshll.u32 s3, $0x1;
	s1 =	sadd.s32 s16, s15  }
0x99: {  	s18 =	simm.s32 $0x0;
	s2 =	sshll.u32 s2, $0x1;
	s3 =	sadd.s32 s17, s1  }
0x9a: {  	[timem:s18], [sflag:s4] =	dma.local [hbm:s3], s2  }
0x9b: {  	_ =	swait.ge [sflag:s4], s2  }
0x9c: {  	s2 =	ssub.s32 $0x0, s2;
	[sflag:s4] =	ssyncset.done $0x0  }
0x9d: {  	[sflag:s4] =	ssyncadd.s32 s2;
	_ =	sdelay $0x1  }
0x9e: {  	s19 =	simm.s32 $0x1B8B  }
0x9f: {  	_ =	swait.ge [sflag:s19], $0x1  }
0xa0: {  	[sflag:s19] =	ssyncset.done $0x0  }
0xa1: {  	s21 =	simm.s32 $0x1B8E;
	s20 =	sld [smem:$0x3FFE];
	[sflag:s19] =	ssyncadd.s32 $0xFFFFFFFF  }
0xa2: {  	s22 =	simm.s32 $execute0_lowered;
	[smem:$0x3FD2] =	sst s21  }
0xa3: {  	s3 =	sshll.u32 s22, $0x1;
	_ =	strace $0x8000004C;
	[dreg:$0x1] =	wrdreg $0xFFFFFFFF  }
0xa4: {  	s23 =	simm.s32 $_size_execute0_lowered;
	s3 =	sadd.s32 s1, s3;
	[dreg:$0x0] =	wrdreg $0x0  }
0xa5: {  	s4 =	sshll.u32 s23, $0x1;
	[dreg:$0x2] =	wrdreg s3  }
0xa6: {  	[dreg:$0x3] =	wrdreg s4  }
0xa7: {  	[dreg:$0x4] =	wrdreg $0xC0  }
0xa8: {  	s24 =	simm.s32 $execute1_lowered;
	_ =	task [dreg:s18], $0x5FFFF  }
0xa9: {  	s3 =	sshll.u32 s24, $0x1;
	[dreg:$0x1] =	wrdreg $0xFFFFFFFF  }
0xaa: {  	s1 =	sadd.s32 s1, s3;
	[dreg:$0x0] =	wrdreg $0x60  }
0xab: {  	[dreg:$0x2] =	wrdreg s1  }
0xac: {  	[dreg:$0x3] =	wrdreg s20  }
0xad: {  	[dreg:$0x4] =	wrdreg $0x9  }
0xae: {  	_ =	task.clear_ibuf [dreg:s18], $0x5FFFF;
	_ =	strace $0x9000004C  }
0xaf: {  	s25 =	simm.s32 $0x9;
	_ =	strace $0x8000004E  }
0xb0: {  	_ =	swait.ge [sflag:s25], $0x1  }
0xb1: {  	[sflag:s25] =	ssyncadd.s32 $0xFFFFFFFF  }
0xb2: {  	_ =	strace $0x9000004E  }
0xb3: {  	_ =	strace $0x8000004F;
	[dreg:$0x1] =	wrdreg $0xFFFFFFFF  }
0xb4: {  	[dreg:$0x0] =	wrdreg $0x2030  }
0xb5: {  	[dreg:$0x2] =	wrdreg s20  }
0xb6: {  	[dreg:$0x3] =	wrdreg $0xA  }
0xb7: {  	_ =	task.clear_ibuf [dreg:s18], $0x4FFFF;
	_ =	strace $0x9000004F  }
0xb8: {  	s26 =	simm.s32 $0xA;
	_ =	strace $0x80000051  }
0xb9: {  	_ =	swait.ge [sflag:s26], $0x1  }
0xba: {  	[sflag:s26] =	ssyncadd.s32 $0xFFFFFFFF  }
0xbb: {  	_ =	strace $0x90000051  }
0xbc: {  	_ =	sfence  }
0xbd: {  	s28 =	sld [smem:$0x0];
	_ =	sdelay $0x1  }
0xbe: {  	s29 =	srdreg.scid  }
0xbf: {  	s30 =	sshll.u32 s29, $0xD;
	s31 =	sshrl.u32 s29, $0x2  }
0xc0: {  	s2 =	sand.u32 $0x1, s29;
	s3 =	sand.u32 $0x4000, s30;
	s1 =	sadd.s32 s31, s28  }
0xc1: {  	s2 =	sor.u32 s3, s2;
	s1 =	sshll.u32 s1, $0x11  }
0xc2: {  	s1 =	sor.u32 s1, s2  }
0xc3: {  	s1 =	sadd.s32 $0x8F2B, s1  }
0xc4: {  	[sflag:s1] =	ssyncadd.remote.s32 $0x1  }
0xc5: {  	_ =	sfence.sel $0xFFFF  }
0xc6: {  	[dreg:$0x0] =	wrdreg $0xFFFFFFFF;
	(pc) =	sbr.abs _section_cstart, $3  }
0xc7: {  	[dreg:$0x1] =	wrdreg $0xFFFFFFFF  }
0xc8: {  	_ =	task.clear_ibuf [dreg:s18], $0x2FFFF;
	_ =	strace $0x9FFFFFFF  }
0xc9: {  	(tm) =	ssettm $0x7FFFFFFF  }
tec
execute0_lowered:
.L_overlay_start_1:
0x0: {  	(tag) =	ssettag $0x1  }
0x1: {  	s2 =	rddreg [dreg:$0x0]  }
0x2: {  	s4 =	rddreg [dreg:$0x1]  }
0x3: {  	s0 =	rddreg [dreg:$0x2];
	s3 =	stileid.u32  }
0x4: {  	[bflag:$0x3] =	sbarrier.arrive $0xFFFF;
	s1 =	simm.s32 $_size_execute1_lowered;
	p0 =	sne.s32 s3, $0x0  }
0x5: {  	s1 =	sshll.u32 s1, $0x1;
	s5 =	simm.s32 @!p0 $0x1C3F;
	s6 =	simm.s32 @!p0 $0x4060  }
0x6: {  	[timem:s6], [sflag:s5] =	dma.local @!p0 [hbm:s2], s1  }
0x7: {  	s2 =	smul.u32 $0x280, s3  }
.Ltmp0:
0x8: {  	s31 =	simm.s32 $0x2;
	s7 =	simm.s32 $0x280;
	(pc) =	sbr.rel .LBB2_1-.Ltmp0, $4  }
0x9: {  	s8 =	simm.s32 $0x780;
	s10 =	simm.s32 $0x0;
	s9 =	simm.s32 $0x0  }
0xa: {  	s3 =	simm.s32 $0x1;
	_ =	strace $0x8000004D;
	s30 =	sshrl.u32 s2, $0x3  }
0xb: {  	s6 =	simm.s32 $0x0;
	[sflag:s3] =	ssyncpa.u1 $0x0;
	s5 =	sadd.s32 s30, s4  }
0xc: {  	s4 =	sadd.s32 $0x28000, s4;
	[sflag:s31] =	ssyncpa.u1 $0x0;
	s5 =	sadd.s32 $0x1DC00, s5  }
.LBB2_8:
0xd: {  	p1 =	seq.s32 s9, $0x2  }
.Ltmp1:
0xe: {  	_ = 	snop;
	(pc) =	sbr.rel @p1 .LBB2_10-.Ltmp1, $1  }
0xf: {  	_ =	sdelay $0x3  }
.LBB2_9:
0x10: {  	s9 =	sadd.s32 $0x1, s9;
	s10 =	smov.u32 s2  }
.LBB2_1:
0x11: {  	p1 =	sne.s32 s9, $0x0  }
.Ltmp2:
0x12: {  	_ = 	snop;
	(pc) =	sbr.rel @!p1 .LBB2_2-.Ltmp2, $1  }
0x13: {  	_ =	sdelay $0x3  }
0x14: {  	s11 =	sand.u32 $0x1, s9  }
0x15: {  	p1 =	seq.s32 s11, $0x0  }
.Ltmp3:
0x16: {  	_ = 	snop;
	(pc) =	sbr.rel @p1 .LBB2_8-.Ltmp3, $1  }
0x17: {  	_ =	sdelay $0x3  }
0x18: {  	_ =	swait.ge [sflag:s3], $0x280  }
0x19: {  	[sflag:s3] =	ssyncset.done $0x0  }
0x1a: {  	s11 =	simm.s32 $0x0;
	p1 =	por $0x1, $0x1;
	[sflag:s3] =	ssyncadd.s32 $0xFFFFFD80  }
.LBB2_5:
0x1b: {  	v0 =	vld [tilespmem:s11+$0x280]  }
0x1c: {  	v1 =	vld [tilespmem:s11+$0x290]  }
0x1d: {  	v2 =	vld [tilespmem:s11+$0x2A0]  }
0x1e: {  	v3 =	vld [tilespmem:s11+$0x2B0]  }
0x1f: {  	v4 =	vld [tilespmem:s11+$0x2C0]  }
0x20: {  	v53 =	vld [tilespmem:s11+$0x2D0];
	[tilespmem:s11+$0x780] =	vst v0  }
0x21: {  	v54 =	vld [tilespmem:s11+$0x2E0];
	[tilespmem:s11+$0x790] =	vst v1  }
0x22: {  	v55 =	vld [tilespmem:s11+$0x2F0];
	[tilespmem:s11+$0x7A0] =	vst v2  }
0x23: {  	v56 =	vld [tilespmem:s11+$0x300];
	[tilespmem:s11+$0x7B0] =	vst v3  }
0x24: {  	v57 =	vld [tilespmem:s11+$0x310];
	[tilespmem:s11+$0x7C0] =	vst v4  }
0x25: {  	v58 =	vld [tilespmem:s11+$0x320];
	[tilespmem:s11+$0x7D0] =	vst v53  }
0x26: {  	v59 =	vld [tilespmem:s11+$0x330];
	[tilespmem:s11+$0x7E0] =	vst v54  }
0x27: {  	v60 =	vld [tilespmem:s11+$0x340];
	[tilespmem:s11+$0x7F0] =	vst v55  }
0x28: {  	v61 =	vld [tilespmem:s11+$0x350];
	[tilespmem:s11+$0x800] =	vst v56  }
0x29: {  	v62 =	vld [tilespmem:s11+$0x360];
	[tilespmem:s11+$0x810] =	vst v57  }
0x2a: {  	v63 =	vld [tilespmem:s11+$0x370];
	p2 =	por p1, p1;
	[tilespmem:s11+$0x820] =	vst v58  }
.Ltmp4:
0x2b: {  	[tilespmem:s11+$0x830] =	vst v59;
	(pc) =	sbr.rel @p2 .LBB2_5-.Ltmp4, $4  }
0x2c: {  	[tilespmem:s11+$0x840] =	vst v60  }
0x2d: {  	[tilespmem:s11+$0x850] =	vst v61  }
0x2e: {  	s12 =	simm.s32 $0x1F0;
	s13 =	simm.s32 $0x980;
	[tilespmem:s11+$0x860] =	vst v62  }
0x2f: {  	s14 =	simm.s32 $0x480;
	p1 =	por $0x0, $0x0;
	[tilespmem:s11+$0x870] =	vst v63;
	s11 =	simm.s32 $0x100  }
.LBB2_6:
0x30: {  	s12 =	sadd.s32 $0x10, s12  }
0x31: {  	v0 =	vld [tilespmem:s14+$0x0];
	p1 =	slt.u32 s12, $0x270  }
.Ltmp5:
0x32: {  	_ = 	snop;
	(pc) =	sbr.rel @p1 .LBB2_6-.Ltmp5, $2  }
0x33: {  	_ =	sdelay $0x2  }
0x34: {  	s14 =	sadd.s32 $0x10, s14;
	[tilespmem:s13+$0x0] =	vst v0;
	s13 =	sadd.s32 $0x10, s13  }
.Ltmp6:
0x35: {  	(pc) =	sbr.rel .LBB2_8-.Ltmp6, $4  }
0x36: {  	_ = 	snop  }
0x37: {  	s10 =	sshrl.u32 s10, $0x3  }
0x38: {  	s10 =	sadd.s32 s4, s10  }
0x39: {  	[hbm4b:s10+s6] =	stream.linear.scatter [tilespmem:s8], [sflag:$0x2], $0x280, $0x38;
	[tilespmem:$0xA00] =	vst v63  }
.LBB2_2:
.Ltmp7:
0x3a: {  	(pc) =	sbr.rel .LBB2_9-.Ltmp7, $2  }
0x3b: {  	_ =	sdelay $0x2  }
0x3c: {  	[tilespmem:s7], [sflag:$0x1] =	stream.linear.gather [hbm4b:s5+s6], $0x280, $0x38;
	[tilespmem:$0xA00] =	vst v63  }
.LBB2_10:
0x3d: {  	s2 =	simm.s32 $0x2  }
0x3e: {  	_ =	swait.ge [sflag:s2], $0x280  }
0x3f: {  	[sflag:s2] =	ssyncset.done $0x0  }
0x40: {  	[sflag:s2] =	ssyncadd.s32 $0xFFFFFD80  }
0x41: {  	_ =	sfence.sel $0x180000  }
0x42: {  	s3 =	simm.s32 $0x1;
	[bflag:$0x0] =	sbarrier.arrive $0xFFFF  }
0x43: {  	[sflag:s3] =	ssyncpa.u1 $0x1  }
0x44: {  	[sflag:s2] =	ssyncpa.u1 $0x1  }
0x45: {  	_ =	strace $0x9000004D  }
0x46: {  	s0 =	sadd.s32 @!p0 $0x100000, s0;
	[bflag:$0x2] =	sbarrier.arrive $0xFFFF  }
0x47: {  	[sflag:s0] =	ssyncadd.tile.s32 @!p0 $0x1;
	s0 =	simm.s32 @!p0 $0x3F  }
0x48: {  	_ =	swait.ge @!p0 [sflag:s0], s1  }
0x49: {  	s1 =	ssub.s32 @!p0 $0x0, s1;
	[sflag:s0] =	ssyncset.done @!p0 $0x0  }
0x4a: {  	[sflag:s0] =	ssyncadd.s32 @!p0 s1  }
0x4b: {  	[bflag:$0x3] =	sbarrier.arrive $0xFFFF  }
0x4c: {  	_ =	shalt  }
.Lfunc_end2:
execute1_lowered:
.L_overlay_start_2:
0x4d: {  	(tag) =	ssettag $0x2  }
0x4e: {  	s7 =	rddreg [dreg:$0x0]  }
0x4f: {  	s0 =	rddreg [dreg:$0x1];
	_ =	strace $0x80000050  }
0x50: {  	s3 =	stileid.u32;
	s4 =	simm.s32 $0x3E;
	s1 =	sadd.s32 $0x28000, s7  }
0x51: {  	p0 =	sne.s32 s3, $0x0;
	[sflag:s4] =	ssyncpa.u1 $0x0;
	s29 =	smin.u32 s3, $0x8  }
0x52: {  	s30 =	sshll.u32 s3, $0x1;
	s2 =	simm.s32 @!p0 $0x1C3E;
	s5 =	simm.s32 @!p0 $0x0  }
0x53: {  	[spmem:s5], [sflag:s2] =	dma.local @!p0 [hbm:s1], $0x500  }
0x54: {  	s2 =	sadd.s32 s29, s30  }
0x55: {  	p1 =	slt.u32 s3, $0x8;
	s3 =	simm.s32 $0x5DC0;
	s2 =	smul.u32 $0x1F40, s2  }
0x56: {  	s3 =	simm.s32 @!p1 $0x3E80  }
0x57: {  	s3 =	sadd.s32 s3, s2  }
0x58: {  	s3 =	smin.u32 s3, $0x4E200  }
0x59: {  	s8 =	ssub.s32 s3, s2  }
0x5a: {  	p1 =	sgt.s32 s8, $0x0  }
0x5b: {  	s8 =	simm.s32 @!p1 $0x0  }
0x5c: {  	s5 =	simm.s32 @!p0 $0x3E;
	s31 =	smulhi.u32 $0x10624DD3, s8  }
0x5d: {  	_ =	swait.ge @!p0 [sflag:s5], $0x500  }
0x5e: {  	s6 =	simm.s32 $0x2;
	[sflag:s5] =	ssyncset.done @!p0 $0x0;
	s9 =	sshrl.u32 s31, $0x9  }
0x5f: {  	s11 =	simm.s32 $0x0;
	[sflag:s5] =	ssyncadd.s32 @!p0 $0xFFFFFB00;
	s10 =	smul.u32 $0x1F40, s9  }
.Ltmp8:
0x60: {  	s5 =	sadd.s32 $0x13C00, s7;
	[bflag:$0x0] =	sbarrier.arrive $0xFFFF;
	(pc) =	sbr.rel .LBB3_1-.Ltmp8, $4  }
0x61: {  	s7 =	sadd.s32 $0x1E200, s7;
	[sflag:s4] =	ssyncpa.u1 $0x1;
	s4 =	simm.s32 $0x1  }
0x62: {  	[sflag:s4] =	ssyncpa.u1 $0x0;
	p1 =	sne.s32 s8, s10;
	s8 =	simm.s32 $0x1  }
0x63: {  	(ifvalue) =	ssetifvalue $0x2800;
	[sflag:s6] =	ssyncpa.u1 $0x0;
	s8 =	simm.s32 @!p1 $0x0  }
0x64: {  	vm0 =	vmmov $0xffff;
	s10 =	smov.u32 s2;
	s8 =	sadd.s32 s8, s9;
	s9 =	simm.s32 $0x0  }
.LBB3_5:
0x65: {  	p2 =	sne.s32 s11, s8  }
.Ltmp9:
0x66: {  	_ = 	snop;
	(pc) =	sbr.rel @!p2 .LBB3_6-.Ltmp9, $4  }
0x67: {  	_ = 	snop  }
0x68: {  	s12 =	sadd.s32 $0x1F40, s10  }
0x69: {  	s10 =	smov.u32 s2;
	s13 =	sadd.s32 $0x1, s11;
	p1 =	slt.s32 s12, s3  }
0x6a: {  	s11 =	smov.u32 s13;
	s10 =	smov.u32 @p1 s12  }
.LBB3_1:
0x6b: {  	p1 =	sge.u32 s11, s8  }
0x6c: {  	s12 =	sxor.u32 @!p1 $0xFFFFFFFF, s11  }
0x6d: {  	s12 =	sand.u32 @!p1 $0x1, s12  }
0x6e: {  	s12 =	smul.u32 @!p1 $0x1F40, s12  }
0x6f: {  	s13 =	sshrl.u32 @!p1 s10, $0x3  }
0x70: {  	s16 =	sand.u32 @!p1 $0x7, s10;
	s14 =	sadd.s32 @!p1 s5, s13;
	s15 =	sadd.s32 @!p1 $0x280, s12  }
0x71: {  	[tilespmem:s15], [sflag:$0x2] =	stream.linear.gather @!p1 [hbm4b:s14+s16], $0x1F40, $0x38;
	[tilespmem:$0x7F80] =	vst v63  }
0x72: {  	s13 =	sadd.s32 @!p1 s7, s13;
	s12 =	sadd.s32 @!p1 $0x4100, s12  }
0x73: {  	[tilespmem:s12], [sflag:$0x2] =	stream.linear.gather @!p1 [hbm4b:s13+s16], $0x1F40, $0x38;
	[tilespmem:$0x7F80] =	vst v63  }
0x74: {  	p1 =	seq.s32 s11, $0x0  }
.Ltmp10:
0x75: {  	_ = 	snop;
	(pc) =	sbr.rel @p1 .LBB3_5-.Ltmp10, $1  }
0x76: {  	_ =	sdelay $0x3  }
0x77: {  	s12 =	sand.u32 $0x1, s11  }
0x78: {  	_ =	swait.ge [sflag:s6], $0x3E80;
	p1 =	seq.s32 s12, $0x1;
	s12 =	simm.s32 $0x1F40  }
0x79: {  	[sflag:s6] =	ssyncset.done $0x0;
	s12 =	simm.s32 @!p1 $0x0  }
0x7a: {  	[sflag:s6] =	ssyncadd.s32 $0xFFFFC180;
	s14 =	sadd.s32 $0x280, s12  }
0x7b: {  	v0 =	vld.msk [tilespmem:s14+$0x0 ss:$0x1], $0xffff;
	_ =	sdelay $0x4  }
0x7c: {  	v0 =	vmin.u32 v0, $0x2800;
	_ =	sdelay $0x3  }
0x7d: {  	s13 =	simm.s32 $0x0;
	s12 =	sadd.s32 $0x4100, s12;
	s14 =	sadd.s32 $0x10, s14  }
0x7e: {  	[spmem:s9] =	stream.indirect_vreg.scatter.add.s32 [tilespmem:s12], [sflag:$0x1], $0x1, v0, vm0, $0x4038;
	[tilespmem:$0x7F80] =	vst v63  }
.LBB3_3:
0x7f: {  	v0 =	vld.msk [tilespmem:s14+$0x0 ss:$0x1], $0xffff;
	s13 =	sadd.s32 $0x10, s13  }
0x80: {  	p1 =	slt.u32 s13, $0x1F30;
	_ =	sdelay $0x4  }
0x81: {  	v0 =	vmin.u32 v0, $0x2800  }
.Ltmp11:
0x82: {  	(pc) =	sbr.rel @p1 .LBB3_3-.Ltmp11, $3  }
0x83: {  	_ =	sdelay $0x1  }
0x84: {  	s14 =	sadd.s32 $0x10, s14;
	s12 =	sadd.s32 $0x10, s12  }
0x85: {  	[spmem:s9] =	stream.indirect_vreg.scatter.add.s32 [tilespmem:s12], [sflag:$0x1], $0x1, v0, vm0, $0x4038;
	[tilespmem:$0x7F80] =	vst v63  }
.Ltmp12:
0x86: {  	(pc) =	sbr.rel .LBB3_5-.Ltmp12, $4  }
0x87: {  	_ = 	snop  }
0x88: {  	_ =	swait.ge [sflag:s4], $0x1F40  }
0x89: {  	[sflag:s4] =	ssyncset.done $0x0  }
0x8a: {  	[sflag:s4] =	ssyncadd.s32 $0xFFFFE0C0  }
.LBB3_6:
0x8b: {  	_ =	sfence.sel $0x180000  }
0x8c: {  	s2 =	simm.s32 $0x2;
	[bflag:$0x0] =	sbarrier.arrive $0xFFFF  }
0x8d: {  	s30 =	simm.s32 $0x1;
	[sflag:s2] =	ssyncpa.u1 $0x1  }
0x8e: {  	[sflag:s30] =	ssyncpa.u1 $0x1  }
0x8f: {  	_ =	sfence.stream.spmem  }
0x90: {  	s31 =	simm.s32 $0x3D;
	[bflag:$0x0] =	sbarrier.arrive $0xFFFF  }
0x91: {  	s2 =	simm.s32 @p0 $0x3D;
	[sflag:s31] =	ssyncpa.u1 $0x0  }
0x92: {  	[sflag:s2] =	ssyncpa.u1 @p0 $0x1  }
0x93: {  	[bflag:$0x0] =	sbarrier.arrive @p0 $0xFFFF  }
0x94: {  	_ =	strace @p0 $0x90000050  }
0x95: {  	s3 =	simm.s32 @!p0 $0x1C3D;
	s2 =	simm.s32 @!p0 $0x0;
	[bflag:$0x2] =	sbarrier.arrive @p0 $0xFFFF  }
0x96: {  	[hbm:s1], [sflag:s3] =	dma.local @!p0 [spmem:s2], $0x500  }
0x97: {  	s1 =	simm.s32 @!p0 $0x3D  }
0x98: {  	_ =	swait.ge @!p0 [sflag:s1], $0x500  }
0x99: {  	[sflag:s1] =	ssyncset.done @!p0 $0x0  }
0x9a: {  	[sflag:s1] =	ssyncadd.s32 @!p0 $0xFFFFFB00  }
0x9b: {  	[sflag:s1] =	ssyncpa.u1 @!p0 $0x1  }
0x9c: {  	[bflag:$0x0] =	sbarrier.arrive @!p0 $0xFFFF  }
0x9d: {  	_ =	strace @!p0 $0x90000050  }
0x9e: {  	s0 =	sadd.s32 @!p0 $0x100000, s0;
	[bflag:$0x2] =	sbarrier.arrive @!p0 $0xFFFF  }
0x9f: {  	[sflag:s0] =	ssyncadd.tile.s32 @!p0 $0x1;
	_ =	shalt  }
.Lfunc_end3:
_tile_overlayer_lowered:
.L_overlay_start_3:
0xa0: {  	(tag) =	ssettag $0x3  }
0xa1: {  	s0 =	rddreg [dreg:$0x0];
	s2 =	stileid.u32  }
0xa2: {  	s1 =	rddreg [dreg:$0x1];
	p0 =	sne.s32 s2, $0x0  }
0xa3: {  	s3 =	rddreg [dreg:$0x2];
	[bflag:$0x3] =	sbarrier.arrive $0xFFFF;
	s2 =	simm.s32 @!p0 $0x1C01  }
0xa4: {  	[timem:s3], [sflag:s2] =	dma.local @!p0 [hbm:s0], s1  }
0xa5: {  	s0 =	simm.s32 @!p0 $0x1  }
0xa6: {  	_ =	swait.ge @!p0 [sflag:s0], s1  }
0xa7: {  	s1 =	ssub.s32 @!p0 $0x0, s1;
	[sflag:s0] =	ssyncset.done @!p0 $0x0  }
0xa8: {  	[sflag:s0] =	ssyncadd.s32 @!p0 s1  }
0xa9: {  	[bflag:$0x3] =	sbarrier.arrive $0xFFFF  }
0xaa: {  	_ =	shalt  }

</sc_bundles>
